<compile_context>
chip_gen: v7x
topology: tpu7x:2x2x1
jax: 0.10.2.dev20260603
libtpu: 0.0.44.dev20260713+nightly
codegen_flags: <defaults>
</compile_context>

<pallas_src>
import jax
import jax.numpy as jnp
from jax import lax
from jax.experimental import pallas as pl
from jax.experimental.pallas import tpu as pltpu
from jax.experimental.pallas import tpu_sc as plsc

_MODAL_SHAPE = (4095, 2048)
_T = _MODAL_SHAPE[0] * _MODAL_SHAPE[1]
_N = 4193280

_NW = 32
_B = 32768
_NB = 256
_B_LAST = _T - (_NB - 1) * _B
_SUB = _NB // _NW
_C = 512
_W = _C + 16
_SENT = 1 << 23
_SEARCH_ROUNDS = 23


def _sc_scatter_body(idx_hbm, oro_hbm, idx_tail_hbm, oro_tail_hbm, out_hbm,
                     sbuf, probe, idx_b0, idx_b1, val_b0, val_b1, out_block,
                     sem_i0, sem_v0, sem_i1, sem_v1):
    wid = lax.axis_index("s") * 2 + lax.axis_index("c")
    iota = lax.iota(jnp.int32, 16)

    targets = (wid * _SUB + iota) * _B
    lo_v = jnp.zeros((16,), jnp.int32)
    hi_v = jnp.full((16,), _N, jnp.int32)
    for _ in range(_SEARCH_ROUNDS):
        mid = (lo_v + hi_v) // 2
        pltpu.sync_copy(idx_hbm.at[jnp.minimum(mid, _N - 1)], probe)
        v = probe[pl.ds(0, 16)]
        active = lo_v < hi_v
        c = v < targets
        lo_v = jnp.where(active & c, mid + 1, lo_v)
        hi_v = jnp.where(active & (~c), mid, hi_v)
    sbuf[pl.ds(0, 16)] = lo_v

    zero16 = jnp.zeros((16,), jnp.float32)
    bufs = ((idx_b0, val_b0, sem_i0, sem_v0), (idx_b1, val_b1, sem_i1, sem_v1))

    def process_block(kb, _):
        blk = wid * _SUB + kb
        lo = blk * _B
        hi = lo + _B

        s = jnp.max(plsc.load_gather(sbuf, [jnp.full((16,), kb, jnp.int32)]))
        e = jnp.max(plsc.load_gather(sbuf, [jnp.full((16,), kb + 1,
                                                     jnp.int32)]))

        def zero_body(i, _):
            base = i * 512
            for u in range(32):
                out_block[pl.ds(base + u * 16, 16)] = zero16
            return 0
        lax.fori_loop(0, _B // 512, zero_body, 0)

        s_al = (s // 16) * 16
        nt = (e - s_al + _C - 1) // _C

        def issue(t, b):
            ibuf, vbuf, isem, vsem = bufs[b]
            g = s_al + t * _C

            @pl.when(g <= _N - _W)
            def _():
                pltpu.async_copy(idx_hbm.at[pl.ds(g, _W)], ibuf, isem)
                pltpu.async_copy(oro_hbm.at[pl.ds(g, _W)], vbuf, vsem)

            @pl.when(g > _N - _W)
            def _():
                d = g - (_N - _W)
                pltpu.async_copy(idx_tail_hbm.at[pl.ds(d, _W)], ibuf, isem)
                pltpu.async_copy(oro_tail_hbm.at[pl.ds(d, _W)], vbuf, vsem)

        def wait(b):
            ibuf, vbuf, isem, vsem = bufs[b]
            pltpu.make_async_copy(idx_hbm.at[pl.ds(0, _W)], ibuf, isem).wait()
            pltpu.make_async_copy(oro_hbm.at[pl.ds(0, _W)], vbuf, vsem).wait()

        def process(b):
            ibuf, vbuf, _, _ = bufs[b]
            for k in range(_C // 16):
                base = k * 16
                idx_v = ibuf[pl.ds(base, 16)]
                val_v = vbuf[pl.ds(base, 16)]
                nxt_v = plsc.load_gather(ibuf, [iota + (base + 1)])
                m = (idx_v >= lo) & (idx_v < hi) & (idx_v != nxt_v)
                plsc.store_scatter(out_block, [idx_v - lo], val_v, mask=m)

        @pl.when(nt > 0)
        def _():
            issue(0, 0)

        def pair_body(t2, _):
            t0 = 2 * t2

            @pl.when(t0 + 1 < nt)
            def _():
                issue(t0 + 1, 1)

            wait(0)
            process(0)

            @pl.when(t0 + 2 < nt)
            def _():
                issue(t0 + 2, 0)

            @pl.when(t0 + 1 < nt)
            def _():
                wait(1)
                process(1)
            return 0
        lax.fori_loop(0, (nt + 1) // 2, pair_body, 0)

        @pl.when(blk < _NB - 1)
        def _():
            pltpu.sync_copy(out_block, out_hbm.at[pl.ds(lo, _B)])

        @pl.when(blk == _NB - 1)
        def _():
            pltpu.sync_copy(out_block.at[pl.ds(0, _B_LAST)],
                            out_hbm.at[pl.ds(lo, _B_LAST)])
        return 0

    lax.fori_loop(0, _SUB, process_block, 0)


@jax.jit
def _modal_scatter(orography, mask_idx):
    idx32 = mask_idx.astype(jnp.int32)
    idx_tail = jnp.concatenate(
        [idx32[_N - _W:], jnp.full((_W,), _SENT, jnp.int32)])
    oro_tail = jnp.concatenate(
        [orography[_N - _W:], jnp.zeros((_W,), jnp.float32)])

    mesh = plsc.VectorSubcoreMesh(core_axis_name="c", subcore_axis_name="s")
    flat = pl.kernel(
        _sc_scatter_body,
        out_type=jax.ShapeDtypeStruct((_T,), jnp.float32),
        mesh=mesh,
        compiler_params=pltpu.CompilerParams(needs_layout_passes=False),
        scratch_types=[
            pltpu.VMEM((16,), jnp.int32),
            pltpu.VMEM((16,), jnp.int32),
            pltpu.VMEM((_W,), jnp.int32),
            pltpu.VMEM((_W,), jnp.int32),
            pltpu.VMEM((_W,), jnp.float32),
            pltpu.VMEM((_W,), jnp.float32),
            pltpu.VMEM((_B,), jnp.float32),
            pltpu.SemaphoreType.DMA,
            pltpu.SemaphoreType.DMA,
            pltpu.SemaphoreType.DMA,
            pltpu.SemaphoreType.DMA,
        ],
    )(idx32, orography, idx_tail, oro_tail)
    return flat.reshape(_MODAL_SHAPE)


def kernel(orography, mask_idx):
    return _modal_scatter(orography, mask_idx)

# --- scband reference (transcript-rebuilt; emitter-appended) ---
"""Pipeline reference for scband-modal-orography-87660282512016 (READ-ONLY COPY).

The authoritative reference and input builder live on the scoring server;
editing this copy changes nothing except your own understanding.
"""

import jax, jax.numpy as jnp
import numpy as np

MODAL_SHAPE = (4095, 2048)
MASK_NNZ = 4193280


def setup_inputs(seed: int = 0) -> dict:
    key = jax.random.key(seed)
    k1, k2 = jax.random.split(key)
    # 1D modal orography coefficients (the learned OrographyVariable), one per
    # unmasked spherical-harmonic coefficient: shape (mask.sum(),)
    orography = jax.random.normal(k1, (MASK_NNZ,), dtype=jnp.float32)
    # Flat indices of True entries of ylm_grid.mask over the 2D modal grid.
    # In the real grid this is a fixed triangular-truncation mask; here we use
    # sorted random flat indices into the (4095, 2048) modal array.
    total = MODAL_SHAPE[0] * MODAL_SHAPE[1]
    mask_idx = jnp.sort(jax.random.randint(k2, (MASK_NNZ,), 0, total, dtype=jnp.int64))
    return {"orography": orography, "mask_idx": mask_idx}


def reference(orography, mask_idx):
    # Faithful translation of ModalOrography.modal_orography:
    #   modal_orography_2d = jnp.zeros(ylm_grid.modal_shape)
    #   return modal_orography_2d.at[mask].set(self.orography.value)
    # Boolean-mask scatter-set is expressed as a flat-index scatter-overwrite.
    total = MODAL_SHAPE[0] * MODAL_SHAPE[1]
    modal_flat = jnp.zeros((total,), dtype=orography.dtype)
    modal_flat = modal_flat.at[mask_idx].set(orography)
    return modal_flat.reshape(MODAL_SHAPE)

if __name__ == "__main__":
    import jax
    _d = setup_inputs()
    print(jax.jit(kernel)(*tuple(_d.values())))

</pallas_src>

<mosaic_0001>
#map = affine_map<(d0, d1) -> (0)>
module attributes {stable_mosaic.version = 14 : i64} {
  func.func @_sc_scatter_body(%arg0: i32, %arg1: i32, %arg2: memref<4193280xi32, #tpu.memory_space<hbm>>, %arg3: memref<4193280xf32, #tpu.memory_space<hbm>>, %arg4: memref<1056xi32, #tpu.memory_space<hbm>>, %arg5: memref<1056xf32, #tpu.memory_space<hbm>>, %arg6: memref<8386560xf32, #tpu.memory_space<hbm>>, %arg7: memref<16xi32, #tpu.memory_space<vmem>>, %arg8: memref<16xi32, #tpu.memory_space<vmem>>, %arg9: memref<528xi32, #tpu.memory_space<vmem>>, %arg10: memref<528xi32, #tpu.memory_space<vmem>>, %arg11: memref<528xf32, #tpu.memory_space<vmem>>, %arg12: memref<528xf32, #tpu.memory_space<vmem>>, %arg13: memref<32768xf32, #tpu.memory_space<vmem>>, %arg14: memref<!tpu.dma_semaphore, #tpu.memory_space<semaphore_mem>>, %arg15: memref<!tpu.dma_semaphore, #tpu.memory_space<semaphore_mem>>, %arg16: memref<!tpu.dma_semaphore, #tpu.memory_space<semaphore_mem>>, %arg17: memref<!tpu.dma_semaphore, #tpu.memory_space<semaphore_mem>>) attributes {dimension_semantics = [#tpu.dimension_semantics<core_parallel>, #tpu.dimension_semantics<subcore_parallel>], iteration_bounds = array<i64: 2, 16>, scalar_prefetch = 0 : i64, scratch_operands = 11 : i64, tpu.core_type = #tpu.core_type<sc_vector_subcore>, window_params = [{transform_indices = #map}, {transform_indices = #map}, {transform_indices = #map}, {transform_indices = #map}, {transform_indices = #map}]} {
    %mul3A = arith.constant 2 : i32
    %mul3A_0 = arith.muli %arg1, %mul3A : i32
    %add3A = arith.addi %mul3A_0, %arg0 : i32
    %iota3A = tpu.iota {dimensions = array<i32: 0>} : vector<16xi32>
    %mul3A_1 = arith.constant 8 : i32
    %mul3A_2 = arith.muli %add3A, %mul3A_1 : i32
    %add3A_3 = vector.broadcast %mul3A_2 : i32 to vector<16xi32>
    %add3A_4 = arith.addi %add3A_3, %iota3A : vector<16xi32>
    %mul3A_5 = arith.constant 32768 : i32
    %mul3A_6 = vector.broadcast %mul3A_5 : i32 to vector<16xi32>
    %mul3A_7 = arith.muli %add3A_4, %mul3A_6 : vector<16xi32>
    %broadcast_in_dim3A = arith.constant 0 : i32
    %broadcast_in_dim3A_8 = vector.broadcast %broadcast_in_dim3A : i32 to vector<16xi32>
    %broadcast_in_dim3A_9 = arith.constant 4193280 : i32
    %broadcast_in_dim3A_10 = vector.broadcast %broadcast_in_dim3A_9 : i32 to vector<16xi32>
    %add3A_11 = arith.addi %broadcast_in_dim3A_8, %broadcast_in_dim3A_10 : vector<16xi32>
    %jit3A = arith.constant 2 : i32
    %div3A = vector.broadcast %jit3A : i32 to vector<16xi32>
    %div3A_12 = arith.divsi %add3A_11, %div3A : vector<16xi32>
    %sign3A = arith.constant 0 : i32
    %sign3A_13 = vector.broadcast %sign3A : i32 to vector<16xi32>
    %sign3A_14 = arith.cmpi sgt, %add3A_11, %sign3A_13 : vector<16xi32>
    %sign3A_15 = arith.extui %sign3A_14 : vector<16xi1> to vector<16xi32>
    %sign3A_16 = arith.constant 0 : i32
    %sign3A_17 = vector.broadcast %sign3A_16 : i32 to vector<16xi32>
    %sign3A_18 = arith.cmpi slt, %add3A_11, %sign3A_17 : vector<16xi32>
    %sign3A_19 = arith.extui %sign3A_18 : vector<16xi1> to vector<16xi32>
    %sign3A_20 = arith.subi %sign3A_15, %sign3A_19 : vector<16xi32>
    %sign3A_21 = arith.constant 0 : i32
    %sign3A_22 = arith.cmpi sgt, %jit3A, %sign3A_21 : i32
    %sign3A_23 = arith.extui %sign3A_22 : i1 to i32
    %sign3A_24 = arith.constant 0 : i32
    %sign3A_25 = arith.cmpi slt, %jit3A, %sign3A_24 : i32
    %sign3A_26 = arith.extui %sign3A_25 : i1 to i32
    %sign3A_27 = arith.subi %sign3A_23, %sign3A_26 : i32
    %ne3A = vector.broadcast %sign3A_27 : i32 to vector<16xi32>
    %ne3A_28 = arith.cmpi ne, %sign3A_20, %ne3A : vector<16xi32>
    %rem3A = vector.broadcast %jit3A : i32 to vector<16xi32>
    %rem3A_29 = arith.remsi %add3A_11, %rem3A : vector<16xi32>
    %ne3A_30 = arith.constant 0 : i32
    %ne3A_31 = vector.broadcast %ne3A_30 : i32 to vector<16xi32>
    %ne3A_32 = arith.cmpi ne, %rem3A_29, %ne3A_31 : vector<16xi32>
    %and3A = arith.andi %ne3A_28, %ne3A_32 : vector<16xi1>
    %sub3A = arith.constant 1 : i32
    %sub3A_33 = vector.broadcast %sub3A : i32 to vector<16xi32>
    %sub3A_34 = arith.subi %div3A_12, %sub3A_33 : vector<16xi32>
    %select_n3A = arith.select %and3A, %sub3A_34, %div3A_12 : vector<16xi1>, vector<16xi32>
    %min3A = arith.constant 4193279 : i32
    %min3A_35 = vector.broadcast %min3A : i32 to vector<16xi32>
    %min3A_36 = arith.minsi %select_n3A, %min3A_35 : vector<16xi32>
    "tpu.region"() ({
      %run_scoped3A = tpu.sem_alloc : memref<!tpu.dma_semaphore, #tpu.memory_space<semaphore_mem>>
      %dma_start3A = arith.constant 0 : i32
      %dma_start3A_1112 = tpu.memref_slice %arg2[%dma_start3A] : memref<4193280xi32, #tpu.memory_space<hbm>> -> memref<4193280xi32, #tpu.memory_space<hbm>>
      tpu.enqueue_indirect_dma source(%dma_start3A_1112 : memref<4193280xi32, #tpu.memory_space<hbm>>) target(%arg8 : memref<16xi32, #tpu.memory_space<vmem>>) offsets(%min3A_36 : vector<16xi32>) semaphore(%run_scoped3A : memref<!tpu.dma_semaphore, #tpu.memory_space<semaphore_mem>>)
      %dma_wait3A = arith.constant 0 : i32
      %dma_wait3A_1113 = tpu.memref_slice %arg2[%dma_wait3A] : memref<4193280xi32, #tpu.memory_space<hbm>> -> memref<4193280xi32, #tpu.memory_space<hbm>>
      tpu.wait_indirect_dma semaphore(%run_scoped3A : memref<!tpu.dma_semaphore, #tpu.memory_space<semaphore_mem>>) src(%dma_wait3A_1113 : memref<4193280xi32, #tpu.memory_space<hbm>>) dst(%arg8 : memref<16xi32, #tpu.memory_space<vmem>>)
      tpu.yield
    }) : () -> ()
    %get3A = arith.constant 0 : index
    %get3A_37 = tpu.vector_load %arg8[%get3A] {strides = array<i32>} : memref<16xi32, #tpu.memory_space<vmem>>, vector<16xi32>,
    %lt3A = arith.cmpi slt, %broadcast_in_dim3A_8, %broadcast_in_dim3A_10 : vector<16xi32>
    %lt3A_38 = arith.cmpi slt, %get3A_37, %mul3A_7 : vector<16xi32>
    %and3A_39 = arith.andi %lt3A, %lt3A_38 : vector<16xi1>
    %add3A_40 = arith.constant 1 : i32
    %add3A_41 = vector.broadcast %add3A_40 : i32 to vector<16xi32>
    %add3A_42 = arith.addi %select_n3A, %add3A_41 : vector<16xi32>
    %select_n3A_43 = arith.select %and3A_39, %add3A_42, %broadcast_in_dim3A_8 : vector<16xi1>, vector<16xi32>
    %not3A = arith.constant dense<true> : vector<16xi1>
    %not3A_44 = arith.xori %lt3A_38, %not3A : vector<16xi1>
    %and3A_45 = arith.andi %lt3A, %not3A_44 : vector<16xi1>
    %select_n3A_46 = arith.select %and3A_45, %select_n3A, %broadcast_in_dim3A_10 : vector<16xi1>, vector<16xi32>
    %add3A_47 = arith.addi %select_n3A_43, %select_n3A_46 : vector<16xi32>
    %jit3A_48 = arith.constant 2 : i32
    %div3A_49 = vector.broadcast %jit3A_48 : i32 to vector<16xi32>
    %div3A_50 = arith.divsi %add3A_47, %div3A_49 : vector<16xi32>
    %sign3A_51 = arith.constant 0 : i32
    %sign3A_52 = vector.broadcast %sign3A_51 : i32 to vector<16xi32>
    %sign3A_53 = arith.cmpi sgt, %add3A_47, %sign3A_52 : vector<16xi32>
    %sign3A_54 = arith.extui %sign3A_53 : vector<16xi1> to vector<16xi32>
    %sign3A_55 = arith.constant 0 : i32
    %sign3A_56 = vector.broadcast %sign3A_55 : i32 to vector<16xi32>
    %sign3A_57 = arith.cmpi slt, %add3A_47, %sign3A_56 : vector<16xi32>
    %sign3A_58 = arith.extui %sign3A_57 : vector<16xi1> to vector<16xi32>
    %sign3A_59 = arith.subi %sign3A_54, %sign3A_58 : vector<16xi32>
    %sign3A_60 = arith.constant 0 : i32
    %sign3A_61 = arith.cmpi sgt, %jit3A_48, %sign3A_60 : i32
    %sign3A_62 = arith.extui %sign3A_61 : i1 to i32
    %sign3A_63 = arith.constant 0 : i32
    %sign3A_64 = arith.cmpi slt, %jit3A_48, %sign3A_63 : i32
    %sign3A_65 = arith.extui %sign3A_64 : i1 to i32
    %sign3A_66 = arith.subi %sign3A_62, %sign3A_65 : i32
    %ne3A_67 = vector.broadcast %sign3A_66 : i32 to vector<16xi32>
    %ne3A_68 = arith.cmpi ne, %sign3A_59, %ne3A_67 : vector<16xi32>
    %rem3A_69 = vector.broadcast %jit3A_48 : i32 to vector<16xi32>
    %rem3A_70 = arith.remsi %add3A_47, %rem3A_69 : vector<16xi32>
    %ne3A_71 = arith.constant 0 : i32
    %ne3A_72 = vector.broadcast %ne3A_71 : i32 to vector<16xi32>
    %ne3A_73 = arith.cmpi ne, %rem3A_70, %ne3A_72 : vector<16xi32>
    %and3A_74 = arith.andi %ne3A_68, %ne3A_73 : vector<16xi1>
    %sub3A_75 = arith.constant 1 : i32
    %sub3A_76 = vector.broadcast %sub3A_75 : i32 to vector<16xi32>
    %sub3A_77 = arith.subi %div3A_50, %sub3A_76 : vector<16xi32>
    %select_n3A_78 = arith.select %and3A_74, %sub3A_77, %div3A_50 : vector<16xi1>, vector<16xi32>
    %min3A_79 = arith.constant 4193279 : i32
    %min3A_80 = vector.broadcast %min3A_79 : i32 to vector<16xi32>
    %min3A_81 = arith.minsi %select_n3A_78, %min3A_80 : vector<16xi32>
    "tpu.region"() ({
      %run_scoped3A = tpu.sem_alloc : memref<!tpu.dma_semaphore, #tpu.memory_space<semaphore_mem>>
      %dma_start3A = arith.constant 0 : i32
      %dma_start3A_1112 = tpu.memref_slice %arg2[%dma_start3A] : memref<4193280xi32, #tpu.memory_space<hbm>> -> memref<4193280xi32, #tpu.memory_space<hbm>>
      tpu.enqueue_indirect_dma source(%dma_start3A_1112 : memref<4193280xi32, #tpu.memory_space<hbm>>) target(%arg8 : memref<16xi32, #tpu.memory_space<vmem>>) offsets(%min3A_81 : vector<16xi32>) semaphore(%run_scoped3A : memref<!tpu.dma_semaphore, #tpu.memory_space<semaphore_mem>>)
      %dma_wait3A = arith.constant 0 : i32
      %dma_wait3A_1113 = tpu.memref_slice %arg2[%dma_wait3A] : memref<4193280xi32, #tpu.memory_space<hbm>> -> memref<4193280xi32, #tpu.memory_space<hbm>>
      tpu.wait_indirect_dma semaphore(%run_scoped3A : memref<!tpu.dma_semaphore, #tpu.memory_space<semaphore_mem>>) src(%dma_wait3A_1113 : memref<4193280xi32, #tpu.memory_space<hbm>>) dst(%arg8 : memref<16xi32, #tpu.memory_space<vmem>>)
      tpu.yield
    }) : () -> ()
    %get3A_82 = arith.constant 0 : index
    %get3A_83 = tpu.vector_load %arg8[%get3A_82] {strides = array<i32>} : memref<16xi32, #tpu.memory_space<vmem>>, vector<16xi32>,
    %lt3A_84 = arith.cmpi slt, %select_n3A_43, %select_n3A_46 : vector<16xi32>
    %lt3A_85 = arith.cmpi slt, %get3A_83, %mul3A_7 : vector<16xi32>
    %and3A_86 = arith.andi %lt3A_84, %lt3A_85 : vector<16xi1>
    %add3A_87 = arith.constant 1 : i32
    %add3A_88 = vector.broadcast %add3A_87 : i32 to vector<16xi32>
    %add3A_89 = arith.addi %select_n3A_78, %add3A_88 : vector<16xi32>
    %select_n3A_90 = arith.select %and3A_86, %add3A_89, %select_n3A_43 : vector<16xi1>, vector<16xi32>
    %not3A_91 = arith.constant dense<true> : vector<16xi1>
    %not3A_92 = arith.xori %lt3A_85, %not3A_91 : vector<16xi1>
    %and3A_93 = arith.andi %lt3A_84, %not3A_92 : vector<16xi1>
    %select_n3A_94 = arith.select %and3A_93, %select_n3A_78, %select_n3A_46 : vector<16xi1>, vector<16xi32>
    %add3A_95 = arith.addi %select_n3A_90, %select_n3A_94 : vector<16xi32>
    %jit3A_96 = arith.constant 2 : i32
    %div3A_97 = vector.broadcast %jit3A_96 : i32 to vector<16xi32>
    %div3A_98 = arith.divsi %add3A_95, %div3A_97 : vector<16xi32>
    %sign3A_99 = arith.constant 0 : i32
    %sign3A_100 = vector.broadcast %sign3A_99 : i32 to vector<16xi32>
    %sign3A_101 = arith.cmpi sgt, %add3A_95, %sign3A_100 : vector<16xi32>
    %sign3A_102 = arith.extui %sign3A_101 : vector<16xi1> to vector<16xi32>
    %sign3A_103 = arith.constant 0 : i32
    %sign3A_104 = vector.broadcast %sign3A_103 : i32 to vector<16xi32>
    %sign3A_105 = arith.cmpi slt, %add3A_95, %sign3A_104 : vector<16xi32>
    %sign3A_106 = arith.extui %sign3A_105 : vector<16xi1> to vector<16xi32>
    %sign3A_107 = arith.subi %sign3A_102, %sign3A_106 : vector<16xi32>
    %sign3A_108 = arith.constant 0 : i32
    %sign3A_109 = arith.cmpi sgt, %jit3A_96, %sign3A_108 : i32
    %sign3A_110 = arith.extui %sign3A_109 : i1 to i32
    %sign3A_111 = arith.constant 0 : i32
    %sign3A_112 = arith.cmpi slt, %jit3A_96, %sign3A_111 : i32
    %sign3A_113 = arith.extui %sign3A_112 : i1 to i32
    %sign3A_114 = arith.subi %sign3A_110, %sign3A_113 : i32
    %ne3A_115 = vector.broadcast %sign3A_114 : i32 to vector<16xi32>
    %ne3A_116 = arith.cmpi ne, %sign3A_107, %ne3A_115 : vector<16xi32>
    %rem3A_117 = vector.broadcast %jit3A_96 : i32 to vector<16xi32>
    %rem3A_118 = arith.remsi %add3A_95, %rem3A_117 : vector<16xi32>
    %ne3A_119 = arith.constant 0 : i32
    %ne3A_120 = vector.broadcast %ne3A_119 : i32 to vector<16xi32>
    %ne3A_121 = arith.cmpi ne, %rem3A_118, %ne3A_120 : vector<16xi32>
    %and3A_122 = arith.andi %ne3A_116, %ne3A_121 : vector<16xi1>
    %sub3A_123 = arith.constant 1 : i32
    %sub3A_124 = vector.broadcast %sub3A_123 : i32 to vector<16xi32>
    %sub3A_125 = arith.subi %div3A_98, %sub3A_124 : vector<16xi32>
    %select_n3A_126 = arith.select %and3A_122, %sub3A_125, %div3A_98 : vector<16xi1>, vector<16xi32>
    %min3A_127 = arith.constant 4193279 : i32
    %min3A_128 = vector.broadcast %min3A_127 : i32 to vector<16xi32>
    %min3A_129 = arith.minsi %select_n3A_126, %min3A_128 : vector<16xi32>
    "tpu.region"() ({
      %run_scoped3A = tpu.sem_alloc : memref<!tpu.dma_semaphore, #tpu.memory_space<semaphore_mem>>
      %dma_start3A = arith.constant 0 : i32
      %dma_start3A_1112 = tpu.memref_slice %arg2[%dma_start3A] : memref<4193280xi32, #tpu.memory_space<hbm>> -> memref<4193280xi32, #tpu.memory_space<hbm>>
      tpu.enqueue_indirect_dma source(%dma_start3A_1112 : memref<4193280xi32, #tpu.memory_space<hbm>>) target(%arg8 : memref<16xi32, #tpu.memory_space<vmem>>) offsets(%min3A_129 : vector<16xi32>) semaphore(%run_scoped3A : memref<!tpu.dma_semaphore, #tpu.memory_space<semaphore_mem>>)
      %dma_wait3A = arith.constant 0 : i32
      %dma_wait3A_1113 = tpu.memref_slice %arg2[%dma_wait3A] : memref<4193280xi32, #tpu.memory_space<hbm>> -> memref<4193280xi32, #tpu.memory_space<hbm>>
      tpu.wait_indirect_dma semaphore(%run_scoped3A : memref<!tpu.dma_semaphore, #tpu.memory_space<semaphore_mem>>) src(%dma_wait3A_1113 : memref<4193280xi32, #tpu.memory_space<hbm>>) dst(%arg8 : memref<16xi32, #tpu.memory_space<vmem>>)
      tpu.yield
    }) : () -> ()
    %get3A_130 = arith.constant 0 : index
    %get3A_131 = tpu.vector_load %arg8[%get3A_130] {strides = array<i32>} : memref<16xi32, #tpu.memory_space<vmem>>, vector<16xi32>,
    %lt3A_132 = arith.cmpi slt, %select_n3A_90, %select_n3A_94 : vector<16xi32>
    %lt3A_133 = arith.cmpi slt, %get3A_131, %mul3A_7 : vector<16xi32>
    %and3A_134 = arith.andi %lt3A_132, %lt3A_133 : vector<16xi1>
    %add3A_135 = arith.constant 1 : i32
    %add3A_136 = vector.broadcast %add3A_135 : i32 to vector<16xi32>
    %add3A_137 = arith.addi %select_n3A_126, %add3A_136 : vector<16xi32>
    %select_n3A_138 = arith.select %and3A_134, %add3A_137, %select_n3A_90 : vector<16xi1>, vector<16xi32>
    %not3A_139 = arith.constant dense<true> : vector<16xi1>
    %not3A_140 = arith.xori %lt3A_133, %not3A_139 : vector<16xi1>
    %and3A_141 = arith.andi %lt3A_132, %not3A_140 : vector<16xi1>
    %select_n3A_142 = arith.select %and3A_141, %select_n3A_126, %select_n3A_94 : vector<16xi1>, vector<16xi32>
    %add3A_143 = arith.addi %select_n3A_138, %select_n3A_142 : vector<16xi32>
    %jit3A_144 = arith.constant 2 : i32
    %div3A_145 = vector.broadcast %jit3A_144 : i32 to vector<16xi32>
    %div3A_146 = arith.divsi %add3A_143, %div3A_145 : vector<16xi32>
    %sign3A_147 = arith.constant 0 : i32
    %sign3A_148 = vector.broadcast %sign3A_147 : i32 to vector<16xi32>
    %sign3A_149 = arith.cmpi sgt, %add3A_143, %sign3A_148 : vector<16xi32>
    %sign3A_150 = arith.extui %sign3A_149 : vector<16xi1> to vector<16xi32>
    %sign3A_151 = arith.constant 0 : i32
    %sign3A_152 = vector.broadcast %sign3A_151 : i32 to vector<16xi32>
    %sign3A_153 = arith.cmpi slt, %add3A_143, %sign3A_152 : vector<16xi32>
    %sign3A_154 = arith.extui %sign3A_153 : vector<16xi1> to vector<16xi32>
    %sign3A_155 = arith.subi %sign3A_150, %sign3A_154 : vector<16xi32>
    %sign3A_156 = arith.constant 0 : i32
    %sign3A_157 = arith.cmpi sgt, %jit3A_144, %sign3A_156 : i32
    %sign3A_158 = arith.extui %sign3A_157 : i1 to i32
    %sign3A_159 = arith.constant 0 : i32
    %sign3A_160 = arith.cmpi slt, %jit3A_144, %sign3A_159 : i32
    %sign3A_161 = arith.extui %sign3A_160 : i1 to i32
    %sign3A_162 = arith.subi %sign3A_158, %sign3A_161 : i32
    %ne3A_163 = vector.broadcast %sign3A_162 : i32 to vector<16xi32>
    %ne3A_164 = arith.cmpi ne, %sign3A_155, %ne3A_163 : vector<16xi32>
    %rem3A_165 = vector.broadcast %jit3A_144 : i32 to vector<16xi32>
    %rem3A_166 = arith.remsi %add3A_143, %rem3A_165 : vector<16xi32>
    %ne3A_167 = arith.constant 0 : i32
    %ne3A_168 = vector.broadcast %ne3A_167 : i32 to vector<16xi32>
    %ne3A_169 = arith.cmpi ne, %rem3A_166, %ne3A_168 : vector<16xi32>
    %and3A_170 = arith.andi %ne3A_164, %ne3A_169 : vector<16xi1>
    %sub3A_171 = arith.constant 1 : i32
    %sub3A_172 = vector.broadcast %sub3A_171 : i32 to vector<16xi32>
    %sub3A_173 = arith.subi %div3A_146, %sub3A_172 : vector<16xi32>
    %select_n3A_174 = arith.select %and3A_170, %sub3A_173, %div3A_146 : vector<16xi1>, vector<16xi32>
    %min3A_175 = arith.constant 4193279 : i32
    %min3A_176 = vector.broadcast %min3A_175 : i32 to vector<16xi32>
    %min3A_177 = arith.minsi %select_n3A_174, %min3A_176 : vector<16xi32>
    "tpu.region"() ({
      %run_scoped3A = tpu.sem_alloc : memref<!tpu.dma_semaphore, #tpu.memory_space<semaphore_mem>>
      %dma_start3A = arith.constant 0 : i32
      %dma_start3A_1112 = tpu.memref_slice %arg2[%dma_start3A] : memref<4193280xi32, #tpu.memory_space<hbm>> -> memref<4193280xi32, #tpu.memory_space<hbm>>
      tpu.enqueue_indirect_dma source(%dma_start3A_1112 : memref<4193280xi32, #tpu.memory_space<hbm>>) target(%arg8 : memref<16xi32, #tpu.memory_space<vmem>>) offsets(%min3A_177 : vector<16xi32>) semaphore(%run_scoped3A : memref<!tpu.dma_semaphore, #tpu.memory_space<semaphore_mem>>)
      %dma_wait3A = arith.constant 0 : i32
      %dma_wait3A_1113 = tpu.memref_slice %arg2[%dma_wait3A] : memref<4193280xi32, #tpu.memory_space<hbm>> -> memref<4193280xi32, #tpu.memory_space<hbm>>
      tpu.wait_indirect_dma semaphore(%run_scoped3A : memref<!tpu.dma_semaphore, #tpu.memory_space<semaphore_mem>>) src(%dma_wait3A_1113 : memref<4193280xi32, #tpu.memory_space<hbm>>) dst(%arg8 : memref<16xi32, #tpu.memory_space<vmem>>)
      tpu.yield
    }) : () -> ()
    %get3A_178 = arith.constant 0 : index
    %get3A_179 = tpu.vector_load %arg8[%get3A_178] {strides = array<i32>} : memref<16xi32, #tpu.memory_space<vmem>>, vector<16xi32>,
    %lt3A_180 = arith.cmpi slt, %select_n3A_138, %select_n3A_142 : vector<16xi32>
    %lt3A_181 = arith.cmpi slt, %get3A_179, %mul3A_7 : vector<16xi32>
    %and3A_182 = arith.andi %lt3A_180, %lt3A_181 : vector<16xi1>
    %add3A_183 = arith.constant 1 : i32
    %add3A_184 = vector.broadcast %add3A_183 : i32 to vector<16xi32>
    %add3A_185 = arith.addi %select_n3A_174, %add3A_184 : vector<16xi32>
    %select_n3A_186 = arith.select %and3A_182, %add3A_185, %select_n3A_138 : vector<16xi1>, vector<16xi32>
    %not3A_187 = arith.constant dense<true> : vector<16xi1>
    %not3A_188 = arith.xori %lt3A_181, %not3A_187 : vector<16xi1>
    %and3A_189 = arith.andi %lt3A_180, %not3A_188 : vector<16xi1>
    %select_n3A_190 = arith.select %and3A_189, %select_n3A_174, %select_n3A_142 : vector<16xi1>, vector<16xi32>
    %add3A_191 = arith.addi %select_n3A_186, %select_n3A_190 : vector<16xi32>
    %jit3A_192 = arith.constant 2 : i32
    %div3A_193 = vector.broadcast %jit3A_192 : i32 to vector<16xi32>
    %div3A_194 = arith.divsi %add3A_191, %div3A_193 : vector<16xi32>
    %sign3A_195 = arith.constant 0 : i32
    %sign3A_196 = vector.broadcast %sign3A_195 : i32 to vector<16xi32>
    %sign3A_197 = arith.cmpi sgt, %add3A_191, %sign3A_196 : vector<16xi32>
    %sign3A_198 = arith.extui %sign3A_197 : vector<16xi1> to vector<16xi32>
    %sign3A_199 = arith.constant 0 : i32
    %sign3A_200 = vector.broadcast %sign3A_199 : i32 to vector<16xi32>
    %sign3A_201 = arith.cmpi slt, %add3A_191, %sign3A_200 : vector<16xi32>
    %sign3A_202 = arith.extui %sign3A_201 : vector<16xi1> to vector<16xi32>
    %sign3A_203 = arith.subi %sign3A_198, %sign3A_202 : vector<16xi32>
    %sign3A_204 = arith.constant 0 : i32
    %sign3A_205 = arith.cmpi sgt, %jit3A_192, %sign3A_204 : i32
    %sign3A_206 = arith.extui %sign3A_205 : i1 to i32
    %sign3A_207 = arith.constant 0 : i32
    %sign3A_208 = arith.cmpi slt, %jit3A_192, %sign3A_207 : i32
    %sign3A_209 = arith.extui %sign3A_208 : i1 to i32
    %sign3A_210 = arith.subi %sign3A_206, %sign3A_209 : i32
    %ne3A_211 = vector.broadcast %sign3A_210 : i32 to vector<16xi32>
    %ne3A_212 = arith.cmpi ne, %sign3A_203, %ne3A_211 : vector<16xi32>
    %rem3A_213 = vector.broadcast %jit3A_192 : i32 to vector<16xi32>
    %rem3A_214 = arith.remsi %add3A_191, %rem3A_213 : vector<16xi32>
    %ne3A_215 = arith.constant 0 : i32
    %ne3A_216 = vector.broadcast %ne3A_215 : i32 to vector<16xi32>
    %ne3A_217 = arith.cmpi ne, %rem3A_214, %ne3A_216 : vector<16xi32>
    %and3A_218 = arith.andi %ne3A_212, %ne3A_217 : vector<16xi1>
    %sub3A_219 = arith.constant 1 : i32
    %sub3A_220 = vector.broadcast %sub3A_219 : i32 to vector<16xi32>
    %sub3A_221 = arith.subi %div3A_194, %sub3A_220 : vector<16xi32>
    %select_n3A_222 = arith.select %and3A_218, %sub3A_221, %div3A_194 : vector<16xi1>, vector<16xi32>
    %min3A_223 = arith.constant 4193279 : i32
    %min3A_224 = vector.broadcast %min3A_223 : i32 to vector<16xi32>
    %min3A_225 = arith.minsi %select_n3A_222, %min3A_224 : vector<16xi32>
    "tpu.region"() ({
      %run_scoped3A = tpu.sem_alloc : memref<!tpu.dma_semaphore, #tpu.memory_space<semaphore_mem>>
      %dma_start3A = arith.constant 0 : i32
      %dma_start3A_1112 = tpu.memref_slice %arg2[%dma_start3A] : memref<4193280xi32, #tpu.memory_space<hbm>> -> memref<4193280xi32, #tpu.memory_space<hbm>>
      tpu.enqueue_indirect_dma source(%dma_start3A_1112 : memref<4193280xi32, #tpu.memory_space<hbm>>) target(%arg8 : memref<16xi32, #tpu.memory_space<vmem>>) offsets(%min3A_225 : vector<16xi32>) semaphore(%run_scoped3A : memref<!tpu.dma_semaphore, #tpu.memory_space<semaphore_mem>>)
      %dma_wait3A = arith.constant 0 : i32
      %dma_wait3A_1113 = tpu.memref_slice %arg2[%dma_wait3A] : memref<4193280xi32, #tpu.memory_space<hbm>> -> memref<4193280xi32, #tpu.memory_space<hbm>>
      tpu.wait_indirect_dma semaphore(%run_scoped3A : memref<!tpu.dma_semaphore, #tpu.memory_space<semaphore_mem>>) src(%dma_wait3A_1113 : memref<4193280xi32, #tpu.memory_space<hbm>>) dst(%arg8 : memref<16xi32, #tpu.memory_space<vmem>>)
      tpu.yield
    }) : () -> ()
    %get3A_226 = arith.constant 0 : index
    %get3A_227 = tpu.vector_load %arg8[%get3A_226] {strides = array<i32>} : memref<16xi32, #tpu.memory_space<vmem>>, vector<16xi32>,
    %lt3A_228 = arith.cmpi slt, %select_n3A_186, %select_n3A_190 : vector<16xi32>
    %lt3A_229 = arith.cmpi slt, %get3A_227, %mul3A_7 : vector<16xi32>
    %and3A_230 = arith.andi %lt3A_228, %lt3A_229 : vector<16xi1>
    %add3A_231 = arith.constant 1 : i32
    %add3A_232 = vector.broadcast %add3A_231 : i32 to vector<16xi32>
    %add3A_233 = arith.addi %select_n3A_222, %add3A_232 : vector<16xi32>
    %select_n3A_234 = arith.select %and3A_230, %add3A_233, %select_n3A_186 : vector<16xi1>, vector<16xi32>
    %not3A_235 = arith.constant dense<true> : vector<16xi1>
    %not3A_236 = arith.xori %lt3A_229, %not3A_235 : vector<16xi1>
    %and3A_237 = arith.andi %lt3A_228, %not3A_236 : vector<16xi1>
    %select_n3A_238 = arith.select %and3A_237, %select_n3A_222, %select_n3A_190 : vector<16xi1>, vector<16xi32>
    %add3A_239 = arith.addi %select_n3A_234, %select_n3A_238 : vector<16xi32>
    %jit3A_240 = arith.constant 2 : i32
    %div3A_241 = vector.broadcast %jit3A_240 : i32 to vector<16xi32>
    %div3A_242 = arith.divsi %add3A_239, %div3A_241 : vector<16xi32>
    %sign3A_243 = arith.constant 0 : i32
    %sign3A_244 = vector.broadcast %sign3A_243 : i32 to vector<16xi32>
    %sign3A_245 = arith.cmpi sgt, %add3A_239, %sign3A_244 : vector<16xi32>
    %sign3A_246 = arith.extui %sign3A_245 : vector<16xi1> to vector<16xi32>
    %sign3A_247 = arith.constant 0 : i32
    %sign3A_248 = vector.broadcast %sign3A_247 : i32 to vector<16xi32>
    %sign3A_249 = arith.cmpi slt, %add3A_239, %sign3A_248 : vector<16xi32>
    %sign3A_250 = arith.extui %sign3A_249 : vector<16xi1> to vector<16xi32>
    %sign3A_251 = arith.subi %sign3A_246, %sign3A_250 : vector<16xi32>
    %sign3A_252 = arith.constant 0 : i32
    %sign3A_253 = arith.cmpi sgt, %jit3A_240, %sign3A_252 : i32
    %sign3A_254 = arith.extui %sign3A_253 : i1 to i32
    %sign3A_255 = arith.constant 0 : i32
    %sign3A_256 = arith.cmpi slt, %jit3A_240, %sign3A_255 : i32
    %sign3A_257 = arith.extui %sign3A_256 : i1 to i32
    %sign3A_258 = arith.subi %sign3A_254, %sign3A_257 : i32
    %ne3A_259 = vector.broadcast %sign3A_258 : i32 to vector<16xi32>
    %ne3A_260 = arith.cmpi ne, %sign3A_251, %ne3A_259 : vector<16xi32>
    %rem3A_261 = vector.broadcast %jit3A_240 : i32 to vector<16xi32>
    %rem3A_262 = arith.remsi %add3A_239, %rem3A_261 : vector<16xi32>
    %ne3A_263 = arith.constant 0 : i32
    %ne3A_264 = vector.broadcast %ne3A_263 : i32 to vector<16xi32>
    %ne3A_265 = arith.cmpi ne, %rem3A_262, %ne3A_264 : vector<16xi32>
    %and3A_266 = arith.andi %ne3A_260, %ne3A_265 : vector<16xi1>
    %sub3A_267 = arith.constant 1 : i32
    %sub3A_268 = vector.broadcast %sub3A_267 : i32 to vector<16xi32>
    %sub3A_269 = arith.subi %div3A_242, %sub3A_268 : vector<16xi32>
    %select_n3A_270 = arith.select %and3A_266, %sub3A_269, %div3A_242 : vector<16xi1>, vector<16xi32>
    %min3A_271 = arith.constant 4193279 : i32
    %min3A_272 = vector.broadcast %min3A_271 : i32 to vector<16xi32>
    %min3A_273 = arith.minsi %select_n3A_270, %min3A_272 : vector<16xi32>
    "tpu.region"() ({
      %run_scoped3A = tpu.sem_alloc : memref<!tpu.dma_semaphore, #tpu.memory_space<semaphore_mem>>
      %dma_start3A = arith.constant 0 : i32
      %dma_start3A_1112 = tpu.memref_slice %arg2[%dma_start3A] : memref<4193280xi32, #tpu.memory_space<hbm>> -> memref<4193280xi32, #tpu.memory_space<hbm>>
      tpu.enqueue_indirect_dma source(%dma_start3A_1112 : memref<4193280xi32, #tpu.memory_space<hbm>>) target(%arg8 : memref<16xi32, #tpu.memory_space<vmem>>) offsets(%min3A_273 : vector<16xi32>) semaphore(%run_scoped3A : memref<!tpu.dma_semaphore, #tpu.memory_space<semaphore_mem>>)
      %dma_wait3A = arith.constant 0 : i32
      %dma_wait3A_1113 = tpu.memref_slice %arg2[%dma_wait3A] : memref<4193280xi32, #tpu.memory_space<hbm>> -> memref<4193280xi32, #tpu.memory_space<hbm>>
      tpu.wait_indirect_dma semaphore(%run_scoped3A : memref<!tpu.dma_semaphore, #tpu.memory_space<semaphore_mem>>) src(%dma_wait3A_1113 : memref<4193280xi32, #tpu.memory_space<hbm>>) dst(%arg8 : memref<16xi32, #tpu.memory_space<vmem>>)
      tpu.yield
    }) : () -> ()
    %get3A_274 = arith.constant 0 : index
    %get3A_275 = tpu.vector_load %arg8[%get3A_274] {strides = array<i32>} : memref<16xi32, #tpu.memory_space<vmem>>, vector<16xi32>,
    %lt3A_276 = arith.cmpi slt, %select_n3A_234, %select_n3A_238 : vector<16xi32>
    %lt3A_277 = arith.cmpi slt, %get3A_275, %mul3A_7 : vector<16xi32>
    %and3A_278 = arith.andi %lt3A_276, %lt3A_277 : vector<16xi1>
    %add3A_279 = arith.constant 1 : i32
    %add3A_280 = vector.broadcast %add3A_279 : i32 to vector<16xi32>
    %add3A_281 = arith.addi %select_n3A_270, %add3A_280 : vector<16xi32>
    %select_n3A_282 = arith.select %and3A_278, %add3A_281, %select_n3A_234 : vector<16xi1>, vector<16xi32>
    %not3A_283 = arith.constant dense<true> : vector<16xi1>
    %not3A_284 = arith.xori %lt3A_277, %not3A_283 : vector<16xi1>
    %and3A_285 = arith.andi %lt3A_276, %not3A_284 : vector<16xi1>
    %select_n3A_286 = arith.select %and3A_285, %select_n3A_270, %select_n3A_238 : vector<16xi1>, vector<16xi32>
    %add3A_287 = arith.addi %select_n3A_282, %select_n3A_286 : vector<16xi32>
    %jit3A_288 = arith.constant 2 : i32
    %div3A_289 = vector.broadcast %jit3A_288 : i32 to vector<16xi32>
    %div3A_290 = arith.divsi %add3A_287, %div3A_289 : vector<16xi32>
    %sign3A_291 = arith.constant 0 : i32
    %sign3A_292 = vector.broadcast %sign3A_291 : i32 to vector<16xi32>
    %sign3A_293 = arith.cmpi sgt, %add3A_287, %sign3A_292 : vector<16xi32>
    %sign3A_294 = arith.extui %sign3A_293 : vector<16xi1> to vector<16xi32>
    %sign3A_295 = arith.constant 0 : i32
    %sign3A_296 = vector.broadcast %sign3A_295 : i32 to vector<16xi32>
    %sign3A_297 = arith.cmpi slt, %add3A_287, %sign3A_296 : vector<16xi32>
    %sign3A_298 = arith.extui %sign3A_297 : vector<16xi1> to vector<16xi32>
    %sign3A_299 = arith.subi %sign3A_294, %sign3A_298 : vector<16xi32>
    %sign3A_300 = arith.constant 0 : i32
    %sign3A_301 = arith.cmpi sgt, %jit3A_288, %sign3A_300 : i32
    %sign3A_302 = arith.extui %sign3A_301 : i1 to i32
    %sign3A_303 = arith.constant 0 : i32
    %sign3A_304 = arith.cmpi slt, %jit3A_288, %sign3A_303 : i32
    %sign3A_305 = arith.extui %sign3A_304 : i1 to i32
    %sign3A_306 = arith.subi %sign3A_302, %sign3A_305 : i32
    %ne3A_307 = vector.broadcast %sign3A_306 : i32 to vector<16xi32>
    %ne3A_308 = arith.cmpi ne, %sign3A_299, %ne3A_307 : vector<16xi32>
    %rem3A_309 = vector.broadcast %jit3A_288 : i32 to vector<16xi32>
    %rem3A_310 = arith.remsi %add3A_287, %rem3A_309 : vector<16xi32>
    %ne3A_311 = arith.constant 0 : i32
    %ne3A_312 = vector.broadcast %ne3A_311 : i32 to vector<16xi32>
    %ne3A_313 = arith.cmpi ne, %rem3A_310, %ne3A_312 : vector<16xi32>
    %and3A_314 = arith.andi %ne3A_308, %ne3A_313 : vector<16xi1>
    %sub3A_315 = arith.constant 1 : i32
    %sub3A_316 = vector.broadcast %sub3A_315 : i32 to vector<16xi32>
    %sub3A_317 = arith.subi %div3A_290, %sub3A_316 : vector<16xi32>
    %select_n3A_318 = arith.select %and3A_314, %sub3A_317, %div3A_290 : vector<16xi1>, vector<16xi32>
    %min3A_319 = arith.constant 4193279 : i32
    %min3A_320 = vector.broadcast %min3A_319 : i32 to vector<16xi32>
    %min3A_321 = arith.minsi %select_n3A_318, %min3A_320 : vector<16xi32>
    "tpu.region"() ({
      %run_scoped3A = tpu.sem_alloc : memref<!tpu.dma_semaphore, #tpu.memory_space<semaphore_mem>>
      %dma_start3A = arith.constant 0 : i32
      %dma_start3A_1112 = tpu.memref_slice %arg2[%dma_start3A] : memref<4193280xi32, #tpu.memory_space<hbm>> -> memref<4193280xi32, #tpu.memory_space<hbm>>
      tpu.enqueue_indirect_dma source(%dma_start3A_1112 : memref<4193280xi32, #tpu.memory_space<hbm>>) target(%arg8 : memref<16xi32, #tpu.memory_space<vmem>>) offsets(%min3A_321 : vector<16xi32>) semaphore(%run_scoped3A : memref<!tpu.dma_semaphore, #tpu.memory_space<semaphore_mem>>)
      %dma_wait3A = arith.constant 0 : i32
      %dma_wait3A_1113 = tpu.memref_slice %arg2[%dma_wait3A] : memref<4193280xi32, #tpu.memory_space<hbm>> -> memref<4193280xi32, #tpu.memory_space<hbm>>
      tpu.wait_indirect_dma semaphore(%run_scoped3A : memref<!tpu.dma_semaphore, #tpu.memory_space<semaphore_mem>>) src(%dma_wait3A_1113 : memref<4193280xi32, #tpu.memory_space<hbm>>) dst(%arg8 : memref<16xi32, #tpu.memory_space<vmem>>)
      tpu.yield
    }) : () -> ()
    %get3A_322 = arith.constant 0 : index
    %get3A_323 = tpu.vector_load %arg8[%get3A_322] {strides = array<i32>} : memref<16xi32, #tpu.memory_space<vmem>>, vector<16xi32>,
    %lt3A_324 = arith.cmpi slt, %select_n3A_282, %select_n3A_286 : vector<16xi32>
    %lt3A_325 = arith.cmpi slt, %get3A_323, %mul3A_7 : vector<16xi32>
    %and3A_326 = arith.andi %lt3A_324, %lt3A_325 : vector<16xi1>
    %add3A_327 = arith.constant 1 : i32
    %add3A_328 = vector.broadcast %add3A_327 : i32 to vector<16xi32>
    %add3A_329 = arith.addi %select_n3A_318, %add3A_328 : vector<16xi32>
    %select_n3A_330 = arith.select %and3A_326, %add3A_329, %select_n3A_282 : vector<16xi1>, vector<16xi32>
    %not3A_331 = arith.constant dense<true> : vector<16xi1>
    %not3A_332 = arith.xori %lt3A_325, %not3A_331 : vector<16xi1>
    %and3A_333 = arith.andi %lt3A_324, %not3A_332 : vector<16xi1>
    %select_n3A_334 = arith.select %and3A_333, %select_n3A_318, %select_n3A_286 : vector<16xi1>, vector<16xi32>
    %add3A_335 = arith.addi %select_n3A_330, %select_n3A_334 : vector<16xi32>
    %jit3A_336 = arith.constant 2 : i32
    %div3A_337 = vector.broadcast %jit3A_336 : i32 to vector<16xi32>
    %div3A_338 = arith.divsi %add3A_335, %div3A_337 : vector<16xi32>
    %sign3A_339 = arith.constant 0 : i32
    %sign3A_340 = vector.broadcast %sign3A_339 : i32 to vector<16xi32>
    %sign3A_341 = arith.cmpi sgt, %add3A_335, %sign3A_340 : vector<16xi32>
    %sign3A_342 = arith.extui %sign3A_341 : vector<16xi1> to vector<16xi32>
    %sign3A_343 = arith.constant 0 : i32
    %sign3A_344 = vector.broadcast %sign3A_343 : i32 to vector<16xi32>
    %sign3A_345 = arith.cmpi slt, %add3A_335, %sign3A_344 : vector<16xi32>
    %sign3A_346 = arith.extui %sign3A_345 : vector<16xi1> to vector<16xi32>
    %sign3A_347 = arith.subi %sign3A_342, %sign3A_346 : vector<16xi32>
    %sign3A_348 = arith.constant 0 : i32
    %sign3A_349 = arith.cmpi sgt, %jit3A_336, %sign3A_348 : i32
    %sign3A_350 = arith.extui %sign3A_349 : i1 to i32
    %sign3A_351 = arith.constant 0 : i32
    %sign3A_352 = arith.cmpi slt, %jit3A_336, %sign3A_351 : i32
    %sign3A_353 = arith.extui %sign3A_352 : i1 to i32
    %sign3A_354 = arith.subi %sign3A_350, %sign3A_353 : i32
    %ne3A_355 = vector.broadcast %sign3A_354 : i32 to vector<16xi32>
    %ne3A_356 = arith.cmpi ne, %sign3A_347, %ne3A_355 : vector<16xi32>
    %rem3A_357 = vector.broadcast %jit3A_336 : i32 to vector<16xi32>
    %rem3A_358 = arith.remsi %add3A_335, %rem3A_357 : vector<16xi32>
    %ne3A_359 = arith.constant 0 : i32
    %ne3A_360 = vector.broadcast %ne3A_359 : i32 to vector<16xi32>
    %ne3A_361 = arith.cmpi ne, %rem3A_358, %ne3A_360 : vector<16xi32>
    %and3A_362 = arith.andi %ne3A_356, %ne3A_361 : vector<16xi1>
    %sub3A_363 = arith.constant 1 : i32
    %sub3A_364 = vector.broadcast %sub3A_363 : i32 to vector<16xi32>
    %sub3A_365 = arith.subi %div3A_338, %sub3A_364 : vector<16xi32>
    %select_n3A_366 = arith.select %and3A_362, %sub3A_365, %div3A_338 : vector<16xi1>, vector<16xi32>
    %min3A_367 = arith.constant 4193279 : i32
    %min3A_368 = vector.broadcast %min3A_367 : i32 to vector<16xi32>
    %min3A_369 = arith.minsi %select_n3A_366, %min3A_368 : vector<16xi32>
    "tpu.region"() ({
      %run_scoped3A = tpu.sem_alloc : memref<!tpu.dma_semaphore, #tpu.memory_space<semaphore_mem>>
      %dma_start3A = arith.constant 0 : i32
      %dma_start3A_1112 = tpu.memref_slice %arg2[%dma_start3A] : memref<4193280xi32, #tpu.memory_space<hbm>> -> memref<4193280xi32, #tpu.memory_space<hbm>>
      tpu.enqueue_indirect_dma source(%dma_start3A_1112 : memref<4193280xi32, #tpu.memory_space<hbm>>) target(%arg8 : memref<16xi32, #tpu.memory_space<vmem>>) offsets(%min3A_369 : vector<16xi32>) semaphore(%run_scoped3A : memref<!tpu.dma_semaphore, #tpu.memory_space<semaphore_mem>>)
      %dma_wait3A = arith.constant 0 : i32
      %dma_wait3A_1113 = tpu.memref_slice %arg2[%dma_wait3A] : memref<4193280xi32, #tpu.memory_space<hbm>> -> memref<4193280xi32, #tpu.memory_space<hbm>>
      tpu.wait_indirect_dma semaphore(%run_scoped3A : memref<!tpu.dma_semaphore, #tpu.memory_space<semaphore_mem>>) src(%dma_wait3A_1113 : memref<4193280xi32, #tpu.memory_space<hbm>>) dst(%arg8 : memref<16xi32, #tpu.memory_space<vmem>>)
      tpu.yield
    }) : () -> ()
    %get3A_370 = arith.constant 0 : index
    %get3A_371 = tpu.vector_load %arg8[%get3A_370] {strides = array<i32>} : memref<16xi32, #tpu.memory_space<vmem>>, vector<16xi32>,
    %lt3A_372 = arith.cmpi slt, %select_n3A_330, %select_n3A_334 : vector<16xi32>
    %lt3A_373 = arith.cmpi slt, %get3A_371, %mul3A_7 : vector<16xi32>
    %and3A_374 = arith.andi %lt3A_372, %lt3A_373 : vector<16xi1>
    %add3A_375 = arith.constant 1 : i32
    %add3A_376 = vector.broadcast %add3A_375 : i32 to vector<16xi32>
    %add3A_377 = arith.addi %select_n3A_366, %add3A_376 : vector<16xi32>
    %select_n3A_378 = arith.select %and3A_374, %add3A_377, %select_n3A_330 : vector<16xi1>, vector<16xi32>
    %not3A_379 = arith.constant dense<true> : vector<16xi1>
    %not3A_380 = arith.xori %lt3A_373, %not3A_379 : vector<16xi1>
    %and3A_381 = arith.andi %lt3A_372, %not3A_380 : vector<16xi1>
    %select_n3A_382 = arith.select %and3A_381, %select_n3A_366, %select_n3A_334 : vector<16xi1>, vector<16xi32>
    %add3A_383 = arith.addi %select_n3A_378, %select_n3A_382 : vector<16xi32>
    %jit3A_384 = arith.constant 2 : i32
    %div3A_385 = vector.broadcast %jit3A_384 : i32 to vector<16xi32>
    %div3A_386 = arith.divsi %add3A_383, %div3A_385 : vector<16xi32>
    %sign3A_387 = arith.constant 0 : i32
    %sign3A_388 = vector.broadcast %sign3A_387 : i32 to vector<16xi32>
    %sign3A_389 = arith.cmpi sgt, %add3A_383, %sign3A_388 : vector<16xi32>
    %sign3A_390 = arith.extui %sign3A_389 : vector<16xi1> to vector<16xi32>
    %sign3A_391 = arith.constant 0 : i32
    %sign3A_392 = vector.broadcast %sign3A_391 : i32 to vector<16xi32>
    %sign3A_393 = arith.cmpi slt, %add3A_383, %sign3A_392 : vector<16xi32>
    %sign3A_394 = arith.extui %sign3A_393 : vector<16xi1> to vector<16xi32>
    %sign3A_395 = arith.subi %sign3A_390, %sign3A_394 : vector<16xi32>
    %sign3A_396 = arith.constant 0 : i32
    %sign3A_397 = arith.cmpi sgt, %jit3A_384, %sign3A_396 : i32
    %sign3A_398 = arith.extui %sign3A_397 : i1 to i32
    %sign3A_399 = arith.constant 0 : i32
    %sign3A_400 = arith.cmpi slt, %jit3A_384, %sign3A_399 : i32
    %sign3A_401 = arith.extui %sign3A_400 : i1 to i32
    %sign3A_402 = arith.subi %sign3A_398, %sign3A_401 : i32
    %ne3A_403 = vector.broadcast %sign3A_402 : i32 to vector<16xi32>
    %ne3A_404 = arith.cmpi ne, %sign3A_395, %ne3A_403 : vector<16xi32>
    %rem3A_405 = vector.broadcast %jit3A_384 : i32 to vector<16xi32>
    %rem3A_406 = arith.remsi %add3A_383, %rem3A_405 : vector<16xi32>
    %ne3A_407 = arith.constant 0 : i32
    %ne3A_408 = vector.broadcast %ne3A_407 : i32 to vector<16xi32>
    %ne3A_409 = arith.cmpi ne, %rem3A_406, %ne3A_408 : vector<16xi32>
    %and3A_410 = arith.andi %ne3A_404, %ne3A_409 : vector<16xi1>
    %sub3A_411 = arith.constant 1 : i32
    %sub3A_412 = vector.broadcast %sub3A_411 : i32 to vector<16xi32>
    %sub3A_413 = arith.subi %div3A_386, %sub3A_412 : vector<16xi32>
    %select_n3A_414 = arith.select %and3A_410, %sub3A_413, %div3A_386 : vector<16xi1>, vector<16xi32>
    %min3A_415 = arith.constant 4193279 : i32
    %min3A_416 = vector.broadcast %min3A_415 : i32 to vector<16xi32>
    %min3A_417 = arith.minsi %select_n3A_414, %min3A_416 : vector<16xi32>
    "tpu.region"() ({
      %run_scoped3A = tpu.sem_alloc : memref<!tpu.dma_semaphore, #tpu.memory_space<semaphore_mem>>
      %dma_start3A = arith.constant 0 : i32
      %dma_start3A_1112 = tpu.memref_slice %arg2[%dma_start3A] : memref<4193280xi32, #tpu.memory_space<hbm>> -> memref<4193280xi32, #tpu.memory_space<hbm>>
      tpu.enqueue_indirect_dma source(%dma_start3A_1112 : memref<4193280xi32, #tpu.memory_space<hbm>>) target(%arg8 : memref<16xi32, #tpu.memory_space<vmem>>) offsets(%min3A_417 : vector<16xi32>) semaphore(%run_scoped3A : memref<!tpu.dma_semaphore, #tpu.memory_space<semaphore_mem>>)
      %dma_wait3A = arith.constant 0 : i32
      %dma_wait3A_1113 = tpu.memref_slice %arg2[%dma_wait3A] : memref<4193280xi32, #tpu.memory_space<hbm>> -> memref<4193280xi32, #tpu.memory_space<hbm>>
      tpu.wait_indirect_dma semaphore(%run_scoped3A : memref<!tpu.dma_semaphore, #tpu.memory_space<semaphore_mem>>) src(%dma_wait3A_1113 : memref<4193280xi32, #tpu.memory_space<hbm>>) dst(%arg8 : memref<16xi32, #tpu.memory_space<vmem>>)
      tpu.yield
    }) : () -> ()
    %get3A_418 = arith.constant 0 : index
    %get3A_419 = tpu.vector_load %arg8[%get3A_418] {strides = array<i32>} : memref<16xi32, #tpu.memory_space<vmem>>, vector<16xi32>,
    %lt3A_420 = arith.cmpi slt, %select_n3A_378, %select_n3A_382 : vector<16xi32>
    %lt3A_421 = arith.cmpi slt, %get3A_419, %mul3A_7 : vector<16xi32>
    %and3A_422 = arith.andi %lt3A_420, %lt3A_421 : vector<16xi1>
    %add3A_423 = arith.constant 1 : i32
    %add3A_424 = vector.broadcast %add3A_423 : i32 to vector<16xi32>
    %add3A_425 = arith.addi %select_n3A_414, %add3A_424 : vector<16xi32>
    %select_n3A_426 = arith.select %and3A_422, %add3A_425, %select_n3A_378 : vector<16xi1>, vector<16xi32>
    %not3A_427 = arith.constant dense<true> : vector<16xi1>
    %not3A_428 = arith.xori %lt3A_421, %not3A_427 : vector<16xi1>
    %and3A_429 = arith.andi %lt3A_420, %not3A_428 : vector<16xi1>
    %select_n3A_430 = arith.select %and3A_429, %select_n3A_414, %select_n3A_382 : vector<16xi1>, vector<16xi32>
    %add3A_431 = arith.addi %select_n3A_426, %select_n3A_430 : vector<16xi32>
    %jit3A_432 = arith.constant 2 : i32
    %div3A_433 = vector.broadcast %jit3A_432 : i32 to vector<16xi32>
    %div3A_434 = arith.divsi %add3A_431, %div3A_433 : vector<16xi32>
    %sign3A_435 = arith.constant 0 : i32
    %sign3A_436 = vector.broadcast %sign3A_435 : i32 to vector<16xi32>
    %sign3A_437 = arith.cmpi sgt, %add3A_431, %sign3A_436 : vector<16xi32>
    %sign3A_438 = arith.extui %sign3A_437 : vector<16xi1> to vector<16xi32>
    %sign3A_439 = arith.constant 0 : i32
    %sign3A_440 = vector.broadcast %sign3A_439 : i32 to vector<16xi32>
    %sign3A_441 = arith.cmpi slt, %add3A_431, %sign3A_440 : vector<16xi32>
    %sign3A_442 = arith.extui %sign3A_441 : vector<16xi1> to vector<16xi32>
    %sign3A_443 = arith.subi %sign3A_438, %sign3A_442 : vector<16xi32>
    %sign3A_444 = arith.constant 0 : i32
    %sign3A_445 = arith.cmpi sgt, %jit3A_432, %sign3A_444 : i32
    %sign3A_446 = arith.extui %sign3A_445 : i1 to i32
    %sign3A_447 = arith.constant 0 : i32
    %sign3A_448 = arith.cmpi slt, %jit3A_432, %sign3A_447 : i32
    %sign3A_449 = arith.extui %sign3A_448 : i1 to i32
    %sign3A_450 = arith.subi %sign3A_446, %sign3A_449 : i32
    %ne3A_451 = vector.broadcast %sign3A_450 : i32 to vector<16xi32>
    %ne3A_452 = arith.cmpi ne, %sign3A_443, %ne3A_451 : vector<16xi32>
    %rem3A_453 = vector.broadcast %jit3A_432 : i32 to vector<16xi32>
    %rem3A_454 = arith.remsi %add3A_431, %rem3A_453 : vector<16xi32>
    %ne3A_455 = arith.constant 0 : i32
    %ne3A_456 = vector.broadcast %ne3A_455 : i32 to vector<16xi32>
    %ne3A_457 = arith.cmpi ne, %rem3A_454, %ne3A_456 : vector<16xi32>
    %and3A_458 = arith.andi %ne3A_452, %ne3A_457 : vector<16xi1>
    %sub3A_459 = arith.constant 1 : i32
    %sub3A_460 = vector.broadcast %sub3A_459 : i32 to vector<16xi32>
    %sub3A_461 = arith.subi %div3A_434, %sub3A_460 : vector<16xi32>
    %select_n3A_462 = arith.select %and3A_458, %sub3A_461, %div3A_434 : vector<16xi1>, vector<16xi32>
    %min3A_463 = arith.constant 4193279 : i32
    %min3A_464 = vector.broadcast %min3A_463 : i32 to vector<16xi32>
    %min3A_465 = arith.minsi %select_n3A_462, %min3A_464 : vector<16xi32>
    "tpu.region"() ({
      %run_scoped3A = tpu.sem_alloc : memref<!tpu.dma_semaphore, #tpu.memory_space<semaphore_mem>>
      %dma_start3A = arith.constant 0 : i32
      %dma_start3A_1112 = tpu.memref_slice %arg2[%dma_start3A] : memref<4193280xi32, #tpu.memory_space<hbm>> -> memref<4193280xi32, #tpu.memory_space<hbm>>
      tpu.enqueue_indirect_dma source(%dma_start3A_1112 : memref<4193280xi32, #tpu.memory_space<hbm>>) target(%arg8 : memref<16xi32, #tpu.memory_space<vmem>>) offsets(%min3A_465 : vector<16xi32>) semaphore(%run_scoped3A : memref<!tpu.dma_semaphore, #tpu.memory_space<semaphore_mem>>)
      %dma_wait3A = arith.constant 0 : i32
      %dma_wait3A_1113 = tpu.memref_slice %arg2[%dma_wait3A] : memref<4193280xi32, #tpu.memory_space<hbm>> -> memref<4193280xi32, #tpu.memory_space<hbm>>
      tpu.wait_indirect_dma semaphore(%run_scoped3A : memref<!tpu.dma_semaphore, #tpu.memory_space<semaphore_mem>>) src(%dma_wait3A_1113 : memref<4193280xi32, #tpu.memory_space<hbm>>) dst(%arg8 : memref<16xi32, #tpu.memory_space<vmem>>)
      tpu.yield
    }) : () -> ()
    %get3A_466 = arith.constant 0 : index
    %get3A_467 = tpu.vector_load %arg8[%get3A_466] {strides = array<i32>} : memref<16xi32, #tpu.memory_space<vmem>>, vector<16xi32>,
    %lt3A_468 = arith.cmpi slt, %select_n3A_426, %select_n3A_430 : vector<16xi32>
    %lt3A_469 = arith.cmpi slt, %get3A_467, %mul3A_7 : vector<16xi32>
    %and3A_470 = arith.andi %lt3A_468, %lt3A_469 : vector<16xi1>
    %add3A_471 = arith.constant 1 : i32
    %add3A_472 = vector.broadcast %add3A_471 : i32 to vector<16xi32>
    %add3A_473 = arith.addi %select_n3A_462, %add3A_472 : vector<16xi32>
    %select_n3A_474 = arith.select %and3A_470, %add3A_473, %select_n3A_426 : vector<16xi1>, vector<16xi32>
    %not3A_475 = arith.constant dense<true> : vector<16xi1>
    %not3A_476 = arith.xori %lt3A_469, %not3A_475 : vector<16xi1>
    %and3A_477 = arith.andi %lt3A_468, %not3A_476 : vector<16xi1>
    %select_n3A_478 = arith.select %and3A_477, %select_n3A_462, %select_n3A_430 : vector<16xi1>, vector<16xi32>
    %add3A_479 = arith.addi %select_n3A_474, %select_n3A_478 : vector<16xi32>
    %jit3A_480 = arith.constant 2 : i32
    %div3A_481 = vector.broadcast %jit3A_480 : i32 to vector<16xi32>
    %div3A_482 = arith.divsi %add3A_479, %div3A_481 : vector<16xi32>
    %sign3A_483 = arith.constant 0 : i32
    %sign3A_484 = vector.broadcast %sign3A_483 : i32 to vector<16xi32>
    %sign3A_485 = arith.cmpi sgt, %add3A_479, %sign3A_484 : vector<16xi32>
    %sign3A_486 = arith.extui %sign3A_485 : vector<16xi1> to vector<16xi32>
    %sign3A_487 = arith.constant 0 : i32
    %sign3A_488 = vector.broadcast %sign3A_487 : i32 to vector<16xi32>
    %sign3A_489 = arith.cmpi slt, %add3A_479, %sign3A_488 : vector<16xi32>
    %sign3A_490 = arith.extui %sign3A_489 : vector<16xi1> to vector<16xi32>
    %sign3A_491 = arith.subi %sign3A_486, %sign3A_490 : vector<16xi32>
    %sign3A_492 = arith.constant 0 : i32
    %sign3A_493 = arith.cmpi sgt, %jit3A_480, %sign3A_492 : i32
    %sign3A_494 = arith.extui %sign3A_493 : i1 to i32
    %sign3A_495 = arith.constant 0 : i32
    %sign3A_496 = arith.cmpi slt, %jit3A_480, %sign3A_495 : i32
    %sign3A_497 = arith.extui %sign3A_496 : i1 to i32
    %sign3A_498 = arith.subi %sign3A_494, %sign3A_497 : i32
    %ne3A_499 = vector.broadcast %sign3A_498 : i32 to vector<16xi32>
    %ne3A_500 = arith.cmpi ne, %sign3A_491, %ne3A_499 : vector<16xi32>
    %rem3A_501 = vector.broadcast %jit3A_480 : i32 to vector<16xi32>
    %rem3A_502 = arith.remsi %add3A_479, %rem3A_501 : vector<16xi32>
    %ne3A_503 = arith.constant 0 : i32
    %ne3A_504 = vector.broadcast %ne3A_503 : i32 to vector<16xi32>
    %ne3A_505 = arith.cmpi ne, %rem3A_502, %ne3A_504 : vector<16xi32>
    %and3A_506 = arith.andi %ne3A_500, %ne3A_505 : vector<16xi1>
    %sub3A_507 = arith.constant 1 : i32
    %sub3A_508 = vector.broadcast %sub3A_507 : i32 to vector<16xi32>
    %sub3A_509 = arith.subi %div3A_482, %sub3A_508 : vector<16xi32>
    %select_n3A_510 = arith.select %and3A_506, %sub3A_509, %div3A_482 : vector<16xi1>, vector<16xi32>
    %min3A_511 = arith.constant 4193279 : i32
    %min3A_512 = vector.broadcast %min3A_511 : i32 to vector<16xi32>
    %min3A_513 = arith.minsi %select_n3A_510, %min3A_512 : vector<16xi32>
    "tpu.region"() ({
      %run_scoped3A = tpu.sem_alloc : memref<!tpu.dma_semaphore, #tpu.memory_space<semaphore_mem>>
      %dma_start3A = arith.constant 0 : i32
      %dma_start3A_1112 = tpu.memref_slice %arg2[%dma_start3A] : memref<4193280xi32, #tpu.memory_space<hbm>> -> memref<4193280xi32, #tpu.memory_space<hbm>>
      tpu.enqueue_indirect_dma source(%dma_start3A_1112 : memref<4193280xi32, #tpu.memory_space<hbm>>) target(%arg8 : memref<16xi32, #tpu.memory_space<vmem>>) offsets(%min3A_513 : vector<16xi32>) semaphore(%run_scoped3A : memref<!tpu.dma_semaphore, #tpu.memory_space<semaphore_mem>>)
      %dma_wait3A = arith.constant 0 : i32
      %dma_wait3A_1113 = tpu.memref_slice %arg2[%dma_wait3A] : memref<4193280xi32, #tpu.memory_space<hbm>> -> memref<4193280xi32, #tpu.memory_space<hbm>>
      tpu.wait_indirect_dma semaphore(%run_scoped3A : memref<!tpu.dma_semaphore, #tpu.memory_space<semaphore_mem>>) src(%dma_wait3A_1113 : memref<4193280xi32, #tpu.memory_space<hbm>>) dst(%arg8 : memref<16xi32, #tpu.memory_space<vmem>>)
      tpu.yield
    }) : () -> ()
    %get3A_514 = arith.constant 0 : index
    %get3A_515 = tpu.vector_load %arg8[%get3A_514] {strides = array<i32>} : memref<16xi32, #tpu.memory_space<vmem>>, vector<16xi32>,
    %lt3A_516 = arith.cmpi slt, %select_n3A_474, %select_n3A_478 : vector<16xi32>
    %lt3A_517 = arith.cmpi slt, %get3A_515, %mul3A_7 : vector<16xi32>
    %and3A_518 = arith.andi %lt3A_516, %lt3A_517 : vector<16xi1>
    %add3A_519 = arith.constant 1 : i32
    %add3A_520 = vector.broadcast %add3A_519 : i32 to vector<16xi32>
    %add3A_521 = arith.addi %select_n3A_510, %add3A_520 : vector<16xi32>
    %select_n3A_522 = arith.select %and3A_518, %add3A_521, %select_n3A_474 : vector<16xi1>, vector<16xi32>
    %not3A_523 = arith.constant dense<true> : vector<16xi1>
    %not3A_524 = arith.xori %lt3A_517, %not3A_523 : vector<16xi1>
    %and3A_525 = arith.andi %lt3A_516, %not3A_524 : vector<16xi1>
    %select_n3A_526 = arith.select %and3A_525, %select_n3A_510, %select_n3A_478 : vector<16xi1>, vector<16xi32>
    %add3A_527 = arith.addi %select_n3A_522, %select_n3A_526 : vector<16xi32>
    %jit3A_528 = arith.constant 2 : i32
    %div3A_529 = vector.broadcast %jit3A_528 : i32 to vector<16xi32>
    %div3A_530 = arith.divsi %add3A_527, %div3A_529 : vector<16xi32>
    %sign3A_531 = arith.constant 0 : i32
    %sign3A_532 = vector.broadcast %sign3A_531 : i32 to vector<16xi32>
    %sign3A_533 = arith.cmpi sgt, %add3A_527, %sign3A_532 : vector<16xi32>
    %sign3A_534 = arith.extui %sign3A_533 : vector<16xi1> to vector<16xi32>
    %sign3A_535 = arith.constant 0 : i32
    %sign3A_536 = vector.broadcast %sign3A_535 : i32 to vector<16xi32>
    %sign3A_537 = arith.cmpi slt, %add3A_527, %sign3A_536 : vector<16xi32>
    %sign3A_538 = arith.extui %sign3A_537 : vector<16xi1> to vector<16xi32>
    %sign3A_539 = arith.subi %sign3A_534, %sign3A_538 : vector<16xi32>
    %sign3A_540 = arith.constant 0 : i32
    %sign3A_541 = arith.cmpi sgt, %jit3A_528, %sign3A_540 : i32
    %sign3A_542 = arith.extui %sign3A_541 : i1 to i32
    %sign3A_543 = arith.constant 0 : i32
    %sign3A_544 = arith.cmpi slt, %jit3A_528, %sign3A_543 : i32
    %sign3A_545 = arith.extui %sign3A_544 : i1 to i32
    %sign3A_546 = arith.subi %sign3A_542, %sign3A_545 : i32
    %ne3A_547 = vector.broadcast %sign3A_546 : i32 to vector<16xi32>
    %ne3A_548 = arith.cmpi ne, %sign3A_539, %ne3A_547 : vector<16xi32>
    %rem3A_549 = vector.broadcast %jit3A_528 : i32 to vector<16xi32>
    %rem3A_550 = arith.remsi %add3A_527, %rem3A_549 : vector<16xi32>
    %ne3A_551 = arith.constant 0 : i32
    %ne3A_552 = vector.broadcast %ne3A_551 : i32 to vector<16xi32>
    %ne3A_553 = arith.cmpi ne, %rem3A_550, %ne3A_552 : vector<16xi32>
    %and3A_554 = arith.andi %ne3A_548, %ne3A_553 : vector<16xi1>
    %sub3A_555 = arith.constant 1 : i32
    %sub3A_556 = vector.broadcast %sub3A_555 : i32 to vector<16xi32>
    %sub3A_557 = arith.subi %div3A_530, %sub3A_556 : vector<16xi32>
    %select_n3A_558 = arith.select %and3A_554, %sub3A_557, %div3A_530 : vector<16xi1>, vector<16xi32>
    %min3A_559 = arith.constant 4193279 : i32
    %min3A_560 = vector.broadcast %min3A_559 : i32 to vector<16xi32>
    %min3A_561 = arith.minsi %select_n3A_558, %min3A_560 : vector<16xi32>
    "tpu.region"() ({
      %run_scoped3A = tpu.sem_alloc : memref<!tpu.dma_semaphore, #tpu.memory_space<semaphore_mem>>
      %dma_start3A = arith.constant 0 : i32
      %dma_start3A_1112 = tpu.memref_slice %arg2[%dma_start3A] : memref<4193280xi32, #tpu.memory_space<hbm>> -> memref<4193280xi32, #tpu.memory_space<hbm>>
      tpu.enqueue_indirect_dma source(%dma_start3A_1112 : memref<4193280xi32, #tpu.memory_space<hbm>>) target(%arg8 : memref<16xi32, #tpu.memory_space<vmem>>) offsets(%min3A_561 : vector<16xi32>) semaphore(%run_scoped3A : memref<!tpu.dma_semaphore, #tpu.memory_space<semaphore_mem>>)
      %dma_wait3A = arith.constant 0 : i32
      %dma_wait3A_1113 = tpu.memref_slice %arg2[%dma_wait3A] : memref<4193280xi32, #tpu.memory_space<hbm>> -> memref<4193280xi32, #tpu.memory_space<hbm>>
      tpu.wait_indirect_dma semaphore(%run_scoped3A : memref<!tpu.dma_semaphore, #tpu.memory_space<semaphore_mem>>) src(%dma_wait3A_1113 : memref<4193280xi32, #tpu.memory_space<hbm>>) dst(%arg8 : memref<16xi32, #tpu.memory_space<vmem>>)
      tpu.yield
    }) : () -> ()
    %get3A_562 = arith.constant 0 : index
    %get3A_563 = tpu.vector_load %arg8[%get3A_562] {strides = array<i32>} : memref<16xi32, #tpu.memory_space<vmem>>, vector<16xi32>,
    %lt3A_564 = arith.cmpi slt, %select_n3A_522, %select_n3A_526 : vector<16xi32>
    %lt3A_565 = arith.cmpi slt, %get3A_563, %mul3A_7 : vector<16xi32>
    %and3A_566 = arith.andi %lt3A_564, %lt3A_565 : vector<16xi1>
    %add3A_567 = arith.constant 1 : i32
    %add3A_568 = vector.broadcast %add3A_567 : i32 to vector<16xi32>
    %add3A_569 = arith.addi %select_n3A_558, %add3A_568 : vector<16xi32>
    %select_n3A_570 = arith.select %and3A_566, %add3A_569, %select_n3A_522 : vector<16xi1>, vector<16xi32>
    %not3A_571 = arith.constant dense<true> : vector<16xi1>
    %not3A_572 = arith.xori %lt3A_565, %not3A_571 : vector<16xi1>
    %and3A_573 = arith.andi %lt3A_564, %not3A_572 : vector<16xi1>
    %select_n3A_574 = arith.select %and3A_573, %select_n3A_558, %select_n3A_526 : vector<16xi1>, vector<16xi32>
    %add3A_575 = arith.addi %select_n3A_570, %select_n3A_574 : vector<16xi32>
    %jit3A_576 = arith.constant 2 : i32
    %div3A_577 = vector.broadcast %jit3A_576 : i32 to vector<16xi32>
    %div3A_578 = arith.divsi %add3A_575, %div3A_577 : vector<16xi32>
    %sign3A_579 = arith.constant 0 : i32
    %sign3A_580 = vector.broadcast %sign3A_579 : i32 to vector<16xi32>
    %sign3A_581 = arith.cmpi sgt, %add3A_575, %sign3A_580 : vector<16xi32>
    %sign3A_582 = arith.extui %sign3A_581 : vector<16xi1> to vector<16xi32>
    %sign3A_583 = arith.constant 0 : i32
    %sign3A_584 = vector.broadcast %sign3A_583 : i32 to vector<16xi32>
    %sign3A_585 = arith.cmpi slt, %add3A_575, %sign3A_584 : vector<16xi32>
    %sign3A_586 = arith.extui %sign3A_585 : vector<16xi1> to vector<16xi32>
    %sign3A_587 = arith.subi %sign3A_582, %sign3A_586 : vector<16xi32>
    %sign3A_588 = arith.constant 0 : i32
    %sign3A_589 = arith.cmpi sgt, %jit3A_576, %sign3A_588 : i32
    %sign3A_590 = arith.extui %sign3A_589 : i1 to i32
    %sign3A_591 = arith.constant 0 : i32
    %sign3A_592 = arith.cmpi slt, %jit3A_576, %sign3A_591 : i32
    %sign3A_593 = arith.extui %sign3A_592 : i1 to i32
    %sign3A_594 = arith.subi %sign3A_590, %sign3A_593 : i32
    %ne3A_595 = vector.broadcast %sign3A_594 : i32 to vector<16xi32>
    %ne3A_596 = arith.cmpi ne, %sign3A_587, %ne3A_595 : vector<16xi32>
    %rem3A_597 = vector.broadcast %jit3A_576 : i32 to vector<16xi32>
    %rem3A_598 = arith.remsi %add3A_575, %rem3A_597 : vector<16xi32>
    %ne3A_599 = arith.constant 0 : i32
    %ne3A_600 = vector.broadcast %ne3A_599 : i32 to vector<16xi32>
    %ne3A_601 = arith.cmpi ne, %rem3A_598, %ne3A_600 : vector<16xi32>
    %and3A_602 = arith.andi %ne3A_596, %ne3A_601 : vector<16xi1>
    %sub3A_603 = arith.constant 1 : i32
    %sub3A_604 = vector.broadcast %sub3A_603 : i32 to vector<16xi32>
    %sub3A_605 = arith.subi %div3A_578, %sub3A_604 : vector<16xi32>
    %select_n3A_606 = arith.select %and3A_602, %sub3A_605, %div3A_578 : vector<16xi1>, vector<16xi32>
    %min3A_607 = arith.constant 4193279 : i32
    %min3A_608 = vector.broadcast %min3A_607 : i32 to vector<16xi32>
    %min3A_609 = arith.minsi %select_n3A_606, %min3A_608 : vector<16xi32>
    "tpu.region"() ({
      %run_scoped3A = tpu.sem_alloc : memref<!tpu.dma_semaphore, #tpu.memory_space<semaphore_mem>>
      %dma_start3A = arith.constant 0 : i32
      %dma_start3A_1112 = tpu.memref_slice %arg2[%dma_start3A] : memref<4193280xi32, #tpu.memory_space<hbm>> -> memref<4193280xi32, #tpu.memory_space<hbm>>
      tpu.enqueue_indirect_dma source(%dma_start3A_1112 : memref<4193280xi32, #tpu.memory_space<hbm>>) target(%arg8 : memref<16xi32, #tpu.memory_space<vmem>>) offsets(%min3A_609 : vector<16xi32>) semaphore(%run_scoped3A : memref<!tpu.dma_semaphore, #tpu.memory_space<semaphore_mem>>)
      %dma_wait3A = arith.constant 0 : i32
      %dma_wait3A_1113 = tpu.memref_slice %arg2[%dma_wait3A] : memref<4193280xi32, #tpu.memory_space<hbm>> -> memref<4193280xi32, #tpu.memory_space<hbm>>
      tpu.wait_indirect_dma semaphore(%run_scoped3A : memref<!tpu.dma_semaphore, #tpu.memory_space<semaphore_mem>>) src(%dma_wait3A_1113 : memref<4193280xi32, #tpu.memory_space<hbm>>) dst(%arg8 : memref<16xi32, #tpu.memory_space<vmem>>)
      tpu.yield
    }) : () -> ()
    %get3A_610 = arith.constant 0 : index
    %get3A_611 = tpu.vector_load %arg8[%get3A_610] {strides = array<i32>} : memref<16xi32, #tpu.memory_space<vmem>>, vector<16xi32>,
    %lt3A_612 = arith.cmpi slt, %select_n3A_570, %select_n3A_574 : vector<16xi32>
    %lt3A_613 = arith.cmpi slt, %get3A_611, %mul3A_7 : vector<16xi32>
    %and3A_614 = arith.andi %lt3A_612, %lt3A_613 : vector<16xi1>
    %add3A_615 = arith.constant 1 : i32
    %add3A_616 = vector.broadcast %add3A_615 : i32 to vector<16xi32>
    %add3A_617 = arith.addi %select_n3A_606, %add3A_616 : vector<16xi32>
    %select_n3A_618 = arith.select %and3A_614, %add3A_617, %select_n3A_570 : vector<16xi1>, vector<16xi32>
    %not3A_619 = arith.constant dense<true> : vector<16xi1>
    %not3A_620 = arith.xori %lt3A_613, %not3A_619 : vector<16xi1>
    %and3A_621 = arith.andi %lt3A_612, %not3A_620 : vector<16xi1>
    %select_n3A_622 = arith.select %and3A_621, %select_n3A_606, %select_n3A_574 : vector<16xi1>, vector<16xi32>
    %add3A_623 = arith.addi %select_n3A_618, %select_n3A_622 : vector<16xi32>
    %jit3A_624 = arith.constant 2 : i32
    %div3A_625 = vector.broadcast %jit3A_624 : i32 to vector<16xi32>
    %div3A_626 = arith.divsi %add3A_623, %div3A_625 : vector<16xi32>
    %sign3A_627 = arith.constant 0 : i32
    %sign3A_628 = vector.broadcast %sign3A_627 : i32 to vector<16xi32>
    %sign3A_629 = arith.cmpi sgt, %add3A_623, %sign3A_628 : vector<16xi32>
    %sign3A_630 = arith.extui %sign3A_629 : vector<16xi1> to vector<16xi32>
    %sign3A_631 = arith.constant 0 : i32
    %sign3A_632 = vector.broadcast %sign3A_631 : i32 to vector<16xi32>
    %sign3A_633 = arith.cmpi slt, %add3A_623, %sign3A_632 : vector<16xi32>
    %sign3A_634 = arith.extui %sign3A_633 : vector<16xi1> to vector<16xi32>
    %sign3A_635 = arith.subi %sign3A_630, %sign3A_634 : vector<16xi32>
    %sign3A_636 = arith.constant 0 : i32
    %sign3A_637 = arith.cmpi sgt, %jit3A_624, %sign3A_636 : i32
    %sign3A_638 = arith.extui %sign3A_637 : i1 to i32
    %sign3A_639 = arith.constant 0 : i32
    %sign3A_640 = arith.cmpi slt, %jit3A_624, %sign3A_639 : i32
    %sign3A_641 = arith.extui %sign3A_640 : i1 to i32
    %sign3A_642 = arith.subi %sign3A_638, %sign3A_641 : i32
    %ne3A_643 = vector.broadcast %sign3A_642 : i32 to vector<16xi32>
    %ne3A_644 = arith.cmpi ne, %sign3A_635, %ne3A_643 : vector<16xi32>
    %rem3A_645 = vector.broadcast %jit3A_624 : i32 to vector<16xi32>
    %rem3A_646 = arith.remsi %add3A_623, %rem3A_645 : vector<16xi32>
    %ne3A_647 = arith.constant 0 : i32
    %ne3A_648 = vector.broadcast %ne3A_647 : i32 to vector<16xi32>
    %ne3A_649 = arith.cmpi ne, %rem3A_646, %ne3A_648 : vector<16xi32>
    %and3A_650 = arith.andi %ne3A_644, %ne3A_649 : vector<16xi1>
    %sub3A_651 = arith.constant 1 : i32
    %sub3A_652 = vector.broadcast %sub3A_651 : i32 to vector<16xi32>
    %sub3A_653 = arith.subi %div3A_626, %sub3A_652 : vector<16xi32>
    %select_n3A_654 = arith.select %and3A_650, %sub3A_653, %div3A_626 : vector<16xi1>, vector<16xi32>
    %min3A_655 = arith.constant 4193279 : i32
    %min3A_656 = vector.broadcast %min3A_655 : i32 to vector<16xi32>
    %min3A_657 = arith.minsi %select_n3A_654, %min3A_656 : vector<16xi32>
    "tpu.region"() ({
      %run_scoped3A = tpu.sem_alloc : memref<!tpu.dma_semaphore, #tpu.memory_space<semaphore_mem>>
      %dma_start3A = arith.constant 0 : i32
      %dma_start3A_1112 = tpu.memref_slice %arg2[%dma_start3A] : memref<4193280xi32, #tpu.memory_space<hbm>> -> memref<4193280xi32, #tpu.memory_space<hbm>>
      tpu.enqueue_indirect_dma source(%dma_start3A_1112 : memref<4193280xi32, #tpu.memory_space<hbm>>) target(%arg8 : memref<16xi32, #tpu.memory_space<vmem>>) offsets(%min3A_657 : vector<16xi32>) semaphore(%run_scoped3A : memref<!tpu.dma_semaphore, #tpu.memory_space<semaphore_mem>>)
      %dma_wait3A = arith.constant 0 : i32
      %dma_wait3A_1113 = tpu.memref_slice %arg2[%dma_wait3A] : memref<4193280xi32, #tpu.memory_space<hbm>> -> memref<4193280xi32, #tpu.memory_space<hbm>>
      tpu.wait_indirect_dma semaphore(%run_scoped3A : memref<!tpu.dma_semaphore, #tpu.memory_space<semaphore_mem>>) src(%dma_wait3A_1113 : memref<4193280xi32, #tpu.memory_space<hbm>>) dst(%arg8 : memref<16xi32, #tpu.memory_space<vmem>>)
      tpu.yield
    }) : () -> ()
    %get3A_658 = arith.constant 0 : index
    %get3A_659 = tpu.vector_load %arg8[%get3A_658] {strides = array<i32>} : memref<16xi32, #tpu.memory_space<vmem>>, vector<16xi32>,
    %lt3A_660 = arith.cmpi slt, %select_n3A_618, %select_n3A_622 : vector<16xi32>
    %lt3A_661 = arith.cmpi slt, %get3A_659, %mul3A_7 : vector<16xi32>
    %and3A_662 = arith.andi %lt3A_660, %lt3A_661 : vector<16xi1>
    %add3A_663 = arith.constant 1 : i32
    %add3A_664 = vector.broadcast %add3A_663 : i32 to vector<16xi32>
    %add3A_665 = arith.addi %select_n3A_654, %add3A_664 : vector<16xi32>
    %select_n3A_666 = arith.select %and3A_662, %add3A_665, %select_n3A_618 : vector<16xi1>, vector<16xi32>
    %not3A_667 = arith.constant dense<true> : vector<16xi1>
    %not3A_668 = arith.xori %lt3A_661, %not3A_667 : vector<16xi1>
    %and3A_669 = arith.andi %lt3A_660, %not3A_668 : vector<16xi1>
    %select_n3A_670 = arith.select %and3A_669, %select_n3A_654, %select_n3A_622 : vector<16xi1>, vector<16xi32>
    %add3A_671 = arith.addi %select_n3A_666, %select_n3A_670 : vector<16xi32>
    %jit3A_672 = arith.constant 2 : i32
    %div3A_673 = vector.broadcast %jit3A_672 : i32 to vector<16xi32>
    %div3A_674 = arith.divsi %add3A_671, %div3A_673 : vector<16xi32>
    %sign3A_675 = arith.constant 0 : i32
    %sign3A_676 = vector.broadcast %sign3A_675 : i32 to vector<16xi32>
    %sign3A_677 = arith.cmpi sgt, %add3A_671, %sign3A_676 : vector<16xi32>
    %sign3A_678 = arith.extui %sign3A_677 : vector<16xi1> to vector<16xi32>
    %sign3A_679 = arith.constant 0 : i32
    %sign3A_680 = vector.broadcast %sign3A_679 : i32 to vector<16xi32>
    %sign3A_681 = arith.cmpi slt, %add3A_671, %sign3A_680 : vector<16xi32>
    %sign3A_682 = arith.extui %sign3A_681 : vector<16xi1> to vector<16xi32>
    %sign3A_683 = arith.subi %sign3A_678, %sign3A_682 : vector<16xi32>
    %sign3A_684 = arith.constant 0 : i32
    %sign3A_685 = arith.cmpi sgt, %jit3A_672, %sign3A_684 : i32
    %sign3A_686 = arith.extui %sign3A_685 : i1 to i32
    %sign3A_687 = arith.constant 0 : i32
    %sign3A_688 = arith.cmpi slt, %jit3A_672, %sign3A_687 : i32
    %sign3A_689 = arith.extui %sign3A_688 : i1 to i32
    %sign3A_690 = arith.subi %sign3A_686, %sign3A_689 : i32
    %ne3A_691 = vector.broadcast %sign3A_690 : i32 to vector<16xi32>
    %ne3A_692 = arith.cmpi ne, %sign3A_683, %ne3A_691 : vector<16xi32>
    %rem3A_693 = vector.broadcast %jit3A_672 : i32 to vector<16xi32>
    %rem3A_694 = arith.remsi %add3A_671, %rem3A_693 : vector<16xi32>
    %ne3A_695 = arith.constant 0 : i32
    %ne3A_696 = vector.broadcast %ne3A_695 : i32 to vector<16xi32>
    %ne3A_697 = arith.cmpi ne, %rem3A_694, %ne3A_696 : vector<16xi32>
    %and3A_698 = arith.andi %ne3A_692, %ne3A_697 : vector<16xi1>
    %sub3A_699 = arith.constant 1 : i32
    %sub3A_700 = vector.broadcast %sub3A_699 : i32 to vector<16xi32>
    %sub3A_701 = arith.subi %div3A_674, %sub3A_700 : vector<16xi32>
    %select_n3A_702 = arith.select %and3A_698, %sub3A_701, %div3A_674 : vector<16xi1>, vector<16xi32>
    %min3A_703 = arith.constant 4193279 : i32
    %min3A_704 = vector.broadcast %min3A_703 : i32 to vector<16xi32>
    %min3A_705 = arith.minsi %select_n3A_702, %min3A_704 : vector<16xi32>
    "tpu.region"() ({
      %run_scoped3A = tpu.sem_alloc : memref<!tpu.dma_semaphore, #tpu.memory_space<semaphore_mem>>
      %dma_start3A = arith.constant 0 : i32
      %dma_start3A_1112 = tpu.memref_slice %arg2[%dma_start3A] : memref<4193280xi32, #tpu.memory_space<hbm>> -> memref<4193280xi32, #tpu.memory_space<hbm>>
      tpu.enqueue_indirect_dma source(%dma_start3A_1112 : memref<4193280xi32, #tpu.memory_space<hbm>>) target(%arg8 : memref<16xi32, #tpu.memory_space<vmem>>) offsets(%min3A_705 : vector<16xi32>) semaphore(%run_scoped3A : memref<!tpu.dma_semaphore, #tpu.memory_space<semaphore_mem>>)
      %dma_wait3A = arith.constant 0 : i32
      %dma_wait3A_1113 = tpu.memref_slice %arg2[%dma_wait3A] : memref<4193280xi32, #tpu.memory_space<hbm>> -> memref<4193280xi32, #tpu.memory_space<hbm>>
      tpu.wait_indirect_dma semaphore(%run_scoped3A : memref<!tpu.dma_semaphore, #tpu.memory_space<semaphore_mem>>) src(%dma_wait3A_1113 : memref<4193280xi32, #tpu.memory_space<hbm>>) dst(%arg8 : memref<16xi32, #tpu.memory_space<vmem>>)
      tpu.yield
    }) : () -> ()
    %get3A_706 = arith.constant 0 : index
    %get3A_707 = tpu.vector_load %arg8[%get3A_706] {strides = array<i32>} : memref<16xi32, #tpu.memory_space<vmem>>, vector<16xi32>,
    %lt3A_708 = arith.cmpi slt, %select_n3A_666, %select_n3A_670 : vector<16xi32>
    %lt3A_709 = arith.cmpi slt, %get3A_707, %mul3A_7 : vector<16xi32>
    %and3A_710 = arith.andi %lt3A_708, %lt3A_709 : vector<16xi1>
    %add3A_711 = arith.constant 1 : i32
    %add3A_712 = vector.broadcast %add3A_711 : i32 to vector<16xi32>
    %add3A_713 = arith.addi %select_n3A_702, %add3A_712 : vector<16xi32>
    %select_n3A_714 = arith.select %and3A_710, %add3A_713, %select_n3A_666 : vector<16xi1>, vector<16xi32>
    %not3A_715 = arith.constant dense<true> : vector<16xi1>
    %not3A_716 = arith.xori %lt3A_709, %not3A_715 : vector<16xi1>
    %and3A_717 = arith.andi %lt3A_708, %not3A_716 : vector<16xi1>
    %select_n3A_718 = arith.select %and3A_717, %select_n3A_702, %select_n3A_670 : vector<16xi1>, vector<16xi32>
    %add3A_719 = arith.addi %select_n3A_714, %select_n3A_718 : vector<16xi32>
    %jit3A_720 = arith.constant 2 : i32
    %div3A_721 = vector.broadcast %jit3A_720 : i32 to vector<16xi32>
    %div3A_722 = arith.divsi %add3A_719, %div3A_721 : vector<16xi32>
    %sign3A_723 = arith.constant 0 : i32
    %sign3A_724 = vector.broadcast %sign3A_723 : i32 to vector<16xi32>
    %sign3A_725 = arith.cmpi sgt, %add3A_719, %sign3A_724 : vector<16xi32>
    %sign3A_726 = arith.extui %sign3A_725 : vector<16xi1> to vector<16xi32>
    %sign3A_727 = arith.constant 0 : i32
    %sign3A_728 = vector.broadcast %sign3A_727 : i32 to vector<16xi32>
    %sign3A_729 = arith.cmpi slt, %add3A_719, %sign3A_728 : vector<16xi32>
    %sign3A_730 = arith.extui %sign3A_729 : vector<16xi1> to vector<16xi32>
    %sign3A_731 = arith.subi %sign3A_726, %sign3A_730 : vector<16xi32>
    %sign3A_732 = arith.constant 0 : i32
    %sign3A_733 = arith.cmpi sgt, %jit3A_720, %sign3A_732 : i32
    %sign3A_734 = arith.extui %sign3A_733 : i1 to i32
    %sign3A_735 = arith.constant 0 : i32
    %sign3A_736 = arith.cmpi slt, %jit3A_720, %sign3A_735 : i32
    %sign3A_737 = arith.extui %sign3A_736 : i1 to i32
    %sign3A_738 = arith.subi %sign3A_734, %sign3A_737 : i32
    %ne3A_739 = vector.broadcast %sign3A_738 : i32 to vector<16xi32>
    %ne3A_740 = arith.cmpi ne, %sign3A_731, %ne3A_739 : vector<16xi32>
    %rem3A_741 = vector.broadcast %jit3A_720 : i32 to vector<16xi32>
    %rem3A_742 = arith.remsi %add3A_719, %rem3A_741 : vector<16xi32>
    %ne3A_743 = arith.constant 0 : i32
    %ne3A_744 = vector.broadcast %ne3A_743 : i32 to vector<16xi32>
    %ne3A_745 = arith.cmpi ne, %rem3A_742, %ne3A_744 : vector<16xi32>
    %and3A_746 = arith.andi %ne3A_740, %ne3A_745 : vector<16xi1>
    %sub3A_747 = arith.constant 1 : i32
    %sub3A_748 = vector.broadcast %sub3A_747 : i32 to vector<16xi32>
    %sub3A_749 = arith.subi %div3A_722, %sub3A_748 : vector<16xi32>
    %select_n3A_750 = arith.select %and3A_746, %sub3A_749, %div3A_722 : vector<16xi1>, vector<16xi32>
    %min3A_751 = arith.constant 4193279 : i32
    %min3A_752 = vector.broadcast %min3A_751 : i32 to vector<16xi32>
    %min3A_753 = arith.minsi %select_n3A_750, %min3A_752 : vector<16xi32>
    "tpu.region"() ({
      %run_scoped3A = tpu.sem_alloc : memref<!tpu.dma_semaphore, #tpu.memory_space<semaphore_mem>>
      %dma_start3A = arith.constant 0 : i32
      %dma_start3A_1112 = tpu.memref_slice %arg2[%dma_start3A] : memref<4193280xi32, #tpu.memory_space<hbm>> -> memref<4193280xi32, #tpu.memory_space<hbm>>
      tpu.enqueue_indirect_dma source(%dma_start3A_1112 : memref<4193280xi32, #tpu.memory_space<hbm>>) target(%arg8 : memref<16xi32, #tpu.memory_space<vmem>>) offsets(%min3A_753 : vector<16xi32>) semaphore(%run_scoped3A : memref<!tpu.dma_semaphore, #tpu.memory_space<semaphore_mem>>)
      %dma_wait3A = arith.constant 0 : i32
      %dma_wait3A_1113 = tpu.memref_slice %arg2[%dma_wait3A] : memref<4193280xi32, #tpu.memory_space<hbm>> -> memref<4193280xi32, #tpu.memory_space<hbm>>
      tpu.wait_indirect_dma semaphore(%run_scoped3A : memref<!tpu.dma_semaphore, #tpu.memory_space<semaphore_mem>>) src(%dma_wait3A_1113 : memref<4193280xi32, #tpu.memory_space<hbm>>) dst(%arg8 : memref<16xi32, #tpu.memory_space<vmem>>)
      tpu.yield
    }) : () -> ()
    %get3A_754 = arith.constant 0 : index
    %get3A_755 = tpu.vector_load %arg8[%get3A_754] {strides = array<i32>} : memref<16xi32, #tpu.memory_space<vmem>>, vector<16xi32>,
    %lt3A_756 = arith.cmpi slt, %select_n3A_714, %select_n3A_718 : vector<16xi32>
    %lt3A_757 = arith.cmpi slt, %get3A_755, %mul3A_7 : vector<16xi32>
    %and3A_758 = arith.andi %lt3A_756, %lt3A_757 : vector<16xi1>
    %add3A_759 = arith.constant 1 : i32
    %add3A_760 = vector.broadcast %add3A_759 : i32 to vector<16xi32>
    %add3A_761 = arith.addi %select_n3A_750, %add3A_760 : vector<16xi32>
    %select_n3A_762 = arith.select %and3A_758, %add3A_761, %select_n3A_714 : vector<16xi1>, vector<16xi32>
    %not3A_763 = arith.constant dense<true> : vector<16xi1>
    %not3A_764 = arith.xori %lt3A_757, %not3A_763 : vector<16xi1>
    %and3A_765 = arith.andi %lt3A_756, %not3A_764 : vector<16xi1>
    %select_n3A_766 = arith.select %and3A_765, %select_n3A_750, %select_n3A_718 : vector<16xi1>, vector<16xi32>
    %add3A_767 = arith.addi %select_n3A_762, %select_n3A_766 : vector<16xi32>
    %jit3A_768 = arith.constant 2 : i32
    %div3A_769 = vector.broadcast %jit3A_768 : i32 to vector<16xi32>
    %div3A_770 = arith.divsi %add3A_767, %div3A_769 : vector<16xi32>
    %sign3A_771 = arith.constant 0 : i32
    %sign3A_772 = vector.broadcast %sign3A_771 : i32 to vector<16xi32>
    %sign3A_773 = arith.cmpi sgt, %add3A_767, %sign3A_772 : vector<16xi32>
    %sign3A_774 = arith.extui %sign3A_773 : vector<16xi1> to vector<16xi32>
    %sign3A_775 = arith.constant 0 : i32
    %sign3A_776 = vector.broadcast %sign3A_775 : i32 to vector<16xi32>
    %sign3A_777 = arith.cmpi slt, %add3A_767, %sign3A_776 : vector<16xi32>
    %sign3A_778 = arith.extui %sign3A_777 : vector<16xi1> to vector<16xi32>
    %sign3A_779 = arith.subi %sign3A_774, %sign3A_778 : vector<16xi32>
    %sign3A_780 = arith.constant 0 : i32
    %sign3A_781 = arith.cmpi sgt, %jit3A_768, %sign3A_780 : i32
    %sign3A_782 = arith.extui %sign3A_781 : i1 to i32
    %sign3A_783 = arith.constant 0 : i32
    %sign3A_784 = arith.cmpi slt, %jit3A_768, %sign3A_783 : i32
    %sign3A_785 = arith.extui %sign3A_784 : i1 to i32
    %sign3A_786 = arith.subi %sign3A_782, %sign3A_785 : i32
    %ne3A_787 = vector.broadcast %sign3A_786 : i32 to vector<16xi32>
    %ne3A_788 = arith.cmpi ne, %sign3A_779, %ne3A_787 : vector<16xi32>
    %rem3A_789 = vector.broadcast %jit3A_768 : i32 to vector<16xi32>
    %rem3A_790 = arith.remsi %add3A_767, %rem3A_789 : vector<16xi32>
    %ne3A_791 = arith.constant 0 : i32
    %ne3A_792 = vector.broadcast %ne3A_791 : i32 to vector<16xi32>
    %ne3A_793 = arith.cmpi ne, %rem3A_790, %ne3A_792 : vector<16xi32>
    %and3A_794 = arith.andi %ne3A_788, %ne3A_793 : vector<16xi1>
    %sub3A_795 = arith.constant 1 : i32
    %sub3A_796 = vector.broadcast %sub3A_795 : i32 to vector<16xi32>
    %sub3A_797 = arith.subi %div3A_770, %sub3A_796 : vector<16xi32>
    %select_n3A_798 = arith.select %and3A_794, %sub3A_797, %div3A_770 : vector<16xi1>, vector<16xi32>
    %min3A_799 = arith.constant 4193279 : i32
    %min3A_800 = vector.broadcast %min3A_799 : i32 to vector<16xi32>
    %min3A_801 = arith.minsi %select_n3A_798, %min3A_800 : vector<16xi32>
    "tpu.region"() ({
      %run_scoped3A = tpu.sem_alloc : memref<!tpu.dma_semaphore, #tpu.memory_space<semaphore_mem>>
      %dma_start3A = arith.constant 0 : i32
      %dma_start3A_1112 = tpu.memref_slice %arg2[%dma_start3A] : memref<4193280xi32, #tpu.memory_space<hbm>> -> memref<4193280xi32, #tpu.memory_space<hbm>>
      tpu.enqueue_indirect_dma source(%dma_start3A_1112 : memref<4193280xi32, #tpu.memory_space<hbm>>) target(%arg8 : memref<16xi32, #tpu.memory_space<vmem>>) offsets(%min3A_801 : vector<16xi32>) semaphore(%run_scoped3A : memref<!tpu.dma_semaphore, #tpu.memory_space<semaphore_mem>>)
      %dma_wait3A = arith.constant 0 : i32
      %dma_wait3A_1113 = tpu.memref_slice %arg2[%dma_wait3A] : memref<4193280xi32, #tpu.memory_space<hbm>> -> memref<4193280xi32, #tpu.memory_space<hbm>>
      tpu.wait_indirect_dma semaphore(%run_scoped3A : memref<!tpu.dma_semaphore, #tpu.memory_space<semaphore_mem>>) src(%dma_wait3A_1113 : memref<4193280xi32, #tpu.memory_space<hbm>>) dst(%arg8 : memref<16xi32, #tpu.memory_space<vmem>>)
      tpu.yield
    }) : () -> ()
    %get3A_802 = arith.constant 0 : index
    %get3A_803 = tpu.vector_load %arg8[%get3A_802] {strides = array<i32>} : memref<16xi32, #tpu.memory_space<vmem>>, vector<16xi32>,
    %lt3A_804 = arith.cmpi slt, %select_n3A_762, %select_n3A_766 : vector<16xi32>
    %lt3A_805 = arith.cmpi slt, %get3A_803, %mul3A_7 : vector<16xi32>
    %and3A_806 = arith.andi %lt3A_804, %lt3A_805 : vector<16xi1>
    %add3A_807 = arith.constant 1 : i32
    %add3A_808 = vector.broadcast %add3A_807 : i32 to vector<16xi32>
    %add3A_809 = arith.addi %select_n3A_798, %add3A_808 : vector<16xi32>
    %select_n3A_810 = arith.select %and3A_806, %add3A_809, %select_n3A_762 : vector<16xi1>, vector<16xi32>
    %not3A_811 = arith.constant dense<true> : vector<16xi1>
    %not3A_812 = arith.xori %lt3A_805, %not3A_811 : vector<16xi1>
    %and3A_813 = arith.andi %lt3A_804, %not3A_812 : vector<16xi1>
    %select_n3A_814 = arith.select %and3A_813, %select_n3A_798, %select_n3A_766 : vector<16xi1>, vector<16xi32>
    %add3A_815 = arith.addi %select_n3A_810, %select_n3A_814 : vector<16xi32>
    %jit3A_816 = arith.constant 2 : i32
    %div3A_817 = vector.broadcast %jit3A_816 : i32 to vector<16xi32>
    %div3A_818 = arith.divsi %add3A_815, %div3A_817 : vector<16xi32>
    %sign3A_819 = arith.constant 0 : i32
    %sign3A_820 = vector.broadcast %sign3A_819 : i32 to vector<16xi32>
    %sign3A_821 = arith.cmpi sgt, %add3A_815, %sign3A_820 : vector<16xi32>
    %sign3A_822 = arith.extui %sign3A_821 : vector<16xi1> to vector<16xi32>
    %sign3A_823 = arith.constant 0 : i32
    %sign3A_824 = vector.broadcast %sign3A_823 : i32 to vector<16xi32>
    %sign3A_825 = arith.cmpi slt, %add3A_815, %sign3A_824 : vector<16xi32>
    %sign3A_826 = arith.extui %sign3A_825 : vector<16xi1> to vector<16xi32>
    %sign3A_827 = arith.subi %sign3A_822, %sign3A_826 : vector<16xi32>
    %sign3A_828 = arith.constant 0 : i32
    %sign3A_829 = arith.cmpi sgt, %jit3A_816, %sign3A_828 : i32
    %sign3A_830 = arith.extui %sign3A_829 : i1 to i32
    %sign3A_831 = arith.constant 0 : i32
    %sign3A_832 = arith.cmpi slt, %jit3A_816, %sign3A_831 : i32
    %sign3A_833 = arith.extui %sign3A_832 : i1 to i32
    %sign3A_834 = arith.subi %sign3A_830, %sign3A_833 : i32
    %ne3A_835 = vector.broadcast %sign3A_834 : i32 to vector<16xi32>
    %ne3A_836 = arith.cmpi ne, %sign3A_827, %ne3A_835 : vector<16xi32>
    %rem3A_837 = vector.broadcast %jit3A_816 : i32 to vector<16xi32>
    %rem3A_838 = arith.remsi %add3A_815, %rem3A_837 : vector<16xi32>
    %ne3A_839 = arith.constant 0 : i32
    %ne3A_840 = vector.broadcast %ne3A_839 : i32 to vector<16xi32>
    %ne3A_841 = arith.cmpi ne, %rem3A_838, %ne3A_840 : vector<16xi32>
    %and3A_842 = arith.andi %ne3A_836, %ne3A_841 : vector<16xi1>
    %sub3A_843 = arith.constant 1 : i32
    %sub3A_844 = vector.broadcast %sub3A_843 : i32 to vector<16xi32>
    %sub3A_845 = arith.subi %div3A_818, %sub3A_844 : vector<16xi32>
    %select_n3A_846 = arith.select %and3A_842, %sub3A_845, %div3A_818 : vector<16xi1>, vector<16xi32>
    %min3A_847 = arith.constant 4193279 : i32
    %min3A_848 = vector.broadcast %min3A_847 : i32 to vector<16xi32>
    %min3A_849 = arith.minsi %select_n3A_846, %min3A_848 : vector<16xi32>
    "tpu.region"() ({
      %run_scoped3A = tpu.sem_alloc : memref<!tpu.dma_semaphore, #tpu.memory_space<semaphore_mem>>
      %dma_start3A = arith.constant 0 : i32
      %dma_start3A_1112 = tpu.memref_slice %arg2[%dma_start3A] : memref<4193280xi32, #tpu.memory_space<hbm>> -> memref<4193280xi32, #tpu.memory_space<hbm>>
      tpu.enqueue_indirect_dma source(%dma_start3A_1112 : memref<4193280xi32, #tpu.memory_space<hbm>>) target(%arg8 : memref<16xi32, #tpu.memory_space<vmem>>) offsets(%min3A_849 : vector<16xi32>) semaphore(%run_scoped3A : memref<!tpu.dma_semaphore, #tpu.memory_space<semaphore_mem>>)
      %dma_wait3A = arith.constant 0 : i32
      %dma_wait3A_1113 = tpu.memref_slice %arg2[%dma_wait3A] : memref<4193280xi32, #tpu.memory_space<hbm>> -> memref<4193280xi32, #tpu.memory_space<hbm>>
      tpu.wait_indirect_dma semaphore(%run_scoped3A : memref<!tpu.dma_semaphore, #tpu.memory_space<semaphore_mem>>) src(%dma_wait3A_1113 : memref<4193280xi32, #tpu.memory_space<hbm>>) dst(%arg8 : memref<16xi32, #tpu.memory_space<vmem>>)
      tpu.yield
    }) : () -> ()
    %get3A_850 = arith.constant 0 : index
    %get3A_851 = tpu.vector_load %arg8[%get3A_850] {strides = array<i32>} : memref<16xi32, #tpu.memory_space<vmem>>, vector<16xi32>,
    %lt3A_852 = arith.cmpi slt, %select_n3A_810, %select_n3A_814 : vector<16xi32>
    %lt3A_853 = arith.cmpi slt, %get3A_851, %mul3A_7 : vector<16xi32>
    %and3A_854 = arith.andi %lt3A_852, %lt3A_853 : vector<16xi1>
    %add3A_855 = arith.constant 1 : i32
    %add3A_856 = vector.broadcast %add3A_855 : i32 to vector<16xi32>
    %add3A_857 = arith.addi %select_n3A_846, %add3A_856 : vector<16xi32>
    %select_n3A_858 = arith.select %and3A_854, %add3A_857, %select_n3A_810 : vector<16xi1>, vector<16xi32>
    %not3A_859 = arith.constant dense<true> : vector<16xi1>
    %not3A_860 = arith.xori %lt3A_853, %not3A_859 : vector<16xi1>
    %and3A_861 = arith.andi %lt3A_852, %not3A_860 : vector<16xi1>
    %select_n3A_862 = arith.select %and3A_861, %select_n3A_846, %select_n3A_814 : vector<16xi1>, vector<16xi32>
    %add3A_863 = arith.addi %select_n3A_858, %select_n3A_862 : vector<16xi32>
    %jit3A_864 = arith.constant 2 : i32
    %div3A_865 = vector.broadcast %jit3A_864 : i32 to vector<16xi32>
    %div3A_866 = arith.divsi %add3A_863, %div3A_865 : vector<16xi32>
    %sign3A_867 = arith.constant 0 : i32
    %sign3A_868 = vector.broadcast %sign3A_867 : i32 to vector<16xi32>
    %sign3A_869 = arith.cmpi sgt, %add3A_863, %sign3A_868 : vector<16xi32>
    %sign3A_870 = arith.extui %sign3A_869 : vector<16xi1> to vector<16xi32>
    %sign3A_871 = arith.constant 0 : i32
    %sign3A_872 = vector.broadcast %sign3A_871 : i32 to vector<16xi32>
    %sign3A_873 = arith.cmpi slt, %add3A_863, %sign3A_872 : vector<16xi32>
    %sign3A_874 = arith.extui %sign3A_873 : vector<16xi1> to vector<16xi32>
    %sign3A_875 = arith.subi %sign3A_870, %sign3A_874 : vector<16xi32>
    %sign3A_876 = arith.constant 0 : i32
    %sign3A_877 = arith.cmpi sgt, %jit3A_864, %sign3A_876 : i32
    %sign3A_878 = arith.extui %sign3A_877 : i1 to i32
    %sign3A_879 = arith.constant 0 : i32
    %sign3A_880 = arith.cmpi slt, %jit3A_864, %sign3A_879 : i32
    %sign3A_881 = arith.extui %sign3A_880 : i1 to i32
    %sign3A_882 = arith.subi %sign3A_878, %sign3A_881 : i32
    %ne3A_883 = vector.broadcast %sign3A_882 : i32 to vector<16xi32>
    %ne3A_884 = arith.cmpi ne, %sign3A_875, %ne3A_883 : vector<16xi32>
    %rem3A_885 = vector.broadcast %jit3A_864 : i32 to vector<16xi32>
    %rem3A_886 = arith.remsi %add3A_863, %rem3A_885 : vector<16xi32>
    %ne3A_887 = arith.constant 0 : i32
    %ne3A_888 = vector.broadcast %ne3A_887 : i32 to vector<16xi32>
    %ne3A_889 = arith.cmpi ne, %rem3A_886, %ne3A_888 : vector<16xi32>
    %and3A_890 = arith.andi %ne3A_884, %ne3A_889 : vector<16xi1>
    %sub3A_891 = arith.constant 1 : i32
    %sub3A_892 = vector.broadcast %sub3A_891 : i32 to vector<16xi32>
    %sub3A_893 = arith.subi %div3A_866, %sub3A_892 : vector<16xi32>
    %select_n3A_894 = arith.select %and3A_890, %sub3A_893, %div3A_866 : vector<16xi1>, vector<16xi32>
    %min3A_895 = arith.constant 4193279 : i32
    %min3A_896 = vector.broadcast %min3A_895 : i32 to vector<16xi32>
    %min3A_897 = arith.minsi %select_n3A_894, %min3A_896 : vector<16xi32>
    "tpu.region"() ({
      %run_scoped3A = tpu.sem_alloc : memref<!tpu.dma_semaphore, #tpu.memory_space<semaphore_mem>>
      %dma_start3A = arith.constant 0 : i32
      %dma_start3A_1112 = tpu.memref_slice %arg2[%dma_start3A] : memref<4193280xi32, #tpu.memory_space<hbm>> -> memref<4193280xi32, #tpu.memory_space<hbm>>
      tpu.enqueue_indirect_dma source(%dma_start3A_1112 : memref<4193280xi32, #tpu.memory_space<hbm>>) target(%arg8 : memref<16xi32, #tpu.memory_space<vmem>>) offsets(%min3A_897 : vector<16xi32>) semaphore(%run_scoped3A : memref<!tpu.dma_semaphore, #tpu.memory_space<semaphore_mem>>)
      %dma_wait3A = arith.constant 0 : i32
      %dma_wait3A_1113 = tpu.memref_slice %arg2[%dma_wait3A] : memref<4193280xi32, #tpu.memory_space<hbm>> -> memref<4193280xi32, #tpu.memory_space<hbm>>
      tpu.wait_indirect_dma semaphore(%run_scoped3A : memref<!tpu.dma_semaphore, #tpu.memory_space<semaphore_mem>>) src(%dma_wait3A_1113 : memref<4193280xi32, #tpu.memory_space<hbm>>) dst(%arg8 : memref<16xi32, #tpu.memory_space<vmem>>)
      tpu.yield
    }) : () -> ()
    %get3A_898 = arith.constant 0 : index
    %get3A_899 = tpu.vector_load %arg8[%get3A_898] {strides = array<i32>} : memref<16xi32, #tpu.memory_space<vmem>>, vector<16xi32>,
    %lt3A_900 = arith.cmpi slt, %select_n3A_858, %select_n3A_862 : vector<16xi32>
    %lt3A_901 = arith.cmpi slt, %get3A_899, %mul3A_7 : vector<16xi32>
    %and3A_902 = arith.andi %lt3A_900, %lt3A_901 : vector<16xi1>
    %add3A_903 = arith.constant 1 : i32
    %add3A_904 = vector.broadcast %add3A_903 : i32 to vector<16xi32>
    %add3A_905 = arith.addi %select_n3A_894, %add3A_904 : vector<16xi32>
    %select_n3A_906 = arith.select %and3A_902, %add3A_905, %select_n3A_858 : vector<16xi1>, vector<16xi32>
    %not3A_907 = arith.constant dense<true> : vector<16xi1>
    %not3A_908 = arith.xori %lt3A_901, %not3A_907 : vector<16xi1>
    %and3A_909 = arith.andi %lt3A_900, %not3A_908 : vector<16xi1>
    %select_n3A_910 = arith.select %and3A_909, %select_n3A_894, %select_n3A_862 : vector<16xi1>, vector<16xi32>
    %add3A_911 = arith.addi %select_n3A_906, %select_n3A_910 : vector<16xi32>
    %jit3A_912 = arith.constant 2 : i32
    %div3A_913 = vector.broadcast %jit3A_912 : i32 to vector<16xi32>
    %div3A_914 = arith.divsi %add3A_911, %div3A_913 : vector<16xi32>
    %sign3A_915 = arith.constant 0 : i32
    %sign3A_916 = vector.broadcast %sign3A_915 : i32 to vector<16xi32>
    %sign3A_917 = arith.cmpi sgt, %add3A_911, %sign3A_916 : vector<16xi32>
    %sign3A_918 = arith.extui %sign3A_917 : vector<16xi1> to vector<16xi32>
    %sign3A_919 = arith.constant 0 : i32
    %sign3A_920 = vector.broadcast %sign3A_919 : i32 to vector<16xi32>
    %sign3A_921 = arith.cmpi slt, %add3A_911, %sign3A_920 : vector<16xi32>
    %sign3A_922 = arith.extui %sign3A_921 : vector<16xi1> to vector<16xi32>
    %sign3A_923 = arith.subi %sign3A_918, %sign3A_922 : vector<16xi32>
    %sign3A_924 = arith.constant 0 : i32
    %sign3A_925 = arith.cmpi sgt, %jit3A_912, %sign3A_924 : i32
    %sign3A_926 = arith.extui %sign3A_925 : i1 to i32
    %sign3A_927 = arith.constant 0 : i32
    %sign3A_928 = arith.cmpi slt, %jit3A_912, %sign3A_927 : i32
    %sign3A_929 = arith.extui %sign3A_928 : i1 to i32
    %sign3A_930 = arith.subi %sign3A_926, %sign3A_929 : i32
    %ne3A_931 = vector.broadcast %sign3A_930 : i32 to vector<16xi32>
    %ne3A_932 = arith.cmpi ne, %sign3A_923, %ne3A_931 : vector<16xi32>
    %rem3A_933 = vector.broadcast %jit3A_912 : i32 to vector<16xi32>
    %rem3A_934 = arith.remsi %add3A_911, %rem3A_933 : vector<16xi32>
    %ne3A_935 = arith.constant 0 : i32
    %ne3A_936 = vector.broadcast %ne3A_935 : i32 to vector<16xi32>
    %ne3A_937 = arith.cmpi ne, %rem3A_934, %ne3A_936 : vector<16xi32>
    %and3A_938 = arith.andi %ne3A_932, %ne3A_937 : vector<16xi1>
    %sub3A_939 = arith.constant 1 : i32
    %sub3A_940 = vector.broadcast %sub3A_939 : i32 to vector<16xi32>
    %sub3A_941 = arith.subi %div3A_914, %sub3A_940 : vector<16xi32>
    %select_n3A_942 = arith.select %and3A_938, %sub3A_941, %div3A_914 : vector<16xi1>, vector<16xi32>
    %min3A_943 = arith.constant 4193279 : i32
    %min3A_944 = vector.broadcast %min3A_943 : i32 to vector<16xi32>
    %min3A_945 = arith.minsi %select_n3A_942, %min3A_944 : vector<16xi32>
    "tpu.region"() ({
      %run_scoped3A = tpu.sem_alloc : memref<!tpu.dma_semaphore, #tpu.memory_space<semaphore_mem>>
      %dma_start3A = arith.constant 0 : i32
      %dma_start3A_1112 = tpu.memref_slice %arg2[%dma_start3A] : memref<4193280xi32, #tpu.memory_space<hbm>> -> memref<4193280xi32, #tpu.memory_space<hbm>>
      tpu.enqueue_indirect_dma source(%dma_start3A_1112 : memref<4193280xi32, #tpu.memory_space<hbm>>) target(%arg8 : memref<16xi32, #tpu.memory_space<vmem>>) offsets(%min3A_945 : vector<16xi32>) semaphore(%run_scoped3A : memref<!tpu.dma_semaphore, #tpu.memory_space<semaphore_mem>>)
      %dma_wait3A = arith.constant 0 : i32
      %dma_wait3A_1113 = tpu.memref_slice %arg2[%dma_wait3A] : memref<4193280xi32, #tpu.memory_space<hbm>> -> memref<4193280xi32, #tpu.memory_space<hbm>>
      tpu.wait_indirect_dma semaphore(%run_scoped3A : memref<!tpu.dma_semaphore, #tpu.memory_space<semaphore_mem>>) src(%dma_wait3A_1113 : memref<4193280xi32, #tpu.memory_space<hbm>>) dst(%arg8 : memref<16xi32, #tpu.memory_space<vmem>>)
      tpu.yield
    }) : () -> ()
    %get3A_946 = arith.constant 0 : index
    %get3A_947 = tpu.vector_load %arg8[%get3A_946] {strides = array<i32>} : memref<16xi32, #tpu.memory_space<vmem>>, vector<16xi32>,
    %lt3A_948 = arith.cmpi slt, %select_n3A_906, %select_n3A_910 : vector<16xi32>
    %lt3A_949 = arith.cmpi slt, %get3A_947, %mul3A_7 : vector<16xi32>
    %and3A_950 = arith.andi %lt3A_948, %lt3A_949 : vector<16xi1>
    %add3A_951 = arith.constant 1 : i32
    %add3A_952 = vector.broadcast %add3A_951 : i32 to vector<16xi32>
    %add3A_953 = arith.addi %select_n3A_942, %add3A_952 : vector<16xi32>
    %select_n3A_954 = arith.select %and3A_950, %add3A_953, %select_n3A_906 : vector<16xi1>, vector<16xi32>
    %not3A_955 = arith.constant dense<true> : vector<16xi1>
    %not3A_956 = arith.xori %lt3A_949, %not3A_955 : vector<16xi1>
    %and3A_957 = arith.andi %lt3A_948, %not3A_956 : vector<16xi1>
    %select_n3A_958 = arith.select %and3A_957, %select_n3A_942, %select_n3A_910 : vector<16xi1>, vector<16xi32>
    %add3A_959 = arith.addi %select_n3A_954, %select_n3A_958 : vector<16xi32>
    %jit3A_960 = arith.constant 2 : i32
    %div3A_961 = vector.broadcast %jit3A_960 : i32 to vector<16xi32>
    %div3A_962 = arith.divsi %add3A_959, %div3A_961 : vector<16xi32>
    %sign3A_963 = arith.constant 0 : i32
    %sign3A_964 = vector.broadcast %sign3A_963 : i32 to vector<16xi32>
    %sign3A_965 = arith.cmpi sgt, %add3A_959, %sign3A_964 : vector<16xi32>
    %sign3A_966 = arith.extui %sign3A_965 : vector<16xi1> to vector<16xi32>
    %sign3A_967 = arith.constant 0 : i32
    %sign3A_968 = vector.broadcast %sign3A_967 : i32 to vector<16xi32>
    %sign3A_969 = arith.cmpi slt, %add3A_959, %sign3A_968 : vector<16xi32>
    %sign3A_970 = arith.extui %sign3A_969 : vector<16xi1> to vector<16xi32>
    %sign3A_971 = arith.subi %sign3A_966, %sign3A_970 : vector<16xi32>
    %sign3A_972 = arith.constant 0 : i32
    %sign3A_973 = arith.cmpi sgt, %jit3A_960, %sign3A_972 : i32
    %sign3A_974 = arith.extui %sign3A_973 : i1 to i32
    %sign3A_975 = arith.constant 0 : i32
    %sign3A_976 = arith.cmpi slt, %jit3A_960, %sign3A_975 : i32
    %sign3A_977 = arith.extui %sign3A_976 : i1 to i32
    %sign3A_978 = arith.subi %sign3A_974, %sign3A_977 : i32
    %ne3A_979 = vector.broadcast %sign3A_978 : i32 to vector<16xi32>
    %ne3A_980 = arith.cmpi ne, %sign3A_971, %ne3A_979 : vector<16xi32>
    %rem3A_981 = vector.broadcast %jit3A_960 : i32 to vector<16xi32>
    %rem3A_982 = arith.remsi %add3A_959, %rem3A_981 : vector<16xi32>
    %ne3A_983 = arith.constant 0 : i32
    %ne3A_984 = vector.broadcast %ne3A_983 : i32 to vector<16xi32>
    %ne3A_985 = arith.cmpi ne, %rem3A_982, %ne3A_984 : vector<16xi32>
    %and3A_986 = arith.andi %ne3A_980, %ne3A_985 : vector<16xi1>
    %sub3A_987 = arith.constant 1 : i32
    %sub3A_988 = vector.broadcast %sub3A_987 : i32 to vector<16xi32>
    %sub3A_989 = arith.subi %div3A_962, %sub3A_988 : vector<16xi32>
    %select_n3A_990 = arith.select %and3A_986, %sub3A_989, %div3A_962 : vector<16xi1>, vector<16xi32>
    %min3A_991 = arith.constant 4193279 : i32
    %min3A_992 = vector.broadcast %min3A_991 : i32 to vector<16xi32>
    %min3A_993 = arith.minsi %select_n3A_990, %min3A_992 : vector<16xi32>
    "tpu.region"() ({
      %run_scoped3A = tpu.sem_alloc : memref<!tpu.dma_semaphore, #tpu.memory_space<semaphore_mem>>
      %dma_start3A = arith.constant 0 : i32
      %dma_start3A_1112 = tpu.memref_slice %arg2[%dma_start3A] : memref<4193280xi32, #tpu.memory_space<hbm>> -> memref<4193280xi32, #tpu.memory_space<hbm>>
      tpu.enqueue_indirect_dma source(%dma_start3A_1112 : memref<4193280xi32, #tpu.memory_space<hbm>>) target(%arg8 : memref<16xi32, #tpu.memory_space<vmem>>) offsets(%min3A_993 : vector<16xi32>) semaphore(%run_scoped3A : memref<!tpu.dma_semaphore, #tpu.memory_space<semaphore_mem>>)
      %dma_wait3A = arith.constant 0 : i32
      %dma_wait3A_1113 = tpu.memref_slice %arg2[%dma_wait3A] : memref<4193280xi32, #tpu.memory_space<hbm>> -> memref<4193280xi32, #tpu.memory_space<hbm>>
      tpu.wait_indirect_dma semaphore(%run_scoped3A : memref<!tpu.dma_semaphore, #tpu.memory_space<semaphore_mem>>) src(%dma_wait3A_1113 : memref<4193280xi32, #tpu.memory_space<hbm>>) dst(%arg8 : memref<16xi32, #tpu.memory_space<vmem>>)
      tpu.yield
    }) : () -> ()
    %get3A_994 = arith.constant 0 : index
    %get3A_995 = tpu.vector_load %arg8[%get3A_994] {strides = array<i32>} : memref<16xi32, #tpu.memory_space<vmem>>, vector<16xi32>,
    %lt3A_996 = arith.cmpi slt, %select_n3A_954, %select_n3A_958 : vector<16xi32>
    %lt3A_997 = arith.cmpi slt, %get3A_995, %mul3A_7 : vector<16xi32>
    %and3A_998 = arith.andi %lt3A_996, %lt3A_997 : vector<16xi1>
    %add3A_999 = arith.constant 1 : i32
    %add3A_1000 = vector.broadcast %add3A_999 : i32 to vector<16xi32>
    %add3A_1001 = arith.addi %select_n3A_990, %add3A_1000 : vector<16xi32>
    %select_n3A_1002 = arith.select %and3A_998, %add3A_1001, %select_n3A_954 : vector<16xi1>, vector<16xi32>
    %not3A_1003 = arith.constant dense<true> : vector<16xi1>
    %not3A_1004 = arith.xori %lt3A_997, %not3A_1003 : vector<16xi1>
    %and3A_1005 = arith.andi %lt3A_996, %not3A_1004 : vector<16xi1>
    %select_n3A_1006 = arith.select %and3A_1005, %select_n3A_990, %select_n3A_958 : vector<16xi1>, vector<16xi32>
    %add3A_1007 = arith.addi %select_n3A_1002, %select_n3A_1006 : vector<16xi32>
    %jit3A_1008 = arith.constant 2 : i32
    %div3A_1009 = vector.broadcast %jit3A_1008 : i32 to vector<16xi32>
    %div3A_1010 = arith.divsi %add3A_1007, %div3A_1009 : vector<16xi32>
    %sign3A_1011 = arith.constant 0 : i32
    %sign3A_1012 = vector.broadcast %sign3A_1011 : i32 to vector<16xi32>
    %sign3A_1013 = arith.cmpi sgt, %add3A_1007, %sign3A_1012 : vector<16xi32>
    %sign3A_1014 = arith.extui %sign3A_1013 : vector<16xi1> to vector<16xi32>
    %sign3A_1015 = arith.constant 0 : i32
    %sign3A_1016 = vector.broadcast %sign3A_1015 : i32 to vector<16xi32>
    %sign3A_1017 = arith.cmpi slt, %add3A_1007, %sign3A_1016 : vector<16xi32>
    %sign3A_1018 = arith.extui %sign3A_1017 : vector<16xi1> to vector<16xi32>
    %sign3A_1019 = arith.subi %sign3A_1014, %sign3A_1018 : vector<16xi32>
    %sign3A_1020 = arith.constant 0 : i32
    %sign3A_1021 = arith.cmpi sgt, %jit3A_1008, %sign3A_1020 : i32
    %sign3A_1022 = arith.extui %sign3A_1021 : i1 to i32
    %sign3A_1023 = arith.constant 0 : i32
    %sign3A_1024 = arith.cmpi slt, %jit3A_1008, %sign3A_1023 : i32
    %sign3A_1025 = arith.extui %sign3A_1024 : i1 to i32
    %sign3A_1026 = arith.subi %sign3A_1022, %sign3A_1025 : i32
    %ne3A_1027 = vector.broadcast %sign3A_1026 : i32 to vector<16xi32>
    %ne3A_1028 = arith.cmpi ne, %sign3A_1019, %ne3A_1027 : vector<16xi32>
    %rem3A_1029 = vector.broadcast %jit3A_1008 : i32 to vector<16xi32>
    %rem3A_1030 = arith.remsi %add3A_1007, %rem3A_1029 : vector<16xi32>
    %ne3A_1031 = arith.constant 0 : i32
    %ne3A_1032 = vector.broadcast %ne3A_1031 : i32 to vector<16xi32>
    %ne3A_1033 = arith.cmpi ne, %rem3A_1030, %ne3A_1032 : vector<16xi32>
    %and3A_1034 = arith.andi %ne3A_1028, %ne3A_1033 : vector<16xi1>
    %sub3A_1035 = arith.constant 1 : i32
    %sub3A_1036 = vector.broadcast %sub3A_1035 : i32 to vector<16xi32>
    %sub3A_1037 = arith.subi %div3A_1010, %sub3A_1036 : vector<16xi32>
    %select_n3A_1038 = arith.select %and3A_1034, %sub3A_1037, %div3A_1010 : vector<16xi1>, vector<16xi32>
    %min3A_1039 = arith.constant 4193279 : i32
    %min3A_1040 = vector.broadcast %min3A_1039 : i32 to vector<16xi32>
    %min3A_1041 = arith.minsi %select_n3A_1038, %min3A_1040 : vector<16xi32>
    "tpu.region"() ({
      %run_scoped3A = tpu.sem_alloc : memref<!tpu.dma_semaphore, #tpu.memory_space<semaphore_mem>>
      %dma_start3A = arith.constant 0 : i32
      %dma_start3A_1112 = tpu.memref_slice %arg2[%dma_start3A] : memref<4193280xi32, #tpu.memory_space<hbm>> -> memref<4193280xi32, #tpu.memory_space<hbm>>
      tpu.enqueue_indirect_dma source(%dma_start3A_1112 : memref<4193280xi32, #tpu.memory_space<hbm>>) target(%arg8 : memref<16xi32, #tpu.memory_space<vmem>>) offsets(%min3A_1041 : vector<16xi32>) semaphore(%run_scoped3A : memref<!tpu.dma_semaphore, #tpu.memory_space<semaphore_mem>>)
      %dma_wait3A = arith.constant 0 : i32
      %dma_wait3A_1113 = tpu.memref_slice %arg2[%dma_wait3A] : memref<4193280xi32, #tpu.memory_space<hbm>> -> memref<4193280xi32, #tpu.memory_space<hbm>>
      tpu.wait_indirect_dma semaphore(%run_scoped3A : memref<!tpu.dma_semaphore, #tpu.memory_space<semaphore_mem>>) src(%dma_wait3A_1113 : memref<4193280xi32, #tpu.memory_space<hbm>>) dst(%arg8 : memref<16xi32, #tpu.memory_space<vmem>>)
      tpu.yield
    }) : () -> ()
    %get3A_1042 = arith.constant 0 : index
    %get3A_1043 = tpu.vector_load %arg8[%get3A_1042] {strides = array<i32>} : memref<16xi32, #tpu.memory_space<vmem>>, vector<16xi32>,
    %lt3A_1044 = arith.cmpi slt, %select_n3A_1002, %select_n3A_1006 : vector<16xi32>
    %lt3A_1045 = arith.cmpi slt, %get3A_1043, %mul3A_7 : vector<16xi32>
    %and3A_1046 = arith.andi %lt3A_1044, %lt3A_1045 : vector<16xi1>
    %add3A_1047 = arith.constant 1 : i32
    %add3A_1048 = vector.broadcast %add3A_1047 : i32 to vector<16xi32>
    %add3A_1049 = arith.addi %select_n3A_1038, %add3A_1048 : vector<16xi32>
    %select_n3A_1050 = arith.select %and3A_1046, %add3A_1049, %select_n3A_1002 : vector<16xi1>, vector<16xi32>
    %not3A_1051 = arith.constant dense<true> : vector<16xi1>
    %not3A_1052 = arith.xori %lt3A_1045, %not3A_1051 : vector<16xi1>
    %and3A_1053 = arith.andi %lt3A_1044, %not3A_1052 : vector<16xi1>
    %select_n3A_1054 = arith.select %and3A_1053, %select_n3A_1038, %select_n3A_1006 : vector<16xi1>, vector<16xi32>
    %add3A_1055 = arith.addi %select_n3A_1050, %select_n3A_1054 : vector<16xi32>
    %jit3A_1056 = arith.constant 2 : i32
    %div3A_1057 = vector.broadcast %jit3A_1056 : i32 to vector<16xi32>
    %div3A_1058 = arith.divsi %add3A_1055, %div3A_1057 : vector<16xi32>
    %sign3A_1059 = arith.constant 0 : i32
    %sign3A_1060 = vector.broadcast %sign3A_1059 : i32 to vector<16xi32>
    %sign3A_1061 = arith.cmpi sgt, %add3A_1055, %sign3A_1060 : vector<16xi32>
    %sign3A_1062 = arith.extui %sign3A_1061 : vector<16xi1> to vector<16xi32>
    %sign3A_1063 = arith.constant 0 : i32
    %sign3A_1064 = vector.broadcast %sign3A_1063 : i32 to vector<16xi32>
    %sign3A_1065 = arith.cmpi slt, %add3A_1055, %sign3A_1064 : vector<16xi32>
    %sign3A_1066 = arith.extui %sign3A_1065 : vector<16xi1> to vector<16xi32>
    %sign3A_1067 = arith.subi %sign3A_1062, %sign3A_1066 : vector<16xi32>
    %sign3A_1068 = arith.constant 0 : i32
    %sign3A_1069 = arith.cmpi sgt, %jit3A_1056, %sign3A_1068 : i32
    %sign3A_1070 = arith.extui %sign3A_1069 : i1 to i32
    %sign3A_1071 = arith.constant 0 : i32
    %sign3A_1072 = arith.cmpi slt, %jit3A_1056, %sign3A_1071 : i32
    %sign3A_1073 = arith.extui %sign3A_1072 : i1 to i32
    %sign3A_1074 = arith.subi %sign3A_1070, %sign3A_1073 : i32
    %ne3A_1075 = vector.broadcast %sign3A_1074 : i32 to vector<16xi32>
    %ne3A_1076 = arith.cmpi ne, %sign3A_1067, %ne3A_1075 : vector<16xi32>
    %rem3A_1077 = vector.broadcast %jit3A_1056 : i32 to vector<16xi32>
    %rem3A_1078 = arith.remsi %add3A_1055, %rem3A_1077 : vector<16xi32>
    %ne3A_1079 = arith.constant 0 : i32
    %ne3A_1080 = vector.broadcast %ne3A_1079 : i32 to vector<16xi32>
    %ne3A_1081 = arith.cmpi ne, %rem3A_1078, %ne3A_1080 : vector<16xi32>
    %and3A_1082 = arith.andi %ne3A_1076, %ne3A_1081 : vector<16xi1>
    %sub3A_1083 = arith.constant 1 : i32
    %sub3A_1084 = vector.broadcast %sub3A_1083 : i32 to vector<16xi32>
    %sub3A_1085 = arith.subi %div3A_1058, %sub3A_1084 : vector<16xi32>
    %select_n3A_1086 = arith.select %and3A_1082, %sub3A_1085, %div3A_1058 : vector<16xi1>, vector<16xi32>
    %min3A_1087 = arith.constant 4193279 : i32
    %min3A_1088 = vector.broadcast %min3A_1087 : i32 to vector<16xi32>
    %min3A_1089 = arith.minsi %select_n3A_1086, %min3A_1088 : vector<16xi32>
    "tpu.region"() ({
      %run_scoped3A = tpu.sem_alloc : memref<!tpu.dma_semaphore, #tpu.memory_space<semaphore_mem>>
      %dma_start3A = arith.constant 0 : i32
      %dma_start3A_1112 = tpu.memref_slice %arg2[%dma_start3A] : memref<4193280xi32, #tpu.memory_space<hbm>> -> memref<4193280xi32, #tpu.memory_space<hbm>>
      tpu.enqueue_indirect_dma source(%dma_start3A_1112 : memref<4193280xi32, #tpu.memory_space<hbm>>) target(%arg8 : memref<16xi32, #tpu.memory_space<vmem>>) offsets(%min3A_1089 : vector<16xi32>) semaphore(%run_scoped3A : memref<!tpu.dma_semaphore, #tpu.memory_space<semaphore_mem>>)
      %dma_wait3A = arith.constant 0 : i32
      %dma_wait3A_1113 = tpu.memref_slice %arg2[%dma_wait3A] : memref<4193280xi32, #tpu.memory_space<hbm>> -> memref<4193280xi32, #tpu.memory_space<hbm>>
      tpu.wait_indirect_dma semaphore(%run_scoped3A : memref<!tpu.dma_semaphore, #tpu.memory_space<semaphore_mem>>) src(%dma_wait3A_1113 : memref<4193280xi32, #tpu.memory_space<hbm>>) dst(%arg8 : memref<16xi32, #tpu.memory_space<vmem>>)
      tpu.yield
    }) : () -> ()
    %get3A_1090 = arith.constant 0 : index
    %get3A_1091 = tpu.vector_load %arg8[%get3A_1090] {strides = array<i32>} : memref<16xi32, #tpu.memory_space<vmem>>, vector<16xi32>,
    %lt3A_1092 = arith.cmpi slt, %select_n3A_1050, %select_n3A_1054 : vector<16xi32>
    %lt3A_1093 = arith.cmpi slt, %get3A_1091, %mul3A_7 : vector<16xi32>
    %and3A_1094 = arith.andi %lt3A_1092, %lt3A_1093 : vector<16xi1>
    %add3A_1095 = arith.constant 1 : i32
    %add3A_1096 = vector.broadcast %add3A_1095 : i32 to vector<16xi32>
    %add3A_1097 = arith.addi %select_n3A_1086, %add3A_1096 : vector<16xi32>
    %select_n3A_1098 = arith.select %and3A_1094, %add3A_1097, %select_n3A_1050 : vector<16xi1>, vector<16xi32>
    %not3A_1099 = arith.constant dense<true> : vector<16xi1>
    %not3A_1100 = arith.xori %lt3A_1093, %not3A_1099 : vector<16xi1>
    %and3A_1101 = arith.andi %lt3A_1092, %not3A_1100 : vector<16xi1>
    %select_n3A_1102 = arith.select %and3A_1101, %select_n3A_1086, %select_n3A_1054 : vector<16xi1>, vector<16xi32>
    %swap3A = arith.constant 0 : index
    %swap3A_1103 = tpu.vector_load %arg7[%swap3A] {strides = array<i32>} : memref<16xi32, #tpu.memory_space<vmem>>, vector<16xi32>,
    tpu.vector_store %arg7[%swap3A], %select_n3A_1098 {strides = array<i32>} : memref<16xi32, #tpu.memory_space<vmem>>, vector<16xi32>,
    %broadcast_in_dim3A_1104 = arith.constant 0.000000e+00 : f32
    %broadcast_in_dim3A_1105 = vector.broadcast %broadcast_in_dim3A_1104 : f32 to vector<16xf32>
    %scan3A = arith.constant 0 : i32
    %scan3A_1106 = arith.constant 0 : i32
    %scan3A_1107 = arith.constant 8 : i32
    %scan3A_1108 = arith.addi %scan3A_1106, %scan3A_1107 : i32
    %scan3A_1109 = arith.constant 1 : i32
    %scan3A_1110 = scf.for %scan3A_1112 = %scan3A_1106 to %scan3A_1108 step %scan3A_1109 iter_args(%scan3A_1113 = %scan3A) -> (i32)  : i32 {
      %mul3A_1114 = arith.constant 8 : i32
      %mul3A_1115 = arith.muli %add3A, %mul3A_1114 : i32
      %add3A_1116 = arith.addi %mul3A_1115, %scan3A_1112 : i32
      %mul3A_1117 = arith.constant 32768 : i32
      %mul3A_1118 = arith.muli %add3A_1116, %mul3A_1117 : i32
      %add3A_1119 = arith.constant 32768 : i32
      %add3A_1120 = arith.addi %mul3A_1118, %add3A_1119 : i32
      %broadcast_in_dim3A_1121 = vector.broadcast %scan3A_1112 : i32 to vector<16xi32>
      %gather3A = tpu.vector_load_idx %arg7[%broadcast_in_dim3A_1121] : memref<16xi32, #tpu.memory_space<vmem>>[vector<16xi32>], vector<16xi32>,
      %reduce_max3A = arith.constant true
      %reduce_max3A_1122 = vector.broadcast %reduce_max3A : i1 to vector<16xi1>
      %reduce_max3A_1123 = arith.constant -2147483648 : i32
      %reduce_max3A_1124 = vector.broadcast %reduce_max3A_1123 : i32 to vector<16xi32>
      %reduce_max3A_1125 = arith.xori %gather3A, %reduce_max3A_1124 : vector<16xi32>
      %reduce_max3A_1126 = tpu.scan <max>, %reduce_max3A_1125 masked %reduce_max3A_1122 : vector<16xi32>, vector<16xi1> -> vector<16xi32>
      %reduce_max3A_1127 = arith.xori %reduce_max3A_1126, %reduce_max3A_1124 : vector<16xi32>
      %reduce_max3A_1128 = vector.extract %reduce_max3A_1127[15] : i32 from vector<16xi32>
      %add3A_1129 = arith.constant 1 : i32
      %add3A_1130 = arith.addi %scan3A_1112, %add3A_1129 : i32
      %broadcast_in_dim3A_1131 = vector.broadcast %add3A_1130 : i32 to vector<16xi32>
      %gather3A_1132 = tpu.vector_load_idx %arg7[%broadcast_in_dim3A_1131] : memref<16xi32, #tpu.memory_space<vmem>>[vector<16xi32>], vector<16xi32>,
      %reduce_max3A_1133 = arith.constant true
      %reduce_max3A_1134 = vector.broadcast %reduce_max3A_1133 : i1 to vector<16xi1>
      %reduce_max3A_1135 = arith.constant -2147483648 : i32
      %reduce_max3A_1136 = vector.broadcast %reduce_max3A_1135 : i32 to vector<16xi32>
      %reduce_max3A_1137 = arith.xori %gather3A_1132, %reduce_max3A_1136 : vector<16xi32>
      %reduce_max3A_1138 = tpu.scan <max>, %reduce_max3A_1137 masked %reduce_max3A_1134 : vector<16xi32>, vector<16xi1> -> vector<16xi32>
      %reduce_max3A_1139 = arith.xori %reduce_max3A_1138, %reduce_max3A_1136 : vector<16xi32>
      %reduce_max3A_1140 = vector.extract %reduce_max3A_1139[15] : i32 from vector<16xi32>
      %scan3A_1141 = arith.constant 0 : i32
      %scan3A_1142 = arith.constant 0 : i32
      %scan3A_1143 = arith.constant 64 : i32
      %scan3A_1144 = arith.addi %scan3A_1142, %scan3A_1143 : i32
      %scan3A_1145 = arith.constant 1 : i32
      %scan3A_1146 = scf.for %scan3A_1252 = %scan3A_1142 to %scan3A_1144 step %scan3A_1145 iter_args(%scan3A_1253 = %scan3A_1141) -> (i32)  : i32 {
        %mul3A_1254 = arith.constant 512 : i32
        %mul3A_1255 = arith.muli %scan3A_1252, %mul3A_1254 : i32
        %add3A_1256 = arith.constant 0 : i32
        %add3A_1257 = arith.addi %mul3A_1255, %add3A_1256 : i32
        %swap3A_1258 = arith.index_cast %add3A_1257 : i32 to index
        %swap3A_1259 = tpu.vector_load %arg13[%swap3A_1258] {strides = array<i32>} : memref<32768xf32, #tpu.memory_space<vmem>>, vector<16xf32>,
        tpu.vector_store %arg13[%swap3A_1258], %broadcast_in_dim3A_1105 {strides = array<i32>} : memref<32768xf32, #tpu.memory_space<vmem>>, vector<16xf32>,
        %add3A_1260 = arith.constant 16 : i32
        %add3A_1261 = arith.addi %mul3A_1255, %add3A_1260 : i32
        %swap3A_1262 = arith.index_cast %add3A_1261 : i32 to index
        %swap3A_1263 = tpu.vector_load %arg13[%swap3A_1262] {strides = array<i32>} : memref<32768xf32, #tpu.memory_space<vmem>>, vector<16xf32>,
        tpu.vector_store %arg13[%swap3A_1262], %broadcast_in_dim3A_1105 {strides = array<i32>} : memref<32768xf32, #tpu.memory_space<vmem>>, vector<16xf32>,
        %add3A_1264 = arith.constant 32 : i32
        %add3A_1265 = arith.addi %mul3A_1255, %add3A_1264 : i32
        %swap3A_1266 = arith.index_cast %add3A_1265 : i32 to index
        %swap3A_1267 = tpu.vector_load %arg13[%swap3A_1266] {strides = array<i32>} : memref<32768xf32, #tpu.memory_space<vmem>>, vector<16xf32>,
        tpu.vector_store %arg13[%swap3A_1266], %broadcast_in_dim3A_1105 {strides = array<i32>} : memref<32768xf32, #tpu.memory_space<vmem>>, vector<16xf32>,
        %add3A_1268 = arith.constant 48 : i32
        %add3A_1269 = arith.addi %mul3A_1255, %add3A_1268 : i32
        %swap3A_1270 = arith.index_cast %add3A_1269 : i32 to index
        %swap3A_1271 = tpu.vector_load %arg13[%swap3A_1270] {strides = array<i32>} : memref<32768xf32, #tpu.memory_space<vmem>>, vector<16xf32>,
        tpu.vector_store %arg13[%swap3A_1270], %broadcast_in_dim3A_1105 {strides = array<i32>} : memref<32768xf32, #tpu.memory_space<vmem>>, vector<16xf32>,
        %add3A_1272 = arith.constant 64 : i32
        %add3A_1273 = arith.addi %mul3A_1255, %add3A_1272 : i32
        %swap3A_1274 = arith.index_cast %add3A_1273 : i32 to index
        %swap3A_1275 = tpu.vector_load %arg13[%swap3A_1274] {strides = array<i32>} : memref<32768xf32, #tpu.memory_space<vmem>>, vector<16xf32>,
        tpu.vector_store %arg13[%swap3A_1274], %broadcast_in_dim3A_1105 {strides = array<i32>} : memref<32768xf32, #tpu.memory_space<vmem>>, vector<16xf32>,
        %add3A_1276 = arith.constant 80 : i32
        %add3A_1277 = arith.addi %mul3A_1255, %add3A_1276 : i32
        %swap3A_1278 = arith.index_cast %add3A_1277 : i32 to index
        %swap3A_1279 = tpu.vector_load %arg13[%swap3A_1278] {strides = array<i32>} : memref<32768xf32, #tpu.memory_space<vmem>>, vector<16xf32>,
        tpu.vector_store %arg13[%swap3A_1278], %broadcast_in_dim3A_1105 {strides = array<i32>} : memref<32768xf32, #tpu.memory_space<vmem>>, vector<16xf32>,
        %add3A_1280 = arith.constant 96 : i32
        %add3A_1281 = arith.addi %mul3A_1255, %add3A_1280 : i32
        %swap3A_1282 = arith.index_cast %add3A_1281 : i32 to index
        %swap3A_1283 = tpu.vector_load %arg13[%swap3A_1282] {strides = array<i32>} : memref<32768xf32, #tpu.memory_space<vmem>>, vector<16xf32>,
        tpu.vector_store %arg13[%swap3A_1282], %broadcast_in_dim3A_1105 {strides = array<i32>} : memref<32768xf32, #tpu.memory_space<vmem>>, vector<16xf32>,
        %add3A_1284 = arith.constant 112 : i32
        %add3A_1285 = arith.addi %mul3A_1255, %add3A_1284 : i32
        %swap3A_1286 = arith.index_cast %add3A_1285 : i32 to index
        %swap3A_1287 = tpu.vector_load %arg13[%swap3A_1286] {strides = array<i32>} : memref<32768xf32, #tpu.memory_space<vmem>>, vector<16xf32>,
        tpu.vector_store %arg13[%swap3A_1286], %broadcast_in_dim3A_1105 {strides = array<i32>} : memref<32768xf32, #tpu.memory_space<vmem>>, vector<16xf32>,
        %add3A_1288 = arith.constant 128 : i32
        %add3A_1289 = arith.addi %mul3A_1255, %add3A_1288 : i32
        %swap3A_1290 = arith.index_cast %add3A_1289 : i32 to index
        %swap3A_1291 = tpu.vector_load %arg13[%swap3A_1290] {strides = array<i32>} : memref<32768xf32, #tpu.memory_space<vmem>>, vector<16xf32>,
        tpu.vector_store %arg13[%swap3A_1290], %broadcast_in_dim3A_1105 {strides = array<i32>} : memref<32768xf32, #tpu.memory_space<vmem>>, vector<16xf32>,
        %add3A_1292 = arith.constant 144 : i32
        %add3A_1293 = arith.addi %mul3A_1255, %add3A_1292 : i32
        %swap3A_1294 = arith.index_cast %add3A_1293 : i32 to index
        %swap3A_1295 = tpu.vector_load %arg13[%swap3A_1294] {strides = array<i32>} : memref<32768xf32, #tpu.memory_space<vmem>>, vector<16xf32>,
        tpu.vector_store %arg13[%swap3A_1294], %broadcast_in_dim3A_1105 {strides = array<i32>} : memref<32768xf32, #tpu.memory_space<vmem>>, vector<16xf32>,
        %add3A_1296 = arith.constant 160 : i32
        %add3A_1297 = arith.addi %mul3A_1255, %add3A_1296 : i32
        %swap3A_1298 = arith.index_cast %add3A_1297 : i32 to index
        %swap3A_1299 = tpu.vector_load %arg13[%swap3A_1298] {strides = array<i32>} : memref<32768xf32, #tpu.memory_space<vmem>>, vector<16xf32>,
        tpu.vector_store %arg13[%swap3A_1298], %broadcast_in_dim3A_1105 {strides = array<i32>} : memref<32768xf32, #tpu.memory_space<vmem>>, vector<16xf32>,
        %add3A_1300 = arith.constant 176 : i32
        %add3A_1301 = arith.addi %mul3A_1255, %add3A_1300 : i32
        %swap3A_1302 = arith.index_cast %add3A_1301 : i32 to index
        %swap3A_1303 = tpu.vector_load %arg13[%swap3A_1302] {strides = array<i32>} : memref<32768xf32, #tpu.memory_space<vmem>>, vector<16xf32>,
        tpu.vector_store %arg13[%swap3A_1302], %broadcast_in_dim3A_1105 {strides = array<i32>} : memref<32768xf32, #tpu.memory_space<vmem>>, vector<16xf32>,
        %add3A_1304 = arith.constant 192 : i32
        %add3A_1305 = arith.addi %mul3A_1255, %add3A_1304 : i32
        %swap3A_1306 = arith.index_cast %add3A_1305 : i32 to index
        %swap3A_1307 = tpu.vector_load %arg13[%swap3A_1306] {strides = array<i32>} : memref<32768xf32, #tpu.memory_space<vmem>>, vector<16xf32>,
        tpu.vector_store %arg13[%swap3A_1306], %broadcast_in_dim3A_1105 {strides = array<i32>} : memref<32768xf32, #tpu.memory_space<vmem>>, vector<16xf32>,
        %add3A_1308 = arith.constant 208 : i32
        %add3A_1309 = arith.addi %mul3A_1255, %add3A_1308 : i32
        %swap3A_1310 = arith.index_cast %add3A_1309 : i32 to index
        %swap3A_1311 = tpu.vector_load %arg13[%swap3A_1310] {strides = array<i32>} : memref<32768xf32, #tpu.memory_space<vmem>>, vector<16xf32>,
        tpu.vector_store %arg13[%swap3A_1310], %broadcast_in_dim3A_1105 {strides = array<i32>} : memref<32768xf32, #tpu.memory_space<vmem>>, vector<16xf32>,
        %add3A_1312 = arith.constant 224 : i32
        %add3A_1313 = arith.addi %mul3A_1255, %add3A_1312 : i32
        %swap3A_1314 = arith.index_cast %add3A_1313 : i32 to index
        %swap3A_1315 = tpu.vector_load %arg13[%swap3A_1314] {strides = array<i32>} : memref<32768xf32, #tpu.memory_space<vmem>>, vector<16xf32>,
        tpu.vector_store %arg13[%swap3A_1314], %broadcast_in_dim3A_1105 {strides = array<i32>} : memref<32768xf32, #tpu.memory_space<vmem>>, vector<16xf32>,
        %add3A_1316 = arith.constant 240 : i32
        %add3A_1317 = arith.addi %mul3A_1255, %add3A_1316 : i32
        %swap3A_1318 = arith.index_cast %add3A_1317 : i32 to index
        %swap3A_1319 = tpu.vector_load %arg13[%swap3A_1318] {strides = array<i32>} : memref<32768xf32, #tpu.memory_space<vmem>>, vector<16xf32>,
        tpu.vector_store %arg13[%swap3A_1318], %broadcast_in_dim3A_1105 {strides = array<i32>} : memref<32768xf32, #tpu.memory_space<vmem>>, vector<16xf32>,
        %add3A_1320 = arith.constant 256 : i32
        %add3A_1321 = arith.addi %mul3A_1255, %add3A_1320 : i32
        %swap3A_1322 = arith.index_cast %add3A_1321 : i32 to index
        %swap3A_1323 = tpu.vector_load %arg13[%swap3A_1322] {strides = array<i32>} : memref<32768xf32, #tpu.memory_space<vmem>>, vector<16xf32>,
        tpu.vector_store %arg13[%swap3A_1322], %broadcast_in_dim3A_1105 {strides = array<i32>} : memref<32768xf32, #tpu.memory_space<vmem>>, vector<16xf32>,
        %add3A_1324 = arith.constant 272 : i32
        %add3A_1325 = arith.addi %mul3A_1255, %add3A_1324 : i32
        %swap3A_1326 = arith.index_cast %add3A_1325 : i32 to index
        %swap3A_1327 = tpu.vector_load %arg13[%swap3A_1326] {strides = array<i32>} : memref<32768xf32, #tpu.memory_space<vmem>>, vector<16xf32>,
        tpu.vector_store %arg13[%swap3A_1326], %broadcast_in_dim3A_1105 {strides = array<i32>} : memref<32768xf32, #tpu.memory_space<vmem>>, vector<16xf32>,
        %add3A_1328 = arith.constant 288 : i32
        %add3A_1329 = arith.addi %mul3A_1255, %add3A_1328 : i32
        %swap3A_1330 = arith.index_cast %add3A_1329 : i32 to index
        %swap3A_1331 = tpu.vector_load %arg13[%swap3A_1330] {strides = array<i32>} : memref<32768xf32, #tpu.memory_space<vmem>>, vector<16xf32>,
        tpu.vector_store %arg13[%swap3A_1330], %broadcast_in_dim3A_1105 {strides = array<i32>} : memref<32768xf32, #tpu.memory_space<vmem>>, vector<16xf32>,
        %add3A_1332 = arith.constant 304 : i32
        %add3A_1333 = arith.addi %mul3A_1255, %add3A_1332 : i32
        %swap3A_1334 = arith.index_cast %add3A_1333 : i32 to index
        %swap3A_1335 = tpu.vector_load %arg13[%swap3A_1334] {strides = array<i32>} : memref<32768xf32, #tpu.memory_space<vmem>>, vector<16xf32>,
        tpu.vector_store %arg13[%swap3A_1334], %broadcast_in_dim3A_1105 {strides = array<i32>} : memref<32768xf32, #tpu.memory_space<vmem>>, vector<16xf32>,
        %add3A_1336 = arith.constant 320 : i32
        %add3A_1337 = arith.addi %mul3A_1255, %add3A_1336 : i32
        %swap3A_1338 = arith.index_cast %add3A_1337 : i32 to index
        %swap3A_1339 = tpu.vector_load %arg13[%swap3A_1338] {strides = array<i32>} : memref<32768xf32, #tpu.memory_space<vmem>>, vector<16xf32>,
        tpu.vector_store %arg13[%swap3A_1338], %broadcast_in_dim3A_1105 {strides = array<i32>} : memref<32768xf32, #tpu.memory_space<vmem>>, vector<16xf32>,
        %add3A_1340 = arith.constant 336 : i32
        %add3A_1341 = arith.addi %mul3A_1255, %add3A_1340 : i32
        %swap3A_1342 = arith.index_cast %add3A_1341 : i32 to index
        %swap3A_1343 = tpu.vector_load %arg13[%swap3A_1342] {strides = array<i32>} : memref<32768xf32, #tpu.memory_space<vmem>>, vector<16xf32>,
        tpu.vector_store %arg13[%swap3A_1342], %broadcast_in_dim3A_1105 {strides = array<i32>} : memref<32768xf32, #tpu.memory_space<vmem>>, vector<16xf32>,
        %add3A_1344 = arith.constant 352 : i32
        %add3A_1345 = arith.addi %mul3A_1255, %add3A_1344 : i32
        %swap3A_1346 = arith.index_cast %add3A_1345 : i32 to index
        %swap3A_1347 = tpu.vector_load %arg13[%swap3A_1346] {strides = array<i32>} : memref<32768xf32, #tpu.memory_space<vmem>>, vector<16xf32>,
        tpu.vector_store %arg13[%swap3A_1346], %broadcast_in_dim3A_1105 {strides = array<i32>} : memref<32768xf32, #tpu.memory_space<vmem>>, vector<16xf32>,
        %add3A_1348 = arith.constant 368 : i32
        %add3A_1349 = arith.addi %mul3A_1255, %add3A_1348 : i32
        %swap3A_1350 = arith.index_cast %add3A_1349 : i32 to index
        %swap3A_1351 = tpu.vector_load %arg13[%swap3A_1350] {strides = array<i32>} : memref<32768xf32, #tpu.memory_space<vmem>>, vector<16xf32>,
        tpu.vector_store %arg13[%swap3A_1350], %broadcast_in_dim3A_1105 {strides = array<i32>} : memref<32768xf32, #tpu.memory_space<vmem>>, vector<16xf32>,
        %add3A_1352 = arith.constant 384 : i32
        %add3A_1353 = arith.addi %mul3A_1255, %add3A_1352 : i32
        %swap3A_1354 = arith.index_cast %add3A_1353 : i32 to index
        %swap3A_1355 = tpu.vector_load %arg13[%swap3A_1354] {strides = array<i32>} : memref<32768xf32, #tpu.memory_space<vmem>>, vector<16xf32>,
        tpu.vector_store %arg13[%swap3A_1354], %broadcast_in_dim3A_1105 {strides = array<i32>} : memref<32768xf32, #tpu.memory_space<vmem>>, vector<16xf32>,
        %add3A_1356 = arith.constant 400 : i32
        %add3A_1357 = arith.addi %mul3A_1255, %add3A_1356 : i32
        %swap3A_1358 = arith.index_cast %add3A_1357 : i32 to index
        %swap3A_1359 = tpu.vector_load %arg13[%swap3A_1358] {strides = array<i32>} : memref<32768xf32, #tpu.memory_space<vmem>>, vector<16xf32>,
        tpu.vector_store %arg13[%swap3A_1358], %broadcast_in_dim3A_1105 {strides = array<i32>} : memref<32768xf32, #tpu.memory_space<vmem>>, vector<16xf32>,
        %add3A_1360 = arith.constant 416 : i32
        %add3A_1361 = arith.addi %mul3A_1255, %add3A_1360 : i32
        %swap3A_1362 = arith.index_cast %add3A_1361 : i32 to index
        %swap3A_1363 = tpu.vector_load %arg13[%swap3A_1362] {strides = array<i32>} : memref<32768xf32, #tpu.memory_space<vmem>>, vector<16xf32>,
        tpu.vector_store %arg13[%swap3A_1362], %broadcast_in_dim3A_1105 {strides = array<i32>} : memref<32768xf32, #tpu.memory_space<vmem>>, vector<16xf32>,
        %add3A_1364 = arith.constant 432 : i32
        %add3A_1365 = arith.addi %mul3A_1255, %add3A_1364 : i32
        %swap3A_1366 = arith.index_cast %add3A_1365 : i32 to index
        %swap3A_1367 = tpu.vector_load %arg13[%swap3A_1366] {strides = array<i32>} : memref<32768xf32, #tpu.memory_space<vmem>>, vector<16xf32>,
        tpu.vector_store %arg13[%swap3A_1366], %broadcast_in_dim3A_1105 {strides = array<i32>} : memref<32768xf32, #tpu.memory_space<vmem>>, vector<16xf32>,
        %add3A_1368 = arith.constant 448 : i32
        %add3A_1369 = arith.addi %mul3A_1255, %add3A_1368 : i32
        %swap3A_1370 = arith.index_cast %add3A_1369 : i32 to index
        %swap3A_1371 = tpu.vector_load %arg13[%swap3A_1370] {strides = array<i32>} : memref<32768xf32, #tpu.memory_space<vmem>>, vector<16xf32>,
        tpu.vector_store %arg13[%swap3A_1370], %broadcast_in_dim3A_1105 {strides = array<i32>} : memref<32768xf32, #tpu.memory_space<vmem>>, vector<16xf32>,
        %add3A_1372 = arith.constant 464 : i32
        %add3A_1373 = arith.addi %mul3A_1255, %add3A_1372 : i32
        %swap3A_1374 = arith.index_cast %add3A_1373 : i32 to index
        %swap3A_1375 = tpu.vector_load %arg13[%swap3A_1374] {strides = array<i32>} : memref<32768xf32, #tpu.memory_space<vmem>>, vector<16xf32>,
        tpu.vector_store %arg13[%swap3A_1374], %broadcast_in_dim3A_1105 {strides = array<i32>} : memref<32768xf32, #tpu.memory_space<vmem>>, vector<16xf32>,
        %add3A_1376 = arith.constant 480 : i32
        %add3A_1377 = arith.addi %mul3A_1255, %add3A_1376 : i32
        %swap3A_1378 = arith.index_cast %add3A_1377 : i32 to index
        %swap3A_1379 = tpu.vector_load %arg13[%swap3A_1378] {strides = array<i32>} : memref<32768xf32, #tpu.memory_space<vmem>>, vector<16xf32>,
        tpu.vector_store %arg13[%swap3A_1378], %broadcast_in_dim3A_1105 {strides = array<i32>} : memref<32768xf32, #tpu.memory_space<vmem>>, vector<16xf32>,
        %add3A_1380 = arith.constant 496 : i32
        %add3A_1381 = arith.addi %mul3A_1255, %add3A_1380 : i32
        %swap3A_1382 = arith.index_cast %add3A_1381 : i32 to index
        %swap3A_1383 = tpu.vector_load %arg13[%swap3A_1382] {strides = array<i32>} : memref<32768xf32, #tpu.memory_space<vmem>>, vector<16xf32>,
        tpu.vector_store %arg13[%swap3A_1382], %broadcast_in_dim3A_1105 {strides = array<i32>} : memref<32768xf32, #tpu.memory_space<vmem>>, vector<16xf32>,
        %scan3A_1384 = arith.constant 0 : i32
        scf.yield %scan3A_1384 : i32
      }
      %scan3A_1147 = arith.constant 64 : i32
      %jit3A_1148 = arith.constant 16 : i32
      %div3A_1149 = arith.divsi %reduce_max3A_1128, %jit3A_1148 : i32
      %sign3A_1150 = arith.constant 0 : i32
      %sign3A_1151 = arith.cmpi sgt, %reduce_max3A_1128, %sign3A_1150 : i32
      %sign3A_1152 = arith.extui %sign3A_1151 : i1 to i32
      %sign3A_1153 = arith.constant 0 : i32
      %sign3A_1154 = arith.cmpi slt, %reduce_max3A_1128, %sign3A_1153 : i32
      %sign3A_1155 = arith.extui %sign3A_1154 : i1 to i32
      %sign3A_1156 = arith.subi %sign3A_1152, %sign3A_1155 : i32
      %sign3A_1157 = arith.constant 0 : i32
      %sign3A_1158 = arith.cmpi sgt, %jit3A_1148, %sign3A_1157 : i32
      %sign3A_1159 = arith.extui %sign3A_1158 : i1 to i32
      %sign3A_1160 = arith.constant 0 : i32
      %sign3A_1161 = arith.cmpi slt, %jit3A_1148, %sign3A_1160 : i32
      %sign3A_1162 = arith.extui %sign3A_1161 : i1 to i32
      %sign3A_1163 = arith.subi %sign3A_1159, %sign3A_1162 : i32
      %ne3A_1164 = arith.cmpi ne, %sign3A_1156, %sign3A_1163 : i32
      %rem3A_1165 = arith.remsi %reduce_max3A_1128, %jit3A_1148 : i32
      %ne3A_1166 = arith.constant 0 : i32
      %ne3A_1167 = arith.cmpi ne, %rem3A_1165, %ne3A_1166 : i32
      %and3A_1168 = arith.andi %ne3A_1164, %ne3A_1167 : i1
      %sub3A_1169 = arith.constant 1 : i32
      %sub3A_1170 = arith.subi %div3A_1149, %sub3A_1169 : i32
      %select_n3A_1171 = arith.select %and3A_1168, %sub3A_1170, %div3A_1149 : i32
      %mul3A_1172 = arith.constant 16 : i32
      %mul3A_1173 = arith.muli %select_n3A_1171, %mul3A_1172 : i32
      %sub3A_1174 = arith.subi %reduce_max3A_1140, %mul3A_1173 : i32
      %add3A_1175 = arith.constant 512 : i32
      %add3A_1176 = arith.addi %sub3A_1174, %add3A_1175 : i32
      %sub3A_1177 = arith.constant 1 : i32
      %sub3A_1178 = arith.subi %add3A_1176, %sub3A_1177 : i32
      %jit3A_1179 = arith.constant 512 : i32
      %div3A_1180 = arith.divsi %sub3A_1178, %jit3A_1179 : i32
      %sign3A_1181 = arith.constant 0 : i32
      %sign3A_1182 = arith.cmpi sgt, %sub3A_1178, %sign3A_1181 : i32
      %sign3A_1183 = arith.extui %sign3A_1182 : i1 to i32
      %sign3A_1184 = arith.constant 0 : i32
      %sign3A_1185 = arith.cmpi slt, %sub3A_1178, %sign3A_1184 : i32
      %sign3A_1186 = arith.extui %sign3A_1185 : i1 to i32
      %sign3A_1187 = arith.subi %sign3A_1183, %sign3A_1186 : i32
      %sign3A_1188 = arith.constant 0 : i32
      %sign3A_1189 = arith.cmpi sgt, %jit3A_1179, %sign3A_1188 : i32
      %sign3A_1190 = arith.extui %sign3A_1189 : i1 to i32
      %sign3A_1191 = arith.constant 0 : i32
      %sign3A_1192 = arith.cmpi slt, %jit3A_1179, %sign3A_1191 : i32
      %sign3A_1193 = arith.extui %sign3A_1192 : i1 to i32
      %sign3A_1194 = arith.subi %sign3A_1190, %sign3A_1193 : i32
      %ne3A_1195 = arith.cmpi ne, %sign3A_1187, %sign3A_1194 : i32
      %rem3A_1196 = arith.remsi %sub3A_1178, %jit3A_1179 : i32
      %ne3A_1197 = arith.constant 0 : i32
      %ne3A_1198 = arith.cmpi ne, %rem3A_1196, %ne3A_1197 : i32
      %and3A_1199 = arith.andi %ne3A_1195, %ne3A_1198 : i1
      %sub3A_1200 = arith.constant 1 : i32
      %sub3A_1201 = arith.subi %div3A_1180, %sub3A_1200 : i32
      %select_n3A_1202 = arith.select %and3A_1199, %sub3A_1201, %div3A_1180 : i32
      %gt3A = arith.constant 0 : i32
      %gt3A_1203 = arith.cmpi sgt, %select_n3A_1202, %gt3A : i32
      %convert_element_type3A = arith.extui %gt3A_1203 : i1 to i32
      %cond3A = arith.constant 0 : i32
      %cond3A_1204 = arith.cmpi ne, %convert_element_type3A, %cond3A : i32
      scf.if %cond3A_1204 {
        %add3A_1252 = arith.constant 0 : i32
        %add3A_1253 = arith.addi %mul3A_1173, %add3A_1252 : i32
        %le3A = arith.constant 4192752 : i32
        %le3A_1254 = arith.cmpi sle, %add3A_1253, %le3A : i32
        %convert_element_type3A_1255 = arith.extui %le3A_1254 : i1 to i32
        %cond3A_1256 = arith.constant 0 : i32
        %cond3A_1257 = arith.cmpi ne, %convert_element_type3A_1255, %cond3A_1256 : i32
        scf.if %cond3A_1257 {
          %dma_start3A = tpu.memref_slice %arg2[%add3A_1253] : memref<4193280xi32, #tpu.memory_space<hbm>> -> memref<528xi32, #tpu.memory_space<hbm>>
          %dma_start3A_1263 = tpu.memref_slice %arg2[%add3A_1253] : memref<4193280xi32, #tpu.memory_space<hbm>> -> memref<528xi32, #tpu.memory_space<hbm>>
          tpu.enqueue_dma source(%dma_start3A_1263 : memref<528xi32, #tpu.memory_space<hbm>>) target(%arg9 : memref<528xi32, #tpu.memory_space<vmem>>) target_semaphore(%arg14 : memref<!tpu.dma_semaphore, #tpu.memory_space<semaphore_mem>>)
          %dma_start3A_1264 = tpu.memref_slice %arg3[%add3A_1253] : memref<4193280xf32, #tpu.memory_space<hbm>> -> memref<528xf32, #tpu.memory_space<hbm>>
          %dma_start3A_1265 = tpu.memref_slice %arg3[%add3A_1253] : memref<4193280xf32, #tpu.memory_space<hbm>> -> memref<528xf32, #tpu.memory_space<hbm>>
          tpu.enqueue_dma source(%dma_start3A_1265 : memref<528xf32, #tpu.memory_space<hbm>>) target(%arg11 : memref<528xf32, #tpu.memory_space<vmem>>) target_semaphore(%arg15 : memref<!tpu.dma_semaphore, #tpu.memory_space<semaphore_mem>>)
        } else {
        }
        %gt3A_1258 = arith.constant 4192752 : i32
        %gt3A_1259 = arith.cmpi sgt, %add3A_1253, %gt3A_1258 : i32
        %convert_element_type3A_1260 = arith.extui %gt3A_1259 : i1 to i32
        %cond3A_1261 = arith.constant 0 : i32
        %cond3A_1262 = arith.cmpi ne, %convert_element_type3A_1260, %cond3A_1261 : i32
        scf.if %cond3A_1262 {
          %sub3A_1263 = arith.constant 4192752 : i32
          %sub3A_1264 = arith.subi %add3A_1253, %sub3A_1263 : i32
          %dma_start3A = tpu.memref_slice %arg4[%sub3A_1264] : memref<1056xi32, #tpu.memory_space<hbm>> -> memref<528xi32, #tpu.memory_space<hbm>>
          %dma_start3A_1265 = tpu.memref_slice %arg4[%sub3A_1264] : memref<1056xi32, #tpu.memory_space<hbm>> -> memref<528xi32, #tpu.memory_space<hbm>>
          tpu.enqueue_dma source(%dma_start3A_1265 : memref<528xi32, #tpu.memory_space<hbm>>) target(%arg9 : memref<528xi32, #tpu.memory_space<vmem>>) target_semaphore(%arg14 : memref<!tpu.dma_semaphore, #tpu.memory_space<semaphore_mem>>)
          %dma_start3A_1266 = tpu.memref_slice %arg5[%sub3A_1264] : memref<1056xf32, #tpu.memory_space<hbm>> -> memref<528xf32, #tpu.memory_space<hbm>>
          %dma_start3A_1267 = tpu.memref_slice %arg5[%sub3A_1264] : memref<1056xf32, #tpu.memory_space<hbm>> -> memref<528xf32, #tpu.memory_space<hbm>>
          tpu.enqueue_dma source(%dma_start3A_1267 : memref<528xf32, #tpu.memory_space<hbm>>) target(%arg11 : memref<528xf32, #tpu.memory_space<vmem>>) target_semaphore(%arg15 : memref<!tpu.dma_semaphore, #tpu.memory_space<semaphore_mem>>)
        } else {
        }
      } else {
      }
      %add3A_1205 = arith.constant 1 : i32
      %add3A_1206 = arith.addi %select_n3A_1202, %add3A_1205 : i32
      %jit3A_1207 = arith.constant 2 : i32
      %div3A_1208 = arith.divsi %add3A_1206, %jit3A_1207 : i32
      %sign3A_1209 = arith.constant 0 : i32
      %sign3A_1210 = arith.cmpi sgt, %add3A_1206, %sign3A_1209 : i32
      %sign3A_1211 = arith.extui %sign3A_1210 : i1 to i32
      %sign3A_1212 = arith.constant 0 : i32
      %sign3A_1213 = arith.cmpi slt, %add3A_1206, %sign3A_1212 : i32
      %sign3A_1214 = arith.extui %sign3A_1213 : i1 to i32
      %sign3A_1215 = arith.subi %sign3A_1211, %sign3A_1214 : i32
      %sign3A_1216 = arith.constant 0 : i32
      %sign3A_1217 = arith.cmpi sgt, %jit3A_1207, %sign3A_1216 : i32
      %sign3A_1218 = arith.extui %sign3A_1217 : i1 to i32
      %sign3A_1219 = arith.constant 0 : i32
      %sign3A_1220 = arith.cmpi slt, %jit3A_1207, %sign3A_1219 : i32
      %sign3A_1221 = arith.extui %sign3A_1220 : i1 to i32
      %sign3A_1222 = arith.subi %sign3A_1218, %sign3A_1221 : i32
      %ne3A_1223 = arith.cmpi ne, %sign3A_1215, %sign3A_1222 : i32
      %rem3A_1224 = arith.remsi %add3A_1206, %jit3A_1207 : i32
      %ne3A_1225 = arith.constant 0 : i32
      %ne3A_1226 = arith.cmpi ne, %rem3A_1224, %ne3A_1225 : i32
      %and3A_1227 = arith.andi %ne3A_1223, %ne3A_1226 : i1
      %sub3A_1228 = arith.constant 1 : i32
      %sub3A_1229 = arith.subi %div3A_1208, %sub3A_1228 : i32
      %select_n3A_1230 = arith.select %and3A_1227, %sub3A_1229, %div3A_1208 : i32
      %while3A = arith.constant 0 : i32
      %while3A_1231 = arith.constant 0 : i32
      %while3A_1232 = arith.subi %select_n3A_1230, %while3A : i32
      %while3A_1233 = arith.addi %while3A, %while3A_1232 : i32
      %while3A_1234 = arith.constant 1 : i32
      %while3A_1235 = arith.divsi %while3A_1232, %while3A_1234 : i32
      %while3A_1236 = arith.muli %while3A_1235, %while3A_1234 : i32
      %while3A_1237 = arith.addi %while3A, %while3A_1236 : i32
      %while3A_1238 = arith.constant 1 : i32
      %while3A_1239 = scf.for %while3A_1252 = %while3A to %while3A_1237 step %while3A_1238 iter_args(%while3A_1253 = %while3A_1231) -> (i32)  : i32 {
        %mul3A_1254 = arith.constant 2 : i32
        %mul3A_1255 = arith.muli %mul3A_1254, %while3A_1252 : i32
        %add3A_1256 = arith.constant 1 : i32
        %add3A_1257 = arith.addi %mul3A_1255, %add3A_1256 : i32
        %lt3A_1258 = arith.cmpi slt, %add3A_1257, %select_n3A_1202 : i32
        %convert_element_type3A_1259 = arith.extui %lt3A_1258 : i1 to i32
        %cond3A_1260 = arith.constant 0 : i32
        %cond3A_1261 = arith.cmpi ne, %convert_element_type3A_1259, %cond3A_1260 : i32
        scf.if %cond3A_1261 {
          %add3A_1825 = arith.constant 1 : i32
          %add3A_1826 = arith.addi %mul3A_1255, %add3A_1825 : i32
          %mul3A_1827 = arith.constant 512 : i32
          %mul3A_1828 = arith.muli %add3A_1826, %mul3A_1827 : i32
          %add3A_1829 = arith.addi %mul3A_1173, %mul3A_1828 : i32
          %le3A = arith.constant 4192752 : i32
          %le3A_1830 = arith.cmpi sle, %add3A_1829, %le3A : i32
          %convert_element_type3A_1831 = arith.extui %le3A_1830 : i1 to i32
          %cond3A_1832 = arith.constant 0 : i32
          %cond3A_1833 = arith.cmpi ne, %convert_element_type3A_1831, %cond3A_1832 : i32
          scf.if %cond3A_1833 {
            %dma_start3A = tpu.memref_slice %arg2[%add3A_1829] : memref<4193280xi32, #tpu.memory_space<hbm>> -> memref<528xi32, #tpu.memory_space<hbm>>
            %dma_start3A_1839 = tpu.memref_slice %arg2[%add3A_1829] : memref<4193280xi32, #tpu.memory_space<hbm>> -> memref<528xi32, #tpu.memory_space<hbm>>
            tpu.enqueue_dma source(%dma_start3A_1839 : memref<528xi32, #tpu.memory_space<hbm>>) target(%arg10 : memref<528xi32, #tpu.memory_space<vmem>>) target_semaphore(%arg16 : memref<!tpu.dma_semaphore, #tpu.memory_space<semaphore_mem>>)
            %dma_start3A_1840 = tpu.memref_slice %arg3[%add3A_1829] : memref<4193280xf32, #tpu.memory_space<hbm>> -> memref<528xf32, #tpu.memory_space<hbm>>
            %dma_start3A_1841 = tpu.memref_slice %arg3[%add3A_1829] : memref<4193280xf32, #tpu.memory_space<hbm>> -> memref<528xf32, #tpu.memory_space<hbm>>
            tpu.enqueue_dma source(%dma_start3A_1841 : memref<528xf32, #tpu.memory_space<hbm>>) target(%arg12 : memref<528xf32, #tpu.memory_space<vmem>>) target_semaphore(%arg17 : memref<!tpu.dma_semaphore, #tpu.memory_space<semaphore_mem>>)
          } else {
          }
          %gt3A_1834 = arith.constant 4192752 : i32
          %gt3A_1835 = arith.cmpi sgt, %add3A_1829, %gt3A_1834 : i32
          %convert_element_type3A_1836 = arith.extui %gt3A_1835 : i1 to i32
          %cond3A_1837 = arith.constant 0 : i32
          %cond3A_1838 = arith.cmpi ne, %convert_element_type3A_1836, %cond3A_1837 : i32
          scf.if %cond3A_1838 {
            %sub3A_1839 = arith.constant 4192752 : i32
            %sub3A_1840 = arith.subi %add3A_1829, %sub3A_1839 : i32
            %dma_start3A = tpu.memref_slice %arg4[%sub3A_1840] : memref<1056xi32, #tpu.memory_space<hbm>> -> memref<528xi32, #tpu.memory_space<hbm>>
            %dma_start3A_1841 = tpu.memref_slice %arg4[%sub3A_1840] : memref<1056xi32, #tpu.memory_space<hbm>> -> memref<528xi32, #tpu.memory_space<hbm>>
            tpu.enqueue_dma source(%dma_start3A_1841 : memref<528xi32, #tpu.memory_space<hbm>>) target(%arg10 : memref<528xi32, #tpu.memory_space<vmem>>) target_semaphore(%arg16 : memref<!tpu.dma_semaphore, #tpu.memory_space<semaphore_mem>>)
            %dma_start3A_1842 = tpu.memref_slice %arg5[%sub3A_1840] : memref<1056xf32, #tpu.memory_space<hbm>> -> memref<528xf32, #tpu.memory_space<hbm>>
            %dma_start3A_1843 = tpu.memref_slice %arg5[%sub3A_1840] : memref<1056xf32, #tpu.memory_space<hbm>> -> memref<528xf32, #tpu.memory_space<hbm>>
            tpu.enqueue_dma source(%dma_start3A_1843 : memref<528xf32, #tpu.memory_space<hbm>>) target(%arg12 : memref<528xf32, #tpu.memory_space<vmem>>) target_semaphore(%arg17 : memref<!tpu.dma_semaphore, #tpu.memory_space<semaphore_mem>>)
          } else {
          }
        } else {
        }
        %dma_wait3A = arith.constant 0 : i32
        %dma_wait3A_1262 = tpu.memref_slice %arg2[%dma_wait3A] : memref<4193280xi32, #tpu.memory_space<hbm>> -> memref<528xi32, #tpu.memory_space<hbm>>
        %dma_wait3A_1263 = arith.constant 0 : i32
        %dma_wait3A_1264 = tpu.memref_slice %arg2[%dma_wait3A_1263] : memref<4193280xi32, #tpu.memory_space<hbm>> -> memref<528xi32, #tpu.memory_space<hbm>>
        tpu.wait_dma2 semaphore(%arg14 : memref<!tpu.dma_semaphore, #tpu.memory_space<semaphore_mem>>) src(%dma_wait3A_1264 : memref<528xi32, #tpu.memory_space<hbm>>) dst(%arg9 : memref<528xi32, #tpu.memory_space<vmem>>)
        %dma_wait3A_1265 = arith.constant 0 : i32
        %dma_wait3A_1266 = tpu.memref_slice %arg3[%dma_wait3A_1265] : memref<4193280xf32, #tpu.memory_space<hbm>> -> memref<528xf32, #tpu.memory_space<hbm>>
        %dma_wait3A_1267 = arith.constant 0 : i32
        %dma_wait3A_1268 = tpu.memref_slice %arg3[%dma_wait3A_1267] : memref<4193280xf32, #tpu.memory_space<hbm>> -> memref<528xf32, #tpu.memory_space<hbm>>
        tpu.wait_dma2 semaphore(%arg15 : memref<!tpu.dma_semaphore, #tpu.memory_space<semaphore_mem>>) src(%dma_wait3A_1268 : memref<528xf32, #tpu.memory_space<hbm>>) dst(%arg11 : memref<528xf32, #tpu.memory_space<vmem>>)
        %get3A_1269 = arith.constant 0 : index
        %get3A_1270 = tpu.vector_load %arg9[%get3A_1269] {strides = array<i32>} : memref<528xi32, #tpu.memory_space<vmem>>, vector<16xi32>,
        %get3A_1271 = arith.constant 0 : index
        %get3A_1272 = tpu.vector_load %arg11[%get3A_1271] {strides = array<i32>} : memref<528xf32, #tpu.memory_space<vmem>>, vector<16xf32>,
        %add3A_1273 = arith.constant 1 : i32
        %add3A_1274 = vector.broadcast %add3A_1273 : i32 to vector<16xi32>
        %add3A_1275 = arith.addi %iota3A, %add3A_1274 : vector<16xi32>
        %gather3A_1276 = tpu.vector_load_idx %arg9[%add3A_1275] : memref<528xi32, #tpu.memory_space<vmem>>[vector<16xi32>], vector<16xi32>,
        %ge3A = vector.broadcast %mul3A_1118 : i32 to vector<16xi32>
        %ge3A_1277 = arith.cmpi sge, %get3A_1270, %ge3A : vector<16xi32>
        %lt3A_1278 = vector.broadcast %add3A_1120 : i32 to vector<16xi32>
        %lt3A_1279 = arith.cmpi slt, %get3A_1270, %lt3A_1278 : vector<16xi32>
        %and3A_1280 = arith.andi %ge3A_1277, %lt3A_1279 : vector<16xi1>
        %ne3A_1281 = arith.cmpi ne, %get3A_1270, %gather3A_1276 : vector<16xi32>
        %and3A_1282 = arith.andi %and3A_1280, %ne3A_1281 : vector<16xi1>
        %sub3A_1283 = vector.broadcast %mul3A_1118 : i32 to vector<16xi32>
        %sub3A_1284 = arith.subi %get3A_1270, %sub3A_1283 : vector<16xi32>
        tpu.vector_store_idx %arg13[%sub3A_1284], %get3A_1272 masked %and3A_1282 : memref<32768xf32, #tpu.memory_space<vmem>>[vector<16xi32>], vector<16xf32>, vector<16xi1>
        %get3A_1285 = arith.constant 16 : index
        %get3A_1286 = tpu.vector_load %arg9[%get3A_1285] {strides = array<i32>} : memref<528xi32, #tpu.memory_space<vmem>>, vector<16xi32>,
        %get3A_1287 = arith.constant 16 : index
        %get3A_1288 = tpu.vector_load %arg11[%get3A_1287] {strides = array<i32>} : memref<528xf32, #tpu.memory_space<vmem>>, vector<16xf32>,
        %add3A_1289 = arith.constant 17 : i32
        %add3A_1290 = vector.broadcast %add3A_1289 : i32 to vector<16xi32>
        %add3A_1291 = arith.addi %iota3A, %add3A_1290 : vector<16xi32>
        %gather3A_1292 = tpu.vector_load_idx %arg9[%add3A_1291] : memref<528xi32, #tpu.memory_space<vmem>>[vector<16xi32>], vector<16xi32>,
        %ge3A_1293 = vector.broadcast %mul3A_1118 : i32 to vector<16xi32>
        %ge3A_1294 = arith.cmpi sge, %get3A_1286, %ge3A_1293 : vector<16xi32>
        %lt3A_1295 = vector.broadcast %add3A_1120 : i32 to vector<16xi32>
        %lt3A_1296 = arith.cmpi slt, %get3A_1286, %lt3A_1295 : vector<16xi32>
        %and3A_1297 = arith.andi %ge3A_1294, %lt3A_1296 : vector<16xi1>
        %ne3A_1298 = arith.cmpi ne, %get3A_1286, %gather3A_1292 : vector<16xi32>
        %and3A_1299 = arith.andi %and3A_1297, %ne3A_1298 : vector<16xi1>
        %sub3A_1300 = vector.broadcast %mul3A_1118 : i32 to vector<16xi32>
        %sub3A_1301 = arith.subi %get3A_1286, %sub3A_1300 : vector<16xi32>
        tpu.vector_store_idx %arg13[%sub3A_1301], %get3A_1288 masked %and3A_1299 : memref<32768xf32, #tpu.memory_space<vmem>>[vector<16xi32>], vector<16xf32>, vector<16xi1>
        %get3A_1302 = arith.constant 32 : index
        %get3A_1303 = tpu.vector_load %arg9[%get3A_1302] {strides = array<i32>} : memref<528xi32, #tpu.memory_space<vmem>>, vector<16xi32>,
        %get3A_1304 = arith.constant 32 : index
        %get3A_1305 = tpu.vector_load %arg11[%get3A_1304] {strides = array<i32>} : memref<528xf32, #tpu.memory_space<vmem>>, vector<16xf32>,
        %add3A_1306 = arith.constant 33 : i32
        %add3A_1307 = vector.broadcast %add3A_1306 : i32 to vector<16xi32>
        %add3A_1308 = arith.addi %iota3A, %add3A_1307 : vector<16xi32>
        %gather3A_1309 = tpu.vector_load_idx %arg9[%add3A_1308] : memref<528xi32, #tpu.memory_space<vmem>>[vector<16xi32>], vector<16xi32>,
        %ge3A_1310 = vector.broadcast %mul3A_1118 : i32 to vector<16xi32>
        %ge3A_1311 = arith.cmpi sge, %get3A_1303, %ge3A_1310 : vector<16xi32>
        %lt3A_1312 = vector.broadcast %add3A_1120 : i32 to vector<16xi32>
        %lt3A_1313 = arith.cmpi slt, %get3A_1303, %lt3A_1312 : vector<16xi32>
        %and3A_1314 = arith.andi %ge3A_1311, %lt3A_1313 : vector<16xi1>
        %ne3A_1315 = arith.cmpi ne, %get3A_1303, %gather3A_1309 : vector<16xi32>
        %and3A_1316 = arith.andi %and3A_1314, %ne3A_1315 : vector<16xi1>
        %sub3A_1317 = vector.broadcast %mul3A_1118 : i32 to vector<16xi32>
        %sub3A_1318 = arith.subi %get3A_1303, %sub3A_1317 : vector<16xi32>
        tpu.vector_store_idx %arg13[%sub3A_1318], %get3A_1305 masked %and3A_1316 : memref<32768xf32, #tpu.memory_space<vmem>>[vector<16xi32>], vector<16xf32>, vector<16xi1>
        %get3A_1319 = arith.constant 48 : index
        %get3A_1320 = tpu.vector_load %arg9[%get3A_1319] {strides = array<i32>} : memref<528xi32, #tpu.memory_space<vmem>>, vector<16xi32>,
        %get3A_1321 = arith.constant 48 : index
        %get3A_1322 = tpu.vector_load %arg11[%get3A_1321] {strides = array<i32>} : memref<528xf32, #tpu.memory_space<vmem>>, vector<16xf32>,
        %add3A_1323 = arith.constant 49 : i32
        %add3A_1324 = vector.broadcast %add3A_1323 : i32 to vector<16xi32>
        %add3A_1325 = arith.addi %iota3A, %add3A_1324 : vector<16xi32>
        %gather3A_1326 = tpu.vector_load_idx %arg9[%add3A_1325] : memref<528xi32, #tpu.memory_space<vmem>>[vector<16xi32>], vector<16xi32>,
        %ge3A_1327 = vector.broadcast %mul3A_1118 : i32 to vector<16xi32>
        %ge3A_1328 = arith.cmpi sge, %get3A_1320, %ge3A_1327 : vector<16xi32>
        %lt3A_1329 = vector.broadcast %add3A_1120 : i32 to vector<16xi32>
        %lt3A_1330 = arith.cmpi slt, %get3A_1320, %lt3A_1329 : vector<16xi32>
        %and3A_1331 = arith.andi %ge3A_1328, %lt3A_1330 : vector<16xi1>
        %ne3A_1332 = arith.cmpi ne, %get3A_1320, %gather3A_1326 : vector<16xi32>
        %and3A_1333 = arith.andi %and3A_1331, %ne3A_1332 : vector<16xi1>
        %sub3A_1334 = vector.broadcast %mul3A_1118 : i32 to vector<16xi32>
        %sub3A_1335 = arith.subi %get3A_1320, %sub3A_1334 : vector<16xi32>
        tpu.vector_store_idx %arg13[%sub3A_1335], %get3A_1322 masked %and3A_1333 : memref<32768xf32, #tpu.memory_space<vmem>>[vector<16xi32>], vector<16xf32>, vector<16xi1>
        %get3A_1336 = arith.constant 64 : index
        %get3A_1337 = tpu.vector_load %arg9[%get3A_1336] {strides = array<i32>} : memref<528xi32, #tpu.memory_space<vmem>>, vector<16xi32>,
        %get3A_1338 = arith.constant 64 : index
        %get3A_1339 = tpu.vector_load %arg11[%get3A_1338] {strides = array<i32>} : memref<528xf32, #tpu.memory_space<vmem>>, vector<16xf32>,
        %add3A_1340 = arith.constant 65 : i32
        %add3A_1341 = vector.broadcast %add3A_1340 : i32 to vector<16xi32>
        %add3A_1342 = arith.addi %iota3A, %add3A_1341 : vector<16xi32>
        %gather3A_1343 = tpu.vector_load_idx %arg9[%add3A_1342] : memref<528xi32, #tpu.memory_space<vmem>>[vector<16xi32>], vector<16xi32>,
        %ge3A_1344 = vector.broadcast %mul3A_1118 : i32 to vector<16xi32>
        %ge3A_1345 = arith.cmpi sge, %get3A_1337, %ge3A_1344 : vector<16xi32>
        %lt3A_1346 = vector.broadcast %add3A_1120 : i32 to vector<16xi32>
        %lt3A_1347 = arith.cmpi slt, %get3A_1337, %lt3A_1346 : vector<16xi32>
        %and3A_1348 = arith.andi %ge3A_1345, %lt3A_1347 : vector<16xi1>
        %ne3A_1349 = arith.cmpi ne, %get3A_1337, %gather3A_1343 : vector<16xi32>
        %and3A_1350 = arith.andi %and3A_1348, %ne3A_1349 : vector<16xi1>
        %sub3A_1351 = vector.broadcast %mul3A_1118 : i32 to vector<16xi32>
        %sub3A_1352 = arith.subi %get3A_1337, %sub3A_1351 : vector<16xi32>
        tpu.vector_store_idx %arg13[%sub3A_1352], %get3A_1339 masked %and3A_1350 : memref<32768xf32, #tpu.memory_space<vmem>>[vector<16xi32>], vector<16xf32>, vector<16xi1>
        %get3A_1353 = arith.constant 80 : index
        %get3A_1354 = tpu.vector_load %arg9[%get3A_1353] {strides = array<i32>} : memref<528xi32, #tpu.memory_space<vmem>>, vector<16xi32>,
        %get3A_1355 = arith.constant 80 : index
        %get3A_1356 = tpu.vector_load %arg11[%get3A_1355] {strides = array<i32>} : memref<528xf32, #tpu.memory_space<vmem>>, vector<16xf32>,
        %add3A_1357 = arith.constant 81 : i32
        %add3A_1358 = vector.broadcast %add3A_1357 : i32 to vector<16xi32>
        %add3A_1359 = arith.addi %iota3A, %add3A_1358 : vector<16xi32>
        %gather3A_1360 = tpu.vector_load_idx %arg9[%add3A_1359] : memref<528xi32, #tpu.memory_space<vmem>>[vector<16xi32>], vector<16xi32>,
        %ge3A_1361 = vector.broadcast %mul3A_1118 : i32 to vector<16xi32>
        %ge3A_1362 = arith.cmpi sge, %get3A_1354, %ge3A_1361 : vector<16xi32>
        %lt3A_1363 = vector.broadcast %add3A_1120 : i32 to vector<16xi32>
        %lt3A_1364 = arith.cmpi slt, %get3A_1354, %lt3A_1363 : vector<16xi32>
        %and3A_1365 = arith.andi %ge3A_1362, %lt3A_1364 : vector<16xi1>
        %ne3A_1366 = arith.cmpi ne, %get3A_1354, %gather3A_1360 : vector<16xi32>
        %and3A_1367 = arith.andi %and3A_1365, %ne3A_1366 : vector<16xi1>
        %sub3A_1368 = vector.broadcast %mul3A_1118 : i32 to vector<16xi32>
        %sub3A_1369 = arith.subi %get3A_1354, %sub3A_1368 : vector<16xi32>
        tpu.vector_store_idx %arg13[%sub3A_1369], %get3A_1356 masked %and3A_1367 : memref<32768xf32, #tpu.memory_space<vmem>>[vector<16xi32>], vector<16xf32>, vector<16xi1>
        %get3A_1370 = arith.constant 96 : index
        %get3A_1371 = tpu.vector_load %arg9[%get3A_1370] {strides = array<i32>} : memref<528xi32, #tpu.memory_space<vmem>>, vector<16xi32>,
        %get3A_1372 = arith.constant 96 : index
        %get3A_1373 = tpu.vector_load %arg11[%get3A_1372] {strides = array<i32>} : memref<528xf32, #tpu.memory_space<vmem>>, vector<16xf32>,
        %add3A_1374 = arith.constant 97 : i32
        %add3A_1375 = vector.broadcast %add3A_1374 : i32 to vector<16xi32>
        %add3A_1376 = arith.addi %iota3A, %add3A_1375 : vector<16xi32>
        %gather3A_1377 = tpu.vector_load_idx %arg9[%add3A_1376] : memref<528xi32, #tpu.memory_space<vmem>>[vector<16xi32>], vector<16xi32>,
        %ge3A_1378 = vector.broadcast %mul3A_1118 : i32 to vector<16xi32>
        %ge3A_1379 = arith.cmpi sge, %get3A_1371, %ge3A_1378 : vector<16xi32>
        %lt3A_1380 = vector.broadcast %add3A_1120 : i32 to vector<16xi32>
        %lt3A_1381 = arith.cmpi slt, %get3A_1371, %lt3A_1380 : vector<16xi32>
        %and3A_1382 = arith.andi %ge3A_1379, %lt3A_1381 : vector<16xi1>
        %ne3A_1383 = arith.cmpi ne, %get3A_1371, %gather3A_1377 : vector<16xi32>
        %and3A_1384 = arith.andi %and3A_1382, %ne3A_1383 : vector<16xi1>
        %sub3A_1385 = vector.broadcast %mul3A_1118 : i32 to vector<16xi32>
        %sub3A_1386 = arith.subi %get3A_1371, %sub3A_1385 : vector<16xi32>
        tpu.vector_store_idx %arg13[%sub3A_1386], %get3A_1373 masked %and3A_1384 : memref<32768xf32, #tpu.memory_space<vmem>>[vector<16xi32>], vector<16xf32>, vector<16xi1>
        %get3A_1387 = arith.constant 112 : index
        %get3A_1388 = tpu.vector_load %arg9[%get3A_1387] {strides = array<i32>} : memref<528xi32, #tpu.memory_space<vmem>>, vector<16xi32>,
        %get3A_1389 = arith.constant 112 : index
        %get3A_1390 = tpu.vector_load %arg11[%get3A_1389] {strides = array<i32>} : memref<528xf32, #tpu.memory_space<vmem>>, vector<16xf32>,
        %add3A_1391 = arith.constant 113 : i32
        %add3A_1392 = vector.broadcast %add3A_1391 : i32 to vector<16xi32>
        %add3A_1393 = arith.addi %iota3A, %add3A_1392 : vector<16xi32>
        %gather3A_1394 = tpu.vector_load_idx %arg9[%add3A_1393] : memref<528xi32, #tpu.memory_space<vmem>>[vector<16xi32>], vector<16xi32>,
        %ge3A_1395 = vector.broadcast %mul3A_1118 : i32 to vector<16xi32>
        %ge3A_1396 = arith.cmpi sge, %get3A_1388, %ge3A_1395 : vector<16xi32>
        %lt3A_1397 = vector.broadcast %add3A_1120 : i32 to vector<16xi32>
        %lt3A_1398 = arith.cmpi slt, %get3A_1388, %lt3A_1397 : vector<16xi32>
        %and3A_1399 = arith.andi %ge3A_1396, %lt3A_1398 : vector<16xi1>
        %ne3A_1400 = arith.cmpi ne, %get3A_1388, %gather3A_1394 : vector<16xi32>
        %and3A_1401 = arith.andi %and3A_1399, %ne3A_1400 : vector<16xi1>
        %sub3A_1402 = vector.broadcast %mul3A_1118 : i32 to vector<16xi32>
        %sub3A_1403 = arith.subi %get3A_1388, %sub3A_1402 : vector<16xi32>
        tpu.vector_store_idx %arg13[%sub3A_1403], %get3A_1390 masked %and3A_1401 : memref<32768xf32, #tpu.memory_space<vmem>>[vector<16xi32>], vector<16xf32>, vector<16xi1>
        %get3A_1404 = arith.constant 128 : index
        %get3A_1405 = tpu.vector_load %arg9[%get3A_1404] {strides = array<i32>} : memref<528xi32, #tpu.memory_space<vmem>>, vector<16xi32>,
        %get3A_1406 = arith.constant 128 : index
        %get3A_1407 = tpu.vector_load %arg11[%get3A_1406] {strides = array<i32>} : memref<528xf32, #tpu.memory_space<vmem>>, vector<16xf32>,
        %add3A_1408 = arith.constant 129 : i32
        %add3A_1409 = vector.broadcast %add3A_1408 : i32 to vector<16xi32>
        %add3A_1410 = arith.addi %iota3A, %add3A_1409 : vector<16xi32>
        %gather3A_1411 = tpu.vector_load_idx %arg9[%add3A_1410] : memref<528xi32, #tpu.memory_space<vmem>>[vector<16xi32>], vector<16xi32>,
        %ge3A_1412 = vector.broadcast %mul3A_1118 : i32 to vector<16xi32>
        %ge3A_1413 = arith.cmpi sge, %get3A_1405, %ge3A_1412 : vector<16xi32>
        %lt3A_1414 = vector.broadcast %add3A_1120 : i32 to vector<16xi32>
        %lt3A_1415 = arith.cmpi slt, %get3A_1405, %lt3A_1414 : vector<16xi32>
        %and3A_1416 = arith.andi %ge3A_1413, %lt3A_1415 : vector<16xi1>
        %ne3A_1417 = arith.cmpi ne, %get3A_1405, %gather3A_1411 : vector<16xi32>
        %and3A_1418 = arith.andi %and3A_1416, %ne3A_1417 : vector<16xi1>
        %sub3A_1419 = vector.broadcast %mul3A_1118 : i32 to vector<16xi32>
        %sub3A_1420 = arith.subi %get3A_1405, %sub3A_1419 : vector<16xi32>
        tpu.vector_store_idx %arg13[%sub3A_1420], %get3A_1407 masked %and3A_1418 : memref<32768xf32, #tpu.memory_space<vmem>>[vector<16xi32>], vector<16xf32>, vector<16xi1>
        %get3A_1421 = arith.constant 144 : index
        %get3A_1422 = tpu.vector_load %arg9[%get3A_1421] {strides = array<i32>} : memref<528xi32, #tpu.memory_space<vmem>>, vector<16xi32>,
        %get3A_1423 = arith.constant 144 : index
        %get3A_1424 = tpu.vector_load %arg11[%get3A_1423] {strides = array<i32>} : memref<528xf32, #tpu.memory_space<vmem>>, vector<16xf32>,
        %add3A_1425 = arith.constant 145 : i32
        %add3A_1426 = vector.broadcast %add3A_1425 : i32 to vector<16xi32>
        %add3A_1427 = arith.addi %iota3A, %add3A_1426 : vector<16xi32>
        %gather3A_1428 = tpu.vector_load_idx %arg9[%add3A_1427] : memref<528xi32, #tpu.memory_space<vmem>>[vector<16xi32>], vector<16xi32>,
        %ge3A_1429 = vector.broadcast %mul3A_1118 : i32 to vector<16xi32>
        %ge3A_1430 = arith.cmpi sge, %get3A_1422, %ge3A_1429 : vector<16xi32>
        %lt3A_1431 = vector.broadcast %add3A_1120 : i32 to vector<16xi32>
        %lt3A_1432 = arith.cmpi slt, %get3A_1422, %lt3A_1431 : vector<16xi32>
        %and3A_1433 = arith.andi %ge3A_1430, %lt3A_1432 : vector<16xi1>
        %ne3A_1434 = arith.cmpi ne, %get3A_1422, %gather3A_1428 : vector<16xi32>
        %and3A_1435 = arith.andi %and3A_1433, %ne3A_1434 : vector<16xi1>
        %sub3A_1436 = vector.broadcast %mul3A_1118 : i32 to vector<16xi32>
        %sub3A_1437 = arith.subi %get3A_1422, %sub3A_1436 : vector<16xi32>
        tpu.vector_store_idx %arg13[%sub3A_1437], %get3A_1424 masked %and3A_1435 : memref<32768xf32, #tpu.memory_space<vmem>>[vector<16xi32>], vector<16xf32>, vector<16xi1>
        %get3A_1438 = arith.constant 160 : index
        %get3A_1439 = tpu.vector_load %arg9[%get3A_1438] {strides = array<i32>} : memref<528xi32, #tpu.memory_space<vmem>>, vector<16xi32>,
        %get3A_1440 = arith.constant 160 : index
        %get3A_1441 = tpu.vector_load %arg11[%get3A_1440] {strides = array<i32>} : memref<528xf32, #tpu.memory_space<vmem>>, vector<16xf32>,
        %add3A_1442 = arith.constant 161 : i32
        %add3A_1443 = vector.broadcast %add3A_1442 : i32 to vector<16xi32>
        %add3A_1444 = arith.addi %iota3A, %add3A_1443 : vector<16xi32>
        %gather3A_1445 = tpu.vector_load_idx %arg9[%add3A_1444] : memref<528xi32, #tpu.memory_space<vmem>>[vector<16xi32>], vector<16xi32>,
        %ge3A_1446 = vector.broadcast %mul3A_1118 : i32 to vector<16xi32>
        %ge3A_1447 = arith.cmpi sge, %get3A_1439, %ge3A_1446 : vector<16xi32>
        %lt3A_1448 = vector.broadcast %add3A_1120 : i32 to vector<16xi32>
        %lt3A_1449 = arith.cmpi slt, %get3A_1439, %lt3A_1448 : vector<16xi32>
        %and3A_1450 = arith.andi %ge3A_1447, %lt3A_1449 : vector<16xi1>
        %ne3A_1451 = arith.cmpi ne, %get3A_1439, %gather3A_1445 : vector<16xi32>
        %and3A_1452 = arith.andi %and3A_1450, %ne3A_1451 : vector<16xi1>
        %sub3A_1453 = vector.broadcast %mul3A_1118 : i32 to vector<16xi32>
        %sub3A_1454 = arith.subi %get3A_1439, %sub3A_1453 : vector<16xi32>
        tpu.vector_store_idx %arg13[%sub3A_1454], %get3A_1441 masked %and3A_1452 : memref<32768xf32, #tpu.memory_space<vmem>>[vector<16xi32>], vector<16xf32>, vector<16xi1>
        %get3A_1455 = arith.constant 176 : index
        %get3A_1456 = tpu.vector_load %arg9[%get3A_1455] {strides = array<i32>} : memref<528xi32, #tpu.memory_space<vmem>>, vector<16xi32>,
        %get3A_1457 = arith.constant 176 : index
        %get3A_1458 = tpu.vector_load %arg11[%get3A_1457] {strides = array<i32>} : memref<528xf32, #tpu.memory_space<vmem>>, vector<16xf32>,
        %add3A_1459 = arith.constant 177 : i32
        %add3A_1460 = vector.broadcast %add3A_1459 : i32 to vector<16xi32>
        %add3A_1461 = arith.addi %iota3A, %add3A_1460 : vector<16xi32>
        %gather3A_1462 = tpu.vector_load_idx %arg9[%add3A_1461] : memref<528xi32, #tpu.memory_space<vmem>>[vector<16xi32>], vector<16xi32>,
        %ge3A_1463 = vector.broadcast %mul3A_1118 : i32 to vector<16xi32>
        %ge3A_1464 = arith.cmpi sge, %get3A_1456, %ge3A_1463 : vector<16xi32>
        %lt3A_1465 = vector.broadcast %add3A_1120 : i32 to vector<16xi32>
        %lt3A_1466 = arith.cmpi slt, %get3A_1456, %lt3A_1465 : vector<16xi32>
        %and3A_1467 = arith.andi %ge3A_1464, %lt3A_1466 : vector<16xi1>
        %ne3A_1468 = arith.cmpi ne, %get3A_1456, %gather3A_1462 : vector<16xi32>
        %and3A_1469 = arith.andi %and3A_1467, %ne3A_1468 : vector<16xi1>
        %sub3A_1470 = vector.broadcast %mul3A_1118 : i32 to vector<16xi32>
        %sub3A_1471 = arith.subi %get3A_1456, %sub3A_1470 : vector<16xi32>
        tpu.vector_store_idx %arg13[%sub3A_1471], %get3A_1458 masked %and3A_1469 : memref<32768xf32, #tpu.memory_space<vmem>>[vector<16xi32>], vector<16xf32>, vector<16xi1>
        %get3A_1472 = arith.constant 192 : index
        %get3A_1473 = tpu.vector_load %arg9[%get3A_1472] {strides = array<i32>} : memref<528xi32, #tpu.memory_space<vmem>>, vector<16xi32>,
        %get3A_1474 = arith.constant 192 : index
        %get3A_1475 = tpu.vector_load %arg11[%get3A_1474] {strides = array<i32>} : memref<528xf32, #tpu.memory_space<vmem>>, vector<16xf32>,
        %add3A_1476 = arith.constant 193 : i32
        %add3A_1477 = vector.broadcast %add3A_1476 : i32 to vector<16xi32>
        %add3A_1478 = arith.addi %iota3A, %add3A_1477 : vector<16xi32>
        %gather3A_1479 = tpu.vector_load_idx %arg9[%add3A_1478] : memref<528xi32, #tpu.memory_space<vmem>>[vector<16xi32>], vector<16xi32>,
        %ge3A_1480 = vector.broadcast %mul3A_1118 : i32 to vector<16xi32>
        %ge3A_1481 = arith.cmpi sge, %get3A_1473, %ge3A_1480 : vector<16xi32>
        %lt3A_1482 = vector.broadcast %add3A_1120 : i32 to vector<16xi32>
        %lt3A_1483 = arith.cmpi slt, %get3A_1473, %lt3A_1482 : vector<16xi32>
        %and3A_1484 = arith.andi %ge3A_1481, %lt3A_1483 : vector<16xi1>
        %ne3A_1485 = arith.cmpi ne, %get3A_1473, %gather3A_1479 : vector<16xi32>
        %and3A_1486 = arith.andi %and3A_1484, %ne3A_1485 : vector<16xi1>
        %sub3A_1487 = vector.broadcast %mul3A_1118 : i32 to vector<16xi32>
        %sub3A_1488 = arith.subi %get3A_1473, %sub3A_1487 : vector<16xi32>
        tpu.vector_store_idx %arg13[%sub3A_1488], %get3A_1475 masked %and3A_1486 : memref<32768xf32, #tpu.memory_space<vmem>>[vector<16xi32>], vector<16xf32>, vector<16xi1>
        %get3A_1489 = arith.constant 208 : index
        %get3A_1490 = tpu.vector_load %arg9[%get3A_1489] {strides = array<i32>} : memref<528xi32, #tpu.memory_space<vmem>>, vector<16xi32>,
        %get3A_1491 = arith.constant 208 : index
        %get3A_1492 = tpu.vector_load %arg11[%get3A_1491] {strides = array<i32>} : memref<528xf32, #tpu.memory_space<vmem>>, vector<16xf32>,
        %add3A_1493 = arith.constant 209 : i32
        %add3A_1494 = vector.broadcast %add3A_1493 : i32 to vector<16xi32>
        %add3A_1495 = arith.addi %iota3A, %add3A_1494 : vector<16xi32>
        %gather3A_1496 = tpu.vector_load_idx %arg9[%add3A_1495] : memref<528xi32, #tpu.memory_space<vmem>>[vector<16xi32>], vector<16xi32>,
        %ge3A_1497 = vector.broadcast %mul3A_1118 : i32 to vector<16xi32>
        %ge3A_1498 = arith.cmpi sge, %get3A_1490, %ge3A_1497 : vector<16xi32>
        %lt3A_1499 = vector.broadcast %add3A_1120 : i32 to vector<16xi32>
        %lt3A_1500 = arith.cmpi slt, %get3A_1490, %lt3A_1499 : vector<16xi32>
        %and3A_1501 = arith.andi %ge3A_1498, %lt3A_1500 : vector<16xi1>
        %ne3A_1502 = arith.cmpi ne, %get3A_1490, %gather3A_1496 : vector<16xi32>
        %and3A_1503 = arith.andi %and3A_1501, %ne3A_1502 : vector<16xi1>
        %sub3A_1504 = vector.broadcast %mul3A_1118 : i32 to vector<16xi32>
        %sub3A_1505 = arith.subi %get3A_1490, %sub3A_1504 : vector<16xi32>
        tpu.vector_store_idx %arg13[%sub3A_1505], %get3A_1492 masked %and3A_1503 : memref<32768xf32, #tpu.memory_space<vmem>>[vector<16xi32>], vector<16xf32>, vector<16xi1>
        %get3A_1506 = arith.constant 224 : index
        %get3A_1507 = tpu.vector_load %arg9[%get3A_1506] {strides = array<i32>} : memref<528xi32, #tpu.memory_space<vmem>>, vector<16xi32>,
        %get3A_1508 = arith.constant 224 : index
        %get3A_1509 = tpu.vector_load %arg11[%get3A_1508] {strides = array<i32>} : memref<528xf32, #tpu.memory_space<vmem>>, vector<16xf32>,
        %add3A_1510 = arith.constant 225 : i32
        %add3A_1511 = vector.broadcast %add3A_1510 : i32 to vector<16xi32>
        %add3A_1512 = arith.addi %iota3A, %add3A_1511 : vector<16xi32>
        %gather3A_1513 = tpu.vector_load_idx %arg9[%add3A_1512] : memref<528xi32, #tpu.memory_space<vmem>>[vector<16xi32>], vector<16xi32>,
        %ge3A_1514 = vector.broadcast %mul3A_1118 : i32 to vector<16xi32>
        %ge3A_1515 = arith.cmpi sge, %get3A_1507, %ge3A_1514 : vector<16xi32>
        %lt3A_1516 = vector.broadcast %add3A_1120 : i32 to vector<16xi32>
        %lt3A_1517 = arith.cmpi slt, %get3A_1507, %lt3A_1516 : vector<16xi32>
        %and3A_1518 = arith.andi %ge3A_1515, %lt3A_1517 : vector<16xi1>
        %ne3A_1519 = arith.cmpi ne, %get3A_1507, %gather3A_1513 : vector<16xi32>
        %and3A_1520 = arith.andi %and3A_1518, %ne3A_1519 : vector<16xi1>
        %sub3A_1521 = vector.broadcast %mul3A_1118 : i32 to vector<16xi32>
        %sub3A_1522 = arith.subi %get3A_1507, %sub3A_1521 : vector<16xi32>
        tpu.vector_store_idx %arg13[%sub3A_1522], %get3A_1509 masked %and3A_1520 : memref<32768xf32, #tpu.memory_space<vmem>>[vector<16xi32>], vector<16xf32>, vector<16xi1>
        %get3A_1523 = arith.constant 240 : index
        %get3A_1524 = tpu.vector_load %arg9[%get3A_1523] {strides = array<i32>} : memref<528xi32, #tpu.memory_space<vmem>>, vector<16xi32>,
        %get3A_1525 = arith.constant 240 : index
        %get3A_1526 = tpu.vector_load %arg11[%get3A_1525] {strides = array<i32>} : memref<528xf32, #tpu.memory_space<vmem>>, vector<16xf32>,
        %add3A_1527 = arith.constant 241 : i32
        %add3A_1528 = vector.broadcast %add3A_1527 : i32 to vector<16xi32>
        %add3A_1529 = arith.addi %iota3A, %add3A_1528 : vector<16xi32>
        %gather3A_1530 = tpu.vector_load_idx %arg9[%add3A_1529] : memref<528xi32, #tpu.memory_space<vmem>>[vector<16xi32>], vector<16xi32>,
        %ge3A_1531 = vector.broadcast %mul3A_1118 : i32 to vector<16xi32>
        %ge3A_1532 = arith.cmpi sge, %get3A_1524, %ge3A_1531 : vector<16xi32>
        %lt3A_1533 = vector.broadcast %add3A_1120 : i32 to vector<16xi32>
        %lt3A_1534 = arith.cmpi slt, %get3A_1524, %lt3A_1533 : vector<16xi32>
        %and3A_1535 = arith.andi %ge3A_1532, %lt3A_1534 : vector<16xi1>
        %ne3A_1536 = arith.cmpi ne, %get3A_1524, %gather3A_1530 : vector<16xi32>
        %and3A_1537 = arith.andi %and3A_1535, %ne3A_1536 : vector<16xi1>
        %sub3A_1538 = vector.broadcast %mul3A_1118 : i32 to vector<16xi32>
        %sub3A_1539 = arith.subi %get3A_1524, %sub3A_1538 : vector<16xi32>
        tpu.vector_store_idx %arg13[%sub3A_1539], %get3A_1526 masked %and3A_1537 : memref<32768xf32, #tpu.memory_space<vmem>>[vector<16xi32>], vector<16xf32>, vector<16xi1>
        %get3A_1540 = arith.constant 256 : index
        %get3A_1541 = tpu.vector_load %arg9[%get3A_1540] {strides = array<i32>} : memref<528xi32, #tpu.memory_space<vmem>>, vector<16xi32>,
        %get3A_1542 = arith.constant 256 : index
        %get3A_1543 = tpu.vector_load %arg11[%get3A_1542] {strides = array<i32>} : memref<528xf32, #tpu.memory_space<vmem>>, vector<16xf32>,
        %add3A_1544 = arith.constant 257 : i32
        %add3A_1545 = vector.broadcast %add3A_1544 : i32 to vector<16xi32>
        %add3A_1546 = arith.addi %iota3A, %add3A_1545 : vector<16xi32>
        %gather3A_1547 = tpu.vector_load_idx %arg9[%add3A_1546] : memref<528xi32, #tpu.memory_space<vmem>>[vector<16xi32>], vector<16xi32>,
        %ge3A_1548 = vector.broadcast %mul3A_1118 : i32 to vector<16xi32>
        %ge3A_1549 = arith.cmpi sge, %get3A_1541, %ge3A_1548 : vector<16xi32>
        %lt3A_1550 = vector.broadcast %add3A_1120 : i32 to vector<16xi32>
        %lt3A_1551 = arith.cmpi slt, %get3A_1541, %lt3A_1550 : vector<16xi32>
        %and3A_1552 = arith.andi %ge3A_1549, %lt3A_1551 : vector<16xi1>
        %ne3A_1553 = arith.cmpi ne, %get3A_1541, %gather3A_1547 : vector<16xi32>
        %and3A_1554 = arith.andi %and3A_1552, %ne3A_1553 : vector<16xi1>
        %sub3A_1555 = vector.broadcast %mul3A_1118 : i32 to vector<16xi32>
        %sub3A_1556 = arith.subi %get3A_1541, %sub3A_1555 : vector<16xi32>
        tpu.vector_store_idx %arg13[%sub3A_1556], %get3A_1543 masked %and3A_1554 : memref<32768xf32, #tpu.memory_space<vmem>>[vector<16xi32>], vector<16xf32>, vector<16xi1>
        %get3A_1557 = arith.constant 272 : index
        %get3A_1558 = tpu.vector_load %arg9[%get3A_1557] {strides = array<i32>} : memref<528xi32, #tpu.memory_space<vmem>>, vector<16xi32>,
        %get3A_1559 = arith.constant 272 : index
        %get3A_1560 = tpu.vector_load %arg11[%get3A_1559] {strides = array<i32>} : memref<528xf32, #tpu.memory_space<vmem>>, vector<16xf32>,
        %add3A_1561 = arith.constant 273 : i32
        %add3A_1562 = vector.broadcast %add3A_1561 : i32 to vector<16xi32>
        %add3A_1563 = arith.addi %iota3A, %add3A_1562 : vector<16xi32>
        %gather3A_1564 = tpu.vector_load_idx %arg9[%add3A_1563] : memref<528xi32, #tpu.memory_space<vmem>>[vector<16xi32>], vector<16xi32>,
        %ge3A_1565 = vector.broadcast %mul3A_1118 : i32 to vector<16xi32>
        %ge3A_1566 = arith.cmpi sge, %get3A_1558, %ge3A_1565 : vector<16xi32>
        %lt3A_1567 = vector.broadcast %add3A_1120 : i32 to vector<16xi32>
        %lt3A_1568 = arith.cmpi slt, %get3A_1558, %lt3A_1567 : vector<16xi32>
        %and3A_1569 = arith.andi %ge3A_1566, %lt3A_1568 : vector<16xi1>
        %ne3A_1570 = arith.cmpi ne, %get3A_1558, %gather3A_1564 : vector<16xi32>
        %and3A_1571 = arith.andi %and3A_1569, %ne3A_1570 : vector<16xi1>
        %sub3A_1572 = vector.broadcast %mul3A_1118 : i32 to vector<16xi32>
        %sub3A_1573 = arith.subi %get3A_1558, %sub3A_1572 : vector<16xi32>
        tpu.vector_store_idx %arg13[%sub3A_1573], %get3A_1560 masked %and3A_1571 : memref<32768xf32, #tpu.memory_space<vmem>>[vector<16xi32>], vector<16xf32>, vector<16xi1>
        %get3A_1574 = arith.constant 288 : index
        %get3A_1575 = tpu.vector_load %arg9[%get3A_1574] {strides = array<i32>} : memref<528xi32, #tpu.memory_space<vmem>>, vector<16xi32>,
        %get3A_1576 = arith.constant 288 : index
        %get3A_1577 = tpu.vector_load %arg11[%get3A_1576] {strides = array<i32>} : memref<528xf32, #tpu.memory_space<vmem>>, vector<16xf32>,
        %add3A_1578 = arith.constant 289 : i32
        %add3A_1579 = vector.broadcast %add3A_1578 : i32 to vector<16xi32>
        %add3A_1580 = arith.addi %iota3A, %add3A_1579 : vector<16xi32>
        %gather3A_1581 = tpu.vector_load_idx %arg9[%add3A_1580] : memref<528xi32, #tpu.memory_space<vmem>>[vector<16xi32>], vector<16xi32>,
        %ge3A_1582 = vector.broadcast %mul3A_1118 : i32 to vector<16xi32>
        %ge3A_1583 = arith.cmpi sge, %get3A_1575, %ge3A_1582 : vector<16xi32>
        %lt3A_1584 = vector.broadcast %add3A_1120 : i32 to vector<16xi32>
        %lt3A_1585 = arith.cmpi slt, %get3A_1575, %lt3A_1584 : vector<16xi32>
        %and3A_1586 = arith.andi %ge3A_1583, %lt3A_1585 : vector<16xi1>
        %ne3A_1587 = arith.cmpi ne, %get3A_1575, %gather3A_1581 : vector<16xi32>
        %and3A_1588 = arith.andi %and3A_1586, %ne3A_1587 : vector<16xi1>
        %sub3A_1589 = vector.broadcast %mul3A_1118 : i32 to vector<16xi32>
        %sub3A_1590 = arith.subi %get3A_1575, %sub3A_1589 : vector<16xi32>
        tpu.vector_store_idx %arg13[%sub3A_1590], %get3A_1577 masked %and3A_1588 : memref<32768xf32, #tpu.memory_space<vmem>>[vector<16xi32>], vector<16xf32>, vector<16xi1>
        %get3A_1591 = arith.constant 304 : index
        %get3A_1592 = tpu.vector_load %arg9[%get3A_1591] {strides = array<i32>} : memref<528xi32, #tpu.memory_space<vmem>>, vector<16xi32>,
        %get3A_1593 = arith.constant 304 : index
        %get3A_1594 = tpu.vector_load %arg11[%get3A_1593] {strides = array<i32>} : memref<528xf32, #tpu.memory_space<vmem>>, vector<16xf32>,
        %add3A_1595 = arith.constant 305 : i32
        %add3A_1596 = vector.broadcast %add3A_1595 : i32 to vector<16xi32>
        %add3A_1597 = arith.addi %iota3A, %add3A_1596 : vector<16xi32>
        %gather3A_1598 = tpu.vector_load_idx %arg9[%add3A_1597] : memref<528xi32, #tpu.memory_space<vmem>>[vector<16xi32>], vector<16xi32>,
        %ge3A_1599 = vector.broadcast %mul3A_1118 : i32 to vector<16xi32>
        %ge3A_1600 = arith.cmpi sge, %get3A_1592, %ge3A_1599 : vector<16xi32>
        %lt3A_1601 = vector.broadcast %add3A_1120 : i32 to vector<16xi32>
        %lt3A_1602 = arith.cmpi slt, %get3A_1592, %lt3A_1601 : vector<16xi32>
        %and3A_1603 = arith.andi %ge3A_1600, %lt3A_1602 : vector<16xi1>
        %ne3A_1604 = arith.cmpi ne, %get3A_1592, %gather3A_1598 : vector<16xi32>
        %and3A_1605 = arith.andi %and3A_1603, %ne3A_1604 : vector<16xi1>
        %sub3A_1606 = vector.broadcast %mul3A_1118 : i32 to vector<16xi32>
        %sub3A_1607 = arith.subi %get3A_1592, %sub3A_1606 : vector<16xi32>
        tpu.vector_store_idx %arg13[%sub3A_1607], %get3A_1594 masked %and3A_1605 : memref<32768xf32, #tpu.memory_space<vmem>>[vector<16xi32>], vector<16xf32>, vector<16xi1>
        %get3A_1608 = arith.constant 320 : index
        %get3A_1609 = tpu.vector_load %arg9[%get3A_1608] {strides = array<i32>} : memref<528xi32, #tpu.memory_space<vmem>>, vector<16xi32>,
        %get3A_1610 = arith.constant 320 : index
        %get3A_1611 = tpu.vector_load %arg11[%get3A_1610] {strides = array<i32>} : memref<528xf32, #tpu.memory_space<vmem>>, vector<16xf32>,
        %add3A_1612 = arith.constant 321 : i32
        %add3A_1613 = vector.broadcast %add3A_1612 : i32 to vector<16xi32>
        %add3A_1614 = arith.addi %iota3A, %add3A_1613 : vector<16xi32>
        %gather3A_1615 = tpu.vector_load_idx %arg9[%add3A_1614] : memref<528xi32, #tpu.memory_space<vmem>>[vector<16xi32>], vector<16xi32>,
        %ge3A_1616 = vector.broadcast %mul3A_1118 : i32 to vector<16xi32>
        %ge3A_1617 = arith.cmpi sge, %get3A_1609, %ge3A_1616 : vector<16xi32>
        %lt3A_1618 = vector.broadcast %add3A_1120 : i32 to vector<16xi32>
        %lt3A_1619 = arith.cmpi slt, %get3A_1609, %lt3A_1618 : vector<16xi32>
        %and3A_1620 = arith.andi %ge3A_1617, %lt3A_1619 : vector<16xi1>
        %ne3A_1621 = arith.cmpi ne, %get3A_1609, %gather3A_1615 : vector<16xi32>
        %and3A_1622 = arith.andi %and3A_1620, %ne3A_1621 : vector<16xi1>
        %sub3A_1623 = vector.broadcast %mul3A_1118 : i32 to vector<16xi32>
        %sub3A_1624 = arith.subi %get3A_1609, %sub3A_1623 : vector<16xi32>
        tpu.vector_store_idx %arg13[%sub3A_1624], %get3A_1611 masked %and3A_1622 : memref<32768xf32, #tpu.memory_space<vmem>>[vector<16xi32>], vector<16xf32>, vector<16xi1>
        %get3A_1625 = arith.constant 336 : index
        %get3A_1626 = tpu.vector_load %arg9[%get3A_1625] {strides = array<i32>} : memref<528xi32, #tpu.memory_space<vmem>>, vector<16xi32>,
        %get3A_1627 = arith.constant 336 : index
        %get3A_1628 = tpu.vector_load %arg11[%get3A_1627] {strides = array<i32>} : memref<528xf32, #tpu.memory_space<vmem>>, vector<16xf32>,
        %add3A_1629 = arith.constant 337 : i32
        %add3A_1630 = vector.broadcast %add3A_1629 : i32 to vector<16xi32>
        %add3A_1631 = arith.addi %iota3A, %add3A_1630 : vector<16xi32>
        %gather3A_1632 = tpu.vector_load_idx %arg9[%add3A_1631] : memref<528xi32, #tpu.memory_space<vmem>>[vector<16xi32>], vector<16xi32>,
        %ge3A_1633 = vector.broadcast %mul3A_1118 : i32 to vector<16xi32>
        %ge3A_1634 = arith.cmpi sge, %get3A_1626, %ge3A_1633 : vector<16xi32>
        %lt3A_1635 = vector.broadcast %add3A_1120 : i32 to vector<16xi32>
        %lt3A_1636 = arith.cmpi slt, %get3A_1626, %lt3A_1635 : vector<16xi32>
        %and3A_1637 = arith.andi %ge3A_1634, %lt3A_1636 : vector<16xi1>
        %ne3A_1638 = arith.cmpi ne, %get3A_1626, %gather3A_1632 : vector<16xi32>
        %and3A_1639 = arith.andi %and3A_1637, %ne3A_1638 : vector<16xi1>
        %sub3A_1640 = vector.broadcast %mul3A_1118 : i32 to vector<16xi32>
        %sub3A_1641 = arith.subi %get3A_1626, %sub3A_1640 : vector<16xi32>
        tpu.vector_store_idx %arg13[%sub3A_1641], %get3A_1628 masked %and3A_1639 : memref<32768xf32, #tpu.memory_space<vmem>>[vector<16xi32>], vector<16xf32>, vector<16xi1>
        %get3A_1642 = arith.constant 352 : index
        %get3A_1643 = tpu.vector_load %arg9[%get3A_1642] {strides = array<i32>} : memref<528xi32, #tpu.memory_space<vmem>>, vector<16xi32>,
        %get3A_1644 = arith.constant 352 : index
        %get3A_1645 = tpu.vector_load %arg11[%get3A_1644] {strides = array<i32>} : memref<528xf32, #tpu.memory_space<vmem>>, vector<16xf32>,
        %add3A_1646 = arith.constant 353 : i32
        %add3A_1647 = vector.broadcast %add3A_1646 : i32 to vector<16xi32>
        %add3A_1648 = arith.addi %iota3A, %add3A_1647 : vector<16xi32>
        %gather3A_1649 = tpu.vector_load_idx %arg9[%add3A_1648] : memref<528xi32, #tpu.memory_space<vmem>>[vector<16xi32>], vector<16xi32>,
        %ge3A_1650 = vector.broadcast %mul3A_1118 : i32 to vector<16xi32>
        %ge3A_1651 = arith.cmpi sge, %get3A_1643, %ge3A_1650 : vector<16xi32>
        %lt3A_1652 = vector.broadcast %add3A_1120 : i32 to vector<16xi32>
        %lt3A_1653 = arith.cmpi slt, %get3A_1643, %lt3A_1652 : vector<16xi32>
        %and3A_1654 = arith.andi %ge3A_1651, %lt3A_1653 : vector<16xi1>
        %ne3A_1655 = arith.cmpi ne, %get3A_1643, %gather3A_1649 : vector<16xi32>
        %and3A_1656 = arith.andi %and3A_1654, %ne3A_1655 : vector<16xi1>
        %sub3A_1657 = vector.broadcast %mul3A_1118 : i32 to vector<16xi32>
        %sub3A_1658 = arith.subi %get3A_1643, %sub3A_1657 : vector<16xi32>
        tpu.vector_store_idx %arg13[%sub3A_1658], %get3A_1645 masked %and3A_1656 : memref<32768xf32, #tpu.memory_space<vmem>>[vector<16xi32>], vector<16xf32>, vector<16xi1>
        %get3A_1659 = arith.constant 368 : index
        %get3A_1660 = tpu.vector_load %arg9[%get3A_1659] {strides = array<i32>} : memref<528xi32, #tpu.memory_space<vmem>>, vector<16xi32>,
        %get3A_1661 = arith.constant 368 : index
        %get3A_1662 = tpu.vector_load %arg11[%get3A_1661] {strides = array<i32>} : memref<528xf32, #tpu.memory_space<vmem>>, vector<16xf32>,
        %add3A_1663 = arith.constant 369 : i32
        %add3A_1664 = vector.broadcast %add3A_1663 : i32 to vector<16xi32>
        %add3A_1665 = arith.addi %iota3A, %add3A_1664 : vector<16xi32>
        %gather3A_1666 = tpu.vector_load_idx %arg9[%add3A_1665] : memref<528xi32, #tpu.memory_space<vmem>>[vector<16xi32>], vector<16xi32>,
        %ge3A_1667 = vector.broadcast %mul3A_1118 : i32 to vector<16xi32>
        %ge3A_1668 = arith.cmpi sge, %get3A_1660, %ge3A_1667 : vector<16xi32>
        %lt3A_1669 = vector.broadcast %add3A_1120 : i32 to vector<16xi32>
        %lt3A_1670 = arith.cmpi slt, %get3A_1660, %lt3A_1669 : vector<16xi32>
        %and3A_1671 = arith.andi %ge3A_1668, %lt3A_1670 : vector<16xi1>
        %ne3A_1672 = arith.cmpi ne, %get3A_1660, %gather3A_1666 : vector<16xi32>
        %and3A_1673 = arith.andi %and3A_1671, %ne3A_1672 : vector<16xi1>
        %sub3A_1674 = vector.broadcast %mul3A_1118 : i32 to vector<16xi32>
        %sub3A_1675 = arith.subi %get3A_1660, %sub3A_1674 : vector<16xi32>
        tpu.vector_store_idx %arg13[%sub3A_1675], %get3A_1662 masked %and3A_1673 : memref<32768xf32, #tpu.memory_space<vmem>>[vector<16xi32>], vector<16xf32>, vector<16xi1>
        %get3A_1676 = arith.constant 384 : index
        %get3A_1677 = tpu.vector_load %arg9[%get3A_1676] {strides = array<i32>} : memref<528xi32, #tpu.memory_space<vmem>>, vector<16xi32>,
        %get3A_1678 = arith.constant 384 : index
        %get3A_1679 = tpu.vector_load %arg11[%get3A_1678] {strides = array<i32>} : memref<528xf32, #tpu.memory_space<vmem>>, vector<16xf32>,
        %add3A_1680 = arith.constant 385 : i32
        %add3A_1681 = vector.broadcast %add3A_1680 : i32 to vector<16xi32>
        %add3A_1682 = arith.addi %iota3A, %add3A_1681 : vector<16xi32>
        %gather3A_1683 = tpu.vector_load_idx %arg9[%add3A_1682] : memref<528xi32, #tpu.memory_space<vmem>>[vector<16xi32>], vector<16xi32>,
        %ge3A_1684 = vector.broadcast %mul3A_1118 : i32 to vector<16xi32>
        %ge3A_1685 = arith.cmpi sge, %get3A_1677, %ge3A_1684 : vector<16xi32>
        %lt3A_1686 = vector.broadcast %add3A_1120 : i32 to vector<16xi32>
        %lt3A_1687 = arith.cmpi slt, %get3A_1677, %lt3A_1686 : vector<16xi32>
        %and3A_1688 = arith.andi %ge3A_1685, %lt3A_1687 : vector<16xi1>
        %ne3A_1689 = arith.cmpi ne, %get3A_1677, %gather3A_1683 : vector<16xi32>
        %and3A_1690 = arith.andi %and3A_1688, %ne3A_1689 : vector<16xi1>
        %sub3A_1691 = vector.broadcast %mul3A_1118 : i32 to vector<16xi32>
        %sub3A_1692 = arith.subi %get3A_1677, %sub3A_1691 : vector<16xi32>
        tpu.vector_store_idx %arg13[%sub3A_1692], %get3A_1679 masked %and3A_1690 : memref<32768xf32, #tpu.memory_space<vmem>>[vector<16xi32>], vector<16xf32>, vector<16xi1>
        %get3A_1693 = arith.constant 400 : index
        %get3A_1694 = tpu.vector_load %arg9[%get3A_1693] {strides = array<i32>} : memref<528xi32, #tpu.memory_space<vmem>>, vector<16xi32>,
        %get3A_1695 = arith.constant 400 : index
        %get3A_1696 = tpu.vector_load %arg11[%get3A_1695] {strides = array<i32>} : memref<528xf32, #tpu.memory_space<vmem>>, vector<16xf32>,
        %add3A_1697 = arith.constant 401 : i32
        %add3A_1698 = vector.broadcast %add3A_1697 : i32 to vector<16xi32>
        %add3A_1699 = arith.addi %iota3A, %add3A_1698 : vector<16xi32>
        %gather3A_1700 = tpu.vector_load_idx %arg9[%add3A_1699] : memref<528xi32, #tpu.memory_space<vmem>>[vector<16xi32>], vector<16xi32>,
        %ge3A_1701 = vector.broadcast %mul3A_1118 : i32 to vector<16xi32>
        %ge3A_1702 = arith.cmpi sge, %get3A_1694, %ge3A_1701 : vector<16xi32>
        %lt3A_1703 = vector.broadcast %add3A_1120 : i32 to vector<16xi32>
        %lt3A_1704 = arith.cmpi slt, %get3A_1694, %lt3A_1703 : vector<16xi32>
        %and3A_1705 = arith.andi %ge3A_1702, %lt3A_1704 : vector<16xi1>
        %ne3A_1706 = arith.cmpi ne, %get3A_1694, %gather3A_1700 : vector<16xi32>
        %and3A_1707 = arith.andi %and3A_1705, %ne3A_1706 : vector<16xi1>
        %sub3A_1708 = vector.broadcast %mul3A_1118 : i32 to vector<16xi32>
        %sub3A_1709 = arith.subi %get3A_1694, %sub3A_1708 : vector<16xi32>
        tpu.vector_store_idx %arg13[%sub3A_1709], %get3A_1696 masked %and3A_1707 : memref<32768xf32, #tpu.memory_space<vmem>>[vector<16xi32>], vector<16xf32>, vector<16xi1>
        %get3A_1710 = arith.constant 416 : index
        %get3A_1711 = tpu.vector_load %arg9[%get3A_1710] {strides = array<i32>} : memref<528xi32, #tpu.memory_space<vmem>>, vector<16xi32>,
        %get3A_1712 = arith.constant 416 : index
        %get3A_1713 = tpu.vector_load %arg11[%get3A_1712] {strides = array<i32>} : memref<528xf32, #tpu.memory_space<vmem>>, vector<16xf32>,
        %add3A_1714 = arith.constant 417 : i32
        %add3A_1715 = vector.broadcast %add3A_1714 : i32 to vector<16xi32>
        %add3A_1716 = arith.addi %iota3A, %add3A_1715 : vector<16xi32>
        %gather3A_1717 = tpu.vector_load_idx %arg9[%add3A_1716] : memref<528xi32, #tpu.memory_space<vmem>>[vector<16xi32>], vector<16xi32>,
        %ge3A_1718 = vector.broadcast %mul3A_1118 : i32 to vector<16xi32>
        %ge3A_1719 = arith.cmpi sge, %get3A_1711, %ge3A_1718 : vector<16xi32>
        %lt3A_1720 = vector.broadcast %add3A_1120 : i32 to vector<16xi32>
        %lt3A_1721 = arith.cmpi slt, %get3A_1711, %lt3A_1720 : vector<16xi32>
        %and3A_1722 = arith.andi %ge3A_1719, %lt3A_1721 : vector<16xi1>
        %ne3A_1723 = arith.cmpi ne, %get3A_1711, %gather3A_1717 : vector<16xi32>
        %and3A_1724 = arith.andi %and3A_1722, %ne3A_1723 : vector<16xi1>
        %sub3A_1725 = vector.broadcast %mul3A_1118 : i32 to vector<16xi32>
        %sub3A_1726 = arith.subi %get3A_1711, %sub3A_1725 : vector<16xi32>
        tpu.vector_store_idx %arg13[%sub3A_1726], %get3A_1713 masked %and3A_1724 : memref<32768xf32, #tpu.memory_space<vmem>>[vector<16xi32>], vector<16xf32>, vector<16xi1>
        %get3A_1727 = arith.constant 432 : index
        %get3A_1728 = tpu.vector_load %arg9[%get3A_1727] {strides = array<i32>} : memref<528xi32, #tpu.memory_space<vmem>>, vector<16xi32>,
        %get3A_1729 = arith.constant 432 : index
        %get3A_1730 = tpu.vector_load %arg11[%get3A_1729] {strides = array<i32>} : memref<528xf32, #tpu.memory_space<vmem>>, vector<16xf32>,
        %add3A_1731 = arith.constant 433 : i32
        %add3A_1732 = vector.broadcast %add3A_1731 : i32 to vector<16xi32>
        %add3A_1733 = arith.addi %iota3A, %add3A_1732 : vector<16xi32>
        %gather3A_1734 = tpu.vector_load_idx %arg9[%add3A_1733] : memref<528xi32, #tpu.memory_space<vmem>>[vector<16xi32>], vector<16xi32>,
        %ge3A_1735 = vector.broadcast %mul3A_1118 : i32 to vector<16xi32>
        %ge3A_1736 = arith.cmpi sge, %get3A_1728, %ge3A_1735 : vector<16xi32>
        %lt3A_1737 = vector.broadcast %add3A_1120 : i32 to vector<16xi32>
        %lt3A_1738 = arith.cmpi slt, %get3A_1728, %lt3A_1737 : vector<16xi32>
        %and3A_1739 = arith.andi %ge3A_1736, %lt3A_1738 : vector<16xi1>
        %ne3A_1740 = arith.cmpi ne, %get3A_1728, %gather3A_1734 : vector<16xi32>
        %and3A_1741 = arith.andi %and3A_1739, %ne3A_1740 : vector<16xi1>
        %sub3A_1742 = vector.broadcast %mul3A_1118 : i32 to vector<16xi32>
        %sub3A_1743 = arith.subi %get3A_1728, %sub3A_1742 : vector<16xi32>
        tpu.vector_store_idx %arg13[%sub3A_1743], %get3A_1730 masked %and3A_1741 : memref<32768xf32, #tpu.memory_space<vmem>>[vector<16xi32>], vector<16xf32>, vector<16xi1>
        %get3A_1744 = arith.constant 448 : index
        %get3A_1745 = tpu.vector_load %arg9[%get3A_1744] {strides = array<i32>} : memref<528xi32, #tpu.memory_space<vmem>>, vector<16xi32>,
        %get3A_1746 = arith.constant 448 : index
        %get3A_1747 = tpu.vector_load %arg11[%get3A_1746] {strides = array<i32>} : memref<528xf32, #tpu.memory_space<vmem>>, vector<16xf32>,
        %add3A_1748 = arith.constant 449 : i32
        %add3A_1749 = vector.broadcast %add3A_1748 : i32 to vector<16xi32>
        %add3A_1750 = arith.addi %iota3A, %add3A_1749 : vector<16xi32>
        %gather3A_1751 = tpu.vector_load_idx %arg9[%add3A_1750] : memref<528xi32, #tpu.memory_space<vmem>>[vector<16xi32>], vector<16xi32>,
        %ge3A_1752 = vector.broadcast %mul3A_1118 : i32 to vector<16xi32>
        %ge3A_1753 = arith.cmpi sge, %get3A_1745, %ge3A_1752 : vector<16xi32>
        %lt3A_1754 = vector.broadcast %add3A_1120 : i32 to vector<16xi32>
        %lt3A_1755 = arith.cmpi slt, %get3A_1745, %lt3A_1754 : vector<16xi32>
        %and3A_1756 = arith.andi %ge3A_1753, %lt3A_1755 : vector<16xi1>
        %ne3A_1757 = arith.cmpi ne, %get3A_1745, %gather3A_1751 : vector<16xi32>
        %and3A_1758 = arith.andi %and3A_1756, %ne3A_1757 : vector<16xi1>
        %sub3A_1759 = vector.broadcast %mul3A_1118 : i32 to vector<16xi32>
        %sub3A_1760 = arith.subi %get3A_1745, %sub3A_1759 : vector<16xi32>
        tpu.vector_store_idx %arg13[%sub3A_1760], %get3A_1747 masked %and3A_1758 : memref<32768xf32, #tpu.memory_space<vmem>>[vector<16xi32>], vector<16xf32>, vector<16xi1>
        %get3A_1761 = arith.constant 464 : index
        %get3A_1762 = tpu.vector_load %arg9[%get3A_1761] {strides = array<i32>} : memref<528xi32, #tpu.memory_space<vmem>>, vector<16xi32>,
        %get3A_1763 = arith.constant 464 : index
        %get3A_1764 = tpu.vector_load %arg11[%get3A_1763] {strides = array<i32>} : memref<528xf32, #tpu.memory_space<vmem>>, vector<16xf32>,
        %add3A_1765 = arith.constant 465 : i32
        %add3A_1766 = vector.broadcast %add3A_1765 : i32 to vector<16xi32>
        %add3A_1767 = arith.addi %iota3A, %add3A_1766 : vector<16xi32>
        %gather3A_1768 = tpu.vector_load_idx %arg9[%add3A_1767] : memref<528xi32, #tpu.memory_space<vmem>>[vector<16xi32>], vector<16xi32>,
        %ge3A_1769 = vector.broadcast %mul3A_1118 : i32 to vector<16xi32>
        %ge3A_1770 = arith.cmpi sge, %get3A_1762, %ge3A_1769 : vector<16xi32>
        %lt3A_1771 = vector.broadcast %add3A_1120 : i32 to vector<16xi32>
        %lt3A_1772 = arith.cmpi slt, %get3A_1762, %lt3A_1771 : vector<16xi32>
        %and3A_1773 = arith.andi %ge3A_1770, %lt3A_1772 : vector<16xi1>
        %ne3A_1774 = arith.cmpi ne, %get3A_1762, %gather3A_1768 : vector<16xi32>
        %and3A_1775 = arith.andi %and3A_1773, %ne3A_1774 : vector<16xi1>
        %sub3A_1776 = vector.broadcast %mul3A_1118 : i32 to vector<16xi32>
        %sub3A_1777 = arith.subi %get3A_1762, %sub3A_1776 : vector<16xi32>
        tpu.vector_store_idx %arg13[%sub3A_1777], %get3A_1764 masked %and3A_1775 : memref<32768xf32, #tpu.memory_space<vmem>>[vector<16xi32>], vector<16xf32>, vector<16xi1>
        %get3A_1778 = arith.constant 480 : index
        %get3A_1779 = tpu.vector_load %arg9[%get3A_1778] {strides = array<i32>} : memref<528xi32, #tpu.memory_space<vmem>>, vector<16xi32>,
        %get3A_1780 = arith.constant 480 : index
        %get3A_1781 = tpu.vector_load %arg11[%get3A_1780] {strides = array<i32>} : memref<528xf32, #tpu.memory_space<vmem>>, vector<16xf32>,
        %add3A_1782 = arith.constant 481 : i32
        %add3A_1783 = vector.broadcast %add3A_1782 : i32 to vector<16xi32>
        %add3A_1784 = arith.addi %iota3A, %add3A_1783 : vector<16xi32>
        %gather3A_1785 = tpu.vector_load_idx %arg9[%add3A_1784] : memref<528xi32, #tpu.memory_space<vmem>>[vector<16xi32>], vector<16xi32>,
        %ge3A_1786 = vector.broadcast %mul3A_1118 : i32 to vector<16xi32>
        %ge3A_1787 = arith.cmpi sge, %get3A_1779, %ge3A_1786 : vector<16xi32>
        %lt3A_1788 = vector.broadcast %add3A_1120 : i32 to vector<16xi32>
        %lt3A_1789 = arith.cmpi slt, %get3A_1779, %lt3A_1788 : vector<16xi32>
        %and3A_1790 = arith.andi %ge3A_1787, %lt3A_1789 : vector<16xi1>
        %ne3A_1791 = arith.cmpi ne, %get3A_1779, %gather3A_1785 : vector<16xi32>
        %and3A_1792 = arith.andi %and3A_1790, %ne3A_1791 : vector<16xi1>
        %sub3A_1793 = vector.broadcast %mul3A_1118 : i32 to vector<16xi32>
        %sub3A_1794 = arith.subi %get3A_1779, %sub3A_1793 : vector<16xi32>
        tpu.vector_store_idx %arg13[%sub3A_1794], %get3A_1781 masked %and3A_1792 : memref<32768xf32, #tpu.memory_space<vmem>>[vector<16xi32>], vector<16xf32>, vector<16xi1>
        %get3A_1795 = arith.constant 496 : index
        %get3A_1796 = tpu.vector_load %arg9[%get3A_1795] {strides = array<i32>} : memref<528xi32, #tpu.memory_space<vmem>>, vector<16xi32>,
        %get3A_1797 = arith.constant 496 : index
        %get3A_1798 = tpu.vector_load %arg11[%get3A_1797] {strides = array<i32>} : memref<528xf32, #tpu.memory_space<vmem>>, vector<16xf32>,
        %add3A_1799 = arith.constant 497 : i32
        %add3A_1800 = vector.broadcast %add3A_1799 : i32 to vector<16xi32>
        %add3A_1801 = arith.addi %iota3A, %add3A_1800 : vector<16xi32>
        %gather3A_1802 = tpu.vector_load_idx %arg9[%add3A_1801] : memref<528xi32, #tpu.memory_space<vmem>>[vector<16xi32>], vector<16xi32>,
        %ge3A_1803 = vector.broadcast %mul3A_1118 : i32 to vector<16xi32>
        %ge3A_1804 = arith.cmpi sge, %get3A_1796, %ge3A_1803 : vector<16xi32>
        %lt3A_1805 = vector.broadcast %add3A_1120 : i32 to vector<16xi32>
        %lt3A_1806 = arith.cmpi slt, %get3A_1796, %lt3A_1805 : vector<16xi32>
        %and3A_1807 = arith.andi %ge3A_1804, %lt3A_1806 : vector<16xi1>
        %ne3A_1808 = arith.cmpi ne, %get3A_1796, %gather3A_1802 : vector<16xi32>
        %and3A_1809 = arith.andi %and3A_1807, %ne3A_1808 : vector<16xi1>
        %sub3A_1810 = vector.broadcast %mul3A_1118 : i32 to vector<16xi32>
        %sub3A_1811 = arith.subi %get3A_1796, %sub3A_1810 : vector<16xi32>
        tpu.vector_store_idx %arg13[%sub3A_1811], %get3A_1798 masked %and3A_1809 : memref<32768xf32, #tpu.memory_space<vmem>>[vector<16xi32>], vector<16xf32>, vector<16xi1>
        %add3A_1812 = arith.constant 2 : i32
        %add3A_1813 = arith.addi %mul3A_1255, %add3A_1812 : i32
        %lt3A_1814 = arith.cmpi slt, %add3A_1813, %select_n3A_1202 : i32
        %convert_element_type3A_1815 = arith.extui %lt3A_1814 : i1 to i32
        %cond3A_1816 = arith.constant 0 : i32
        %cond3A_1817 = arith.cmpi ne, %convert_element_type3A_1815, %cond3A_1816 : i32
        scf.if %cond3A_1817 {
          %add3A_1825 = arith.constant 2 : i32
          %add3A_1826 = arith.addi %mul3A_1255, %add3A_1825 : i32
          %mul3A_1827 = arith.constant 512 : i32
          %mul3A_1828 = arith.muli %add3A_1826, %mul3A_1827 : i32
          %add3A_1829 = arith.addi %mul3A_1173, %mul3A_1828 : i32
          %le3A = arith.constant 4192752 : i32
          %le3A_1830 = arith.cmpi sle, %add3A_1829, %le3A : i32
          %convert_element_type3A_1831 = arith.extui %le3A_1830 : i1 to i32
          %cond3A_1832 = arith.constant 0 : i32
          %cond3A_1833 = arith.cmpi ne, %convert_element_type3A_1831, %cond3A_1832 : i32
          scf.if %cond3A_1833 {
            %dma_start3A = tpu.memref_slice %arg2[%add3A_1829] : memref<4193280xi32, #tpu.memory_space<hbm>> -> memref<528xi32, #tpu.memory_space<hbm>>
            %dma_start3A_1839 = tpu.memref_slice %arg2[%add3A_1829] : memref<4193280xi32, #tpu.memory_space<hbm>> -> memref<528xi32, #tpu.memory_space<hbm>>
            tpu.enqueue_dma source(%dma_start3A_1839 : memref<528xi32, #tpu.memory_space<hbm>>) target(%arg9 : memref<528xi32, #tpu.memory_space<vmem>>) target_semaphore(%arg14 : memref<!tpu.dma_semaphore, #tpu.memory_space<semaphore_mem>>)
            %dma_start3A_1840 = tpu.memref_slice %arg3[%add3A_1829] : memref<4193280xf32, #tpu.memory_space<hbm>> -> memref<528xf32, #tpu.memory_space<hbm>>
            %dma_start3A_1841 = tpu.memref_slice %arg3[%add3A_1829] : memref<4193280xf32, #tpu.memory_space<hbm>> -> memref<528xf32, #tpu.memory_space<hbm>>
            tpu.enqueue_dma source(%dma_start3A_1841 : memref<528xf32, #tpu.memory_space<hbm>>) target(%arg11 : memref<528xf32, #tpu.memory_space<vmem>>) target_semaphore(%arg15 : memref<!tpu.dma_semaphore, #tpu.memory_space<semaphore_mem>>)
          } else {
          }
          %gt3A_1834 = arith.constant 4192752 : i32
          %gt3A_1835 = arith.cmpi sgt, %add3A_1829, %gt3A_1834 : i32
          %convert_element_type3A_1836 = arith.extui %gt3A_1835 : i1 to i32
          %cond3A_1837 = arith.constant 0 : i32
          %cond3A_1838 = arith.cmpi ne, %convert_element_type3A_1836, %cond3A_1837 : i32
          scf.if %cond3A_1838 {
            %sub3A_1839 = arith.constant 4192752 : i32
            %sub3A_1840 = arith.subi %add3A_1829, %sub3A_1839 : i32
            %dma_start3A = tpu.memref_slice %arg4[%sub3A_1840] : memref<1056xi32, #tpu.memory_space<hbm>> -> memref<528xi32, #tpu.memory_space<hbm>>
            %dma_start3A_1841 = tpu.memref_slice %arg4[%sub3A_1840] : memref<1056xi32, #tpu.memory_space<hbm>> -> memref<528xi32, #tpu.memory_space<hbm>>
            tpu.enqueue_dma source(%dma_start3A_1841 : memref<528xi32, #tpu.memory_space<hbm>>) target(%arg9 : memref<528xi32, #tpu.memory_space<vmem>>) target_semaphore(%arg14 : memref<!tpu.dma_semaphore, #tpu.memory_space<semaphore_mem>>)
            %dma_start3A_1842 = tpu.memref_slice %arg5[%sub3A_1840] : memref<1056xf32, #tpu.memory_space<hbm>> -> memref<528xf32, #tpu.memory_space<hbm>>
            %dma_start3A_1843 = tpu.memref_slice %arg5[%sub3A_1840] : memref<1056xf32, #tpu.memory_space<hbm>> -> memref<528xf32, #tpu.memory_space<hbm>>
            tpu.enqueue_dma source(%dma_start3A_1843 : memref<528xf32, #tpu.memory_space<hbm>>) target(%arg11 : memref<528xf32, #tpu.memory_space<vmem>>) target_semaphore(%arg15 : memref<!tpu.dma_semaphore, #tpu.memory_space<semaphore_mem>>)
          } else {
          }
        } else {
        }
        %add3A_1818 = arith.constant 1 : i32
        %add3A_1819 = arith.addi %mul3A_1255, %add3A_1818 : i32
        %lt3A_1820 = arith.cmpi slt, %add3A_1819, %select_n3A_1202 : i32
        %convert_element_type3A_1821 = arith.extui %lt3A_1820 : i1 to i32
        %cond3A_1822 = arith.constant 0 : i32
        %cond3A_1823 = arith.cmpi ne, %convert_element_type3A_1821, %cond3A_1822 : i32
        scf.if %cond3A_1823 {
          %dma_wait3A_1825 = arith.constant 0 : i32
          %dma_wait3A_1826 = tpu.memref_slice %arg2[%dma_wait3A_1825] : memref<4193280xi32, #tpu.memory_space<hbm>> -> memref<528xi32, #tpu.memory_space<hbm>>
          %dma_wait3A_1827 = arith.constant 0 : i32
          %dma_wait3A_1828 = tpu.memref_slice %arg2[%dma_wait3A_1827] : memref<4193280xi32, #tpu.memory_space<hbm>> -> memref<528xi32, #tpu.memory_space<hbm>>
          tpu.wait_dma2 semaphore(%arg16 : memref<!tpu.dma_semaphore, #tpu.memory_space<semaphore_mem>>) src(%dma_wait3A_1828 : memref<528xi32, #tpu.memory_space<hbm>>) dst(%arg10 : memref<528xi32, #tpu.memory_space<vmem>>)
          %dma_wait3A_1829 = arith.constant 0 : i32
          %dma_wait3A_1830 = tpu.memref_slice %arg3[%dma_wait3A_1829] : memref<4193280xf32, #tpu.memory_space<hbm>> -> memref<528xf32, #tpu.memory_space<hbm>>
          %dma_wait3A_1831 = arith.constant 0 : i32
          %dma_wait3A_1832 = tpu.memref_slice %arg3[%dma_wait3A_1831] : memref<4193280xf32, #tpu.memory_space<hbm>> -> memref<528xf32, #tpu.memory_space<hbm>>
          tpu.wait_dma2 semaphore(%arg17 : memref<!tpu.dma_semaphore, #tpu.memory_space<semaphore_mem>>) src(%dma_wait3A_1832 : memref<528xf32, #tpu.memory_space<hbm>>) dst(%arg12 : memref<528xf32, #tpu.memory_space<vmem>>)
          %get3A_1833 = arith.constant 0 : index
          %get3A_1834 = tpu.vector_load %arg10[%get3A_1833] {strides = array<i32>} : memref<528xi32, #tpu.memory_space<vmem>>, vector<16xi32>,
          %get3A_1835 = arith.constant 0 : index
          %get3A_1836 = tpu.vector_load %arg12[%get3A_1835] {strides = array<i32>} : memref<528xf32, #tpu.memory_space<vmem>>, vector<16xf32>,
          %add3A_1837 = arith.constant 1 : i32
          %add3A_1838 = vector.broadcast %add3A_1837 : i32 to vector<16xi32>
          %add3A_1839 = arith.addi %iota3A, %add3A_1838 : vector<16xi32>
          %gather3A_1840 = tpu.vector_load_idx %arg10[%add3A_1839] : memref<528xi32, #tpu.memory_space<vmem>>[vector<16xi32>], vector<16xi32>,
          %ge3A_1841 = vector.broadcast %mul3A_1118 : i32 to vector<16xi32>
          %ge3A_1842 = arith.cmpi sge, %get3A_1834, %ge3A_1841 : vector<16xi32>
          %lt3A_1843 = vector.broadcast %add3A_1120 : i32 to vector<16xi32>
          %lt3A_1844 = arith.cmpi slt, %get3A_1834, %lt3A_1843 : vector<16xi32>
          %and3A_1845 = arith.andi %ge3A_1842, %lt3A_1844 : vector<16xi1>
          %ne3A_1846 = arith.cmpi ne, %get3A_1834, %gather3A_1840 : vector<16xi32>
          %and3A_1847 = arith.andi %and3A_1845, %ne3A_1846 : vector<16xi1>
          %sub3A_1848 = vector.broadcast %mul3A_1118 : i32 to vector<16xi32>
          %sub3A_1849 = arith.subi %get3A_1834, %sub3A_1848 : vector<16xi32>
          tpu.vector_store_idx %arg13[%sub3A_1849], %get3A_1836 masked %and3A_1847 : memref<32768xf32, #tpu.memory_space<vmem>>[vector<16xi32>], vector<16xf32>, vector<16xi1>
          %get3A_1850 = arith.constant 16 : index
          %get3A_1851 = tpu.vector_load %arg10[%get3A_1850] {strides = array<i32>} : memref<528xi32, #tpu.memory_space<vmem>>, vector<16xi32>,
          %get3A_1852 = arith.constant 16 : index
          %get3A_1853 = tpu.vector_load %arg12[%get3A_1852] {strides = array<i32>} : memref<528xf32, #tpu.memory_space<vmem>>, vector<16xf32>,
          %add3A_1854 = arith.constant 17 : i32
          %add3A_1855 = vector.broadcast %add3A_1854 : i32 to vector<16xi32>
          %add3A_1856 = arith.addi %iota3A, %add3A_1855 : vector<16xi32>
          %gather3A_1857 = tpu.vector_load_idx %arg10[%add3A_1856] : memref<528xi32, #tpu.memory_space<vmem>>[vector<16xi32>], vector<16xi32>,
          %ge3A_1858 = vector.broadcast %mul3A_1118 : i32 to vector<16xi32>
          %ge3A_1859 = arith.cmpi sge, %get3A_1851, %ge3A_1858 : vector<16xi32>
          %lt3A_1860 = vector.broadcast %add3A_1120 : i32 to vector<16xi32>
          %lt3A_1861 = arith.cmpi slt, %get3A_1851, %lt3A_1860 : vector<16xi32>
          %and3A_1862 = arith.andi %ge3A_1859, %lt3A_1861 : vector<16xi1>
          %ne3A_1863 = arith.cmpi ne, %get3A_1851, %gather3A_1857 : vector<16xi32>
          %and3A_1864 = arith.andi %and3A_1862, %ne3A_1863 : vector<16xi1>
          %sub3A_1865 = vector.broadcast %mul3A_1118 : i32 to vector<16xi32>
          %sub3A_1866 = arith.subi %get3A_1851, %sub3A_1865 : vector<16xi32>
          tpu.vector_store_idx %arg13[%sub3A_1866], %get3A_1853 masked %and3A_1864 : memref<32768xf32, #tpu.memory_space<vmem>>[vector<16xi32>], vector<16xf32>, vector<16xi1>
          %get3A_1867 = arith.constant 32 : index
          %get3A_1868 = tpu.vector_load %arg10[%get3A_1867] {strides = array<i32>} : memref<528xi32, #tpu.memory_space<vmem>>, vector<16xi32>,
          %get3A_1869 = arith.constant 32 : index
          %get3A_1870 = tpu.vector_load %arg12[%get3A_1869] {strides = array<i32>} : memref<528xf32, #tpu.memory_space<vmem>>, vector<16xf32>,
          %add3A_1871 = arith.constant 33 : i32
          %add3A_1872 = vector.broadcast %add3A_1871 : i32 to vector<16xi32>
          %add3A_1873 = arith.addi %iota3A, %add3A_1872 : vector<16xi32>
          %gather3A_1874 = tpu.vector_load_idx %arg10[%add3A_1873] : memref<528xi32, #tpu.memory_space<vmem>>[vector<16xi32>], vector<16xi32>,
          %ge3A_1875 = vector.broadcast %mul3A_1118 : i32 to vector<16xi32>
          %ge3A_1876 = arith.cmpi sge, %get3A_1868, %ge3A_1875 : vector<16xi32>
          %lt3A_1877 = vector.broadcast %add3A_1120 : i32 to vector<16xi32>
          %lt3A_1878 = arith.cmpi slt, %get3A_1868, %lt3A_1877 : vector<16xi32>
          %and3A_1879 = arith.andi %ge3A_1876, %lt3A_1878 : vector<16xi1>
          %ne3A_1880 = arith.cmpi ne, %get3A_1868, %gather3A_1874 : vector<16xi32>
          %and3A_1881 = arith.andi %and3A_1879, %ne3A_1880 : vector<16xi1>
          %sub3A_1882 = vector.broadcast %mul3A_1118 : i32 to vector<16xi32>
          %sub3A_1883 = arith.subi %get3A_1868, %sub3A_1882 : vector<16xi32>
          tpu.vector_store_idx %arg13[%sub3A_1883], %get3A_1870 masked %and3A_1881 : memref<32768xf32, #tpu.memory_space<vmem>>[vector<16xi32>], vector<16xf32>, vector<16xi1>
          %get3A_1884 = arith.constant 48 : index
          %get3A_1885 = tpu.vector_load %arg10[%get3A_1884] {strides = array<i32>} : memref<528xi32, #tpu.memory_space<vmem>>, vector<16xi32>,
          %get3A_1886 = arith.constant 48 : index
          %get3A_1887 = tpu.vector_load %arg12[%get3A_1886] {strides = array<i32>} : memref<528xf32, #tpu.memory_space<vmem>>, vector<16xf32>,
          %add3A_1888 = arith.constant 49 : i32
          %add3A_1889 = vector.broadcast %add3A_1888 : i32 to vector<16xi32>
          %add3A_1890 = arith.addi %iota3A, %add3A_1889 : vector<16xi32>
          %gather3A_1891 = tpu.vector_load_idx %arg10[%add3A_1890] : memref<528xi32, #tpu.memory_space<vmem>>[vector<16xi32>], vector<16xi32>,
          %ge3A_1892 = vector.broadcast %mul3A_1118 : i32 to vector<16xi32>
          %ge3A_1893 = arith.cmpi sge, %get3A_1885, %ge3A_1892 : vector<16xi32>
          %lt3A_1894 = vector.broadcast %add3A_1120 : i32 to vector<16xi32>
          %lt3A_1895 = arith.cmpi slt, %get3A_1885, %lt3A_1894 : vector<16xi32>
          %and3A_1896 = arith.andi %ge3A_1893, %lt3A_1895 : vector<16xi1>
          %ne3A_1897 = arith.cmpi ne, %get3A_1885, %gather3A_1891 : vector<16xi32>
          %and3A_1898 = arith.andi %and3A_1896, %ne3A_1897 : vector<16xi1>
          %sub3A_1899 = vector.broadcast %mul3A_1118 : i32 to vector<16xi32>
          %sub3A_1900 = arith.subi %get3A_1885, %sub3A_1899 : vector<16xi32>
          tpu.vector_store_idx %arg13[%sub3A_1900], %get3A_1887 masked %and3A_1898 : memref<32768xf32, #tpu.memory_space<vmem>>[vector<16xi32>], vector<16xf32>, vector<16xi1>
          %get3A_1901 = arith.constant 64 : index
          %get3A_1902 = tpu.vector_load %arg10[%get3A_1901] {strides = array<i32>} : memref<528xi32, #tpu.memory_space<vmem>>, vector<16xi32>,
          %get3A_1903 = arith.constant 64 : index
          %get3A_1904 = tpu.vector_load %arg12[%get3A_1903] {strides = array<i32>} : memref<528xf32, #tpu.memory_space<vmem>>, vector<16xf32>,
          %add3A_1905 = arith.constant 65 : i32
          %add3A_1906 = vector.broadcast %add3A_1905 : i32 to vector<16xi32>
          %add3A_1907 = arith.addi %iota3A, %add3A_1906 : vector<16xi32>
          %gather3A_1908 = tpu.vector_load_idx %arg10[%add3A_1907] : memref<528xi32, #tpu.memory_space<vmem>>[vector<16xi32>], vector<16xi32>,
          %ge3A_1909 = vector.broadcast %mul3A_1118 : i32 to vector<16xi32>
          %ge3A_1910 = arith.cmpi sge, %get3A_1902, %ge3A_1909 : vector<16xi32>
          %lt3A_1911 = vector.broadcast %add3A_1120 : i32 to vector<16xi32>
          %lt3A_1912 = arith.cmpi slt, %get3A_1902, %lt3A_1911 : vector<16xi32>
          %and3A_1913 = arith.andi %ge3A_1910, %lt3A_1912 : vector<16xi1>
          %ne3A_1914 = arith.cmpi ne, %get3A_1902, %gather3A_1908 : vector<16xi32>
          %and3A_1915 = arith.andi %and3A_1913, %ne3A_1914 : vector<16xi1>
          %sub3A_1916 = vector.broadcast %mul3A_1118 : i32 to vector<16xi32>
          %sub3A_1917 = arith.subi %get3A_1902, %sub3A_1916 : vector<16xi32>
          tpu.vector_store_idx %arg13[%sub3A_1917], %get3A_1904 masked %and3A_1915 : memref<32768xf32, #tpu.memory_space<vmem>>[vector<16xi32>], vector<16xf32>, vector<16xi1>
          %get3A_1918 = arith.constant 80 : index
          %get3A_1919 = tpu.vector_load %arg10[%get3A_1918] {strides = array<i32>} : memref<528xi32, #tpu.memory_space<vmem>>, vector<16xi32>,
          %get3A_1920 = arith.constant 80 : index
          %get3A_1921 = tpu.vector_load %arg12[%get3A_1920] {strides = array<i32>} : memref<528xf32, #tpu.memory_space<vmem>>, vector<16xf32>,
          %add3A_1922 = arith.constant 81 : i32
          %add3A_1923 = vector.broadcast %add3A_1922 : i32 to vector<16xi32>
          %add3A_1924 = arith.addi %iota3A, %add3A_1923 : vector<16xi32>
          %gather3A_1925 = tpu.vector_load_idx %arg10[%add3A_1924] : memref<528xi32, #tpu.memory_space<vmem>>[vector<16xi32>], vector<16xi32>,
          %ge3A_1926 = vector.broadcast %mul3A_1118 : i32 to vector<16xi32>
          %ge3A_1927 = arith.cmpi sge, %get3A_1919, %ge3A_1926 : vector<16xi32>
          %lt3A_1928 = vector.broadcast %add3A_1120 : i32 to vector<16xi32>
          %lt3A_1929 = arith.cmpi slt, %get3A_1919, %lt3A_1928 : vector<16xi32>
          %and3A_1930 = arith.andi %ge3A_1927, %lt3A_1929 : vector<16xi1>
          %ne3A_1931 = arith.cmpi ne, %get3A_1919, %gather3A_1925 : vector<16xi32>
          %and3A_1932 = arith.andi %and3A_1930, %ne3A_1931 : vector<16xi1>
          %sub3A_1933 = vector.broadcast %mul3A_1118 : i32 to vector<16xi32>
          %sub3A_1934 = arith.subi %get3A_1919, %sub3A_1933 : vector<16xi32>
          tpu.vector_store_idx %arg13[%sub3A_1934], %get3A_1921 masked %and3A_1932 : memref<32768xf32, #tpu.memory_space<vmem>>[vector<16xi32>], vector<16xf32>, vector<16xi1>
          %get3A_1935 = arith.constant 96 : index
          %get3A_1936 = tpu.vector_load %arg10[%get3A_1935] {strides = array<i32>} : memref<528xi32, #tpu.memory_space<vmem>>, vector<16xi32>,
          %get3A_1937 = arith.constant 96 : index
          %get3A_1938 = tpu.vector_load %arg12[%get3A_1937] {strides = array<i32>} : memref<528xf32, #tpu.memory_space<vmem>>, vector<16xf32>,
          %add3A_1939 = arith.constant 97 : i32
          %add3A_1940 = vector.broadcast %add3A_1939 : i32 to vector<16xi32>
          %add3A_1941 = arith.addi %iota3A, %add3A_1940 : vector<16xi32>
          %gather3A_1942 = tpu.vector_load_idx %arg10[%add3A_1941] : memref<528xi32, #tpu.memory_space<vmem>>[vector<16xi32>], vector<16xi32>,
          %ge3A_1943 = vector.broadcast %mul3A_1118 : i32 to vector<16xi32>
          %ge3A_1944 = arith.cmpi sge, %get3A_1936, %ge3A_1943 : vector<16xi32>
          %lt3A_1945 = vector.broadcast %add3A_1120 : i32 to vector<16xi32>
          %lt3A_1946 = arith.cmpi slt, %get3A_1936, %lt3A_1945 : vector<16xi32>
          %and3A_1947 = arith.andi %ge3A_1944, %lt3A_1946 : vector<16xi1>
          %ne3A_1948 = arith.cmpi ne, %get3A_1936, %gather3A_1942 : vector<16xi32>
          %and3A_1949 = arith.andi %and3A_1947, %ne3A_1948 : vector<16xi1>
          %sub3A_1950 = vector.broadcast %mul3A_1118 : i32 to vector<16xi32>
          %sub3A_1951 = arith.subi %get3A_1936, %sub3A_1950 : vector<16xi32>
          tpu.vector_store_idx %arg13[%sub3A_1951], %get3A_1938 masked %and3A_1949 : memref<32768xf32, #tpu.memory_space<vmem>>[vector<16xi32>], vector<16xf32>, vector<16xi1>
          %get3A_1952 = arith.constant 112 : index
          %get3A_1953 = tpu.vector_load %arg10[%get3A_1952] {strides = array<i32>} : memref<528xi32, #tpu.memory_space<vmem>>, vector<16xi32>,
          %get3A_1954 = arith.constant 112 : index
          %get3A_1955 = tpu.vector_load %arg12[%get3A_1954] {strides = array<i32>} : memref<528xf32, #tpu.memory_space<vmem>>, vector<16xf32>,
          %add3A_1956 = arith.constant 113 : i32
          %add3A_1957 = vector.broadcast %add3A_1956 : i32 to vector<16xi32>
          %add3A_1958 = arith.addi %iota3A, %add3A_1957 : vector<16xi32>
          %gather3A_1959 = tpu.vector_load_idx %arg10[%add3A_1958] : memref<528xi32, #tpu.memory_space<vmem>>[vector<16xi32>], vector<16xi32>,
          %ge3A_1960 = vector.broadcast %mul3A_1118 : i32 to vector<16xi32>
          %ge3A_1961 = arith.cmpi sge, %get3A_1953, %ge3A_1960 : vector<16xi32>
          %lt3A_1962 = vector.broadcast %add3A_1120 : i32 to vector<16xi32>
          %lt3A_1963 = arith.cmpi slt, %get3A_1953, %lt3A_1962 : vector<16xi32>
          %and3A_1964 = arith.andi %ge3A_1961, %lt3A_1963 : vector<16xi1>
          %ne3A_1965 = arith.cmpi ne, %get3A_1953, %gather3A_1959 : vector<16xi32>
          %and3A_1966 = arith.andi %and3A_1964, %ne3A_1965 : vector<16xi1>
          %sub3A_1967 = vector.broadcast %mul3A_1118 : i32 to vector<16xi32>
          %sub3A_1968 = arith.subi %get3A_1953, %sub3A_1967 : vector<16xi32>
          tpu.vector_store_idx %arg13[%sub3A_1968], %get3A_1955 masked %and3A_1966 : memref<32768xf32, #tpu.memory_space<vmem>>[vector<16xi32>], vector<16xf32>, vector<16xi1>
          %get3A_1969 = arith.constant 128 : index
          %get3A_1970 = tpu.vector_load %arg10[%get3A_1969] {strides = array<i32>} : memref<528xi32, #tpu.memory_space<vmem>>, vector<16xi32>,
          %get3A_1971 = arith.constant 128 : index
          %get3A_1972 = tpu.vector_load %arg12[%get3A_1971] {strides = array<i32>} : memref<528xf32, #tpu.memory_space<vmem>>, vector<16xf32>,
          %add3A_1973 = arith.constant 129 : i32
          %add3A_1974 = vector.broadcast %add3A_1973 : i32 to vector<16xi32>
          %add3A_1975 = arith.addi %iota3A, %add3A_1974 : vector<16xi32>
          %gather3A_1976 = tpu.vector_load_idx %arg10[%add3A_1975] : memref<528xi32, #tpu.memory_space<vmem>>[vector<16xi32>], vector<16xi32>,
          %ge3A_1977 = vector.broadcast %mul3A_1118 : i32 to vector<16xi32>
          %ge3A_1978 = arith.cmpi sge, %get3A_1970, %ge3A_1977 : vector<16xi32>
          %lt3A_1979 = vector.broadcast %add3A_1120 : i32 to vector<16xi32>
          %lt3A_1980 = arith.cmpi slt, %get3A_1970, %lt3A_1979 : vector<16xi32>
          %and3A_1981 = arith.andi %ge3A_1978, %lt3A_1980 : vector<16xi1>
          %ne3A_1982 = arith.cmpi ne, %get3A_1970, %gather3A_1976 : vector<16xi32>
          %and3A_1983 = arith.andi %and3A_1981, %ne3A_1982 : vector<16xi1>
          %sub3A_1984 = vector.broadcast %mul3A_1118 : i32 to vector<16xi32>
          %sub3A_1985 = arith.subi %get3A_1970, %sub3A_1984 : vector<16xi32>
          tpu.vector_store_idx %arg13[%sub3A_1985], %get3A_1972 masked %and3A_1983 : memref<32768xf32, #tpu.memory_space<vmem>>[vector<16xi32>], vector<16xf32>, vector<16xi1>
          %get3A_1986 = arith.constant 144 : index
          %get3A_1987 = tpu.vector_load %arg10[%get3A_1986] {strides = array<i32>} : memref<528xi32, #tpu.memory_space<vmem>>, vector<16xi32>,
          %get3A_1988 = arith.constant 144 : index
          %get3A_1989 = tpu.vector_load %arg12[%get3A_1988] {strides = array<i32>} : memref<528xf32, #tpu.memory_space<vmem>>, vector<16xf32>,
          %add3A_1990 = arith.constant 145 : i32
          %add3A_1991 = vector.broadcast %add3A_1990 : i32 to vector<16xi32>
          %add3A_1992 = arith.addi %iota3A, %add3A_1991 : vector<16xi32>
          %gather3A_1993 = tpu.vector_load_idx %arg10[%add3A_1992] : memref<528xi32, #tpu.memory_space<vmem>>[vector<16xi32>], vector<16xi32>,
          %ge3A_1994 = vector.broadcast %mul3A_1118 : i32 to vector<16xi32>
          %ge3A_1995 = arith.cmpi sge, %get3A_1987, %ge3A_1994 : vector<16xi32>
          %lt3A_1996 = vector.broadcast %add3A_1120 : i32 to vector<16xi32>
          %lt3A_1997 = arith.cmpi slt, %get3A_1987, %lt3A_1996 : vector<16xi32>
          %and3A_1998 = arith.andi %ge3A_1995, %lt3A_1997 : vector<16xi1>
          %ne3A_1999 = arith.cmpi ne, %get3A_1987, %gather3A_1993 : vector<16xi32>
          %and3A_2000 = arith.andi %and3A_1998, %ne3A_1999 : vector<16xi1>
          %sub3A_2001 = vector.broadcast %mul3A_1118 : i32 to vector<16xi32>
          %sub3A_2002 = arith.subi %get3A_1987, %sub3A_2001 : vector<16xi32>
          tpu.vector_store_idx %arg13[%sub3A_2002], %get3A_1989 masked %and3A_2000 : memref<32768xf32, #tpu.memory_space<vmem>>[vector<16xi32>], vector<16xf32>, vector<16xi1>
          %get3A_2003 = arith.constant 160 : index
          %get3A_2004 = tpu.vector_load %arg10[%get3A_2003] {strides = array<i32>} : memref<528xi32, #tpu.memory_space<vmem>>, vector<16xi32>,
          %get3A_2005 = arith.constant 160 : index
          %get3A_2006 = tpu.vector_load %arg12[%get3A_2005] {strides = array<i32>} : memref<528xf32, #tpu.memory_space<vmem>>, vector<16xf32>,
          %add3A_2007 = arith.constant 161 : i32
          %add3A_2008 = vector.broadcast %add3A_2007 : i32 to vector<16xi32>
          %add3A_2009 = arith.addi %iota3A, %add3A_2008 : vector<16xi32>
          %gather3A_2010 = tpu.vector_load_idx %arg10[%add3A_2009] : memref<528xi32, #tpu.memory_space<vmem>>[vector<16xi32>], vector<16xi32>,
          %ge3A_2011 = vector.broadcast %mul3A_1118 : i32 to vector<16xi32>
          %ge3A_2012 = arith.cmpi sge, %get3A_2004, %ge3A_2011 : vector<16xi32>
          %lt3A_2013 = vector.broadcast %add3A_1120 : i32 to vector<16xi32>
          %lt3A_2014 = arith.cmpi slt, %get3A_2004, %lt3A_2013 : vector<16xi32>
          %and3A_2015 = arith.andi %ge3A_2012, %lt3A_2014 : vector<16xi1>
          %ne3A_2016 = arith.cmpi ne, %get3A_2004, %gather3A_2010 : vector<16xi32>
          %and3A_2017 = arith.andi %and3A_2015, %ne3A_2016 : vector<16xi1>
          %sub3A_2018 = vector.broadcast %mul3A_1118 : i32 to vector<16xi32>
          %sub3A_2019 = arith.subi %get3A_2004, %sub3A_2018 : vector<16xi32>
          tpu.vector_store_idx %arg13[%sub3A_2019], %get3A_2006 masked %and3A_2017 : memref<32768xf32, #tpu.memory_space<vmem>>[vector<16xi32>], vector<16xf32>, vector<16xi1>
          %get3A_2020 = arith.constant 176 : index
          %get3A_2021 = tpu.vector_load %arg10[%get3A_2020] {strides = array<i32>} : memref<528xi32, #tpu.memory_space<vmem>>, vector<16xi32>,
          %get3A_2022 = arith.constant 176 : index
          %get3A_2023 = tpu.vector_load %arg12[%get3A_2022] {strides = array<i32>} : memref<528xf32, #tpu.memory_space<vmem>>, vector<16xf32>,
          %add3A_2024 = arith.constant 177 : i32
          %add3A_2025 = vector.broadcast %add3A_2024 : i32 to vector<16xi32>
          %add3A_2026 = arith.addi %iota3A, %add3A_2025 : vector<16xi32>
          %gather3A_2027 = tpu.vector_load_idx %arg10[%add3A_2026] : memref<528xi32, #tpu.memory_space<vmem>>[vector<16xi32>], vector<16xi32>,
          %ge3A_2028 = vector.broadcast %mul3A_1118 : i32 to vector<16xi32>
          %ge3A_2029 = arith.cmpi sge, %get3A_2021, %ge3A_2028 : vector<16xi32>
          %lt3A_2030 = vector.broadcast %add3A_1120 : i32 to vector<16xi32>
          %lt3A_2031 = arith.cmpi slt, %get3A_2021, %lt3A_2030 : vector<16xi32>
          %and3A_2032 = arith.andi %ge3A_2029, %lt3A_2031 : vector<16xi1>
          %ne3A_2033 = arith.cmpi ne, %get3A_2021, %gather3A_2027 : vector<16xi32>
          %and3A_2034 = arith.andi %and3A_2032, %ne3A_2033 : vector<16xi1>
          %sub3A_2035 = vector.broadcast %mul3A_1118 : i32 to vector<16xi32>
          %sub3A_2036 = arith.subi %get3A_2021, %sub3A_2035 : vector<16xi32>
          tpu.vector_store_idx %arg13[%sub3A_2036], %get3A_2023 masked %and3A_2034 : memref<32768xf32, #tpu.memory_space<vmem>>[vector<16xi32>], vector<16xf32>, vector<16xi1>
          %get3A_2037 = arith.constant 192 : index
          %get3A_2038 = tpu.vector_load %arg10[%get3A_2037] {strides = array<i32>} : memref<528xi32, #tpu.memory_space<vmem>>, vector<16xi32>,
          %get3A_2039 = arith.constant 192 : index
          %get3A_2040 = tpu.vector_load %arg12[%get3A_2039] {strides = array<i32>} : memref<528xf32, #tpu.memory_space<vmem>>, vector<16xf32>,
          %add3A_2041 = arith.constant 193 : i32
          %add3A_2042 = vector.broadcast %add3A_2041 : i32 to vector<16xi32>
          %add3A_2043 = arith.addi %iota3A, %add3A_2042 : vector<16xi32>
          %gather3A_2044 = tpu.vector_load_idx %arg10[%add3A_2043] : memref<528xi32, #tpu.memory_space<vmem>>[vector<16xi32>], vector<16xi32>,
          %ge3A_2045 = vector.broadcast %mul3A_1118 : i32 to vector<16xi32>
          %ge3A_2046 = arith.cmpi sge, %get3A_2038, %ge3A_2045 : vector<16xi32>
          %lt3A_2047 = vector.broadcast %add3A_1120 : i32 to vector<16xi32>
          %lt3A_2048 = arith.cmpi slt, %get3A_2038, %lt3A_2047 : vector<16xi32>
          %and3A_2049 = arith.andi %ge3A_2046, %lt3A_2048 : vector<16xi1>
          %ne3A_2050 = arith.cmpi ne, %get3A_2038, %gather3A_2044 : vector<16xi32>
          %and3A_2051 = arith.andi %and3A_2049, %ne3A_2050 : vector<16xi1>
          %sub3A_2052 = vector.broadcast %mul3A_1118 : i32 to vector<16xi32>
          %sub3A_2053 = arith.subi %get3A_2038, %sub3A_2052 : vector<16xi32>
          tpu.vector_store_idx %arg13[%sub3A_2053], %get3A_2040 masked %and3A_2051 : memref<32768xf32, #tpu.memory_space<vmem>>[vector<16xi32>], vector<16xf32>, vector<16xi1>
          %get3A_2054 = arith.constant 208 : index
          %get3A_2055 = tpu.vector_load %arg10[%get3A_2054] {strides = array<i32>} : memref<528xi32, #tpu.memory_space<vmem>>, vector<16xi32>,
          %get3A_2056 = arith.constant 208 : index
          %get3A_2057 = tpu.vector_load %arg12[%get3A_2056] {strides = array<i32>} : memref<528xf32, #tpu.memory_space<vmem>>, vector<16xf32>,
          %add3A_2058 = arith.constant 209 : i32
          %add3A_2059 = vector.broadcast %add3A_2058 : i32 to vector<16xi32>
          %add3A_2060 = arith.addi %iota3A, %add3A_2059 : vector<16xi32>
          %gather3A_2061 = tpu.vector_load_idx %arg10[%add3A_2060] : memref<528xi32, #tpu.memory_space<vmem>>[vector<16xi32>], vector<16xi32>,
          %ge3A_2062 = vector.broadcast %mul3A_1118 : i32 to vector<16xi32>
          %ge3A_2063 = arith.cmpi sge, %get3A_2055, %ge3A_2062 : vector<16xi32>
          %lt3A_2064 = vector.broadcast %add3A_1120 : i32 to vector<16xi32>
          %lt3A_2065 = arith.cmpi slt, %get3A_2055, %lt3A_2064 : vector<16xi32>
          %and3A_2066 = arith.andi %ge3A_2063, %lt3A_2065 : vector<16xi1>
          %ne3A_2067 = arith.cmpi ne, %get3A_2055, %gather3A_2061 : vector<16xi32>
          %and3A_2068 = arith.andi %and3A_2066, %ne3A_2067 : vector<16xi1>
          %sub3A_2069 = vector.broadcast %mul3A_1118 : i32 to vector<16xi32>
          %sub3A_2070 = arith.subi %get3A_2055, %sub3A_2069 : vector<16xi32>
          tpu.vector_store_idx %arg13[%sub3A_2070], %get3A_2057 masked %and3A_2068 : memref<32768xf32, #tpu.memory_space<vmem>>[vector<16xi32>], vector<16xf32>, vector<16xi1>
          %get3A_2071 = arith.constant 224 : index
          %get3A_2072 = tpu.vector_load %arg10[%get3A_2071] {strides = array<i32>} : memref<528xi32, #tpu.memory_space<vmem>>, vector<16xi32>,
          %get3A_2073 = arith.constant 224 : index
          %get3A_2074 = tpu.vector_load %arg12[%get3A_2073] {strides = array<i32>} : memref<528xf32, #tpu.memory_space<vmem>>, vector<16xf32>,
          %add3A_2075 = arith.constant 225 : i32
          %add3A_2076 = vector.broadcast %add3A_2075 : i32 to vector<16xi32>
          %add3A_2077 = arith.addi %iota3A, %add3A_2076 : vector<16xi32>
          %gather3A_2078 = tpu.vector_load_idx %arg10[%add3A_2077] : memref<528xi32, #tpu.memory_space<vmem>>[vector<16xi32>], vector<16xi32>,
          %ge3A_2079 = vector.broadcast %mul3A_1118 : i32 to vector<16xi32>
          %ge3A_2080 = arith.cmpi sge, %get3A_2072, %ge3A_2079 : vector<16xi32>
          %lt3A_2081 = vector.broadcast %add3A_1120 : i32 to vector<16xi32>
          %lt3A_2082 = arith.cmpi slt, %get3A_2072, %lt3A_2081 : vector<16xi32>
          %and3A_2083 = arith.andi %ge3A_2080, %lt3A_2082 : vector<16xi1>
          %ne3A_2084 = arith.cmpi ne, %get3A_2072, %gather3A_2078 : vector<16xi32>
          %and3A_2085 = arith.andi %and3A_2083, %ne3A_2084 : vector<16xi1>
          %sub3A_2086 = vector.broadcast %mul3A_1118 : i32 to vector<16xi32>
          %sub3A_2087 = arith.subi %get3A_2072, %sub3A_2086 : vector<16xi32>
          tpu.vector_store_idx %arg13[%sub3A_2087], %get3A_2074 masked %and3A_2085 : memref<32768xf32, #tpu.memory_space<vmem>>[vector<16xi32>], vector<16xf32>, vector<16xi1>
          %get3A_2088 = arith.constant 240 : index
          %get3A_2089 = tpu.vector_load %arg10[%get3A_2088] {strides = array<i32>} : memref<528xi32, #tpu.memory_space<vmem>>, vector<16xi32>,
          %get3A_2090 = arith.constant 240 : index
          %get3A_2091 = tpu.vector_load %arg12[%get3A_2090] {strides = array<i32>} : memref<528xf32, #tpu.memory_space<vmem>>, vector<16xf32>,
          %add3A_2092 = arith.constant 241 : i32
          %add3A_2093 = vector.broadcast %add3A_2092 : i32 to vector<16xi32>
          %add3A_2094 = arith.addi %iota3A, %add3A_2093 : vector<16xi32>
          %gather3A_2095 = tpu.vector_load_idx %arg10[%add3A_2094] : memref<528xi32, #tpu.memory_space<vmem>>[vector<16xi32>], vector<16xi32>,
          %ge3A_2096 = vector.broadcast %mul3A_1118 : i32 to vector<16xi32>
          %ge3A_2097 = arith.cmpi sge, %get3A_2089, %ge3A_2096 : vector<16xi32>
          %lt3A_2098 = vector.broadcast %add3A_1120 : i32 to vector<16xi32>
          %lt3A_2099 = arith.cmpi slt, %get3A_2089, %lt3A_2098 : vector<16xi32>
          %and3A_2100 = arith.andi %ge3A_2097, %lt3A_2099 : vector<16xi1>
          %ne3A_2101 = arith.cmpi ne, %get3A_2089, %gather3A_2095 : vector<16xi32>
          %and3A_2102 = arith.andi %and3A_2100, %ne3A_2101 : vector<16xi1>
          %sub3A_2103 = vector.broadcast %mul3A_1118 : i32 to vector<16xi32>
          %sub3A_2104 = arith.subi %get3A_2089, %sub3A_2103 : vector<16xi32>
          tpu.vector_store_idx %arg13[%sub3A_2104], %get3A_2091 masked %and3A_2102 : memref<32768xf32, #tpu.memory_space<vmem>>[vector<16xi32>], vector<16xf32>, vector<16xi1>
          %get3A_2105 = arith.constant 256 : index
          %get3A_2106 = tpu.vector_load %arg10[%get3A_2105] {strides = array<i32>} : memref<528xi32, #tpu.memory_space<vmem>>, vector<16xi32>,
          %get3A_2107 = arith.constant 256 : index
          %get3A_2108 = tpu.vector_load %arg12[%get3A_2107] {strides = array<i32>} : memref<528xf32, #tpu.memory_space<vmem>>, vector<16xf32>,
          %add3A_2109 = arith.constant 257 : i32
          %add3A_2110 = vector.broadcast %add3A_2109 : i32 to vector<16xi32>
          %add3A_2111 = arith.addi %iota3A, %add3A_2110 : vector<16xi32>
          %gather3A_2112 = tpu.vector_load_idx %arg10[%add3A_2111] : memref<528xi32, #tpu.memory_space<vmem>>[vector<16xi32>], vector<16xi32>,
          %ge3A_2113 = vector.broadcast %mul3A_1118 : i32 to vector<16xi32>
          %ge3A_2114 = arith.cmpi sge, %get3A_2106, %ge3A_2113 : vector<16xi32>
          %lt3A_2115 = vector.broadcast %add3A_1120 : i32 to vector<16xi32>
          %lt3A_2116 = arith.cmpi slt, %get3A_2106, %lt3A_2115 : vector<16xi32>
          %and3A_2117 = arith.andi %ge3A_2114, %lt3A_2116 : vector<16xi1>
          %ne3A_2118 = arith.cmpi ne, %get3A_2106, %gather3A_2112 : vector<16xi32>
          %and3A_2119 = arith.andi %and3A_2117, %ne3A_2118 : vector<16xi1>
          %sub3A_2120 = vector.broadcast %mul3A_1118 : i32 to vector<16xi32>
          %sub3A_2121 = arith.subi %get3A_2106, %sub3A_2120 : vector<16xi32>
          tpu.vector_store_idx %arg13[%sub3A_2121], %get3A_2108 masked %and3A_2119 : memref<32768xf32, #tpu.memory_space<vmem>>[vector<16xi32>], vector<16xf32>, vector<16xi1>
          %get3A_2122 = arith.constant 272 : index
          %get3A_2123 = tpu.vector_load %arg10[%get3A_2122] {strides = array<i32>} : memref<528xi32, #tpu.memory_space<vmem>>, vector<16xi32>,
          %get3A_2124 = arith.constant 272 : index
          %get3A_2125 = tpu.vector_load %arg12[%get3A_2124] {strides = array<i32>} : memref<528xf32, #tpu.memory_space<vmem>>, vector<16xf32>,
          %add3A_2126 = arith.constant 273 : i32
          %add3A_2127 = vector.broadcast %add3A_2126 : i32 to vector<16xi32>
          %add3A_2128 = arith.addi %iota3A, %add3A_2127 : vector<16xi32>
          %gather3A_2129 = tpu.vector_load_idx %arg10[%add3A_2128] : memref<528xi32, #tpu.memory_space<vmem>>[vector<16xi32>], vector<16xi32>,
          %ge3A_2130 = vector.broadcast %mul3A_1118 : i32 to vector<16xi32>
          %ge3A_2131 = arith.cmpi sge, %get3A_2123, %ge3A_2130 : vector<16xi32>
          %lt3A_2132 = vector.broadcast %add3A_1120 : i32 to vector<16xi32>
          %lt3A_2133 = arith.cmpi slt, %get3A_2123, %lt3A_2132 : vector<16xi32>
          %and3A_2134 = arith.andi %ge3A_2131, %lt3A_2133 : vector<16xi1>
          %ne3A_2135 = arith.cmpi ne, %get3A_2123, %gather3A_2129 : vector<16xi32>
          %and3A_2136 = arith.andi %and3A_2134, %ne3A_2135 : vector<16xi1>
          %sub3A_2137 = vector.broadcast %mul3A_1118 : i32 to vector<16xi32>
          %sub3A_2138 = arith.subi %get3A_2123, %sub3A_2137 : vector<16xi32>
          tpu.vector_store_idx %arg13[%sub3A_2138], %get3A_2125 masked %and3A_2136 : memref<32768xf32, #tpu.memory_space<vmem>>[vector<16xi32>], vector<16xf32>, vector<16xi1>
          %get3A_2139 = arith.constant 288 : index
          %get3A_2140 = tpu.vector_load %arg10[%get3A_2139] {strides = array<i32>} : memref<528xi32, #tpu.memory_space<vmem>>, vector<16xi32>,
          %get3A_2141 = arith.constant 288 : index
          %get3A_2142 = tpu.vector_load %arg12[%get3A_2141] {strides = array<i32>} : memref<528xf32, #tpu.memory_space<vmem>>, vector<16xf32>,
          %add3A_2143 = arith.constant 289 : i32
          %add3A_2144 = vector.broadcast %add3A_2143 : i32 to vector<16xi32>
          %add3A_2145 = arith.addi %iota3A, %add3A_2144 : vector<16xi32>
          %gather3A_2146 = tpu.vector_load_idx %arg10[%add3A_2145] : memref<528xi32, #tpu.memory_space<vmem>>[vector<16xi32>], vector<16xi32>,
          %ge3A_2147 = vector.broadcast %mul3A_1118 : i32 to vector<16xi32>
          %ge3A_2148 = arith.cmpi sge, %get3A_2140, %ge3A_2147 : vector<16xi32>
          %lt3A_2149 = vector.broadcast %add3A_1120 : i32 to vector<16xi32>
          %lt3A_2150 = arith.cmpi slt, %get3A_2140, %lt3A_2149 : vector<16xi32>
          %and3A_2151 = arith.andi %ge3A_2148, %lt3A_2150 : vector<16xi1>
          %ne3A_2152 = arith.cmpi ne, %get3A_2140, %gather3A_2146 : vector<16xi32>
          %and3A_2153 = arith.andi %and3A_2151, %ne3A_2152 : vector<16xi1>
          %sub3A_2154 = vector.broadcast %mul3A_1118 : i32 to vector<16xi32>
          %sub3A_2155 = arith.subi %get3A_2140, %sub3A_2154 : vector<16xi32>
          tpu.vector_store_idx %arg13[%sub3A_2155], %get3A_2142 masked %and3A_2153 : memref<32768xf32, #tpu.memory_space<vmem>>[vector<16xi32>], vector<16xf32>, vector<16xi1>
          %get3A_2156 = arith.constant 304 : index
          %get3A_2157 = tpu.vector_load %arg10[%get3A_2156] {strides = array<i32>} : memref<528xi32, #tpu.memory_space<vmem>>, vector<16xi32>,
          %get3A_2158 = arith.constant 304 : index
          %get3A_2159 = tpu.vector_load %arg12[%get3A_2158] {strides = array<i32>} : memref<528xf32, #tpu.memory_space<vmem>>, vector<16xf32>,
          %add3A_2160 = arith.constant 305 : i32
          %add3A_2161 = vector.broadcast %add3A_2160 : i32 to vector<16xi32>
          %add3A_2162 = arith.addi %iota3A, %add3A_2161 : vector<16xi32>
          %gather3A_2163 = tpu.vector_load_idx %arg10[%add3A_2162] : memref<528xi32, #tpu.memory_space<vmem>>[vector<16xi32>], vector<16xi32>,
          %ge3A_2164 = vector.broadcast %mul3A_1118 : i32 to vector<16xi32>
          %ge3A_2165 = arith.cmpi sge, %get3A_2157, %ge3A_2164 : vector<16xi32>
          %lt3A_2166 = vector.broadcast %add3A_1120 : i32 to vector<16xi32>
          %lt3A_2167 = arith.cmpi slt, %get3A_2157, %lt3A_2166 : vector<16xi32>
          %and3A_2168 = arith.andi %ge3A_2165, %lt3A_2167 : vector<16xi1>
          %ne3A_2169 = arith.cmpi ne, %get3A_2157, %gather3A_2163 : vector<16xi32>
          %and3A_2170 = arith.andi %and3A_2168, %ne3A_2169 : vector<16xi1>
          %sub3A_2171 = vector.broadcast %mul3A_1118 : i32 to vector<16xi32>
          %sub3A_2172 = arith.subi %get3A_2157, %sub3A_2171 : vector<16xi32>
          tpu.vector_store_idx %arg13[%sub3A_2172], %get3A_2159 masked %and3A_2170 : memref<32768xf32, #tpu.memory_space<vmem>>[vector<16xi32>], vector<16xf32>, vector<16xi1>
          %get3A_2173 = arith.constant 320 : index
          %get3A_2174 = tpu.vector_load %arg10[%get3A_2173] {strides = array<i32>} : memref<528xi32, #tpu.memory_space<vmem>>, vector<16xi32>,
          %get3A_2175 = arith.constant 320 : index
          %get3A_2176 = tpu.vector_load %arg12[%get3A_2175] {strides = array<i32>} : memref<528xf32, #tpu.memory_space<vmem>>, vector<16xf32>,
          %add3A_2177 = arith.constant 321 : i32
          %add3A_2178 = vector.broadcast %add3A_2177 : i32 to vector<16xi32>
          %add3A_2179 = arith.addi %iota3A, %add3A_2178 : vector<16xi32>
          %gather3A_2180 = tpu.vector_load_idx %arg10[%add3A_2179] : memref<528xi32, #tpu.memory_space<vmem>>[vector<16xi32>], vector<16xi32>,
          %ge3A_2181 = vector.broadcast %mul3A_1118 : i32 to vector<16xi32>
          %ge3A_2182 = arith.cmpi sge, %get3A_2174, %ge3A_2181 : vector<16xi32>
          %lt3A_2183 = vector.broadcast %add3A_1120 : i32 to vector<16xi32>
          %lt3A_2184 = arith.cmpi slt, %get3A_2174, %lt3A_2183 : vector<16xi32>
          %and3A_2185 = arith.andi %ge3A_2182, %lt3A_2184 : vector<16xi1>
          %ne3A_2186 = arith.cmpi ne, %get3A_2174, %gather3A_2180 : vector<16xi32>
          %and3A_2187 = arith.andi %and3A_2185, %ne3A_2186 : vector<16xi1>
          %sub3A_2188 = vector.broadcast %mul3A_1118 : i32 to vector<16xi32>
          %sub3A_2189 = arith.subi %get3A_2174, %sub3A_2188 : vector<16xi32>
          tpu.vector_store_idx %arg13[%sub3A_2189], %get3A_2176 masked %and3A_2187 : memref<32768xf32, #tpu.memory_space<vmem>>[vector<16xi32>], vector<16xf32>, vector<16xi1>
          %get3A_2190 = arith.constant 336 : index
          %get3A_2191 = tpu.vector_load %arg10[%get3A_2190] {strides = array<i32>} : memref<528xi32, #tpu.memory_space<vmem>>, vector<16xi32>,
          %get3A_2192 = arith.constant 336 : index
          %get3A_2193 = tpu.vector_load %arg12[%get3A_2192] {strides = array<i32>} : memref<528xf32, #tpu.memory_space<vmem>>, vector<16xf32>,
          %add3A_2194 = arith.constant 337 : i32
          %add3A_2195 = vector.broadcast %add3A_2194 : i32 to vector<16xi32>
          %add3A_2196 = arith.addi %iota3A, %add3A_2195 : vector<16xi32>
          %gather3A_2197 = tpu.vector_load_idx %arg10[%add3A_2196] : memref<528xi32, #tpu.memory_space<vmem>>[vector<16xi32>], vector<16xi32>,
          %ge3A_2198 = vector.broadcast %mul3A_1118 : i32 to vector<16xi32>
          %ge3A_2199 = arith.cmpi sge, %get3A_2191, %ge3A_2198 : vector<16xi32>
          %lt3A_2200 = vector.broadcast %add3A_1120 : i32 to vector<16xi32>
          %lt3A_2201 = arith.cmpi slt, %get3A_2191, %lt3A_2200 : vector<16xi32>
          %and3A_2202 = arith.andi %ge3A_2199, %lt3A_2201 : vector<16xi1>
          %ne3A_2203 = arith.cmpi ne, %get3A_2191, %gather3A_2197 : vector<16xi32>
          %and3A_2204 = arith.andi %and3A_2202, %ne3A_2203 : vector<16xi1>
          %sub3A_2205 = vector.broadcast %mul3A_1118 : i32 to vector<16xi32>
          %sub3A_2206 = arith.subi %get3A_2191, %sub3A_2205 : vector<16xi32>
          tpu.vector_store_idx %arg13[%sub3A_2206], %get3A_2193 masked %and3A_2204 : memref<32768xf32, #tpu.memory_space<vmem>>[vector<16xi32>], vector<16xf32>, vector<16xi1>
          %get3A_2207 = arith.constant 352 : index
          %get3A_2208 = tpu.vector_load %arg10[%get3A_2207] {strides = array<i32>} : memref<528xi32, #tpu.memory_space<vmem>>, vector<16xi32>,
          %get3A_2209 = arith.constant 352 : index
          %get3A_2210 = tpu.vector_load %arg12[%get3A_2209] {strides = array<i32>} : memref<528xf32, #tpu.memory_space<vmem>>, vector<16xf32>,
          %add3A_2211 = arith.constant 353 : i32
          %add3A_2212 = vector.broadcast %add3A_2211 : i32 to vector<16xi32>
          %add3A_2213 = arith.addi %iota3A, %add3A_2212 : vector<16xi32>
          %gather3A_2214 = tpu.vector_load_idx %arg10[%add3A_2213] : memref<528xi32, #tpu.memory_space<vmem>>[vector<16xi32>], vector<16xi32>,
          %ge3A_2215 = vector.broadcast %mul3A_1118 : i32 to vector<16xi32>
          %ge3A_2216 = arith.cmpi sge, %get3A_2208, %ge3A_2215 : vector<16xi32>
          %lt3A_2217 = vector.broadcast %add3A_1120 : i32 to vector<16xi32>
          %lt3A_2218 = arith.cmpi slt, %get3A_2208, %lt3A_2217 : vector<16xi32>
          %and3A_2219 = arith.andi %ge3A_2216, %lt3A_2218 : vector<16xi1>
          %ne3A_2220 = arith.cmpi ne, %get3A_2208, %gather3A_2214 : vector<16xi32>
          %and3A_2221 = arith.andi %and3A_2219, %ne3A_2220 : vector<16xi1>
          %sub3A_2222 = vector.broadcast %mul3A_1118 : i32 to vector<16xi32>
          %sub3A_2223 = arith.subi %get3A_2208, %sub3A_2222 : vector<16xi32>
          tpu.vector_store_idx %arg13[%sub3A_2223], %get3A_2210 masked %and3A_2221 : memref<32768xf32, #tpu.memory_space<vmem>>[vector<16xi32>], vector<16xf32>, vector<16xi1>
          %get3A_2224 = arith.constant 368 : index
          %get3A_2225 = tpu.vector_load %arg10[%get3A_2224] {strides = array<i32>} : memref<528xi32, #tpu.memory_space<vmem>>, vector<16xi32>,
          %get3A_2226 = arith.constant 368 : index
          %get3A_2227 = tpu.vector_load %arg12[%get3A_2226] {strides = array<i32>} : memref<528xf32, #tpu.memory_space<vmem>>, vector<16xf32>,
          %add3A_2228 = arith.constant 369 : i32
          %add3A_2229 = vector.broadcast %add3A_2228 : i32 to vector<16xi32>
          %add3A_2230 = arith.addi %iota3A, %add3A_2229 : vector<16xi32>
          %gather3A_2231 = tpu.vector_load_idx %arg10[%add3A_2230] : memref<528xi32, #tpu.memory_space<vmem>>[vector<16xi32>], vector<16xi32>,
          %ge3A_2232 = vector.broadcast %mul3A_1118 : i32 to vector<16xi32>
          %ge3A_2233 = arith.cmpi sge, %get3A_2225, %ge3A_2232 : vector<16xi32>
          %lt3A_2234 = vector.broadcast %add3A_1120 : i32 to vector<16xi32>
          %lt3A_2235 = arith.cmpi slt, %get3A_2225, %lt3A_2234 : vector<16xi32>
          %and3A_2236 = arith.andi %ge3A_2233, %lt3A_2235 : vector<16xi1>
          %ne3A_2237 = arith.cmpi ne, %get3A_2225, %gather3A_2231 : vector<16xi32>
          %and3A_2238 = arith.andi %and3A_2236, %ne3A_2237 : vector<16xi1>
          %sub3A_2239 = vector.broadcast %mul3A_1118 : i32 to vector<16xi32>
          %sub3A_2240 = arith.subi %get3A_2225, %sub3A_2239 : vector<16xi32>
          tpu.vector_store_idx %arg13[%sub3A_2240], %get3A_2227 masked %and3A_2238 : memref<32768xf32, #tpu.memory_space<vmem>>[vector<16xi32>], vector<16xf32>, vector<16xi1>
          %get3A_2241 = arith.constant 384 : index
          %get3A_2242 = tpu.vector_load %arg10[%get3A_2241] {strides = array<i32>} : memref<528xi32, #tpu.memory_space<vmem>>, vector<16xi32>,
          %get3A_2243 = arith.constant 384 : index
          %get3A_2244 = tpu.vector_load %arg12[%get3A_2243] {strides = array<i32>} : memref<528xf32, #tpu.memory_space<vmem>>, vector<16xf32>,
          %add3A_2245 = arith.constant 385 : i32
          %add3A_2246 = vector.broadcast %add3A_2245 : i32 to vector<16xi32>
          %add3A_2247 = arith.addi %iota3A, %add3A_2246 : vector<16xi32>
          %gather3A_2248 = tpu.vector_load_idx %arg10[%add3A_2247] : memref<528xi32, #tpu.memory_space<vmem>>[vector<16xi32>], vector<16xi32>,
          %ge3A_2249 = vector.broadcast %mul3A_1118 : i32 to vector<16xi32>
          %ge3A_2250 = arith.cmpi sge, %get3A_2242, %ge3A_2249 : vector<16xi32>
          %lt3A_2251 = vector.broadcast %add3A_1120 : i32 to vector<16xi32>
          %lt3A_2252 = arith.cmpi slt, %get3A_2242, %lt3A_2251 : vector<16xi32>
          %and3A_2253 = arith.andi %ge3A_2250, %lt3A_2252 : vector<16xi1>
          %ne3A_2254 = arith.cmpi ne, %get3A_2242, %gather3A_2248 : vector<16xi32>
          %and3A_2255 = arith.andi %and3A_2253, %ne3A_2254 : vector<16xi1>
          %sub3A_2256 = vector.broadcast %mul3A_1118 : i32 to vector<16xi32>
          %sub3A_2257 = arith.subi %get3A_2242, %sub3A_2256 : vector<16xi32>
          tpu.vector_store_idx %arg13[%sub3A_2257], %get3A_2244 masked %and3A_2255 : memref<32768xf32, #tpu.memory_space<vmem>>[vector<16xi32>], vector<16xf32>, vector<16xi1>
          %get3A_2258 = arith.constant 400 : index
          %get3A_2259 = tpu.vector_load %arg10[%get3A_2258] {strides = array<i32>} : memref<528xi32, #tpu.memory_space<vmem>>, vector<16xi32>,
          %get3A_2260 = arith.constant 400 : index
          %get3A_2261 = tpu.vector_load %arg12[%get3A_2260] {strides = array<i32>} : memref<528xf32, #tpu.memory_space<vmem>>, vector<16xf32>,
          %add3A_2262 = arith.constant 401 : i32
          %add3A_2263 = vector.broadcast %add3A_2262 : i32 to vector<16xi32>
          %add3A_2264 = arith.addi %iota3A, %add3A_2263 : vector<16xi32>
          %gather3A_2265 = tpu.vector_load_idx %arg10[%add3A_2264] : memref<528xi32, #tpu.memory_space<vmem>>[vector<16xi32>], vector<16xi32>,
          %ge3A_2266 = vector.broadcast %mul3A_1118 : i32 to vector<16xi32>
          %ge3A_2267 = arith.cmpi sge, %get3A_2259, %ge3A_2266 : vector<16xi32>
          %lt3A_2268 = vector.broadcast %add3A_1120 : i32 to vector<16xi32>
          %lt3A_2269 = arith.cmpi slt, %get3A_2259, %lt3A_2268 : vector<16xi32>
          %and3A_2270 = arith.andi %ge3A_2267, %lt3A_2269 : vector<16xi1>
          %ne3A_2271 = arith.cmpi ne, %get3A_2259, %gather3A_2265 : vector<16xi32>
          %and3A_2272 = arith.andi %and3A_2270, %ne3A_2271 : vector<16xi1>
          %sub3A_2273 = vector.broadcast %mul3A_1118 : i32 to vector<16xi32>
          %sub3A_2274 = arith.subi %get3A_2259, %sub3A_2273 : vector<16xi32>
          tpu.vector_store_idx %arg13[%sub3A_2274], %get3A_2261 masked %and3A_2272 : memref<32768xf32, #tpu.memory_space<vmem>>[vector<16xi32>], vector<16xf32>, vector<16xi1>
          %get3A_2275 = arith.constant 416 : index
          %get3A_2276 = tpu.vector_load %arg10[%get3A_2275] {strides = array<i32>} : memref<528xi32, #tpu.memory_space<vmem>>, vector<16xi32>,
          %get3A_2277 = arith.constant 416 : index
          %get3A_2278 = tpu.vector_load %arg12[%get3A_2277] {strides = array<i32>} : memref<528xf32, #tpu.memory_space<vmem>>, vector<16xf32>,
          %add3A_2279 = arith.constant 417 : i32
          %add3A_2280 = vector.broadcast %add3A_2279 : i32 to vector<16xi32>
          %add3A_2281 = arith.addi %iota3A, %add3A_2280 : vector<16xi32>
          %gather3A_2282 = tpu.vector_load_idx %arg10[%add3A_2281] : memref<528xi32, #tpu.memory_space<vmem>>[vector<16xi32>], vector<16xi32>,
          %ge3A_2283 = vector.broadcast %mul3A_1118 : i32 to vector<16xi32>
          %ge3A_2284 = arith.cmpi sge, %get3A_2276, %ge3A_2283 : vector<16xi32>
          %lt3A_2285 = vector.broadcast %add3A_1120 : i32 to vector<16xi32>
          %lt3A_2286 = arith.cmpi slt, %get3A_2276, %lt3A_2285 : vector<16xi32>
          %and3A_2287 = arith.andi %ge3A_2284, %lt3A_2286 : vector<16xi1>
          %ne3A_2288 = arith.cmpi ne, %get3A_2276, %gather3A_2282 : vector<16xi32>
          %and3A_2289 = arith.andi %and3A_2287, %ne3A_2288 : vector<16xi1>
          %sub3A_2290 = vector.broadcast %mul3A_1118 : i32 to vector<16xi32>
          %sub3A_2291 = arith.subi %get3A_2276, %sub3A_2290 : vector<16xi32>
          tpu.vector_store_idx %arg13[%sub3A_2291], %get3A_2278 masked %and3A_2289 : memref<32768xf32, #tpu.memory_space<vmem>>[vector<16xi32>], vector<16xf32>, vector<16xi1>
          %get3A_2292 = arith.constant 432 : index
          %get3A_2293 = tpu.vector_load %arg10[%get3A_2292] {strides = array<i32>} : memref<528xi32, #tpu.memory_space<vmem>>, vector<16xi32>,
          %get3A_2294 = arith.constant 432 : index
          %get3A_2295 = tpu.vector_load %arg12[%get3A_2294] {strides = array<i32>} : memref<528xf32, #tpu.memory_space<vmem>>, vector<16xf32>,
          %add3A_2296 = arith.constant 433 : i32
          %add3A_2297 = vector.broadcast %add3A_2296 : i32 to vector<16xi32>
          %add3A_2298 = arith.addi %iota3A, %add3A_2297 : vector<16xi32>
          %gather3A_2299 = tpu.vector_load_idx %arg10[%add3A_2298] : memref<528xi32, #tpu.memory_space<vmem>>[vector<16xi32>], vector<16xi32>,
          %ge3A_2300 = vector.broadcast %mul3A_1118 : i32 to vector<16xi32>
          %ge3A_2301 = arith.cmpi sge, %get3A_2293, %ge3A_2300 : vector<16xi32>
          %lt3A_2302 = vector.broadcast %add3A_1120 : i32 to vector<16xi32>
          %lt3A_2303 = arith.cmpi slt, %get3A_2293, %lt3A_2302 : vector<16xi32>
          %and3A_2304 = arith.andi %ge3A_2301, %lt3A_2303 : vector<16xi1>
          %ne3A_2305 = arith.cmpi ne, %get3A_2293, %gather3A_2299 : vector<16xi32>
          %and3A_2306 = arith.andi %and3A_2304, %ne3A_2305 : vector<16xi1>
          %sub3A_2307 = vector.broadcast %mul3A_1118 : i32 to vector<16xi32>
          %sub3A_2308 = arith.subi %get3A_2293, %sub3A_2307 : vector<16xi32>
          tpu.vector_store_idx %arg13[%sub3A_2308], %get3A_2295 masked %and3A_2306 : memref<32768xf32, #tpu.memory_space<vmem>>[vector<16xi32>], vector<16xf32>, vector<16xi1>
          %get3A_2309 = arith.constant 448 : index
          %get3A_2310 = tpu.vector_load %arg10[%get3A_2309] {strides = array<i32>} : memref<528xi32, #tpu.memory_space<vmem>>, vector<16xi32>,
          %get3A_2311 = arith.constant 448 : index
          %get3A_2312 = tpu.vector_load %arg12[%get3A_2311] {strides = array<i32>} : memref<528xf32, #tpu.memory_space<vmem>>, vector<16xf32>,
          %add3A_2313 = arith.constant 449 : i32
          %add3A_2314 = vector.broadcast %add3A_2313 : i32 to vector<16xi32>
          %add3A_2315 = arith.addi %iota3A, %add3A_2314 : vector<16xi32>
          %gather3A_2316 = tpu.vector_load_idx %arg10[%add3A_2315] : memref<528xi32, #tpu.memory_space<vmem>>[vector<16xi32>], vector<16xi32>,
          %ge3A_2317 = vector.broadcast %mul3A_1118 : i32 to vector<16xi32>
          %ge3A_2318 = arith.cmpi sge, %get3A_2310, %ge3A_2317 : vector<16xi32>
          %lt3A_2319 = vector.broadcast %add3A_1120 : i32 to vector<16xi32>
          %lt3A_2320 = arith.cmpi slt, %get3A_2310, %lt3A_2319 : vector<16xi32>
          %and3A_2321 = arith.andi %ge3A_2318, %lt3A_2320 : vector<16xi1>
          %ne3A_2322 = arith.cmpi ne, %get3A_2310, %gather3A_2316 : vector<16xi32>
          %and3A_2323 = arith.andi %and3A_2321, %ne3A_2322 : vector<16xi1>
          %sub3A_2324 = vector.broadcast %mul3A_1118 : i32 to vector<16xi32>
          %sub3A_2325 = arith.subi %get3A_2310, %sub3A_2324 : vector<16xi32>
          tpu.vector_store_idx %arg13[%sub3A_2325], %get3A_2312 masked %and3A_2323 : memref<32768xf32, #tpu.memory_space<vmem>>[vector<16xi32>], vector<16xf32>, vector<16xi1>
          %get3A_2326 = arith.constant 464 : index
          %get3A_2327 = tpu.vector_load %arg10[%get3A_2326] {strides = array<i32>} : memref<528xi32, #tpu.memory_space<vmem>>, vector<16xi32>,
          %get3A_2328 = arith.constant 464 : index
          %get3A_2329 = tpu.vector_load %arg12[%get3A_2328] {strides = array<i32>} : memref<528xf32, #tpu.memory_space<vmem>>, vector<16xf32>,
          %add3A_2330 = arith.constant 465 : i32
          %add3A_2331 = vector.broadcast %add3A_2330 : i32 to vector<16xi32>
          %add3A_2332 = arith.addi %iota3A, %add3A_2331 : vector<16xi32>
          %gather3A_2333 = tpu.vector_load_idx %arg10[%add3A_2332] : memref<528xi32, #tpu.memory_space<vmem>>[vector<16xi32>], vector<16xi32>,
          %ge3A_2334 = vector.broadcast %mul3A_1118 : i32 to vector<16xi32>
          %ge3A_2335 = arith.cmpi sge, %get3A_2327, %ge3A_2334 : vector<16xi32>
          %lt3A_2336 = vector.broadcast %add3A_1120 : i32 to vector<16xi32>
          %lt3A_2337 = arith.cmpi slt, %get3A_2327, %lt3A_2336 : vector<16xi32>
          %and3A_2338 = arith.andi %ge3A_2335, %lt3A_2337 : vector<16xi1>
          %ne3A_2339 = arith.cmpi ne, %get3A_2327, %gather3A_2333 : vector<16xi32>
          %and3A_2340 = arith.andi %and3A_2338, %ne3A_2339 : vector<16xi1>
          %sub3A_2341 = vector.broadcast %mul3A_1118 : i32 to vector<16xi32>
          %sub3A_2342 = arith.subi %get3A_2327, %sub3A_2341 : vector<16xi32>
          tpu.vector_store_idx %arg13[%sub3A_2342], %get3A_2329 masked %and3A_2340 : memref<32768xf32, #tpu.memory_space<vmem>>[vector<16xi32>], vector<16xf32>, vector<16xi1>
          %get3A_2343 = arith.constant 480 : index
          %get3A_2344 = tpu.vector_load %arg10[%get3A_2343] {strides = array<i32>} : memref<528xi32, #tpu.memory_space<vmem>>, vector<16xi32>,
          %get3A_2345 = arith.constant 480 : index
          %get3A_2346 = tpu.vector_load %arg12[%get3A_2345] {strides = array<i32>} : memref<528xf32, #tpu.memory_space<vmem>>, vector<16xf32>,
          %add3A_2347 = arith.constant 481 : i32
          %add3A_2348 = vector.broadcast %add3A_2347 : i32 to vector<16xi32>
          %add3A_2349 = arith.addi %iota3A, %add3A_2348 : vector<16xi32>
          %gather3A_2350 = tpu.vector_load_idx %arg10[%add3A_2349] : memref<528xi32, #tpu.memory_space<vmem>>[vector<16xi32>], vector<16xi32>,
          %ge3A_2351 = vector.broadcast %mul3A_1118 : i32 to vector<16xi32>
          %ge3A_2352 = arith.cmpi sge, %get3A_2344, %ge3A_2351 : vector<16xi32>
          %lt3A_2353 = vector.broadcast %add3A_1120 : i32 to vector<16xi32>
          %lt3A_2354 = arith.cmpi slt, %get3A_2344, %lt3A_2353 : vector<16xi32>
          %and3A_2355 = arith.andi %ge3A_2352, %lt3A_2354 : vector<16xi1>
          %ne3A_2356 = arith.cmpi ne, %get3A_2344, %gather3A_2350 : vector<16xi32>
          %and3A_2357 = arith.andi %and3A_2355, %ne3A_2356 : vector<16xi1>
          %sub3A_2358 = vector.broadcast %mul3A_1118 : i32 to vector<16xi32>
          %sub3A_2359 = arith.subi %get3A_2344, %sub3A_2358 : vector<16xi32>
          tpu.vector_store_idx %arg13[%sub3A_2359], %get3A_2346 masked %and3A_2357 : memref<32768xf32, #tpu.memory_space<vmem>>[vector<16xi32>], vector<16xf32>, vector<16xi1>
          %get3A_2360 = arith.constant 496 : index
          %get3A_2361 = tpu.vector_load %arg10[%get3A_2360] {strides = array<i32>} : memref<528xi32, #tpu.memory_space<vmem>>, vector<16xi32>,
          %get3A_2362 = arith.constant 496 : index
          %get3A_2363 = tpu.vector_load %arg12[%get3A_2362] {strides = array<i32>} : memref<528xf32, #tpu.memory_space<vmem>>, vector<16xf32>,
          %add3A_2364 = arith.constant 497 : i32
          %add3A_2365 = vector.broadcast %add3A_2364 : i32 to vector<16xi32>
          %add3A_2366 = arith.addi %iota3A, %add3A_2365 : vector<16xi32>
          %gather3A_2367 = tpu.vector_load_idx %arg10[%add3A_2366] : memref<528xi32, #tpu.memory_space<vmem>>[vector<16xi32>], vector<16xi32>,
          %ge3A_2368 = vector.broadcast %mul3A_1118 : i32 to vector<16xi32>
          %ge3A_2369 = arith.cmpi sge, %get3A_2361, %ge3A_2368 : vector<16xi32>
          %lt3A_2370 = vector.broadcast %add3A_1120 : i32 to vector<16xi32>
          %lt3A_2371 = arith.cmpi slt, %get3A_2361, %lt3A_2370 : vector<16xi32>
          %and3A_2372 = arith.andi %ge3A_2369, %lt3A_2371 : vector<16xi1>
          %ne3A_2373 = arith.cmpi ne, %get3A_2361, %gather3A_2367 : vector<16xi32>
          %and3A_2374 = arith.andi %and3A_2372, %ne3A_2373 : vector<16xi1>
          %sub3A_2375 = vector.broadcast %mul3A_1118 : i32 to vector<16xi32>
          %sub3A_2376 = arith.subi %get3A_2361, %sub3A_2375 : vector<16xi32>
          tpu.vector_store_idx %arg13[%sub3A_2376], %get3A_2363 masked %and3A_2374 : memref<32768xf32, #tpu.memory_space<vmem>>[vector<16xi32>], vector<16xf32>, vector<16xi1>
        } else {
        }
        %while3A_1824 = arith.constant 0 : i32
        scf.yield %while3A_1824 : i32
      }
      %while3A_1240 = arith.constant 1 : i32
      %while3A_1241 = scf.for %while3A_1252 = %while3A_1237 to %while3A_1233 step %while3A_1240 iter_args(%while3A_1253 = %while3A_1239) -> (i32)  : i32 {
        %mul3A_1254 = arith.constant 2 : i32
        %mul3A_1255 = arith.muli %mul3A_1254, %while3A_1252 : i32
        %add3A_1256 = arith.constant 1 : i32
        %add3A_1257 = arith.addi %mul3A_1255, %add3A_1256 : i32
        %lt3A_1258 = arith.cmpi slt, %add3A_1257, %select_n3A_1202 : i32
        %convert_element_type3A_1259 = arith.extui %lt3A_1258 : i1 to i32
        %cond3A_1260 = arith.constant 0 : i32
        %cond3A_1261 = arith.cmpi ne, %convert_element_type3A_1259, %cond3A_1260 : i32
        scf.if %cond3A_1261 {
          %add3A_1825 = arith.constant 1 : i32
          %add3A_1826 = arith.addi %mul3A_1255, %add3A_1825 : i32
          %mul3A_1827 = arith.constant 512 : i32
          %mul3A_1828 = arith.muli %add3A_1826, %mul3A_1827 : i32
          %add3A_1829 = arith.addi %mul3A_1173, %mul3A_1828 : i32
          %le3A = arith.constant 4192752 : i32
          %le3A_1830 = arith.cmpi sle, %add3A_1829, %le3A : i32
          %convert_element_type3A_1831 = arith.extui %le3A_1830 : i1 to i32
          %cond3A_1832 = arith.constant 0 : i32
          %cond3A_1833 = arith.cmpi ne, %convert_element_type3A_1831, %cond3A_1832 : i32
          scf.if %cond3A_1833 {
            %dma_start3A = tpu.memref_slice %arg2[%add3A_1829] : memref<4193280xi32, #tpu.memory_space<hbm>> -> memref<528xi32, #tpu.memory_space<hbm>>
            %dma_start3A_1839 = tpu.memref_slice %arg2[%add3A_1829] : memref<4193280xi32, #tpu.memory_space<hbm>> -> memref<528xi32, #tpu.memory_space<hbm>>
            tpu.enqueue_dma source(%dma_start3A_1839 : memref<528xi32, #tpu.memory_space<hbm>>) target(%arg10 : memref<528xi32, #tpu.memory_space<vmem>>) target_semaphore(%arg16 : memref<!tpu.dma_semaphore, #tpu.memory_space<semaphore_mem>>)
            %dma_start3A_1840 = tpu.memref_slice %arg3[%add3A_1829] : memref<4193280xf32, #tpu.memory_space<hbm>> -> memref<528xf32, #tpu.memory_space<hbm>>
            %dma_start3A_1841 = tpu.memref_slice %arg3[%add3A_1829] : memref<4193280xf32, #tpu.memory_space<hbm>> -> memref<528xf32, #tpu.memory_space<hbm>>
            tpu.enqueue_dma source(%dma_start3A_1841 : memref<528xf32, #tpu.memory_space<hbm>>) target(%arg12 : memref<528xf32, #tpu.memory_space<vmem>>) target_semaphore(%arg17 : memref<!tpu.dma_semaphore, #tpu.memory_space<semaphore_mem>>)
          } else {
          }
          %gt3A_1834 = arith.constant 4192752 : i32
          %gt3A_1835 = arith.cmpi sgt, %add3A_1829, %gt3A_1834 : i32
          %convert_element_type3A_1836 = arith.extui %gt3A_1835 : i1 to i32
          %cond3A_1837 = arith.constant 0 : i32
          %cond3A_1838 = arith.cmpi ne, %convert_element_type3A_1836, %cond3A_1837 : i32
          scf.if %cond3A_1838 {
            %sub3A_1839 = arith.constant 4192752 : i32
            %sub3A_1840 = arith.subi %add3A_1829, %sub3A_1839 : i32
            %dma_start3A = tpu.memref_slice %arg4[%sub3A_1840] : memref<1056xi32, #tpu.memory_space<hbm>> -> memref<528xi32, #tpu.memory_space<hbm>>
            %dma_start3A_1841 = tpu.memref_slice %arg4[%sub3A_1840] : memref<1056xi32, #tpu.memory_space<hbm>> -> memref<528xi32, #tpu.memory_space<hbm>>
            tpu.enqueue_dma source(%dma_start3A_1841 : memref<528xi32, #tpu.memory_space<hbm>>) target(%arg10 : memref<528xi32, #tpu.memory_space<vmem>>) target_semaphore(%arg16 : memref<!tpu.dma_semaphore, #tpu.memory_space<semaphore_mem>>)
            %dma_start3A_1842 = tpu.memref_slice %arg5[%sub3A_1840] : memref<1056xf32, #tpu.memory_space<hbm>> -> memref<528xf32, #tpu.memory_space<hbm>>
            %dma_start3A_1843 = tpu.memref_slice %arg5[%sub3A_1840] : memref<1056xf32, #tpu.memory_space<hbm>> -> memref<528xf32, #tpu.memory_space<hbm>>
            tpu.enqueue_dma source(%dma_start3A_1843 : memref<528xf32, #tpu.memory_space<hbm>>) target(%arg12 : memref<528xf32, #tpu.memory_space<vmem>>) target_semaphore(%arg17 : memref<!tpu.dma_semaphore, #tpu.memory_space<semaphore_mem>>)
          } else {
          }
        } else {
        }
        %dma_wait3A = arith.constant 0 : i32
        %dma_wait3A_1262 = tpu.memref_slice %arg2[%dma_wait3A] : memref<4193280xi32, #tpu.memory_space<hbm>> -> memref<528xi32, #tpu.memory_space<hbm>>
        %dma_wait3A_1263 = arith.constant 0 : i32
        %dma_wait3A_1264 = tpu.memref_slice %arg2[%dma_wait3A_1263] : memref<4193280xi32, #tpu.memory_space<hbm>> -> memref<528xi32, #tpu.memory_space<hbm>>
        tpu.wait_dma2 semaphore(%arg14 : memref<!tpu.dma_semaphore, #tpu.memory_space<semaphore_mem>>) src(%dma_wait3A_1264 : memref<528xi32, #tpu.memory_space<hbm>>) dst(%arg9 : memref<528xi32, #tpu.memory_space<vmem>>)
        %dma_wait3A_1265 = arith.constant 0 : i32
        %dma_wait3A_1266 = tpu.memref_slice %arg3[%dma_wait3A_1265] : memref<4193280xf32, #tpu.memory_space<hbm>> -> memref<528xf32, #tpu.memory_space<hbm>>
        %dma_wait3A_1267 = arith.constant 0 : i32
        %dma_wait3A_1268 = tpu.memref_slice %arg3[%dma_wait3A_1267] : memref<4193280xf32, #tpu.memory_space<hbm>> -> memref<528xf32, #tpu.memory_space<hbm>>
        tpu.wait_dma2 semaphore(%arg15 : memref<!tpu.dma_semaphore, #tpu.memory_space<semaphore_mem>>) src(%dma_wait3A_1268 : memref<528xf32, #tpu.memory_space<hbm>>) dst(%arg11 : memref<528xf32, #tpu.memory_space<vmem>>)
        %get3A_1269 = arith.constant 0 : index
        %get3A_1270 = tpu.vector_load %arg9[%get3A_1269] {strides = array<i32>} : memref<528xi32, #tpu.memory_space<vmem>>, vector<16xi32>,
        %get3A_1271 = arith.constant 0 : index
        %get3A_1272 = tpu.vector_load %arg11[%get3A_1271] {strides = array<i32>} : memref<528xf32, #tpu.memory_space<vmem>>, vector<16xf32>,
        %add3A_1273 = arith.constant 1 : i32
        %add3A_1274 = vector.broadcast %add3A_1273 : i32 to vector<16xi32>
        %add3A_1275 = arith.addi %iota3A, %add3A_1274 : vector<16xi32>
        %gather3A_1276 = tpu.vector_load_idx %arg9[%add3A_1275] : memref<528xi32, #tpu.memory_space<vmem>>[vector<16xi32>], vector<16xi32>,
        %ge3A = vector.broadcast %mul3A_1118 : i32 to vector<16xi32>
        %ge3A_1277 = arith.cmpi sge, %get3A_1270, %ge3A : vector<16xi32>
        %lt3A_1278 = vector.broadcast %add3A_1120 : i32 to vector<16xi32>
        %lt3A_1279 = arith.cmpi slt, %get3A_1270, %lt3A_1278 : vector<16xi32>
        %and3A_1280 = arith.andi %ge3A_1277, %lt3A_1279 : vector<16xi1>
        %ne3A_1281 = arith.cmpi ne, %get3A_1270, %gather3A_1276 : vector<16xi32>
        %and3A_1282 = arith.andi %and3A_1280, %ne3A_1281 : vector<16xi1>
        %sub3A_1283 = vector.broadcast %mul3A_1118 : i32 to vector<16xi32>
        %sub3A_1284 = arith.subi %get3A_1270, %sub3A_1283 : vector<16xi32>
        tpu.vector_store_idx %arg13[%sub3A_1284], %get3A_1272 masked %and3A_1282 : memref<32768xf32, #tpu.memory_space<vmem>>[vector<16xi32>], vector<16xf32>, vector<16xi1>
        %get3A_1285 = arith.constant 16 : index
        %get3A_1286 = tpu.vector_load %arg9[%get3A_1285] {strides = array<i32>} : memref<528xi32, #tpu.memory_space<vmem>>, vector<16xi32>,
        %get3A_1287 = arith.constant 16 : index
        %get3A_1288 = tpu.vector_load %arg11[%get3A_1287] {strides = array<i32>} : memref<528xf32, #tpu.memory_space<vmem>>, vector<16xf32>,
        %add3A_1289 = arith.constant 17 : i32
        %add3A_1290 = vector.broadcast %add3A_1289 : i32 to vector<16xi32>
        %add3A_1291 = arith.addi %iota3A, %add3A_1290 : vector<16xi32>
        %gather3A_1292 = tpu.vector_load_idx %arg9[%add3A_1291] : memref<528xi32, #tpu.memory_space<vmem>>[vector<16xi32>], vector<16xi32>,
        %ge3A_1293 = vector.broadcast %mul3A_1118 : i32 to vector<16xi32>
        %ge3A_1294 = arith.cmpi sge, %get3A_1286, %ge3A_1293 : vector<16xi32>
        %lt3A_1295 = vector.broadcast %add3A_1120 : i32 to vector<16xi32>
        %lt3A_1296 = arith.cmpi slt, %get3A_1286, %lt3A_1295 : vector<16xi32>
        %and3A_1297 = arith.andi %ge3A_1294, %lt3A_1296 : vector<16xi1>
        %ne3A_1298 = arith.cmpi ne, %get3A_1286, %gather3A_1292 : vector<16xi32>
        %and3A_1299 = arith.andi %and3A_1297, %ne3A_1298 : vector<16xi1>
        %sub3A_1300 = vector.broadcast %mul3A_1118 : i32 to vector<16xi32>
        %sub3A_1301 = arith.subi %get3A_1286, %sub3A_1300 : vector<16xi32>
        tpu.vector_store_idx %arg13[%sub3A_1301], %get3A_1288 masked %and3A_1299 : memref<32768xf32, #tpu.memory_space<vmem>>[vector<16xi32>], vector<16xf32>, vector<16xi1>
        %get3A_1302 = arith.constant 32 : index
        %get3A_1303 = tpu.vector_load %arg9[%get3A_1302] {strides = array<i32>} : memref<528xi32, #tpu.memory_space<vmem>>, vector<16xi32>,
        %get3A_1304 = arith.constant 32 : index
        %get3A_1305 = tpu.vector_load %arg11[%get3A_1304] {strides = array<i32>} : memref<528xf32, #tpu.memory_space<vmem>>, vector<16xf32>,
        %add3A_1306 = arith.constant 33 : i32
        %add3A_1307 = vector.broadcast %add3A_1306 : i32 to vector<16xi32>
        %add3A_1308 = arith.addi %iota3A, %add3A_1307 : vector<16xi32>
        %gather3A_1309 = tpu.vector_load_idx %arg9[%add3A_1308] : memref<528xi32, #tpu.memory_space<vmem>>[vector<16xi32>], vector<16xi32>,
        %ge3A_1310 = vector.broadcast %mul3A_1118 : i32 to vector<16xi32>
        %ge3A_1311 = arith.cmpi sge, %get3A_1303, %ge3A_1310 : vector<16xi32>
        %lt3A_1312 = vector.broadcast %add3A_1120 : i32 to vector<16xi32>
        %lt3A_1313 = arith.cmpi slt, %get3A_1303, %lt3A_1312 : vector<16xi32>
        %and3A_1314 = arith.andi %ge3A_1311, %lt3A_1313 : vector<16xi1>
        %ne3A_1315 = arith.cmpi ne, %get3A_1303, %gather3A_1309 : vector<16xi32>
        %and3A_1316 = arith.andi %and3A_1314, %ne3A_1315 : vector<16xi1>
        %sub3A_1317 = vector.broadcast %mul3A_1118 : i32 to vector<16xi32>
        %sub3A_1318 = arith.subi %get3A_1303, %sub3A_1317 : vector<16xi32>
        tpu.vector_store_idx %arg13[%sub3A_1318], %get3A_1305 masked %and3A_1316 : memref<32768xf32, #tpu.memory_space<vmem>>[vector<16xi32>], vector<16xf32>, vector<16xi1>
        %get3A_1319 = arith.constant 48 : index
        %get3A_1320 = tpu.vector_load %arg9[%get3A_1319] {strides = array<i32>} : memref<528xi32, #tpu.memory_space<vmem>>, vector<16xi32>,
        %get3A_1321 = arith.constant 48 : index
        %get3A_1322 = tpu.vector_load %arg11[%get3A_1321] {strides = array<i32>} : memref<528xf32, #tpu.memory_space<vmem>>, vector<16xf32>,
        %add3A_1323 = arith.constant 49 : i32
        %add3A_1324 = vector.broadcast %add3A_1323 : i32 to vector<16xi32>
        %add3A_1325 = arith.addi %iota3A, %add3A_1324 : vector<16xi32>
        %gather3A_1326 = tpu.vector_load_idx %arg9[%add3A_1325] : memref<528xi32, #tpu.memory_space<vmem>>[vector<16xi32>], vector<16xi32>,
        %ge3A_1327 = vector.broadcast %mul3A_1118 : i32 to vector<16xi32>
        %ge3A_1328 = arith.cmpi sge, %get3A_1320, %ge3A_1327 : vector<16xi32>
        %lt3A_1329 = vector.broadcast %add3A_1120 : i32 to vector<16xi32>
        %lt3A_1330 = arith.cmpi slt, %get3A_1320, %lt3A_1329 : vector<16xi32>
        %and3A_1331 = arith.andi %ge3A_1328, %lt3A_1330 : vector<16xi1>
        %ne3A_1332 = arith.cmpi ne, %get3A_1320, %gather3A_1326 : vector<16xi32>
        %and3A_1333 = arith.andi %and3A_1331, %ne3A_1332 : vector<16xi1>
        %sub3A_1334 = vector.broadcast %mul3A_1118 : i32 to vector<16xi32>
        %sub3A_1335 = arith.subi %get3A_1320, %sub3A_1334 : vector<16xi32>
        tpu.vector_store_idx %arg13[%sub3A_1335], %get3A_1322 masked %and3A_1333 : memref<32768xf32, #tpu.memory_space<vmem>>[vector<16xi32>], vector<16xf32>, vector<16xi1>
        %get3A_1336 = arith.constant 64 : index
        %get3A_1337 = tpu.vector_load %arg9[%get3A_1336] {strides = array<i32>} : memref<528xi32, #tpu.memory_space<vmem>>, vector<16xi32>,
        %get3A_1338 = arith.constant 64 : index
        %get3A_1339 = tpu.vector_load %arg11[%get3A_1338] {strides = array<i32>} : memref<528xf32, #tpu.memory_space<vmem>>, vector<16xf32>,
        %add3A_1340 = arith.constant 65 : i32
        %add3A_1341 = vector.broadcast %add3A_1340 : i32 to vector<16xi32>
        %add3A_1342 = arith.addi %iota3A, %add3A_1341 : vector<16xi32>
        %gather3A_1343 = tpu.vector_load_idx %arg9[%add3A_1342] : memref<528xi32, #tpu.memory_space<vmem>>[vector<16xi32>], vector<16xi32>,
        %ge3A_1344 = vector.broadcast %mul3A_1118 : i32 to vector<16xi32>
        %ge3A_1345 = arith.cmpi sge, %get3A_1337, %ge3A_1344 : vector<16xi32>
        %lt3A_1346 = vector.broadcast %add3A_1120 : i32 to vector<16xi32>
        %lt3A_1347 = arith.cmpi slt, %get3A_1337, %lt3A_1346 : vector<16xi32>
        %and3A_1348 = arith.andi %ge3A_1345, %lt3A_1347 : vector<16xi1>
        %ne3A_1349 = arith.cmpi ne, %get3A_1337, %gather3A_1343 : vector<16xi32>
        %and3A_1350 = arith.andi %and3A_1348, %ne3A_1349 : vector<16xi1>
        %sub3A_1351 = vector.broadcast %mul3A_1118 : i32 to vector<16xi32>
        %sub3A_1352 = arith.subi %get3A_1337, %sub3A_1351 : vector<16xi32>
        tpu.vector_store_idx %arg13[%sub3A_1352], %get3A_1339 masked %and3A_1350 : memref<32768xf32, #tpu.memory_space<vmem>>[vector<16xi32>], vector<16xf32>, vector<16xi1>
        %get3A_1353 = arith.constant 80 : index
        %get3A_1354 = tpu.vector_load %arg9[%get3A_1353] {strides = array<i32>} : memref<528xi32, #tpu.memory_space<vmem>>, vector<16xi32>,
        %get3A_1355 = arith.constant 80 : index
        %get3A_1356 = tpu.vector_load %arg11[%get3A_1355] {strides = array<i32>} : memref<528xf32, #tpu.memory_space<vmem>>, vector<16xf32>,
        %add3A_1357 = arith.constant 81 : i32
        %add3A_1358 = vector.broadcast %add3A_1357 : i32 to vector<16xi32>
        %add3A_1359 = arith.addi %iota3A, %add3A_1358 : vector<16xi32>
        %gather3A_1360 = tpu.vector_load_idx %arg9[%add3A_1359] : memref<528xi32, #tpu.memory_space<vmem>>[vector<16xi32>], vector<16xi32>,
        %ge3A_1361 = vector.broadcast %mul3A_1118 : i32 to vector<16xi32>
        %ge3A_1362 = arith.cmpi sge, %get3A_1354, %ge3A_1361 : vector<16xi32>
        %lt3A_1363 = vector.broadcast %add3A_1120 : i32 to vector<16xi32>
        %lt3A_1364 = arith.cmpi slt, %get3A_1354, %lt3A_1363 : vector<16xi32>
        %and3A_1365 = arith.andi %ge3A_1362, %lt3A_1364 : vector<16xi1>
        %ne3A_1366 = arith.cmpi ne, %get3A_1354, %gather3A_1360 : vector<16xi32>
        %and3A_1367 = arith.andi %and3A_1365, %ne3A_1366 : vector<16xi1>
        %sub3A_1368 = vector.broadcast %mul3A_1118 : i32 to vector<16xi32>
        %sub3A_1369 = arith.subi %get3A_1354, %sub3A_1368 : vector<16xi32>
        tpu.vector_store_idx %arg13[%sub3A_1369], %get3A_1356 masked %and3A_1367 : memref<32768xf32, #tpu.memory_space<vmem>>[vector<16xi32>], vector<16xf32>, vector<16xi1>
        %get3A_1370 = arith.constant 96 : index
        %get3A_1371 = tpu.vector_load %arg9[%get3A_1370] {strides = array<i32>} : memref<528xi32, #tpu.memory_space<vmem>>, vector<16xi32>,
        %get3A_1372 = arith.constant 96 : index
        %get3A_1373 = tpu.vector_load %arg11[%get3A_1372] {strides = array<i32>} : memref<528xf32, #tpu.memory_space<vmem>>, vector<16xf32>,
        %add3A_1374 = arith.constant 97 : i32
        %add3A_1375 = vector.broadcast %add3A_1374 : i32 to vector<16xi32>
        %add3A_1376 = arith.addi %iota3A, %add3A_1375 : vector<16xi32>
        %gather3A_1377 = tpu.vector_load_idx %arg9[%add3A_1376] : memref<528xi32, #tpu.memory_space<vmem>>[vector<16xi32>], vector<16xi32>,
        %ge3A_1378 = vector.broadcast %mul3A_1118 : i32 to vector<16xi32>
        %ge3A_1379 = arith.cmpi sge, %get3A_1371, %ge3A_1378 : vector<16xi32>
        %lt3A_1380 = vector.broadcast %add3A_1120 : i32 to vector<16xi32>
        %lt3A_1381 = arith.cmpi slt, %get3A_1371, %lt3A_1380 : vector<16xi32>
        %and3A_1382 = arith.andi %ge3A_1379, %lt3A_1381 : vector<16xi1>
        %ne3A_1383 = arith.cmpi ne, %get3A_1371, %gather3A_1377 : vector<16xi32>
        %and3A_1384 = arith.andi %and3A_1382, %ne3A_1383 : vector<16xi1>
        %sub3A_1385 = vector.broadcast %mul3A_1118 : i32 to vector<16xi32>
        %sub3A_1386 = arith.subi %get3A_1371, %sub3A_1385 : vector<16xi32>
        tpu.vector_store_idx %arg13[%sub3A_1386], %get3A_1373 masked %and3A_1384 : memref<32768xf32, #tpu.memory_space<vmem>>[vector<16xi32>], vector<16xf32>, vector<16xi1>
        %get3A_1387 = arith.constant 112 : index
        %get3A_1388 = tpu.vector_load %arg9[%get3A_1387] {strides = array<i32>} : memref<528xi32, #tpu.memory_space<vmem>>, vector<16xi32>,
        %get3A_1389 = arith.constant 112 : index
        %get3A_1390 = tpu.vector_load %arg11[%get3A_1389] {strides = array<i32>} : memref<528xf32, #tpu.memory_space<vmem>>, vector<16xf32>,
        %add3A_1391 = arith.constant 113 : i32
        %add3A_1392 = vector.broadcast %add3A_1391 : i32 to vector<16xi32>
        %add3A_1393 = arith.addi %iota3A, %add3A_1392 : vector<16xi32>
        %gather3A_1394 = tpu.vector_load_idx %arg9[%add3A_1393] : memref<528xi32, #tpu.memory_space<vmem>>[vector<16xi32>], vector<16xi32>,
        %ge3A_1395 = vector.broadcast %mul3A_1118 : i32 to vector<16xi32>
        %ge3A_1396 = arith.cmpi sge, %get3A_1388, %ge3A_1395 : vector<16xi32>
        %lt3A_1397 = vector.broadcast %add3A_1120 : i32 to vector<16xi32>
        %lt3A_1398 = arith.cmpi slt, %get3A_1388, %lt3A_1397 : vector<16xi32>
        %and3A_1399 = arith.andi %ge3A_1396, %lt3A_1398 : vector<16xi1>
        %ne3A_1400 = arith.cmpi ne, %get3A_1388, %gather3A_1394 : vector<16xi32>
        %and3A_1401 = arith.andi %and3A_1399, %ne3A_1400 : vector<16xi1>
        %sub3A_1402 = vector.broadcast %mul3A_1118 : i32 to vector<16xi32>
        %sub3A_1403 = arith.subi %get3A_1388, %sub3A_1402 : vector<16xi32>
        tpu.vector_store_idx %arg13[%sub3A_1403], %get3A_1390 masked %and3A_1401 : memref<32768xf32, #tpu.memory_space<vmem>>[vector<16xi32>], vector<16xf32>, vector<16xi1>
        %get3A_1404 = arith.constant 128 : index
        %get3A_1405 = tpu.vector_load %arg9[%get3A_1404] {strides = array<i32>} : memref<528xi32, #tpu.memory_space<vmem>>, vector<16xi32>,
        %get3A_1406 = arith.constant 128 : index
        %get3A_1407 = tpu.vector_load %arg11[%get3A_1406] {strides = array<i32>} : memref<528xf32, #tpu.memory_space<vmem>>, vector<16xf32>,
        %add3A_1408 = arith.constant 129 : i32
        %add3A_1409 = vector.broadcast %add3A_1408 : i32 to vector<16xi32>
        %add3A_1410 = arith.addi %iota3A, %add3A_1409 : vector<16xi32>
        %gather3A_1411 = tpu.vector_load_idx %arg9[%add3A_1410] : memref<528xi32, #tpu.memory_space<vmem>>[vector<16xi32>], vector<16xi32>,
        %ge3A_1412 = vector.broadcast %mul3A_1118 : i32 to vector<16xi32>
        %ge3A_1413 = arith.cmpi sge, %get3A_1405, %ge3A_1412 : vector<16xi32>
        %lt3A_1414 = vector.broadcast %add3A_1120 : i32 to vector<16xi32>
        %lt3A_1415 = arith.cmpi slt, %get3A_1405, %lt3A_1414 : vector<16xi32>
        %and3A_1416 = arith.andi %ge3A_1413, %lt3A_1415 : vector<16xi1>
        %ne3A_1417 = arith.cmpi ne, %get3A_1405, %gather3A_1411 : vector<16xi32>
        %and3A_1418 = arith.andi %and3A_1416, %ne3A_1417 : vector<16xi1>
        %sub3A_1419 = vector.broadcast %mul3A_1118 : i32 to vector<16xi32>
        %sub3A_1420 = arith.subi %get3A_1405, %sub3A_1419 : vector<16xi32>
        tpu.vector_store_idx %arg13[%sub3A_1420], %get3A_1407 masked %and3A_1418 : memref<32768xf32, #tpu.memory_space<vmem>>[vector<16xi32>], vector<16xf32>, vector<16xi1>
        %get3A_1421 = arith.constant 144 : index
        %get3A_1422 = tpu.vector_load %arg9[%get3A_1421] {strides = array<i32>} : memref<528xi32, #tpu.memory_space<vmem>>, vector<16xi32>,
        %get3A_1423 = arith.constant 144 : index
        %get3A_1424 = tpu.vector_load %arg11[%get3A_1423] {strides = array<i32>} : memref<528xf32, #tpu.memory_space<vmem>>, vector<16xf32>,
        %add3A_1425 = arith.constant 145 : i32
        %add3A_1426 = vector.broadcast %add3A_1425 : i32 to vector<16xi32>
        %add3A_1427 = arith.addi %iota3A, %add3A_1426 : vector<16xi32>
        %gather3A_1428 = tpu.vector_load_idx %arg9[%add3A_1427] : memref<528xi32, #tpu.memory_space<vmem>>[vector<16xi32>], vector<16xi32>,
        %ge3A_1429 = vector.broadcast %mul3A_1118 : i32 to vector<16xi32>
        %ge3A_1430 = arith.cmpi sge, %get3A_1422, %ge3A_1429 : vector<16xi32>
        %lt3A_1431 = vector.broadcast %add3A_1120 : i32 to vector<16xi32>
        %lt3A_1432 = arith.cmpi slt, %get3A_1422, %lt3A_1431 : vector<16xi32>
        %and3A_1433 = arith.andi %ge3A_1430, %lt3A_1432 : vector<16xi1>
        %ne3A_1434 = arith.cmpi ne, %get3A_1422, %gather3A_1428 : vector<16xi32>
        %and3A_1435 = arith.andi %and3A_1433, %ne3A_1434 : vector<16xi1>
        %sub3A_1436 = vector.broadcast %mul3A_1118 : i32 to vector<16xi32>
        %sub3A_1437 = arith.subi %get3A_1422, %sub3A_1436 : vector<16xi32>
        tpu.vector_store_idx %arg13[%sub3A_1437], %get3A_1424 masked %and3A_1435 : memref<32768xf32, #tpu.memory_space<vmem>>[vector<16xi32>], vector<16xf32>, vector<16xi1>
        %get3A_1438 = arith.constant 160 : index
        %get3A_1439 = tpu.vector_load %arg9[%get3A_1438] {strides = array<i32>} : memref<528xi32, #tpu.memory_space<vmem>>, vector<16xi32>,
        %get3A_1440 = arith.constant 160 : index
        %get3A_1441 = tpu.vector_load %arg11[%get3A_1440] {strides = array<i32>} : memref<528xf32, #tpu.memory_space<vmem>>, vector<16xf32>,
        %add3A_1442 = arith.constant 161 : i32
        %add3A_1443 = vector.broadcast %add3A_1442 : i32 to vector<16xi32>
        %add3A_1444 = arith.addi %iota3A, %add3A_1443 : vector<16xi32>
        %gather3A_1445 = tpu.vector_load_idx %arg9[%add3A_1444] : memref<528xi32, #tpu.memory_space<vmem>>[vector<16xi32>], vector<16xi32>,
        %ge3A_1446 = vector.broadcast %mul3A_1118 : i32 to vector<16xi32>
        %ge3A_1447 = arith.cmpi sge, %get3A_1439, %ge3A_1446 : vector<16xi32>
        %lt3A_1448 = vector.broadcast %add3A_1120 : i32 to vector<16xi32>
        %lt3A_1449 = arith.cmpi slt, %get3A_1439, %lt3A_1448 : vector<16xi32>
        %and3A_1450 = arith.andi %ge3A_1447, %lt3A_1449 : vector<16xi1>
        %ne3A_1451 = arith.cmpi ne, %get3A_1439, %gather3A_1445 : vector<16xi32>
        %and3A_1452 = arith.andi %and3A_1450, %ne3A_1451 : vector<16xi1>
        %sub3A_1453 = vector.broadcast %mul3A_1118 : i32 to vector<16xi32>
        %sub3A_1454 = arith.subi %get3A_1439, %sub3A_1453 : vector<16xi32>
        tpu.vector_store_idx %arg13[%sub3A_1454], %get3A_1441 masked %and3A_1452 : memref<32768xf32, #tpu.memory_space<vmem>>[vector<16xi32>], vector<16xf32>, vector<16xi1>
        %get3A_1455 = arith.constant 176 : index
        %get3A_1456 = tpu.vector_load %arg9[%get3A_1455] {strides = array<i32>} : memref<528xi32, #tpu.memory_space<vmem>>, vector<16xi32>,
        %get3A_1457 = arith.constant 176 : index
        %get3A_1458 = tpu.vector_load %arg11[%get3A_1457] {strides = array<i32>} : memref<528xf32, #tpu.memory_space<vmem>>, vector<16xf32>,
        %add3A_1459 = arith.constant 177 : i32
        %add3A_1460 = vector.broadcast %add3A_1459 : i32 to vector<16xi32>
        %add3A_1461 = arith.addi %iota3A, %add3A_1460 : vector<16xi32>
        %gather3A_1462 = tpu.vector_load_idx %arg9[%add3A_1461] : memref<528xi32, #tpu.memory_space<vmem>>[vector<16xi32>], vector<16xi32>,
        %ge3A_1463 = vector.broadcast %mul3A_1118 : i32 to vector<16xi32>
        %ge3A_1464 = arith.cmpi sge, %get3A_1456, %ge3A_1463 : vector<16xi32>
        %lt3A_1465 = vector.broadcast %add3A_1120 : i32 to vector<16xi32>
        %lt3A_1466 = arith.cmpi slt, %get3A_1456, %lt3A_1465 : vector<16xi32>
        %and3A_1467 = arith.andi %ge3A_1464, %lt3A_1466 : vector<16xi1>
        %ne3A_1468 = arith.cmpi ne, %get3A_1456, %gather3A_1462 : vector<16xi32>
        %and3A_1469 = arith.andi %and3A_1467, %ne3A_1468 : vector<16xi1>
        %sub3A_1470 = vector.broadcast %mul3A_1118 : i32 to vector<16xi32>
        %sub3A_1471 = arith.subi %get3A_1456, %sub3A_1470 : vector<16xi32>
        tpu.vector_store_idx %arg13[%sub3A_1471], %get3A_1458 masked %and3A_1469 : memref<32768xf32, #tpu.memory_space<vmem>>[vector<16xi32>], vector<16xf32>, vector<16xi1>
        %get3A_1472 = arith.constant 192 : index
        %get3A_1473 = tpu.vector_load %arg9[%get3A_1472] {strides = array<i32>} : memref<528xi32, #tpu.memory_space<vmem>>, vector<16xi32>,
        %get3A_1474 = arith.constant 192 : index
        %get3A_1475 = tpu.vector_load %arg11[%get3A_1474] {strides = array<i32>} : memref<528xf32, #tpu.memory_space<vmem>>, vector<16xf32>,
        %add3A_1476 = arith.constant 193 : i32
        %add3A_1477 = vector.broadcast %add3A_1476 : i32 to vector<16xi32>
        %add3A_1478 = arith.addi %iota3A, %add3A_1477 : vector<16xi32>
        %gather3A_1479 = tpu.vector_load_idx %arg9[%add3A_1478] : memref<528xi32, #tpu.memory_space<vmem>>[vector<16xi32>], vector<16xi32>,
        %ge3A_1480 = vector.broadcast %mul3A_1118 : i32 to vector<16xi32>
        %ge3A_1481 = arith.cmpi sge, %get3A_1473, %ge3A_1480 : vector<16xi32>
        %lt3A_1482 = vector.broadcast %add3A_1120 : i32 to vector<16xi32>
        %lt3A_1483 = arith.cmpi slt, %get3A_1473, %lt3A_1482 : vector<16xi32>
        %and3A_1484 = arith.andi %ge3A_1481, %lt3A_1483 : vector<16xi1>
        %ne3A_1485 = arith.cmpi ne, %get3A_1473, %gather3A_1479 : vector<16xi32>
        %and3A_1486 = arith.andi %and3A_1484, %ne3A_1485 : vector<16xi1>
        %sub3A_1487 = vector.broadcast %mul3A_1118 : i32 to vector<16xi32>
        %sub3A_1488 = arith.subi %get3A_1473, %sub3A_1487 : vector<16xi32>
        tpu.vector_store_idx %arg13[%sub3A_1488], %get3A_1475 masked %and3A_1486 : memref<32768xf32, #tpu.memory_space<vmem>>[vector<16xi32>], vector<16xf32>, vector<16xi1>
        %get3A_1489 = arith.constant 208 : index
        %get3A_1490 = tpu.vector_load %arg9[%get3A_1489] {strides = array<i32>} : memref<528xi32, #tpu.memory_space<vmem>>, vector<16xi32>,
        %get3A_1491 = arith.constant 208 : index
        %get3A_1492 = tpu.vector_load %arg11[%get3A_1491] {strides = array<i32>} : memref<528xf32, #tpu.memory_space<vmem>>, vector<16xf32>,
        %add3A_1493 = arith.constant 209 : i32
        %add3A_1494 = vector.broadcast %add3A_1493 : i32 to vector<16xi32>
        %add3A_1495 = arith.addi %iota3A, %add3A_1494 : vector<16xi32>
        %gather3A_1496 = tpu.vector_load_idx %arg9[%add3A_1495] : memref<528xi32, #tpu.memory_space<vmem>>[vector<16xi32>], vector<16xi32>,
        %ge3A_1497 = vector.broadcast %mul3A_1118 : i32 to vector<16xi32>
        %ge3A_1498 = arith.cmpi sge, %get3A_1490, %ge3A_1497 : vector<16xi32>
        %lt3A_1499 = vector.broadcast %add3A_1120 : i32 to vector<16xi32>
        %lt3A_1500 = arith.cmpi slt, %get3A_1490, %lt3A_1499 : vector<16xi32>
        %and3A_1501 = arith.andi %ge3A_1498, %lt3A_1500 : vector<16xi1>
        %ne3A_1502 = arith.cmpi ne, %get3A_1490, %gather3A_1496 : vector<16xi32>
        %and3A_1503 = arith.andi %and3A_1501, %ne3A_1502 : vector<16xi1>
        %sub3A_1504 = vector.broadcast %mul3A_1118 : i32 to vector<16xi32>
        %sub3A_1505 = arith.subi %get3A_1490, %sub3A_1504 : vector<16xi32>
        tpu.vector_store_idx %arg13[%sub3A_1505], %get3A_1492 masked %and3A_1503 : memref<32768xf32, #tpu.memory_space<vmem>>[vector<16xi32>], vector<16xf32>, vector<16xi1>
        %get3A_1506 = arith.constant 224 : index
        %get3A_1507 = tpu.vector_load %arg9[%get3A_1506] {strides = array<i32>} : memref<528xi32, #tpu.memory_space<vmem>>, vector<16xi32>,
        %get3A_1508 = arith.constant 224 : index
        %get3A_1509 = tpu.vector_load %arg11[%get3A_1508] {strides = array<i32>} : memref<528xf32, #tpu.memory_space<vmem>>, vector<16xf32>,
        %add3A_1510 = arith.constant 225 : i32
        %add3A_1511 = vector.broadcast %add3A_1510 : i32 to vector<16xi32>
        %add3A_1512 = arith.addi %iota3A, %add3A_1511 : vector<16xi32>
        %gather3A_1513 = tpu.vector_load_idx %arg9[%add3A_1512] : memref<528xi32, #tpu.memory_space<vmem>>[vector<16xi32>], vector<16xi32>,
        %ge3A_1514 = vector.broadcast %mul3A_1118 : i32 to vector<16xi32>
        %ge3A_1515 = arith.cmpi sge, %get3A_1507, %ge3A_1514 : vector<16xi32>
        %lt3A_1516 = vector.broadcast %add3A_1120 : i32 to vector<16xi32>
        %lt3A_1517 = arith.cmpi slt, %get3A_1507, %lt3A_1516 : vector<16xi32>
        %and3A_1518 = arith.andi %ge3A_1515, %lt3A_1517 : vector<16xi1>
        %ne3A_1519 = arith.cmpi ne, %get3A_1507, %gather3A_1513 : vector<16xi32>
        %and3A_1520 = arith.andi %and3A_1518, %ne3A_1519 : vector<16xi1>
        %sub3A_1521 = vector.broadcast %mul3A_1118 : i32 to vector<16xi32>
        %sub3A_1522 = arith.subi %get3A_1507, %sub3A_1521 : vector<16xi32>
        tpu.vector_store_idx %arg13[%sub3A_1522], %get3A_1509 masked %and3A_1520 : memref<32768xf32, #tpu.memory_space<vmem>>[vector<16xi32>], vector<16xf32>, vector<16xi1>
        %get3A_1523 = arith.constant 240 : index
        %get3A_1524 = tpu.vector_load %arg9[%get3A_1523] {strides = array<i32>} : memref<528xi32, #tpu.memory_space<vmem>>, vector<16xi32>,
        %get3A_1525 = arith.constant 240 : index
        %get3A_1526 = tpu.vector_load %arg11[%get3A_1525] {strides = array<i32>} : memref<528xf32, #tpu.memory_space<vmem>>, vector<16xf32>,
        %add3A_1527 = arith.constant 241 : i32
        %add3A_1528 = vector.broadcast %add3A_1527 : i32 to vector<16xi32>
        %add3A_1529 = arith.addi %iota3A, %add3A_1528 : vector<16xi32>
        %gather3A_1530 = tpu.vector_load_idx %arg9[%add3A_1529] : memref<528xi32, #tpu.memory_space<vmem>>[vector<16xi32>], vector<16xi32>,
        %ge3A_1531 = vector.broadcast %mul3A_1118 : i32 to vector<16xi32>
        %ge3A_1532 = arith.cmpi sge, %get3A_1524, %ge3A_1531 : vector<16xi32>
        %lt3A_1533 = vector.broadcast %add3A_1120 : i32 to vector<16xi32>
        %lt3A_1534 = arith.cmpi slt, %get3A_1524, %lt3A_1533 : vector<16xi32>
        %and3A_1535 = arith.andi %ge3A_1532, %lt3A_1534 : vector<16xi1>
        %ne3A_1536 = arith.cmpi ne, %get3A_1524, %gather3A_1530 : vector<16xi32>
        %and3A_1537 = arith.andi %and3A_1535, %ne3A_1536 : vector<16xi1>
        %sub3A_1538 = vector.broadcast %mul3A_1118 : i32 to vector<16xi32>
        %sub3A_1539 = arith.subi %get3A_1524, %sub3A_1538 : vector<16xi32>
        tpu.vector_store_idx %arg13[%sub3A_1539], %get3A_1526 masked %and3A_1537 : memref<32768xf32, #tpu.memory_space<vmem>>[vector<16xi32>], vector<16xf32>, vector<16xi1>
        %get3A_1540 = arith.constant 256 : index
        %get3A_1541 = tpu.vector_load %arg9[%get3A_1540] {strides = array<i32>} : memref<528xi32, #tpu.memory_space<vmem>>, vector<16xi32>,
        %get3A_1542 = arith.constant 256 : index
        %get3A_1543 = tpu.vector_load %arg11[%get3A_1542] {strides = array<i32>} : memref<528xf32, #tpu.memory_space<vmem>>, vector<16xf32>,
        %add3A_1544 = arith.constant 257 : i32
        %add3A_1545 = vector.broadcast %add3A_1544 : i32 to vector<16xi32>
        %add3A_1546 = arith.addi %iota3A, %add3A_1545 : vector<16xi32>
        %gather3A_1547 = tpu.vector_load_idx %arg9[%add3A_1546] : memref<528xi32, #tpu.memory_space<vmem>>[vector<16xi32>], vector<16xi32>,
        %ge3A_1548 = vector.broadcast %mul3A_1118 : i32 to vector<16xi32>
        %ge3A_1549 = arith.cmpi sge, %get3A_1541, %ge3A_1548 : vector<16xi32>
        %lt3A_1550 = vector.broadcast %add3A_1120 : i32 to vector<16xi32>
        %lt3A_1551 = arith.cmpi slt, %get3A_1541, %lt3A_1550 : vector<16xi32>
        %and3A_1552 = arith.andi %ge3A_1549, %lt3A_1551 : vector<16xi1>
        %ne3A_1553 = arith.cmpi ne, %get3A_1541, %gather3A_1547 : vector<16xi32>
        %and3A_1554 = arith.andi %and3A_1552, %ne3A_1553 : vector<16xi1>
        %sub3A_1555 = vector.broadcast %mul3A_1118 : i32 to vector<16xi32>
        %sub3A_1556 = arith.subi %get3A_1541, %sub3A_1555 : vector<16xi32>
        tpu.vector_store_idx %arg13[%sub3A_1556], %get3A_1543 masked %and3A_1554 : memref<32768xf32, #tpu.memory_space<vmem>>[vector<16xi32>], vector<16xf32>, vector<16xi1>
        %get3A_1557 = arith.constant 272 : index
        %get3A_1558 = tpu.vector_load %arg9[%get3A_1557] {strides = array<i32>} : memref<528xi32, #tpu.memory_space<vmem>>, vector<16xi32>,
        %get3A_1559 = arith.constant 272 : index
        %get3A_1560 = tpu.vector_load %arg11[%get3A_1559] {strides = array<i32>} : memref<528xf32, #tpu.memory_space<vmem>>, vector<16xf32>,
        %add3A_1561 = arith.constant 273 : i32
        %add3A_1562 = vector.broadcast %add3A_1561 : i32 to vector<16xi32>
        %add3A_1563 = arith.addi %iota3A, %add3A_1562 : vector<16xi32>
        %gather3A_1564 = tpu.vector_load_idx %arg9[%add3A_1563] : memref<528xi32, #tpu.memory_space<vmem>>[vector<16xi32>], vector<16xi32>,
        %ge3A_1565 = vector.broadcast %mul3A_1118 : i32 to vector<16xi32>
        %ge3A_1566 = arith.cmpi sge, %get3A_1558, %ge3A_1565 : vector<16xi32>
        %lt3A_1567 = vector.broadcast %add3A_1120 : i32 to vector<16xi32>
        %lt3A_1568 = arith.cmpi slt, %get3A_1558, %lt3A_1567 : vector<16xi32>
        %and3A_1569 = arith.andi %ge3A_1566, %lt3A_1568 : vector<16xi1>
        %ne3A_1570 = arith.cmpi ne, %get3A_1558, %gather3A_1564 : vector<16xi32>
        %and3A_1571 = arith.andi %and3A_1569, %ne3A_1570 : vector<16xi1>
        %sub3A_1572 = vector.broadcast %mul3A_1118 : i32 to vector<16xi32>
        %sub3A_1573 = arith.subi %get3A_1558, %sub3A_1572 : vector<16xi32>
        tpu.vector_store_idx %arg13[%sub3A_1573], %get3A_1560 masked %and3A_1571 : memref<32768xf32, #tpu.memory_space<vmem>>[vector<16xi32>], vector<16xf32>, vector<16xi1>
        %get3A_1574 = arith.constant 288 : index
        %get3A_1575 = tpu.vector_load %arg9[%get3A_1574] {strides = array<i32>} : memref<528xi32, #tpu.memory_space<vmem>>, vector<16xi32>,
        %get3A_1576 = arith.constant 288 : index
        %get3A_1577 = tpu.vector_load %arg11[%get3A_1576] {strides = array<i32>} : memref<528xf32, #tpu.memory_space<vmem>>, vector<16xf32>,
        %add3A_1578 = arith.constant 289 : i32
        %add3A_1579 = vector.broadcast %add3A_1578 : i32 to vector<16xi32>
        %add3A_1580 = arith.addi %iota3A, %add3A_1579 : vector<16xi32>
        %gather3A_1581 = tpu.vector_load_idx %arg9[%add3A_1580] : memref<528xi32, #tpu.memory_space<vmem>>[vector<16xi32>], vector<16xi32>,
        %ge3A_1582 = vector.broadcast %mul3A_1118 : i32 to vector<16xi32>
        %ge3A_1583 = arith.cmpi sge, %get3A_1575, %ge3A_1582 : vector<16xi32>
        %lt3A_1584 = vector.broadcast %add3A_1120 : i32 to vector<16xi32>
        %lt3A_1585 = arith.cmpi slt, %get3A_1575, %lt3A_1584 : vector<16xi32>
        %and3A_1586 = arith.andi %ge3A_1583, %lt3A_1585 : vector<16xi1>
        %ne3A_1587 = arith.cmpi ne, %get3A_1575, %gather3A_1581 : vector<16xi32>
        %and3A_1588 = arith.andi %and3A_1586, %ne3A_1587 : vector<16xi1>
        %sub3A_1589 = vector.broadcast %mul3A_1118 : i32 to vector<16xi32>
        %sub3A_1590 = arith.subi %get3A_1575, %sub3A_1589 : vector<16xi32>
        tpu.vector_store_idx %arg13[%sub3A_1590], %get3A_1577 masked %and3A_1588 : memref<32768xf32, #tpu.memory_space<vmem>>[vector<16xi32>], vector<16xf32>, vector<16xi1>
        %get3A_1591 = arith.constant 304 : index
        %get3A_1592 = tpu.vector_load %arg9[%get3A_1591] {strides = array<i32>} : memref<528xi32, #tpu.memory_space<vmem>>, vector<16xi32>,
        %get3A_1593 = arith.constant 304 : index
        %get3A_1594 = tpu.vector_load %arg11[%get3A_1593] {strides = array<i32>} : memref<528xf32, #tpu.memory_space<vmem>>, vector<16xf32>,
        %add3A_1595 = arith.constant 305 : i32
        %add3A_1596 = vector.broadcast %add3A_1595 : i32 to vector<16xi32>
        %add3A_1597 = arith.addi %iota3A, %add3A_1596 : vector<16xi32>
        %gather3A_1598 = tpu.vector_load_idx %arg9[%add3A_1597] : memref<528xi32, #tpu.memory_space<vmem>>[vector<16xi32>], vector<16xi32>,
        %ge3A_1599 = vector.broadcast %mul3A_1118 : i32 to vector<16xi32>
        %ge3A_1600 = arith.cmpi sge, %get3A_1592, %ge3A_1599 : vector<16xi32>
        %lt3A_1601 = vector.broadcast %add3A_1120 : i32 to vector<16xi32>
        %lt3A_1602 = arith.cmpi slt, %get3A_1592, %lt3A_1601 : vector<16xi32>
        %and3A_1603 = arith.andi %ge3A_1600, %lt3A_1602 : vector<16xi1>
        %ne3A_1604 = arith.cmpi ne, %get3A_1592, %gather3A_1598 : vector<16xi32>
        %and3A_1605 = arith.andi %and3A_1603, %ne3A_1604 : vector<16xi1>
        %sub3A_1606 = vector.broadcast %mul3A_1118 : i32 to vector<16xi32>
        %sub3A_1607 = arith.subi %get3A_1592, %sub3A_1606 : vector<16xi32>
        tpu.vector_store_idx %arg13[%sub3A_1607], %get3A_1594 masked %and3A_1605 : memref<32768xf32, #tpu.memory_space<vmem>>[vector<16xi32>], vector<16xf32>, vector<16xi1>
        %get3A_1608 = arith.constant 320 : index
        %get3A_1609 = tpu.vector_load %arg9[%get3A_1608] {strides = array<i32>} : memref<528xi32, #tpu.memory_space<vmem>>, vector<16xi32>,
        %get3A_1610 = arith.constant 320 : index
        %get3A_1611 = tpu.vector_load %arg11[%get3A_1610] {strides = array<i32>} : memref<528xf32, #tpu.memory_space<vmem>>, vector<16xf32>,
        %add3A_1612 = arith.constant 321 : i32
        %add3A_1613 = vector.broadcast %add3A_1612 : i32 to vector<16xi32>
        %add3A_1614 = arith.addi %iota3A, %add3A_1613 : vector<16xi32>
        %gather3A_1615 = tpu.vector_load_idx %arg9[%add3A_1614] : memref<528xi32, #tpu.memory_space<vmem>>[vector<16xi32>], vector<16xi32>,
        %ge3A_1616 = vector.broadcast %mul3A_1118 : i32 to vector<16xi32>
        %ge3A_1617 = arith.cmpi sge, %get3A_1609, %ge3A_1616 : vector<16xi32>
        %lt3A_1618 = vector.broadcast %add3A_1120 : i32 to vector<16xi32>
        %lt3A_1619 = arith.cmpi slt, %get3A_1609, %lt3A_1618 : vector<16xi32>
        %and3A_1620 = arith.andi %ge3A_1617, %lt3A_1619 : vector<16xi1>
        %ne3A_1621 = arith.cmpi ne, %get3A_1609, %gather3A_1615 : vector<16xi32>
        %and3A_1622 = arith.andi %and3A_1620, %ne3A_1621 : vector<16xi1>
        %sub3A_1623 = vector.broadcast %mul3A_1118 : i32 to vector<16xi32>
        %sub3A_1624 = arith.subi %get3A_1609, %sub3A_1623 : vector<16xi32>
        tpu.vector_store_idx %arg13[%sub3A_1624], %get3A_1611 masked %and3A_1622 : memref<32768xf32, #tpu.memory_space<vmem>>[vector<16xi32>], vector<16xf32>, vector<16xi1>
        %get3A_1625 = arith.constant 336 : index
        %get3A_1626 = tpu.vector_load %arg9[%get3A_1625] {strides = array<i32>} : memref<528xi32, #tpu.memory_space<vmem>>, vector<16xi32>,
        %get3A_1627 = arith.constant 336 : index
        %get3A_1628 = tpu.vector_load %arg11[%get3A_1627] {strides = array<i32>} : memref<528xf32, #tpu.memory_space<vmem>>, vector<16xf32>,
        %add3A_1629 = arith.constant 337 : i32
        %add3A_1630 = vector.broadcast %add3A_1629 : i32 to vector<16xi32>
        %add3A_1631 = arith.addi %iota3A, %add3A_1630 : vector<16xi32>
        %gather3A_1632 = tpu.vector_load_idx %arg9[%add3A_1631] : memref<528xi32, #tpu.memory_space<vmem>>[vector<16xi32>], vector<16xi32>,
        %ge3A_1633 = vector.broadcast %mul3A_1118 : i32 to vector<16xi32>
        %ge3A_1634 = arith.cmpi sge, %get3A_1626, %ge3A_1633 : vector<16xi32>
        %lt3A_1635 = vector.broadcast %add3A_1120 : i32 to vector<16xi32>
        %lt3A_1636 = arith.cmpi slt, %get3A_1626, %lt3A_1635 : vector<16xi32>
        %and3A_1637 = arith.andi %ge3A_1634, %lt3A_1636 : vector<16xi1>
        %ne3A_1638 = arith.cmpi ne, %get3A_1626, %gather3A_1632 : vector<16xi32>
        %and3A_1639 = arith.andi %and3A_1637, %ne3A_1638 : vector<16xi1>
        %sub3A_1640 = vector.broadcast %mul3A_1118 : i32 to vector<16xi32>
        %sub3A_1641 = arith.subi %get3A_1626, %sub3A_1640 : vector<16xi32>
        tpu.vector_store_idx %arg13[%sub3A_1641], %get3A_1628 masked %and3A_1639 : memref<32768xf32, #tpu.memory_space<vmem>>[vector<16xi32>], vector<16xf32>, vector<16xi1>
        %get3A_1642 = arith.constant 352 : index
        %get3A_1643 = tpu.vector_load %arg9[%get3A_1642] {strides = array<i32>} : memref<528xi32, #tpu.memory_space<vmem>>, vector<16xi32>,
        %get3A_1644 = arith.constant 352 : index
        %get3A_1645 = tpu.vector_load %arg11[%get3A_1644] {strides = array<i32>} : memref<528xf32, #tpu.memory_space<vmem>>, vector<16xf32>,
        %add3A_1646 = arith.constant 353 : i32
        %add3A_1647 = vector.broadcast %add3A_1646 : i32 to vector<16xi32>
        %add3A_1648 = arith.addi %iota3A, %add3A_1647 : vector<16xi32>
        %gather3A_1649 = tpu.vector_load_idx %arg9[%add3A_1648] : memref<528xi32, #tpu.memory_space<vmem>>[vector<16xi32>], vector<16xi32>,
        %ge3A_1650 = vector.broadcast %mul3A_1118 : i32 to vector<16xi32>
        %ge3A_1651 = arith.cmpi sge, %get3A_1643, %ge3A_1650 : vector<16xi32>
        %lt3A_1652 = vector.broadcast %add3A_1120 : i32 to vector<16xi32>
        %lt3A_1653 = arith.cmpi slt, %get3A_1643, %lt3A_1652 : vector<16xi32>
        %and3A_1654 = arith.andi %ge3A_1651, %lt3A_1653 : vector<16xi1>
        %ne3A_1655 = arith.cmpi ne, %get3A_1643, %gather3A_1649 : vector<16xi32>
        %and3A_1656 = arith.andi %and3A_1654, %ne3A_1655 : vector<16xi1>
        %sub3A_1657 = vector.broadcast %mul3A_1118 : i32 to vector<16xi32>
        %sub3A_1658 = arith.subi %get3A_1643, %sub3A_1657 : vector<16xi32>
        tpu.vector_store_idx %arg13[%sub3A_1658], %get3A_1645 masked %and3A_1656 : memref<32768xf32, #tpu.memory_space<vmem>>[vector<16xi32>], vector<16xf32>, vector<16xi1>
        %get3A_1659 = arith.constant 368 : index
        %get3A_1660 = tpu.vector_load %arg9[%get3A_1659] {strides = array<i32>} : memref<528xi32, #tpu.memory_space<vmem>>, vector<16xi32>,
        %get3A_1661 = arith.constant 368 : index
        %get3A_1662 = tpu.vector_load %arg11[%get3A_1661] {strides = array<i32>} : memref<528xf32, #tpu.memory_space<vmem>>, vector<16xf32>,
        %add3A_1663 = arith.constant 369 : i32
        %add3A_1664 = vector.broadcast %add3A_1663 : i32 to vector<16xi32>
        %add3A_1665 = arith.addi %iota3A, %add3A_1664 : vector<16xi32>
        %gather3A_1666 = tpu.vector_load_idx %arg9[%add3A_1665] : memref<528xi32, #tpu.memory_space<vmem>>[vector<16xi32>], vector<16xi32>,
        %ge3A_1667 = vector.broadcast %mul3A_1118 : i32 to vector<16xi32>
        %ge3A_1668 = arith.cmpi sge, %get3A_1660, %ge3A_1667 : vector<16xi32>
        %lt3A_1669 = vector.broadcast %add3A_1120 : i32 to vector<16xi32>
        %lt3A_1670 = arith.cmpi slt, %get3A_1660, %lt3A_1669 : vector<16xi32>
        %and3A_1671 = arith.andi %ge3A_1668, %lt3A_1670 : vector<16xi1>
        %ne3A_1672 = arith.cmpi ne, %get3A_1660, %gather3A_1666 : vector<16xi32>
        %and3A_1673 = arith.andi %and3A_1671, %ne3A_1672 : vector<16xi1>
        %sub3A_1674 = vector.broadcast %mul3A_1118 : i32 to vector<16xi32>
        %sub3A_1675 = arith.subi %get3A_1660, %sub3A_1674 : vector<16xi32>
        tpu.vector_store_idx %arg13[%sub3A_1675], %get3A_1662 masked %and3A_1673 : memref<32768xf32, #tpu.memory_space<vmem>>[vector<16xi32>], vector<16xf32>, vector<16xi1>
        %get3A_1676 = arith.constant 384 : index
        %get3A_1677 = tpu.vector_load %arg9[%get3A_1676] {strides = array<i32>} : memref<528xi32, #tpu.memory_space<vmem>>, vector<16xi32>,
        %get3A_1678 = arith.constant 384 : index
        %get3A_1679 = tpu.vector_load %arg11[%get3A_1678] {strides = array<i32>} : memref<528xf32, #tpu.memory_space<vmem>>, vector<16xf32>,
        %add3A_1680 = arith.constant 385 : i32
        %add3A_1681 = vector.broadcast %add3A_1680 : i32 to vector<16xi32>
        %add3A_1682 = arith.addi %iota3A, %add3A_1681 : vector<16xi32>
        %gather3A_1683 = tpu.vector_load_idx %arg9[%add3A_1682] : memref<528xi32, #tpu.memory_space<vmem>>[vector<16xi32>], vector<16xi32>,
        %ge3A_1684 = vector.broadcast %mul3A_1118 : i32 to vector<16xi32>
        %ge3A_1685 = arith.cmpi sge, %get3A_1677, %ge3A_1684 : vector<16xi32>
        %lt3A_1686 = vector.broadcast %add3A_1120 : i32 to vector<16xi32>
        %lt3A_1687 = arith.cmpi slt, %get3A_1677, %lt3A_1686 : vector<16xi32>
        %and3A_1688 = arith.andi %ge3A_1685, %lt3A_1687 : vector<16xi1>
        %ne3A_1689 = arith.cmpi ne, %get3A_1677, %gather3A_1683 : vector<16xi32>
        %and3A_1690 = arith.andi %and3A_1688, %ne3A_1689 : vector<16xi1>
        %sub3A_1691 = vector.broadcast %mul3A_1118 : i32 to vector<16xi32>
        %sub3A_1692 = arith.subi %get3A_1677, %sub3A_1691 : vector<16xi32>
        tpu.vector_store_idx %arg13[%sub3A_1692], %get3A_1679 masked %and3A_1690 : memref<32768xf32, #tpu.memory_space<vmem>>[vector<16xi32>], vector<16xf32>, vector<16xi1>
        %get3A_1693 = arith.constant 400 : index
        %get3A_1694 = tpu.vector_load %arg9[%get3A_1693] {strides = array<i32>} : memref<528xi32, #tpu.memory_space<vmem>>, vector<16xi32>,
        %get3A_1695 = arith.constant 400 : index
        %get3A_1696 = tpu.vector_load %arg11[%get3A_1695] {strides = array<i32>} : memref<528xf32, #tpu.memory_space<vmem>>, vector<16xf32>,
        %add3A_1697 = arith.constant 401 : i32
        %add3A_1698 = vector.broadcast %add3A_1697 : i32 to vector<16xi32>
        %add3A_1699 = arith.addi %iota3A, %add3A_1698 : vector<16xi32>
        %gather3A_1700 = tpu.vector_load_idx %arg9[%add3A_1699] : memref<528xi32, #tpu.memory_space<vmem>>[vector<16xi32>], vector<16xi32>,
        %ge3A_1701 = vector.broadcast %mul3A_1118 : i32 to vector<16xi32>
        %ge3A_1702 = arith.cmpi sge, %get3A_1694, %ge3A_1701 : vector<16xi32>
        %lt3A_1703 = vector.broadcast %add3A_1120 : i32 to vector<16xi32>
        %lt3A_1704 = arith.cmpi slt, %get3A_1694, %lt3A_1703 : vector<16xi32>
        %and3A_1705 = arith.andi %ge3A_1702, %lt3A_1704 : vector<16xi1>
        %ne3A_1706 = arith.cmpi ne, %get3A_1694, %gather3A_1700 : vector<16xi32>
        %and3A_1707 = arith.andi %and3A_1705, %ne3A_1706 : vector<16xi1>
        %sub3A_1708 = vector.broadcast %mul3A_1118 : i32 to vector<16xi32>
        %sub3A_1709 = arith.subi %get3A_1694, %sub3A_1708 : vector<16xi32>
        tpu.vector_store_idx %arg13[%sub3A_1709], %get3A_1696 masked %and3A_1707 : memref<32768xf32, #tpu.memory_space<vmem>>[vector<16xi32>], vector<16xf32>, vector<16xi1>
        %get3A_1710 = arith.constant 416 : index
        %get3A_1711 = tpu.vector_load %arg9[%get3A_1710] {strides = array<i32>} : memref<528xi32, #tpu.memory_space<vmem>>, vector<16xi32>,
        %get3A_1712 = arith.constant 416 : index
        %get3A_1713 = tpu.vector_load %arg11[%get3A_1712] {strides = array<i32>} : memref<528xf32, #tpu.memory_space<vmem>>, vector<16xf32>,
        %add3A_1714 = arith.constant 417 : i32
        %add3A_1715 = vector.broadcast %add3A_1714 : i32 to vector<16xi32>
        %add3A_1716 = arith.addi %iota3A, %add3A_1715 : vector<16xi32>
        %gather3A_1717 = tpu.vector_load_idx %arg9[%add3A_1716] : memref<528xi32, #tpu.memory_space<vmem>>[vector<16xi32>], vector<16xi32>,
        %ge3A_1718 = vector.broadcast %mul3A_1118 : i32 to vector<16xi32>
        %ge3A_1719 = arith.cmpi sge, %get3A_1711, %ge3A_1718 : vector<16xi32>
        %lt3A_1720 = vector.broadcast %add3A_1120 : i32 to vector<16xi32>
        %lt3A_1721 = arith.cmpi slt, %get3A_1711, %lt3A_1720 : vector<16xi32>
        %and3A_1722 = arith.andi %ge3A_1719, %lt3A_1721 : vector<16xi1>
        %ne3A_1723 = arith.cmpi ne, %get3A_1711, %gather3A_1717 : vector<16xi32>
        %and3A_1724 = arith.andi %and3A_1722, %ne3A_1723 : vector<16xi1>
        %sub3A_1725 = vector.broadcast %mul3A_1118 : i32 to vector<16xi32>
        %sub3A_1726 = arith.subi %get3A_1711, %sub3A_1725 : vector<16xi32>
        tpu.vector_store_idx %arg13[%sub3A_1726], %get3A_1713 masked %and3A_1724 : memref<32768xf32, #tpu.memory_space<vmem>>[vector<16xi32>], vector<16xf32>, vector<16xi1>
        %get3A_1727 = arith.constant 432 : index
        %get3A_1728 = tpu.vector_load %arg9[%get3A_1727] {strides = array<i32>} : memref<528xi32, #tpu.memory_space<vmem>>, vector<16xi32>,
        %get3A_1729 = arith.constant 432 : index
        %get3A_1730 = tpu.vector_load %arg11[%get3A_1729] {strides = array<i32>} : memref<528xf32, #tpu.memory_space<vmem>>, vector<16xf32>,
        %add3A_1731 = arith.constant 433 : i32
        %add3A_1732 = vector.broadcast %add3A_1731 : i32 to vector<16xi32>
        %add3A_1733 = arith.addi %iota3A, %add3A_1732 : vector<16xi32>
        %gather3A_1734 = tpu.vector_load_idx %arg9[%add3A_1733] : memref<528xi32, #tpu.memory_space<vmem>>[vector<16xi32>], vector<16xi32>,
        %ge3A_1735 = vector.broadcast %mul3A_1118 : i32 to vector<16xi32>
        %ge3A_1736 = arith.cmpi sge, %get3A_1728, %ge3A_1735 : vector<16xi32>
        %lt3A_1737 = vector.broadcast %add3A_1120 : i32 to vector<16xi32>
        %lt3A_1738 = arith.cmpi slt, %get3A_1728, %lt3A_1737 : vector<16xi32>
        %and3A_1739 = arith.andi %ge3A_1736, %lt3A_1738 : vector<16xi1>
        %ne3A_1740 = arith.cmpi ne, %get3A_1728, %gather3A_1734 : vector<16xi32>
        %and3A_1741 = arith.andi %and3A_1739, %ne3A_1740 : vector<16xi1>
        %sub3A_1742 = vector.broadcast %mul3A_1118 : i32 to vector<16xi32>
        %sub3A_1743 = arith.subi %get3A_1728, %sub3A_1742 : vector<16xi32>
        tpu.vector_store_idx %arg13[%sub3A_1743], %get3A_1730 masked %and3A_1741 : memref<32768xf32, #tpu.memory_space<vmem>>[vector<16xi32>], vector<16xf32>, vector<16xi1>
        %get3A_1744 = arith.constant 448 : index
        %get3A_1745 = tpu.vector_load %arg9[%get3A_1744] {strides = array<i32>} : memref<528xi32, #tpu.memory_space<vmem>>, vector<16xi32>,
        %get3A_1746 = arith.constant 448 : index
        %get3A_1747 = tpu.vector_load %arg11[%get3A_1746] {strides = array<i32>} : memref<528xf32, #tpu.memory_space<vmem>>, vector<16xf32>,
        %add3A_1748 = arith.constant 449 : i32
        %add3A_1749 = vector.broadcast %add3A_1748 : i32 to vector<16xi32>
        %add3A_1750 = arith.addi %iota3A, %add3A_1749 : vector<16xi32>
        %gather3A_1751 = tpu.vector_load_idx %arg9[%add3A_1750] : memref<528xi32, #tpu.memory_space<vmem>>[vector<16xi32>], vector<16xi32>,
        %ge3A_1752 = vector.broadcast %mul3A_1118 : i32 to vector<16xi32>
        %ge3A_1753 = arith.cmpi sge, %get3A_1745, %ge3A_1752 : vector<16xi32>
        %lt3A_1754 = vector.broadcast %add3A_1120 : i32 to vector<16xi32>
        %lt3A_1755 = arith.cmpi slt, %get3A_1745, %lt3A_1754 : vector<16xi32>
        %and3A_1756 = arith.andi %ge3A_1753, %lt3A_1755 : vector<16xi1>
        %ne3A_1757 = arith.cmpi ne, %get3A_1745, %gather3A_1751 : vector<16xi32>
        %and3A_1758 = arith.andi %and3A_1756, %ne3A_1757 : vector<16xi1>
        %sub3A_1759 = vector.broadcast %mul3A_1118 : i32 to vector<16xi32>
        %sub3A_1760 = arith.subi %get3A_1745, %sub3A_1759 : vector<16xi32>
        tpu.vector_store_idx %arg13[%sub3A_1760], %get3A_1747 masked %and3A_1758 : memref<32768xf32, #tpu.memory_space<vmem>>[vector<16xi32>], vector<16xf32>, vector<16xi1>
        %get3A_1761 = arith.constant 464 : index
        %get3A_1762 = tpu.vector_load %arg9[%get3A_1761] {strides = array<i32>} : memref<528xi32, #tpu.memory_space<vmem>>, vector<16xi32>,
        %get3A_1763 = arith.constant 464 : index
        %get3A_1764 = tpu.vector_load %arg11[%get3A_1763] {strides = array<i32>} : memref<528xf32, #tpu.memory_space<vmem>>, vector<16xf32>,
        %add3A_1765 = arith.constant 465 : i32
        %add3A_1766 = vector.broadcast %add3A_1765 : i32 to vector<16xi32>
        %add3A_1767 = arith.addi %iota3A, %add3A_1766 : vector<16xi32>
        %gather3A_1768 = tpu.vector_load_idx %arg9[%add3A_1767] : memref<528xi32, #tpu.memory_space<vmem>>[vector<16xi32>], vector<16xi32>,
        %ge3A_1769 = vector.broadcast %mul3A_1118 : i32 to vector<16xi32>
        %ge3A_1770 = arith.cmpi sge, %get3A_1762, %ge3A_1769 : vector<16xi32>
        %lt3A_1771 = vector.broadcast %add3A_1120 : i32 to vector<16xi32>
        %lt3A_1772 = arith.cmpi slt, %get3A_1762, %lt3A_1771 : vector<16xi32>
        %and3A_1773 = arith.andi %ge3A_1770, %lt3A_1772 : vector<16xi1>
        %ne3A_1774 = arith.cmpi ne, %get3A_1762, %gather3A_1768 : vector<16xi32>
        %and3A_1775 = arith.andi %and3A_1773, %ne3A_1774 : vector<16xi1>
        %sub3A_1776 = vector.broadcast %mul3A_1118 : i32 to vector<16xi32>
        %sub3A_1777 = arith.subi %get3A_1762, %sub3A_1776 : vector<16xi32>
        tpu.vector_store_idx %arg13[%sub3A_1777], %get3A_1764 masked %and3A_1775 : memref<32768xf32, #tpu.memory_space<vmem>>[vector<16xi32>], vector<16xf32>, vector<16xi1>
        %get3A_1778 = arith.constant 480 : index
        %get3A_1779 = tpu.vector_load %arg9[%get3A_1778] {strides = array<i32>} : memref<528xi32, #tpu.memory_space<vmem>>, vector<16xi32>,
        %get3A_1780 = arith.constant 480 : index
        %get3A_1781 = tpu.vector_load %arg11[%get3A_1780] {strides = array<i32>} : memref<528xf32, #tpu.memory_space<vmem>>, vector<16xf32>,
        %add3A_1782 = arith.constant 481 : i32
        %add3A_1783 = vector.broadcast %add3A_1782 : i32 to vector<16xi32>
        %add3A_1784 = arith.addi %iota3A, %add3A_1783 : vector<16xi32>
        %gather3A_1785 = tpu.vector_load_idx %arg9[%add3A_1784] : memref<528xi32, #tpu.memory_space<vmem>>[vector<16xi32>], vector<16xi32>,
        %ge3A_1786 = vector.broadcast %mul3A_1118 : i32 to vector<16xi32>
        %ge3A_1787 = arith.cmpi sge, %get3A_1779, %ge3A_1786 : vector<16xi32>
        %lt3A_1788 = vector.broadcast %add3A_1120 : i32 to vector<16xi32>
        %lt3A_1789 = arith.cmpi slt, %get3A_1779, %lt3A_1788 : vector<16xi32>
        %and3A_1790 = arith.andi %ge3A_1787, %lt3A_1789 : vector<16xi1>
        %ne3A_1791 = arith.cmpi ne, %get3A_1779, %gather3A_1785 : vector<16xi32>
        %and3A_1792 = arith.andi %and3A_1790, %ne3A_1791 : vector<16xi1>
        %sub3A_1793 = vector.broadcast %mul3A_1118 : i32 to vector<16xi32>
        %sub3A_1794 = arith.subi %get3A_1779, %sub3A_1793 : vector<16xi32>
        tpu.vector_store_idx %arg13[%sub3A_1794], %get3A_1781 masked %and3A_1792 : memref<32768xf32, #tpu.memory_space<vmem>>[vector<16xi32>], vector<16xf32>, vector<16xi1>
        %get3A_1795 = arith.constant 496 : index
        %get3A_1796 = tpu.vector_load %arg9[%get3A_1795] {strides = array<i32>} : memref<528xi32, #tpu.memory_space<vmem>>, vector<16xi32>,
        %get3A_1797 = arith.constant 496 : index
        %get3A_1798 = tpu.vector_load %arg11[%get3A_1797] {strides = array<i32>} : memref<528xf32, #tpu.memory_space<vmem>>, vector<16xf32>,
        %add3A_1799 = arith.constant 497 : i32
        %add3A_1800 = vector.broadcast %add3A_1799 : i32 to vector<16xi32>
        %add3A_1801 = arith.addi %iota3A, %add3A_1800 : vector<16xi32>
        %gather3A_1802 = tpu.vector_load_idx %arg9[%add3A_1801] : memref<528xi32, #tpu.memory_space<vmem>>[vector<16xi32>], vector<16xi32>,
        %ge3A_1803 = vector.broadcast %mul3A_1118 : i32 to vector<16xi32>
        %ge3A_1804 = arith.cmpi sge, %get3A_1796, %ge3A_1803 : vector<16xi32>
        %lt3A_1805 = vector.broadcast %add3A_1120 : i32 to vector<16xi32>
        %lt3A_1806 = arith.cmpi slt, %get3A_1796, %lt3A_1805 : vector<16xi32>
        %and3A_1807 = arith.andi %ge3A_1804, %lt3A_1806 : vector<16xi1>
        %ne3A_1808 = arith.cmpi ne, %get3A_1796, %gather3A_1802 : vector<16xi32>
        %and3A_1809 = arith.andi %and3A_1807, %ne3A_1808 : vector<16xi1>
        %sub3A_1810 = vector.broadcast %mul3A_1118 : i32 to vector<16xi32>
        %sub3A_1811 = arith.subi %get3A_1796, %sub3A_1810 : vector<16xi32>
        tpu.vector_store_idx %arg13[%sub3A_1811], %get3A_1798 masked %and3A_1809 : memref<32768xf32, #tpu.memory_space<vmem>>[vector<16xi32>], vector<16xf32>, vector<16xi1>
        %add3A_1812 = arith.constant 2 : i32
        %add3A_1813 = arith.addi %mul3A_1255, %add3A_1812 : i32
        %lt3A_1814 = arith.cmpi slt, %add3A_1813, %select_n3A_1202 : i32
        %convert_element_type3A_1815 = arith.extui %lt3A_1814 : i1 to i32
        %cond3A_1816 = arith.constant 0 : i32
        %cond3A_1817 = arith.cmpi ne, %convert_element_type3A_1815, %cond3A_1816 : i32
        scf.if %cond3A_1817 {
          %add3A_1825 = arith.constant 2 : i32
          %add3A_1826 = arith.addi %mul3A_1255, %add3A_1825 : i32
          %mul3A_1827 = arith.constant 512 : i32
          %mul3A_1828 = arith.muli %add3A_1826, %mul3A_1827 : i32
          %add3A_1829 = arith.addi %mul3A_1173, %mul3A_1828 : i32
          %le3A = arith.constant 4192752 : i32
          %le3A_1830 = arith.cmpi sle, %add3A_1829, %le3A : i32
          %convert_element_type3A_1831 = arith.extui %le3A_1830 : i1 to i32
          %cond3A_1832 = arith.constant 0 : i32
          %cond3A_1833 = arith.cmpi ne, %convert_element_type3A_1831, %cond3A_1832 : i32
          scf.if %cond3A_1833 {
            %dma_start3A = tpu.memref_slice %arg2[%add3A_1829] : memref<4193280xi32, #tpu.memory_space<hbm>> -> memref<528xi32, #tpu.memory_space<hbm>>
            %dma_start3A_1839 = tpu.memref_slice %arg2[%add3A_1829] : memref<4193280xi32, #tpu.memory_space<hbm>> -> memref<528xi32, #tpu.memory_space<hbm>>
            tpu.enqueue_dma source(%dma_start3A_1839 : memref<528xi32, #tpu.memory_space<hbm>>) target(%arg9 : memref<528xi32, #tpu.memory_space<vmem>>) target_semaphore(%arg14 : memref<!tpu.dma_semaphore, #tpu.memory_space<semaphore_mem>>)
            %dma_start3A_1840 = tpu.memref_slice %arg3[%add3A_1829] : memref<4193280xf32, #tpu.memory_space<hbm>> -> memref<528xf32, #tpu.memory_space<hbm>>
            %dma_start3A_1841 = tpu.memref_slice %arg3[%add3A_1829] : memref<4193280xf32, #tpu.memory_space<hbm>> -> memref<528xf32, #tpu.memory_space<hbm>>
            tpu.enqueue_dma source(%dma_start3A_1841 : memref<528xf32, #tpu.memory_space<hbm>>) target(%arg11 : memref<528xf32, #tpu.memory_space<vmem>>) target_semaphore(%arg15 : memref<!tpu.dma_semaphore, #tpu.memory_space<semaphore_mem>>)
          } else {
          }
          %gt3A_1834 = arith.constant 4192752 : i32
          %gt3A_1835 = arith.cmpi sgt, %add3A_1829, %gt3A_1834 : i32
          %convert_element_type3A_1836 = arith.extui %gt3A_1835 : i1 to i32
          %cond3A_1837 = arith.constant 0 : i32
          %cond3A_1838 = arith.cmpi ne, %convert_element_type3A_1836, %cond3A_1837 : i32
          scf.if %cond3A_1838 {
            %sub3A_1839 = arith.constant 4192752 : i32
            %sub3A_1840 = arith.subi %add3A_1829, %sub3A_1839 : i32
            %dma_start3A = tpu.memref_slice %arg4[%sub3A_1840] : memref<1056xi32, #tpu.memory_space<hbm>> -> memref<528xi32, #tpu.memory_space<hbm>>
            %dma_start3A_1841 = tpu.memref_slice %arg4[%sub3A_1840] : memref<1056xi32, #tpu.memory_space<hbm>> -> memref<528xi32, #tpu.memory_space<hbm>>
            tpu.enqueue_dma source(%dma_start3A_1841 : memref<528xi32, #tpu.memory_space<hbm>>) target(%arg9 : memref<528xi32, #tpu.memory_space<vmem>>) target_semaphore(%arg14 : memref<!tpu.dma_semaphore, #tpu.memory_space<semaphore_mem>>)
            %dma_start3A_1842 = tpu.memref_slice %arg5[%sub3A_1840] : memref<1056xf32, #tpu.memory_space<hbm>> -> memref<528xf32, #tpu.memory_space<hbm>>
            %dma_start3A_1843 = tpu.memref_slice %arg5[%sub3A_1840] : memref<1056xf32, #tpu.memory_space<hbm>> -> memref<528xf32, #tpu.memory_space<hbm>>
            tpu.enqueue_dma source(%dma_start3A_1843 : memref<528xf32, #tpu.memory_space<hbm>>) target(%arg11 : memref<528xf32, #tpu.memory_space<vmem>>) target_semaphore(%arg15 : memref<!tpu.dma_semaphore, #tpu.memory_space<semaphore_mem>>)
          } else {
          }
        } else {
        }
        %add3A_1818 = arith.constant 1 : i32
        %add3A_1819 = arith.addi %mul3A_1255, %add3A_1818 : i32
        %lt3A_1820 = arith.cmpi slt, %add3A_1819, %select_n3A_1202 : i32
        %convert_element_type3A_1821 = arith.extui %lt3A_1820 : i1 to i32
        %cond3A_1822 = arith.constant 0 : i32
        %cond3A_1823 = arith.cmpi ne, %convert_element_type3A_1821, %cond3A_1822 : i32
        scf.if %cond3A_1823 {
          %dma_wait3A_1825 = arith.constant 0 : i32
          %dma_wait3A_1826 = tpu.memref_slice %arg2[%dma_wait3A_1825] : memref<4193280xi32, #tpu.memory_space<hbm>> -> memref<528xi32, #tpu.memory_space<hbm>>
          %dma_wait3A_1827 = arith.constant 0 : i32
          %dma_wait3A_1828 = tpu.memref_slice %arg2[%dma_wait3A_1827] : memref<4193280xi32, #tpu.memory_space<hbm>> -> memref<528xi32, #tpu.memory_space<hbm>>
          tpu.wait_dma2 semaphore(%arg16 : memref<!tpu.dma_semaphore, #tpu.memory_space<semaphore_mem>>) src(%dma_wait3A_1828 : memref<528xi32, #tpu.memory_space<hbm>>) dst(%arg10 : memref<528xi32, #tpu.memory_space<vmem>>)
          %dma_wait3A_1829 = arith.constant 0 : i32
          %dma_wait3A_1830 = tpu.memref_slice %arg3[%dma_wait3A_1829] : memref<4193280xf32, #tpu.memory_space<hbm>> -> memref<528xf32, #tpu.memory_space<hbm>>
          %dma_wait3A_1831 = arith.constant 0 : i32
          %dma_wait3A_1832 = tpu.memref_slice %arg3[%dma_wait3A_1831] : memref<4193280xf32, #tpu.memory_space<hbm>> -> memref<528xf32, #tpu.memory_space<hbm>>
          tpu.wait_dma2 semaphore(%arg17 : memref<!tpu.dma_semaphore, #tpu.memory_space<semaphore_mem>>) src(%dma_wait3A_1832 : memref<528xf32, #tpu.memory_space<hbm>>) dst(%arg12 : memref<528xf32, #tpu.memory_space<vmem>>)
          %get3A_1833 = arith.constant 0 : index
          %get3A_1834 = tpu.vector_load %arg10[%get3A_1833] {strides = array<i32>} : memref<528xi32, #tpu.memory_space<vmem>>, vector<16xi32>,
          %get3A_1835 = arith.constant 0 : index
          %get3A_1836 = tpu.vector_load %arg12[%get3A_1835] {strides = array<i32>} : memref<528xf32, #tpu.memory_space<vmem>>, vector<16xf32>,
          %add3A_1837 = arith.constant 1 : i32
          %add3A_1838 = vector.broadcast %add3A_1837 : i32 to vector<16xi32>
          %add3A_1839 = arith.addi %iota3A, %add3A_1838 : vector<16xi32>
          %gather3A_1840 = tpu.vector_load_idx %arg10[%add3A_1839] : memref<528xi32, #tpu.memory_space<vmem>>[vector<16xi32>], vector<16xi32>,
          %ge3A_1841 = vector.broadcast %mul3A_1118 : i32 to vector<16xi32>
          %ge3A_1842 = arith.cmpi sge, %get3A_1834, %ge3A_1841 : vector<16xi32>
          %lt3A_1843 = vector.broadcast %add3A_1120 : i32 to vector<16xi32>
          %lt3A_1844 = arith.cmpi slt, %get3A_1834, %lt3A_1843 : vector<16xi32>
          %and3A_1845 = arith.andi %ge3A_1842, %lt3A_1844 : vector<16xi1>
          %ne3A_1846 = arith.cmpi ne, %get3A_1834, %gather3A_1840 : vector<16xi32>
          %and3A_1847 = arith.andi %and3A_1845, %ne3A_1846 : vector<16xi1>
          %sub3A_1848 = vector.broadcast %mul3A_1118 : i32 to vector<16xi32>
          %sub3A_1849 = arith.subi %get3A_1834, %sub3A_1848 : vector<16xi32>
          tpu.vector_store_idx %arg13[%sub3A_1849], %get3A_1836 masked %and3A_1847 : memref<32768xf32, #tpu.memory_space<vmem>>[vector<16xi32>], vector<16xf32>, vector<16xi1>
          %get3A_1850 = arith.constant 16 : index
          %get3A_1851 = tpu.vector_load %arg10[%get3A_1850] {strides = array<i32>} : memref<528xi32, #tpu.memory_space<vmem>>, vector<16xi32>,
          %get3A_1852 = arith.constant 16 : index
          %get3A_1853 = tpu.vector_load %arg12[%get3A_1852] {strides = array<i32>} : memref<528xf32, #tpu.memory_space<vmem>>, vector<16xf32>,
          %add3A_1854 = arith.constant 17 : i32
          %add3A_1855 = vector.broadcast %add3A_1854 : i32 to vector<16xi32>
          %add3A_1856 = arith.addi %iota3A, %add3A_1855 : vector<16xi32>
          %gather3A_1857 = tpu.vector_load_idx %arg10[%add3A_1856] : memref<528xi32, #tpu.memory_space<vmem>>[vector<16xi32>], vector<16xi32>,
          %ge3A_1858 = vector.broadcast %mul3A_1118 : i32 to vector<16xi32>
          %ge3A_1859 = arith.cmpi sge, %get3A_1851, %ge3A_1858 : vector<16xi32>
          %lt3A_1860 = vector.broadcast %add3A_1120 : i32 to vector<16xi32>
          %lt3A_1861 = arith.cmpi slt, %get3A_1851, %lt3A_1860 : vector<16xi32>
          %and3A_1862 = arith.andi %ge3A_1859, %lt3A_1861 : vector<16xi1>
          %ne3A_1863 = arith.cmpi ne, %get3A_1851, %gather3A_1857 : vector<16xi32>
          %and3A_1864 = arith.andi %and3A_1862, %ne3A_1863 : vector<16xi1>
          %sub3A_1865 = vector.broadcast %mul3A_1118 : i32 to vector<16xi32>
          %sub3A_1866 = arith.subi %get3A_1851, %sub3A_1865 : vector<16xi32>
          tpu.vector_store_idx %arg13[%sub3A_1866], %get3A_1853 masked %and3A_1864 : memref<32768xf32, #tpu.memory_space<vmem>>[vector<16xi32>], vector<16xf32>, vector<16xi1>
          %get3A_1867 = arith.constant 32 : index
          %get3A_1868 = tpu.vector_load %arg10[%get3A_1867] {strides = array<i32>} : memref<528xi32, #tpu.memory_space<vmem>>, vector<16xi32>,
          %get3A_1869 = arith.constant 32 : index
          %get3A_1870 = tpu.vector_load %arg12[%get3A_1869] {strides = array<i32>} : memref<528xf32, #tpu.memory_space<vmem>>, vector<16xf32>,
          %add3A_1871 = arith.constant 33 : i32
          %add3A_1872 = vector.broadcast %add3A_1871 : i32 to vector<16xi32>
          %add3A_1873 = arith.addi %iota3A, %add3A_1872 : vector<16xi32>
          %gather3A_1874 = tpu.vector_load_idx %arg10[%add3A_1873] : memref<528xi32, #tpu.memory_space<vmem>>[vector<16xi32>], vector<16xi32>,
          %ge3A_1875 = vector.broadcast %mul3A_1118 : i32 to vector<16xi32>
          %ge3A_1876 = arith.cmpi sge, %get3A_1868, %ge3A_1875 : vector<16xi32>
          %lt3A_1877 = vector.broadcast %add3A_1120 : i32 to vector<16xi32>
          %lt3A_1878 = arith.cmpi slt, %get3A_1868, %lt3A_1877 : vector<16xi32>
          %and3A_1879 = arith.andi %ge3A_1876, %lt3A_1878 : vector<16xi1>
          %ne3A_1880 = arith.cmpi ne, %get3A_1868, %gather3A_1874 : vector<16xi32>
          %and3A_1881 = arith.andi %and3A_1879, %ne3A_1880 : vector<16xi1>
          %sub3A_1882 = vector.broadcast %mul3A_1118 : i32 to vector<16xi32>
          %sub3A_1883 = arith.subi %get3A_1868, %sub3A_1882 : vector<16xi32>
          tpu.vector_store_idx %arg13[%sub3A_1883], %get3A_1870 masked %and3A_1881 : memref<32768xf32, #tpu.memory_space<vmem>>[vector<16xi32>], vector<16xf32>, vector<16xi1>
          %get3A_1884 = arith.constant 48 : index
          %get3A_1885 = tpu.vector_load %arg10[%get3A_1884] {strides = array<i32>} : memref<528xi32, #tpu.memory_space<vmem>>, vector<16xi32>,
          %get3A_1886 = arith.constant 48 : index
          %get3A_1887 = tpu.vector_load %arg12[%get3A_1886] {strides = array<i32>} : memref<528xf32, #tpu.memory_space<vmem>>, vector<16xf32>,
          %add3A_1888 = arith.constant 49 : i32
          %add3A_1889 = vector.broadcast %add3A_1888 : i32 to vector<16xi32>
          %add3A_1890 = arith.addi %iota3A, %add3A_1889 : vector<16xi32>
          %gather3A_1891 = tpu.vector_load_idx %arg10[%add3A_1890] : memref<528xi32, #tpu.memory_space<vmem>>[vector<16xi32>], vector<16xi32>,
          %ge3A_1892 = vector.broadcast %mul3A_1118 : i32 to vector<16xi32>
          %ge3A_1893 = arith.cmpi sge, %get3A_1885, %ge3A_1892 : vector<16xi32>
          %lt3A_1894 = vector.broadcast %add3A_1120 : i32 to vector<16xi32>
          %lt3A_1895 = arith.cmpi slt, %get3A_1885, %lt3A_1894 : vector<16xi32>
          %and3A_1896 = arith.andi %ge3A_1893, %lt3A_1895 : vector<16xi1>
          %ne3A_1897 = arith.cmpi ne, %get3A_1885, %gather3A_1891 : vector<16xi32>
          %and3A_1898 = arith.andi %and3A_1896, %ne3A_1897 : vector<16xi1>
          %sub3A_1899 = vector.broadcast %mul3A_1118 : i32 to vector<16xi32>
          %sub3A_1900 = arith.subi %get3A_1885, %sub3A_1899 : vector<16xi32>
          tpu.vector_store_idx %arg13[%sub3A_1900], %get3A_1887 masked %and3A_1898 : memref<32768xf32, #tpu.memory_space<vmem>>[vector<16xi32>], vector<16xf32>, vector<16xi1>
          %get3A_1901 = arith.constant 64 : index
          %get3A_1902 = tpu.vector_load %arg10[%get3A_1901] {strides = array<i32>} : memref<528xi32, #tpu.memory_space<vmem>>, vector<16xi32>,
          %get3A_1903 = arith.constant 64 : index
          %get3A_1904 = tpu.vector_load %arg12[%get3A_1903] {strides = array<i32>} : memref<528xf32, #tpu.memory_space<vmem>>, vector<16xf32>,
          %add3A_1905 = arith.constant 65 : i32
          %add3A_1906 = vector.broadcast %add3A_1905 : i32 to vector<16xi32>
          %add3A_1907 = arith.addi %iota3A, %add3A_1906 : vector<16xi32>
          %gather3A_1908 = tpu.vector_load_idx %arg10[%add3A_1907] : memref<528xi32, #tpu.memory_space<vmem>>[vector<16xi32>], vector<16xi32>,
          %ge3A_1909 = vector.broadcast %mul3A_1118 : i32 to vector<16xi32>
          %ge3A_1910 = arith.cmpi sge, %get3A_1902, %ge3A_1909 : vector<16xi32>
          %lt3A_1911 = vector.broadcast %add3A_1120 : i32 to vector<16xi32>
          %lt3A_1912 = arith.cmpi slt, %get3A_1902, %lt3A_1911 : vector<16xi32>
          %and3A_1913 = arith.andi %ge3A_1910, %lt3A_1912 : vector<16xi1>
          %ne3A_1914 = arith.cmpi ne, %get3A_1902, %gather3A_1908 : vector<16xi32>
          %and3A_1915 = arith.andi %and3A_1913, %ne3A_1914 : vector<16xi1>
          %sub3A_1916 = vector.broadcast %mul3A_1118 : i32 to vector<16xi32>
          %sub3A_1917 = arith.subi %get3A_1902, %sub3A_1916 : vector<16xi32>
          tpu.vector_store_idx %arg13[%sub3A_1917], %get3A_1904 masked %and3A_1915 : memref<32768xf32, #tpu.memory_space<vmem>>[vector<16xi32>], vector<16xf32>, vector<16xi1>
          %get3A_1918 = arith.constant 80 : index
          %get3A_1919 = tpu.vector_load %arg10[%get3A_1918] {strides = array<i32>} : memref<528xi32, #tpu.memory_space<vmem>>, vector<16xi32>,
          %get3A_1920 = arith.constant 80 : index
          %get3A_1921 = tpu.vector_load %arg12[%get3A_1920] {strides = array<i32>} : memref<528xf32, #tpu.memory_space<vmem>>, vector<16xf32>,
          %add3A_1922 = arith.constant 81 : i32
          %add3A_1923 = vector.broadcast %add3A_1922 : i32 to vector<16xi32>
          %add3A_1924 = arith.addi %iota3A, %add3A_1923 : vector<16xi32>
          %gather3A_1925 = tpu.vector_load_idx %arg10[%add3A_1924] : memref<528xi32, #tpu.memory_space<vmem>>[vector<16xi32>], vector<16xi32>,
          %ge3A_1926 = vector.broadcast %mul3A_1118 : i32 to vector<16xi32>
          %ge3A_1927 = arith.cmpi sge, %get3A_1919, %ge3A_1926 : vector<16xi32>
          %lt3A_1928 = vector.broadcast %add3A_1120 : i32 to vector<16xi32>
          %lt3A_1929 = arith.cmpi slt, %get3A_1919, %lt3A_1928 : vector<16xi32>
          %and3A_1930 = arith.andi %ge3A_1927, %lt3A_1929 : vector<16xi1>
          %ne3A_1931 = arith.cmpi ne, %get3A_1919, %gather3A_1925 : vector<16xi32>
          %and3A_1932 = arith.andi %and3A_1930, %ne3A_1931 : vector<16xi1>
          %sub3A_1933 = vector.broadcast %mul3A_1118 : i32 to vector<16xi32>
          %sub3A_1934 = arith.subi %get3A_1919, %sub3A_1933 : vector<16xi32>
          tpu.vector_store_idx %arg13[%sub3A_1934], %get3A_1921 masked %and3A_1932 : memref<32768xf32, #tpu.memory_space<vmem>>[vector<16xi32>], vector<16xf32>, vector<16xi1>
          %get3A_1935 = arith.constant 96 : index
          %get3A_1936 = tpu.vector_load %arg10[%get3A_1935] {strides = array<i32>} : memref<528xi32, #tpu.memory_space<vmem>>, vector<16xi32>,
          %get3A_1937 = arith.constant 96 : index
          %get3A_1938 = tpu.vector_load %arg12[%get3A_1937] {strides = array<i32>} : memref<528xf32, #tpu.memory_space<vmem>>, vector<16xf32>,
          %add3A_1939 = arith.constant 97 : i32
          %add3A_1940 = vector.broadcast %add3A_1939 : i32 to vector<16xi32>
          %add3A_1941 = arith.addi %iota3A, %add3A_1940 : vector<16xi32>
          %gather3A_1942 = tpu.vector_load_idx %arg10[%add3A_1941] : memref<528xi32, #tpu.memory_space<vmem>>[vector<16xi32>], vector<16xi32>,
          %ge3A_1943 = vector.broadcast %mul3A_1118 : i32 to vector<16xi32>
          %ge3A_1944 = arith.cmpi sge, %get3A_1936, %ge3A_1943 : vector<16xi32>
          %lt3A_1945 = vector.broadcast %add3A_1120 : i32 to vector<16xi32>
          %lt3A_1946 = arith.cmpi slt, %get3A_1936, %lt3A_1945 : vector<16xi32>
          %and3A_1947 = arith.andi %ge3A_1944, %lt3A_1946 : vector<16xi1>
          %ne3A_1948 = arith.cmpi ne, %get3A_1936, %gather3A_1942 : vector<16xi32>
          %and3A_1949 = arith.andi %and3A_1947, %ne3A_1948 : vector<16xi1>
          %sub3A_1950 = vector.broadcast %mul3A_1118 : i32 to vector<16xi32>
          %sub3A_1951 = arith.subi %get3A_1936, %sub3A_1950 : vector<16xi32>
          tpu.vector_store_idx %arg13[%sub3A_1951], %get3A_1938 masked %and3A_1949 : memref<32768xf32, #tpu.memory_space<vmem>>[vector<16xi32>], vector<16xf32>, vector<16xi1>
          %get3A_1952 = arith.constant 112 : index
          %get3A_1953 = tpu.vector_load %arg10[%get3A_1952] {strides = array<i32>} : memref<528xi32, #tpu.memory_space<vmem>>, vector<16xi32>,
          %get3A_1954 = arith.constant 112 : index
          %get3A_1955 = tpu.vector_load %arg12[%get3A_1954] {strides = array<i32>} : memref<528xf32, #tpu.memory_space<vmem>>, vector<16xf32>,
          %add3A_1956 = arith.constant 113 : i32
          %add3A_1957 = vector.broadcast %add3A_1956 : i32 to vector<16xi32>
          %add3A_1958 = arith.addi %iota3A, %add3A_1957 : vector<16xi32>
          %gather3A_1959 = tpu.vector_load_idx %arg10[%add3A_1958] : memref<528xi32, #tpu.memory_space<vmem>>[vector<16xi32>], vector<16xi32>,
          %ge3A_1960 = vector.broadcast %mul3A_1118 : i32 to vector<16xi32>
          %ge3A_1961 = arith.cmpi sge, %get3A_1953, %ge3A_1960 : vector<16xi32>
          %lt3A_1962 = vector.broadcast %add3A_1120 : i32 to vector<16xi32>
          %lt3A_1963 = arith.cmpi slt, %get3A_1953, %lt3A_1962 : vector<16xi32>
          %and3A_1964 = arith.andi %ge3A_1961, %lt3A_1963 : vector<16xi1>
          %ne3A_1965 = arith.cmpi ne, %get3A_1953, %gather3A_1959 : vector<16xi32>
          %and3A_1966 = arith.andi %and3A_1964, %ne3A_1965 : vector<16xi1>
          %sub3A_1967 = vector.broadcast %mul3A_1118 : i32 to vector<16xi32>
          %sub3A_1968 = arith.subi %get3A_1953, %sub3A_1967 : vector<16xi32>
          tpu.vector_store_idx %arg13[%sub3A_1968], %get3A_1955 masked %and3A_1966 : memref<32768xf32, #tpu.memory_space<vmem>>[vector<16xi32>], vector<16xf32>, vector<16xi1>
          %get3A_1969 = arith.constant 128 : index
          %get3A_1970 = tpu.vector_load %arg10[%get3A_1969] {strides = array<i32>} : memref<528xi32, #tpu.memory_space<vmem>>, vector<16xi32>,
          %get3A_1971 = arith.constant 128 : index
          %get3A_1972 = tpu.vector_load %arg12[%get3A_1971] {strides = array<i32>} : memref<528xf32, #tpu.memory_space<vmem>>, vector<16xf32>,
          %add3A_1973 = arith.constant 129 : i32
          %add3A_1974 = vector.broadcast %add3A_1973 : i32 to vector<16xi32>
          %add3A_1975 = arith.addi %iota3A, %add3A_1974 : vector<16xi32>
          %gather3A_1976 = tpu.vector_load_idx %arg10[%add3A_1975] : memref<528xi32, #tpu.memory_space<vmem>>[vector<16xi32>], vector<16xi32>,
          %ge3A_1977 = vector.broadcast %mul3A_1118 : i32 to vector<16xi32>
          %ge3A_1978 = arith.cmpi sge, %get3A_1970, %ge3A_1977 : vector<16xi32>
          %lt3A_1979 = vector.broadcast %add3A_1120 : i32 to vector<16xi32>
          %lt3A_1980 = arith.cmpi slt, %get3A_1970, %lt3A_1979 : vector<16xi32>
          %and3A_1981 = arith.andi %ge3A_1978, %lt3A_1980 : vector<16xi1>
          %ne3A_1982 = arith.cmpi ne, %get3A_1970, %gather3A_1976 : vector<16xi32>
          %and3A_1983 = arith.andi %and3A_1981, %ne3A_1982 : vector<16xi1>
          %sub3A_1984 = vector.broadcast %mul3A_1118 : i32 to vector<16xi32>
          %sub3A_1985 = arith.subi %get3A_1970, %sub3A_1984 : vector<16xi32>
          tpu.vector_store_idx %arg13[%sub3A_1985], %get3A_1972 masked %and3A_1983 : memref<32768xf32, #tpu.memory_space<vmem>>[vector<16xi32>], vector<16xf32>, vector<16xi1>
          %get3A_1986 = arith.constant 144 : index
          %get3A_1987 = tpu.vector_load %arg10[%get3A_1986] {strides = array<i32>} : memref<528xi32, #tpu.memory_space<vmem>>, vector<16xi32>,
          %get3A_1988 = arith.constant 144 : index
          %get3A_1989 = tpu.vector_load %arg12[%get3A_1988] {strides = array<i32>} : memref<528xf32, #tpu.memory_space<vmem>>, vector<16xf32>,
          %add3A_1990 = arith.constant 145 : i32
          %add3A_1991 = vector.broadcast %add3A_1990 : i32 to vector<16xi32>
          %add3A_1992 = arith.addi %iota3A, %add3A_1991 : vector<16xi32>
          %gather3A_1993 = tpu.vector_load_idx %arg10[%add3A_1992] : memref<528xi32, #tpu.memory_space<vmem>>[vector<16xi32>], vector<16xi32>,
          %ge3A_1994 = vector.broadcast %mul3A_1118 : i32 to vector<16xi32>
          %ge3A_1995 = arith.cmpi sge, %get3A_1987, %ge3A_1994 : vector<16xi32>
          %lt3A_1996 = vector.broadcast %add3A_1120 : i32 to vector<16xi32>
          %lt3A_1997 = arith.cmpi slt, %get3A_1987, %lt3A_1996 : vector<16xi32>
          %and3A_1998 = arith.andi %ge3A_1995, %lt3A_1997 : vector<16xi1>
          %ne3A_1999 = arith.cmpi ne, %get3A_1987, %gather3A_1993 : vector<16xi32>
          %and3A_2000 = arith.andi %and3A_1998, %ne3A_1999 : vector<16xi1>
          %sub3A_2001 = vector.broadcast %mul3A_1118 : i32 to vector<16xi32>
          %sub3A_2002 = arith.subi %get3A_1987, %sub3A_2001 : vector<16xi32>
          tpu.vector_store_idx %arg13[%sub3A_2002], %get3A_1989 masked %and3A_2000 : memref<32768xf32, #tpu.memory_space<vmem>>[vector<16xi32>], vector<16xf32>, vector<16xi1>
          %get3A_2003 = arith.constant 160 : index
          %get3A_2004 = tpu.vector_load %arg10[%get3A_2003] {strides = array<i32>} : memref<528xi32, #tpu.memory_space<vmem>>, vector<16xi32>,
          %get3A_2005 = arith.constant 160 : index
          %get3A_2006 = tpu.vector_load %arg12[%get3A_2005] {strides = array<i32>} : memref<528xf32, #tpu.memory_space<vmem>>, vector<16xf32>,
          %add3A_2007 = arith.constant 161 : i32
          %add3A_2008 = vector.broadcast %add3A_2007 : i32 to vector<16xi32>
          %add3A_2009 = arith.addi %iota3A, %add3A_2008 : vector<16xi32>
          %gather3A_2010 = tpu.vector_load_idx %arg10[%add3A_2009] : memref<528xi32, #tpu.memory_space<vmem>>[vector<16xi32>], vector<16xi32>,
          %ge3A_2011 = vector.broadcast %mul3A_1118 : i32 to vector<16xi32>
          %ge3A_2012 = arith.cmpi sge, %get3A_2004, %ge3A_2011 : vector<16xi32>
          %lt3A_2013 = vector.broadcast %add3A_1120 : i32 to vector<16xi32>
          %lt3A_2014 = arith.cmpi slt, %get3A_2004, %lt3A_2013 : vector<16xi32>
          %and3A_2015 = arith.andi %ge3A_2012, %lt3A_2014 : vector<16xi1>
          %ne3A_2016 = arith.cmpi ne, %get3A_2004, %gather3A_2010 : vector<16xi32>
          %and3A_2017 = arith.andi %and3A_2015, %ne3A_2016 : vector<16xi1>
          %sub3A_2018 = vector.broadcast %mul3A_1118 : i32 to vector<16xi32>
          %sub3A_2019 = arith.subi %get3A_2004, %sub3A_2018 : vector<16xi32>
          tpu.vector_store_idx %arg13[%sub3A_2019], %get3A_2006 masked %and3A_2017 : memref<32768xf32, #tpu.memory_space<vmem>>[vector<16xi32>], vector<16xf32>, vector<16xi1>
          %get3A_2020 = arith.constant 176 : index
          %get3A_2021 = tpu.vector_load %arg10[%get3A_2020] {strides = array<i32>} : memref<528xi32, #tpu.memory_space<vmem>>, vector<16xi32>,
          %get3A_2022 = arith.constant 176 : index
          %get3A_2023 = tpu.vector_load %arg12[%get3A_2022] {strides = array<i32>} : memref<528xf32, #tpu.memory_space<vmem>>, vector<16xf32>,
          %add3A_2024 = arith.constant 177 : i32
          %add3A_2025 = vector.broadcast %add3A_2024 : i32 to vector<16xi32>
          %add3A_2026 = arith.addi %iota3A, %add3A_2025 : vector<16xi32>
          %gather3A_2027 = tpu.vector_load_idx %arg10[%add3A_2026] : memref<528xi32, #tpu.memory_space<vmem>>[vector<16xi32>], vector<16xi32>,
          %ge3A_2028 = vector.broadcast %mul3A_1118 : i32 to vector<16xi32>
          %ge3A_2029 = arith.cmpi sge, %get3A_2021, %ge3A_2028 : vector<16xi32>
          %lt3A_2030 = vector.broadcast %add3A_1120 : i32 to vector<16xi32>
          %lt3A_2031 = arith.cmpi slt, %get3A_2021, %lt3A_2030 : vector<16xi32>
          %and3A_2032 = arith.andi %ge3A_2029, %lt3A_2031 : vector<16xi1>
          %ne3A_2033 = arith.cmpi ne, %get3A_2021, %gather3A_2027 : vector<16xi32>
          %and3A_2034 = arith.andi %and3A_2032, %ne3A_2033 : vector<16xi1>
          %sub3A_2035 = vector.broadcast %mul3A_1118 : i32 to vector<16xi32>
          %sub3A_2036 = arith.subi %get3A_2021, %sub3A_2035 : vector<16xi32>
          tpu.vector_store_idx %arg13[%sub3A_2036], %get3A_2023 masked %and3A_2034 : memref<32768xf32, #tpu.memory_space<vmem>>[vector<16xi32>], vector<16xf32>, vector<16xi1>
          %get3A_2037 = arith.constant 192 : index
          %get3A_2038 = tpu.vector_load %arg10[%get3A_2037] {strides = array<i32>} : memref<528xi32, #tpu.memory_space<vmem>>, vector<16xi32>,
          %get3A_2039 = arith.constant 192 : index
          %get3A_2040 = tpu.vector_load %arg12[%get3A_2039] {strides = array<i32>} : memref<528xf32, #tpu.memory_space<vmem>>, vector<16xf32>,
          %add3A_2041 = arith.constant 193 : i32
          %add3A_2042 = vector.broadcast %add3A_2041 : i32 to vector<16xi32>
          %add3A_2043 = arith.addi %iota3A, %add3A_2042 : vector<16xi32>
          %gather3A_2044 = tpu.vector_load_idx %arg10[%add3A_2043] : memref<528xi32, #tpu.memory_space<vmem>>[vector<16xi32>], vector<16xi32>,
          %ge3A_2045 = vector.broadcast %mul3A_1118 : i32 to vector<16xi32>
          %ge3A_2046 = arith.cmpi sge, %get3A_2038, %ge3A_2045 : vector<16xi32>
          %lt3A_2047 = vector.broadcast %add3A_1120 : i32 to vector<16xi32>
          %lt3A_2048 = arith.cmpi slt, %get3A_2038, %lt3A_2047 : vector<16xi32>
          %and3A_2049 = arith.andi %ge3A_2046, %lt3A_2048 : vector<16xi1>
          %ne3A_2050 = arith.cmpi ne, %get3A_2038, %gather3A_2044 : vector<16xi32>
          %and3A_2051 = arith.andi %and3A_2049, %ne3A_2050 : vector<16xi1>
          %sub3A_2052 = vector.broadcast %mul3A_1118 : i32 to vector<16xi32>
          %sub3A_2053 = arith.subi %get3A_2038, %sub3A_2052 : vector<16xi32>
          tpu.vector_store_idx %arg13[%sub3A_2053], %get3A_2040 masked %and3A_2051 : memref<32768xf32, #tpu.memory_space<vmem>>[vector<16xi32>], vector<16xf32>, vector<16xi1>
          %get3A_2054 = arith.constant 208 : index
          %get3A_2055 = tpu.vector_load %arg10[%get3A_2054] {strides = array<i32>} : memref<528xi32, #tpu.memory_space<vmem>>, vector<16xi32>,
          %get3A_2056 = arith.constant 208 : index
          %get3A_2057 = tpu.vector_load %arg12[%get3A_2056] {strides = array<i32>} : memref<528xf32, #tpu.memory_space<vmem>>, vector<16xf32>,
          %add3A_2058 = arith.constant 209 : i32
          %add3A_2059 = vector.broadcast %add3A_2058 : i32 to vector<16xi32>
          %add3A_2060 = arith.addi %iota3A, %add3A_2059 : vector<16xi32>
          %gather3A_2061 = tpu.vector_load_idx %arg10[%add3A_2060] : memref<528xi32, #tpu.memory_space<vmem>>[vector<16xi32>], vector<16xi32>,
          %ge3A_2062 = vector.broadcast %mul3A_1118 : i32 to vector<16xi32>
          %ge3A_2063 = arith.cmpi sge, %get3A_2055, %ge3A_2062 : vector<16xi32>
          %lt3A_2064 = vector.broadcast %add3A_1120 : i32 to vector<16xi32>
          %lt3A_2065 = arith.cmpi slt, %get3A_2055, %lt3A_2064 : vector<16xi32>
          %and3A_2066 = arith.andi %ge3A_2063, %lt3A_2065 : vector<16xi1>
          %ne3A_2067 = arith.cmpi ne, %get3A_2055, %gather3A_2061 : vector<16xi32>
          %and3A_2068 = arith.andi %and3A_2066, %ne3A_2067 : vector<16xi1>
          %sub3A_2069 = vector.broadcast %mul3A_1118 : i32 to vector<16xi32>
          %sub3A_2070 = arith.subi %get3A_2055, %sub3A_2069 : vector<16xi32>
          tpu.vector_store_idx %arg13[%sub3A_2070], %get3A_2057 masked %and3A_2068 : memref<32768xf32, #tpu.memory_space<vmem>>[vector<16xi32>], vector<16xf32>, vector<16xi1>
          %get3A_2071 = arith.constant 224 : index
          %get3A_2072 = tpu.vector_load %arg10[%get3A_2071] {strides = array<i32>} : memref<528xi32, #tpu.memory_space<vmem>>, vector<16xi32>,
          %get3A_2073 = arith.constant 224 : index
          %get3A_2074 = tpu.vector_load %arg12[%get3A_2073] {strides = array<i32>} : memref<528xf32, #tpu.memory_space<vmem>>, vector<16xf32>,
          %add3A_2075 = arith.constant 225 : i32
          %add3A_2076 = vector.broadcast %add3A_2075 : i32 to vector<16xi32>
          %add3A_2077 = arith.addi %iota3A, %add3A_2076 : vector<16xi32>
          %gather3A_2078 = tpu.vector_load_idx %arg10[%add3A_2077] : memref<528xi32, #tpu.memory_space<vmem>>[vector<16xi32>], vector<16xi32>,
          %ge3A_2079 = vector.broadcast %mul3A_1118 : i32 to vector<16xi32>
          %ge3A_2080 = arith.cmpi sge, %get3A_2072, %ge3A_2079 : vector<16xi32>
          %lt3A_2081 = vector.broadcast %add3A_1120 : i32 to vector<16xi32>
          %lt3A_2082 = arith.cmpi slt, %get3A_2072, %lt3A_2081 : vector<16xi32>
          %and3A_2083 = arith.andi %ge3A_2080, %lt3A_2082 : vector<16xi1>
          %ne3A_2084 = arith.cmpi ne, %get3A_2072, %gather3A_2078 : vector<16xi32>
          %and3A_2085 = arith.andi %and3A_2083, %ne3A_2084 : vector<16xi1>
          %sub3A_2086 = vector.broadcast %mul3A_1118 : i32 to vector<16xi32>
          %sub3A_2087 = arith.subi %get3A_2072, %sub3A_2086 : vector<16xi32>
          tpu.vector_store_idx %arg13[%sub3A_2087], %get3A_2074 masked %and3A_2085 : memref<32768xf32, #tpu.memory_space<vmem>>[vector<16xi32>], vector<16xf32>, vector<16xi1>
          %get3A_2088 = arith.constant 240 : index
          %get3A_2089 = tpu.vector_load %arg10[%get3A_2088] {strides = array<i32>} : memref<528xi32, #tpu.memory_space<vmem>>, vector<16xi32>,
          %get3A_2090 = arith.constant 240 : index
          %get3A_2091 = tpu.vector_load %arg12[%get3A_2090] {strides = array<i32>} : memref<528xf32, #tpu.memory_space<vmem>>, vector<16xf32>,
          %add3A_2092 = arith.constant 241 : i32
          %add3A_2093 = vector.broadcast %add3A_2092 : i32 to vector<16xi32>
          %add3A_2094 = arith.addi %iota3A, %add3A_2093 : vector<16xi32>
          %gather3A_2095 = tpu.vector_load_idx %arg10[%add3A_2094] : memref<528xi32, #tpu.memory_space<vmem>>[vector<16xi32>], vector<16xi32>,
          %ge3A_2096 = vector.broadcast %mul3A_1118 : i32 to vector<16xi32>
          %ge3A_2097 = arith.cmpi sge, %get3A_2089, %ge3A_2096 : vector<16xi32>
          %lt3A_2098 = vector.broadcast %add3A_1120 : i32 to vector<16xi32>
          %lt3A_2099 = arith.cmpi slt, %get3A_2089, %lt3A_2098 : vector<16xi32>
          %and3A_2100 = arith.andi %ge3A_2097, %lt3A_2099 : vector<16xi1>
          %ne3A_2101 = arith.cmpi ne, %get3A_2089, %gather3A_2095 : vector<16xi32>
          %and3A_2102 = arith.andi %and3A_2100, %ne3A_2101 : vector<16xi1>
          %sub3A_2103 = vector.broadcast %mul3A_1118 : i32 to vector<16xi32>
          %sub3A_2104 = arith.subi %get3A_2089, %sub3A_2103 : vector<16xi32>
          tpu.vector_store_idx %arg13[%sub3A_2104], %get3A_2091 masked %and3A_2102 : memref<32768xf32, #tpu.memory_space<vmem>>[vector<16xi32>], vector<16xf32>, vector<16xi1>
          %get3A_2105 = arith.constant 256 : index
          %get3A_2106 = tpu.vector_load %arg10[%get3A_2105] {strides = array<i32>} : memref<528xi32, #tpu.memory_space<vmem>>, vector<16xi32>,
          %get3A_2107 = arith.constant 256 : index
          %get3A_2108 = tpu.vector_load %arg12[%get3A_2107] {strides = array<i32>} : memref<528xf32, #tpu.memory_space<vmem>>, vector<16xf32>,
          %add3A_2109 = arith.constant 257 : i32
          %add3A_2110 = vector.broadcast %add3A_2109 : i32 to vector<16xi32>
          %add3A_2111 = arith.addi %iota3A, %add3A_2110 : vector<16xi32>
          %gather3A_2112 = tpu.vector_load_idx %arg10[%add3A_2111] : memref<528xi32, #tpu.memory_space<vmem>>[vector<16xi32>], vector<16xi32>,
          %ge3A_2113 = vector.broadcast %mul3A_1118 : i32 to vector<16xi32>
          %ge3A_2114 = arith.cmpi sge, %get3A_2106, %ge3A_2113 : vector<16xi32>
          %lt3A_2115 = vector.broadcast %add3A_1120 : i32 to vector<16xi32>
          %lt3A_2116 = arith.cmpi slt, %get3A_2106, %lt3A_2115 : vector<16xi32>
          %and3A_2117 = arith.andi %ge3A_2114, %lt3A_2116 : vector<16xi1>
          %ne3A_2118 = arith.cmpi ne, %get3A_2106, %gather3A_2112 : vector<16xi32>
          %and3A_2119 = arith.andi %and3A_2117, %ne3A_2118 : vector<16xi1>
          %sub3A_2120 = vector.broadcast %mul3A_1118 : i32 to vector<16xi32>
          %sub3A_2121 = arith.subi %get3A_2106, %sub3A_2120 : vector<16xi32>
          tpu.vector_store_idx %arg13[%sub3A_2121], %get3A_2108 masked %and3A_2119 : memref<32768xf32, #tpu.memory_space<vmem>>[vector<16xi32>], vector<16xf32>, vector<16xi1>
          %get3A_2122 = arith.constant 272 : index
          %get3A_2123 = tpu.vector_load %arg10[%get3A_2122] {strides = array<i32>} : memref<528xi32, #tpu.memory_space<vmem>>, vector<16xi32>,
          %get3A_2124 = arith.constant 272 : index
          %get3A_2125 = tpu.vector_load %arg12[%get3A_2124] {strides = array<i32>} : memref<528xf32, #tpu.memory_space<vmem>>, vector<16xf32>,
          %add3A_2126 = arith.constant 273 : i32
          %add3A_2127 = vector.broadcast %add3A_2126 : i32 to vector<16xi32>
          %add3A_2128 = arith.addi %iota3A, %add3A_2127 : vector<16xi32>
          %gather3A_2129 = tpu.vector_load_idx %arg10[%add3A_2128] : memref<528xi32, #tpu.memory_space<vmem>>[vector<16xi32>], vector<16xi32>,
          %ge3A_2130 = vector.broadcast %mul3A_1118 : i32 to vector<16xi32>
          %ge3A_2131 = arith.cmpi sge, %get3A_2123, %ge3A_2130 : vector<16xi32>
          %lt3A_2132 = vector.broadcast %add3A_1120 : i32 to vector<16xi32>
          %lt3A_2133 = arith.cmpi slt, %get3A_2123, %lt3A_2132 : vector<16xi32>
          %and3A_2134 = arith.andi %ge3A_2131, %lt3A_2133 : vector<16xi1>
          %ne3A_2135 = arith.cmpi ne, %get3A_2123, %gather3A_2129 : vector<16xi32>
          %and3A_2136 = arith.andi %and3A_2134, %ne3A_2135 : vector<16xi1>
          %sub3A_2137 = vector.broadcast %mul3A_1118 : i32 to vector<16xi32>
          %sub3A_2138 = arith.subi %get3A_2123, %sub3A_2137 : vector<16xi32>
          tpu.vector_store_idx %arg13[%sub3A_2138], %get3A_2125 masked %and3A_2136 : memref<32768xf32, #tpu.memory_space<vmem>>[vector<16xi32>], vector<16xf32>, vector<16xi1>
          %get3A_2139 = arith.constant 288 : index
          %get3A_2140 = tpu.vector_load %arg10[%get3A_2139] {strides = array<i32>} : memref<528xi32, #tpu.memory_space<vmem>>, vector<16xi32>,
          %get3A_2141 = arith.constant 288 : index
          %get3A_2142 = tpu.vector_load %arg12[%get3A_2141] {strides = array<i32>} : memref<528xf32, #tpu.memory_space<vmem>>, vector<16xf32>,
          %add3A_2143 = arith.constant 289 : i32
          %add3A_2144 = vector.broadcast %add3A_2143 : i32 to vector<16xi32>
          %add3A_2145 = arith.addi %iota3A, %add3A_2144 : vector<16xi32>
          %gather3A_2146 = tpu.vector_load_idx %arg10[%add3A_2145] : memref<528xi32, #tpu.memory_space<vmem>>[vector<16xi32>], vector<16xi32>,
          %ge3A_2147 = vector.broadcast %mul3A_1118 : i32 to vector<16xi32>
          %ge3A_2148 = arith.cmpi sge, %get3A_2140, %ge3A_2147 : vector<16xi32>
          %lt3A_2149 = vector.broadcast %add3A_1120 : i32 to vector<16xi32>
          %lt3A_2150 = arith.cmpi slt, %get3A_2140, %lt3A_2149 : vector<16xi32>
          %and3A_2151 = arith.andi %ge3A_2148, %lt3A_2150 : vector<16xi1>
          %ne3A_2152 = arith.cmpi ne, %get3A_2140, %gather3A_2146 : vector<16xi32>
          %and3A_2153 = arith.andi %and3A_2151, %ne3A_2152 : vector<16xi1>
          %sub3A_2154 = vector.broadcast %mul3A_1118 : i32 to vector<16xi32>
          %sub3A_2155 = arith.subi %get3A_2140, %sub3A_2154 : vector<16xi32>
          tpu.vector_store_idx %arg13[%sub3A_2155], %get3A_2142 masked %and3A_2153 : memref<32768xf32, #tpu.memory_space<vmem>>[vector<16xi32>], vector<16xf32>, vector<16xi1>
          %get3A_2156 = arith.constant 304 : index
          %get3A_2157 = tpu.vector_load %arg10[%get3A_2156] {strides = array<i32>} : memref<528xi32, #tpu.memory_space<vmem>>, vector<16xi32>,
          %get3A_2158 = arith.constant 304 : index
          %get3A_2159 = tpu.vector_load %arg12[%get3A_2158] {strides = array<i32>} : memref<528xf32, #tpu.memory_space<vmem>>, vector<16xf32>,
          %add3A_2160 = arith.constant 305 : i32
          %add3A_2161 = vector.broadcast %add3A_2160 : i32 to vector<16xi32>
          %add3A_2162 = arith.addi %iota3A, %add3A_2161 : vector<16xi32>
          %gather3A_2163 = tpu.vector_load_idx %arg10[%add3A_2162] : memref<528xi32, #tpu.memory_space<vmem>>[vector<16xi32>], vector<16xi32>,
          %ge3A_2164 = vector.broadcast %mul3A_1118 : i32 to vector<16xi32>
          %ge3A_2165 = arith.cmpi sge, %get3A_2157, %ge3A_2164 : vector<16xi32>
          %lt3A_2166 = vector.broadcast %add3A_1120 : i32 to vector<16xi32>
          %lt3A_2167 = arith.cmpi slt, %get3A_2157, %lt3A_2166 : vector<16xi32>
          %and3A_2168 = arith.andi %ge3A_2165, %lt3A_2167 : vector<16xi1>
          %ne3A_2169 = arith.cmpi ne, %get3A_2157, %gather3A_2163 : vector<16xi32>
          %and3A_2170 = arith.andi %and3A_2168, %ne3A_2169 : vector<16xi1>
          %sub3A_2171 = vector.broadcast %mul3A_1118 : i32 to vector<16xi32>
          %sub3A_2172 = arith.subi %get3A_2157, %sub3A_2171 : vector<16xi32>
          tpu.vector_store_idx %arg13[%sub3A_2172], %get3A_2159 masked %and3A_2170 : memref<32768xf32, #tpu.memory_space<vmem>>[vector<16xi32>], vector<16xf32>, vector<16xi1>
          %get3A_2173 = arith.constant 320 : index
          %get3A_2174 = tpu.vector_load %arg10[%get3A_2173] {strides = array<i32>} : memref<528xi32, #tpu.memory_space<vmem>>, vector<16xi32>,
          %get3A_2175 = arith.constant 320 : index
          %get3A_2176 = tpu.vector_load %arg12[%get3A_2175] {strides = array<i32>} : memref<528xf32, #tpu.memory_space<vmem>>, vector<16xf32>,
          %add3A_2177 = arith.constant 321 : i32
          %add3A_2178 = vector.broadcast %add3A_2177 : i32 to vector<16xi32>
          %add3A_2179 = arith.addi %iota3A, %add3A_2178 : vector<16xi32>
          %gather3A_2180 = tpu.vector_load_idx %arg10[%add3A_2179] : memref<528xi32, #tpu.memory_space<vmem>>[vector<16xi32>], vector<16xi32>,
          %ge3A_2181 = vector.broadcast %mul3A_1118 : i32 to vector<16xi32>
          %ge3A_2182 = arith.cmpi sge, %get3A_2174, %ge3A_2181 : vector<16xi32>
          %lt3A_2183 = vector.broadcast %add3A_1120 : i32 to vector<16xi32>
          %lt3A_2184 = arith.cmpi slt, %get3A_2174, %lt3A_2183 : vector<16xi32>
          %and3A_2185 = arith.andi %ge3A_2182, %lt3A_2184 : vector<16xi1>
          %ne3A_2186 = arith.cmpi ne, %get3A_2174, %gather3A_2180 : vector<16xi32>
          %and3A_2187 = arith.andi %and3A_2185, %ne3A_2186 : vector<16xi1>
          %sub3A_2188 = vector.broadcast %mul3A_1118 : i32 to vector<16xi32>
          %sub3A_2189 = arith.subi %get3A_2174, %sub3A_2188 : vector<16xi32>
          tpu.vector_store_idx %arg13[%sub3A_2189], %get3A_2176 masked %and3A_2187 : memref<32768xf32, #tpu.memory_space<vmem>>[vector<16xi32>], vector<16xf32>, vector<16xi1>
          %get3A_2190 = arith.constant 336 : index
          %get3A_2191 = tpu.vector_load %arg10[%get3A_2190] {strides = array<i32>} : memref<528xi32, #tpu.memory_space<vmem>>, vector<16xi32>,
          %get3A_2192 = arith.constant 336 : index
          %get3A_2193 = tpu.vector_load %arg12[%get3A_2192] {strides = array<i32>} : memref<528xf32, #tpu.memory_space<vmem>>, vector<16xf32>,
          %add3A_2194 = arith.constant 337 : i32
          %add3A_2195 = vector.broadcast %add3A_2194 : i32 to vector<16xi32>
          %add3A_2196 = arith.addi %iota3A, %add3A_2195 : vector<16xi32>
          %gather3A_2197 = tpu.vector_load_idx %arg10[%add3A_2196] : memref<528xi32, #tpu.memory_space<vmem>>[vector<16xi32>], vector<16xi32>,
          %ge3A_2198 = vector.broadcast %mul3A_1118 : i32 to vector<16xi32>
          %ge3A_2199 = arith.cmpi sge, %get3A_2191, %ge3A_2198 : vector<16xi32>
          %lt3A_2200 = vector.broadcast %add3A_1120 : i32 to vector<16xi32>
          %lt3A_2201 = arith.cmpi slt, %get3A_2191, %lt3A_2200 : vector<16xi32>
          %and3A_2202 = arith.andi %ge3A_2199, %lt3A_2201 : vector<16xi1>
          %ne3A_2203 = arith.cmpi ne, %get3A_2191, %gather3A_2197 : vector<16xi32>
          %and3A_2204 = arith.andi %and3A_2202, %ne3A_2203 : vector<16xi1>
          %sub3A_2205 = vector.broadcast %mul3A_1118 : i32 to vector<16xi32>
          %sub3A_2206 = arith.subi %get3A_2191, %sub3A_2205 : vector<16xi32>
          tpu.vector_store_idx %arg13[%sub3A_2206], %get3A_2193 masked %and3A_2204 : memref<32768xf32, #tpu.memory_space<vmem>>[vector<16xi32>], vector<16xf32>, vector<16xi1>
          %get3A_2207 = arith.constant 352 : index
          %get3A_2208 = tpu.vector_load %arg10[%get3A_2207] {strides = array<i32>} : memref<528xi32, #tpu.memory_space<vmem>>, vector<16xi32>,
          %get3A_2209 = arith.constant 352 : index
          %get3A_2210 = tpu.vector_load %arg12[%get3A_2209] {strides = array<i32>} : memref<528xf32, #tpu.memory_space<vmem>>, vector<16xf32>,
          %add3A_2211 = arith.constant 353 : i32
          %add3A_2212 = vector.broadcast %add3A_2211 : i32 to vector<16xi32>
          %add3A_2213 = arith.addi %iota3A, %add3A_2212 : vector<16xi32>
          %gather3A_2214 = tpu.vector_load_idx %arg10[%add3A_2213] : memref<528xi32, #tpu.memory_space<vmem>>[vector<16xi32>], vector<16xi32>,
          %ge3A_2215 = vector.broadcast %mul3A_1118 : i32 to vector<16xi32>
          %ge3A_2216 = arith.cmpi sge, %get3A_2208, %ge3A_2215 : vector<16xi32>
          %lt3A_2217 = vector.broadcast %add3A_1120 : i32 to vector<16xi32>
          %lt3A_2218 = arith.cmpi slt, %get3A_2208, %lt3A_2217 : vector<16xi32>
          %and3A_2219 = arith.andi %ge3A_2216, %lt3A_2218 : vector<16xi1>
          %ne3A_2220 = arith.cmpi ne, %get3A_2208, %gather3A_2214 : vector<16xi32>
          %and3A_2221 = arith.andi %and3A_2219, %ne3A_2220 : vector<16xi1>
          %sub3A_2222 = vector.broadcast %mul3A_1118 : i32 to vector<16xi32>
          %sub3A_2223 = arith.subi %get3A_2208, %sub3A_2222 : vector<16xi32>
          tpu.vector_store_idx %arg13[%sub3A_2223], %get3A_2210 masked %and3A_2221 : memref<32768xf32, #tpu.memory_space<vmem>>[vector<16xi32>], vector<16xf32>, vector<16xi1>
          %get3A_2224 = arith.constant 368 : index
          %get3A_2225 = tpu.vector_load %arg10[%get3A_2224] {strides = array<i32>} : memref<528xi32, #tpu.memory_space<vmem>>, vector<16xi32>,
          %get3A_2226 = arith.constant 368 : index
          %get3A_2227 = tpu.vector_load %arg12[%get3A_2226] {strides = array<i32>} : memref<528xf32, #tpu.memory_space<vmem>>, vector<16xf32>,
          %add3A_2228 = arith.constant 369 : i32
          %add3A_2229 = vector.broadcast %add3A_2228 : i32 to vector<16xi32>
          %add3A_2230 = arith.addi %iota3A, %add3A_2229 : vector<16xi32>
          %gather3A_2231 = tpu.vector_load_idx %arg10[%add3A_2230] : memref<528xi32, #tpu.memory_space<vmem>>[vector<16xi32>], vector<16xi32>,
          %ge3A_2232 = vector.broadcast %mul3A_1118 : i32 to vector<16xi32>
          %ge3A_2233 = arith.cmpi sge, %get3A_2225, %ge3A_2232 : vector<16xi32>
          %lt3A_2234 = vector.broadcast %add3A_1120 : i32 to vector<16xi32>
          %lt3A_2235 = arith.cmpi slt, %get3A_2225, %lt3A_2234 : vector<16xi32>
          %and3A_2236 = arith.andi %ge3A_2233, %lt3A_2235 : vector<16xi1>
          %ne3A_2237 = arith.cmpi ne, %get3A_2225, %gather3A_2231 : vector<16xi32>
          %and3A_2238 = arith.andi %and3A_2236, %ne3A_2237 : vector<16xi1>
          %sub3A_2239 = vector.broadcast %mul3A_1118 : i32 to vector<16xi32>
          %sub3A_2240 = arith.subi %get3A_2225, %sub3A_2239 : vector<16xi32>
          tpu.vector_store_idx %arg13[%sub3A_2240], %get3A_2227 masked %and3A_2238 : memref<32768xf32, #tpu.memory_space<vmem>>[vector<16xi32>], vector<16xf32>, vector<16xi1>
          %get3A_2241 = arith.constant 384 : index
          %get3A_2242 = tpu.vector_load %arg10[%get3A_2241] {strides = array<i32>} : memref<528xi32, #tpu.memory_space<vmem>>, vector<16xi32>,
          %get3A_2243 = arith.constant 384 : index
          %get3A_2244 = tpu.vector_load %arg12[%get3A_2243] {strides = array<i32>} : memref<528xf32, #tpu.memory_space<vmem>>, vector<16xf32>,
          %add3A_2245 = arith.constant 385 : i32
          %add3A_2246 = vector.broadcast %add3A_2245 : i32 to vector<16xi32>
          %add3A_2247 = arith.addi %iota3A, %add3A_2246 : vector<16xi32>
          %gather3A_2248 = tpu.vector_load_idx %arg10[%add3A_2247] : memref<528xi32, #tpu.memory_space<vmem>>[vector<16xi32>], vector<16xi32>,
          %ge3A_2249 = vector.broadcast %mul3A_1118 : i32 to vector<16xi32>
          %ge3A_2250 = arith.cmpi sge, %get3A_2242, %ge3A_2249 : vector<16xi32>
          %lt3A_2251 = vector.broadcast %add3A_1120 : i32 to vector<16xi32>
          %lt3A_2252 = arith.cmpi slt, %get3A_2242, %lt3A_2251 : vector<16xi32>
          %and3A_2253 = arith.andi %ge3A_2250, %lt3A_2252 : vector<16xi1>
          %ne3A_2254 = arith.cmpi ne, %get3A_2242, %gather3A_2248 : vector<16xi32>
          %and3A_2255 = arith.andi %and3A_2253, %ne3A_2254 : vector<16xi1>
          %sub3A_2256 = vector.broadcast %mul3A_1118 : i32 to vector<16xi32>
          %sub3A_2257 = arith.subi %get3A_2242, %sub3A_2256 : vector<16xi32>
          tpu.vector_store_idx %arg13[%sub3A_2257], %get3A_2244 masked %and3A_2255 : memref<32768xf32, #tpu.memory_space<vmem>>[vector<16xi32>], vector<16xf32>, vector<16xi1>
          %get3A_2258 = arith.constant 400 : index
          %get3A_2259 = tpu.vector_load %arg10[%get3A_2258] {strides = array<i32>} : memref<528xi32, #tpu.memory_space<vmem>>, vector<16xi32>,
          %get3A_2260 = arith.constant 400 : index
          %get3A_2261 = tpu.vector_load %arg12[%get3A_2260] {strides = array<i32>} : memref<528xf32, #tpu.memory_space<vmem>>, vector<16xf32>,
          %add3A_2262 = arith.constant 401 : i32
          %add3A_2263 = vector.broadcast %add3A_2262 : i32 to vector<16xi32>
          %add3A_2264 = arith.addi %iota3A, %add3A_2263 : vector<16xi32>
          %gather3A_2265 = tpu.vector_load_idx %arg10[%add3A_2264] : memref<528xi32, #tpu.memory_space<vmem>>[vector<16xi32>], vector<16xi32>,
          %ge3A_2266 = vector.broadcast %mul3A_1118 : i32 to vector<16xi32>
          %ge3A_2267 = arith.cmpi sge, %get3A_2259, %ge3A_2266 : vector<16xi32>
          %lt3A_2268 = vector.broadcast %add3A_1120 : i32 to vector<16xi32>
          %lt3A_2269 = arith.cmpi slt, %get3A_2259, %lt3A_2268 : vector<16xi32>
          %and3A_2270 = arith.andi %ge3A_2267, %lt3A_2269 : vector<16xi1>
          %ne3A_2271 = arith.cmpi ne, %get3A_2259, %gather3A_2265 : vector<16xi32>
          %and3A_2272 = arith.andi %and3A_2270, %ne3A_2271 : vector<16xi1>
          %sub3A_2273 = vector.broadcast %mul3A_1118 : i32 to vector<16xi32>
          %sub3A_2274 = arith.subi %get3A_2259, %sub3A_2273 : vector<16xi32>
          tpu.vector_store_idx %arg13[%sub3A_2274], %get3A_2261 masked %and3A_2272 : memref<32768xf32, #tpu.memory_space<vmem>>[vector<16xi32>], vector<16xf32>, vector<16xi1>
          %get3A_2275 = arith.constant 416 : index
          %get3A_2276 = tpu.vector_load %arg10[%get3A_2275] {strides = array<i32>} : memref<528xi32, #tpu.memory_space<vmem>>, vector<16xi32>,
          %get3A_2277 = arith.constant 416 : index
          %get3A_2278 = tpu.vector_load %arg12[%get3A_2277] {strides = array<i32>} : memref<528xf32, #tpu.memory_space<vmem>>, vector<16xf32>,
          %add3A_2279 = arith.constant 417 : i32
          %add3A_2280 = vector.broadcast %add3A_2279 : i32 to vector<16xi32>
          %add3A_2281 = arith.addi %iota3A, %add3A_2280 : vector<16xi32>
          %gather3A_2282 = tpu.vector_load_idx %arg10[%add3A_2281] : memref<528xi32, #tpu.memory_space<vmem>>[vector<16xi32>], vector<16xi32>,
          %ge3A_2283 = vector.broadcast %mul3A_1118 : i32 to vector<16xi32>
          %ge3A_2284 = arith.cmpi sge, %get3A_2276, %ge3A_2283 : vector<16xi32>
          %lt3A_2285 = vector.broadcast %add3A_1120 : i32 to vector<16xi32>
          %lt3A_2286 = arith.cmpi slt, %get3A_2276, %lt3A_2285 : vector<16xi32>
          %and3A_2287 = arith.andi %ge3A_2284, %lt3A_2286 : vector<16xi1>
          %ne3A_2288 = arith.cmpi ne, %get3A_2276, %gather3A_2282 : vector<16xi32>
          %and3A_2289 = arith.andi %and3A_2287, %ne3A_2288 : vector<16xi1>
          %sub3A_2290 = vector.broadcast %mul3A_1118 : i32 to vector<16xi32>
          %sub3A_2291 = arith.subi %get3A_2276, %sub3A_2290 : vector<16xi32>
          tpu.vector_store_idx %arg13[%sub3A_2291], %get3A_2278 masked %and3A_2289 : memref<32768xf32, #tpu.memory_space<vmem>>[vector<16xi32>], vector<16xf32>, vector<16xi1>
          %get3A_2292 = arith.constant 432 : index
          %get3A_2293 = tpu.vector_load %arg10[%get3A_2292] {strides = array<i32>} : memref<528xi32, #tpu.memory_space<vmem>>, vector<16xi32>,
          %get3A_2294 = arith.constant 432 : index
          %get3A_2295 = tpu.vector_load %arg12[%get3A_2294] {strides = array<i32>} : memref<528xf32, #tpu.memory_space<vmem>>, vector<16xf32>,
          %add3A_2296 = arith.constant 433 : i32
          %add3A_2297 = vector.broadcast %add3A_2296 : i32 to vector<16xi32>
          %add3A_2298 = arith.addi %iota3A, %add3A_2297 : vector<16xi32>
          %gather3A_2299 = tpu.vector_load_idx %arg10[%add3A_2298] : memref<528xi32, #tpu.memory_space<vmem>>[vector<16xi32>], vector<16xi32>,
          %ge3A_2300 = vector.broadcast %mul3A_1118 : i32 to vector<16xi32>
          %ge3A_2301 = arith.cmpi sge, %get3A_2293, %ge3A_2300 : vector<16xi32>
          %lt3A_2302 = vector.broadcast %add3A_1120 : i32 to vector<16xi32>
          %lt3A_2303 = arith.cmpi slt, %get3A_2293, %lt3A_2302 : vector<16xi32>
          %and3A_2304 = arith.andi %ge3A_2301, %lt3A_2303 : vector<16xi1>
          %ne3A_2305 = arith.cmpi ne, %get3A_2293, %gather3A_2299 : vector<16xi32>
          %and3A_2306 = arith.andi %and3A_2304, %ne3A_2305 : vector<16xi1>
          %sub3A_2307 = vector.broadcast %mul3A_1118 : i32 to vector<16xi32>
          %sub3A_2308 = arith.subi %get3A_2293, %sub3A_2307 : vector<16xi32>
          tpu.vector_store_idx %arg13[%sub3A_2308], %get3A_2295 masked %and3A_2306 : memref<32768xf32, #tpu.memory_space<vmem>>[vector<16xi32>], vector<16xf32>, vector<16xi1>
          %get3A_2309 = arith.constant 448 : index
          %get3A_2310 = tpu.vector_load %arg10[%get3A_2309] {strides = array<i32>} : memref<528xi32, #tpu.memory_space<vmem>>, vector<16xi32>,
          %get3A_2311 = arith.constant 448 : index
          %get3A_2312 = tpu.vector_load %arg12[%get3A_2311] {strides = array<i32>} : memref<528xf32, #tpu.memory_space<vmem>>, vector<16xf32>,
          %add3A_2313 = arith.constant 449 : i32
          %add3A_2314 = vector.broadcast %add3A_2313 : i32 to vector<16xi32>
          %add3A_2315 = arith.addi %iota3A, %add3A_2314 : vector<16xi32>
          %gather3A_2316 = tpu.vector_load_idx %arg10[%add3A_2315] : memref<528xi32, #tpu.memory_space<vmem>>[vector<16xi32>], vector<16xi32>,
          %ge3A_2317 = vector.broadcast %mul3A_1118 : i32 to vector<16xi32>
          %ge3A_2318 = arith.cmpi sge, %get3A_2310, %ge3A_2317 : vector<16xi32>
          %lt3A_2319 = vector.broadcast %add3A_1120 : i32 to vector<16xi32>
          %lt3A_2320 = arith.cmpi slt, %get3A_2310, %lt3A_2319 : vector<16xi32>
          %and3A_2321 = arith.andi %ge3A_2318, %lt3A_2320 : vector<16xi1>
          %ne3A_2322 = arith.cmpi ne, %get3A_2310, %gather3A_2316 : vector<16xi32>
          %and3A_2323 = arith.andi %and3A_2321, %ne3A_2322 : vector<16xi1>
          %sub3A_2324 = vector.broadcast %mul3A_1118 : i32 to vector<16xi32>
          %sub3A_2325 = arith.subi %get3A_2310, %sub3A_2324 : vector<16xi32>
          tpu.vector_store_idx %arg13[%sub3A_2325], %get3A_2312 masked %and3A_2323 : memref<32768xf32, #tpu.memory_space<vmem>>[vector<16xi32>], vector<16xf32>, vector<16xi1>
          %get3A_2326 = arith.constant 464 : index
          %get3A_2327 = tpu.vector_load %arg10[%get3A_2326] {strides = array<i32>} : memref<528xi32, #tpu.memory_space<vmem>>, vector<16xi32>,
          %get3A_2328 = arith.constant 464 : index
          %get3A_2329 = tpu.vector_load %arg12[%get3A_2328] {strides = array<i32>} : memref<528xf32, #tpu.memory_space<vmem>>, vector<16xf32>,
          %add3A_2330 = arith.constant 465 : i32
          %add3A_2331 = vector.broadcast %add3A_2330 : i32 to vector<16xi32>
          %add3A_2332 = arith.addi %iota3A, %add3A_2331 : vector<16xi32>
          %gather3A_2333 = tpu.vector_load_idx %arg10[%add3A_2332] : memref<528xi32, #tpu.memory_space<vmem>>[vector<16xi32>], vector<16xi32>,
          %ge3A_2334 = vector.broadcast %mul3A_1118 : i32 to vector<16xi32>
          %ge3A_2335 = arith.cmpi sge, %get3A_2327, %ge3A_2334 : vector<16xi32>
          %lt3A_2336 = vector.broadcast %add3A_1120 : i32 to vector<16xi32>
          %lt3A_2337 = arith.cmpi slt, %get3A_2327, %lt3A_2336 : vector<16xi32>
          %and3A_2338 = arith.andi %ge3A_2335, %lt3A_2337 : vector<16xi1>
          %ne3A_2339 = arith.cmpi ne, %get3A_2327, %gather3A_2333 : vector<16xi32>
          %and3A_2340 = arith.andi %and3A_2338, %ne3A_2339 : vector<16xi1>
          %sub3A_2341 = vector.broadcast %mul3A_1118 : i32 to vector<16xi32>
          %sub3A_2342 = arith.subi %get3A_2327, %sub3A_2341 : vector<16xi32>
          tpu.vector_store_idx %arg13[%sub3A_2342], %get3A_2329 masked %and3A_2340 : memref<32768xf32, #tpu.memory_space<vmem>>[vector<16xi32>], vector<16xf32>, vector<16xi1>
          %get3A_2343 = arith.constant 480 : index
          %get3A_2344 = tpu.vector_load %arg10[%get3A_2343] {strides = array<i32>} : memref<528xi32, #tpu.memory_space<vmem>>, vector<16xi32>,
          %get3A_2345 = arith.constant 480 : index
          %get3A_2346 = tpu.vector_load %arg12[%get3A_2345] {strides = array<i32>} : memref<528xf32, #tpu.memory_space<vmem>>, vector<16xf32>,
          %add3A_2347 = arith.constant 481 : i32
          %add3A_2348 = vector.broadcast %add3A_2347 : i32 to vector<16xi32>
          %add3A_2349 = arith.addi %iota3A, %add3A_2348 : vector<16xi32>
          %gather3A_2350 = tpu.vector_load_idx %arg10[%add3A_2349] : memref<528xi32, #tpu.memory_space<vmem>>[vector<16xi32>], vector<16xi32>,
          %ge3A_2351 = vector.broadcast %mul3A_1118 : i32 to vector<16xi32>
          %ge3A_2352 = arith.cmpi sge, %get3A_2344, %ge3A_2351 : vector<16xi32>
          %lt3A_2353 = vector.broadcast %add3A_1120 : i32 to vector<16xi32>
          %lt3A_2354 = arith.cmpi slt, %get3A_2344, %lt3A_2353 : vector<16xi32>
          %and3A_2355 = arith.andi %ge3A_2352, %lt3A_2354 : vector<16xi1>
          %ne3A_2356 = arith.cmpi ne, %get3A_2344, %gather3A_2350 : vector<16xi32>
          %and3A_2357 = arith.andi %and3A_2355, %ne3A_2356 : vector<16xi1>
          %sub3A_2358 = vector.broadcast %mul3A_1118 : i32 to vector<16xi32>
          %sub3A_2359 = arith.subi %get3A_2344, %sub3A_2358 : vector<16xi32>
          tpu.vector_store_idx %arg13[%sub3A_2359], %get3A_2346 masked %and3A_2357 : memref<32768xf32, #tpu.memory_space<vmem>>[vector<16xi32>], vector<16xf32>, vector<16xi1>
          %get3A_2360 = arith.constant 496 : index
          %get3A_2361 = tpu.vector_load %arg10[%get3A_2360] {strides = array<i32>} : memref<528xi32, #tpu.memory_space<vmem>>, vector<16xi32>,
          %get3A_2362 = arith.constant 496 : index
          %get3A_2363 = tpu.vector_load %arg12[%get3A_2362] {strides = array<i32>} : memref<528xf32, #tpu.memory_space<vmem>>, vector<16xf32>,
          %add3A_2364 = arith.constant 497 : i32
          %add3A_2365 = vector.broadcast %add3A_2364 : i32 to vector<16xi32>
          %add3A_2366 = arith.addi %iota3A, %add3A_2365 : vector<16xi32>
          %gather3A_2367 = tpu.vector_load_idx %arg10[%add3A_2366] : memref<528xi32, #tpu.memory_space<vmem>>[vector<16xi32>], vector<16xi32>,
          %ge3A_2368 = vector.broadcast %mul3A_1118 : i32 to vector<16xi32>
          %ge3A_2369 = arith.cmpi sge, %get3A_2361, %ge3A_2368 : vector<16xi32>
          %lt3A_2370 = vector.broadcast %add3A_1120 : i32 to vector<16xi32>
          %lt3A_2371 = arith.cmpi slt, %get3A_2361, %lt3A_2370 : vector<16xi32>
          %and3A_2372 = arith.andi %ge3A_2369, %lt3A_2371 : vector<16xi1>
          %ne3A_2373 = arith.cmpi ne, %get3A_2361, %gather3A_2367 : vector<16xi32>
          %and3A_2374 = arith.andi %and3A_2372, %ne3A_2373 : vector<16xi1>
          %sub3A_2375 = vector.broadcast %mul3A_1118 : i32 to vector<16xi32>
          %sub3A_2376 = arith.subi %get3A_2361, %sub3A_2375 : vector<16xi32>
          tpu.vector_store_idx %arg13[%sub3A_2376], %get3A_2363 masked %and3A_2374 : memref<32768xf32, #tpu.memory_space<vmem>>[vector<16xi32>], vector<16xf32>, vector<16xi1>
        } else {
        }
        %while3A_1824 = arith.constant 0 : i32
        scf.yield %while3A_1824 : i32
      }
      %lt3A_1242 = arith.constant 255 : i32
      %lt3A_1243 = arith.cmpi slt, %add3A_1116, %lt3A_1242 : i32
      %convert_element_type3A_1244 = arith.extui %lt3A_1243 : i1 to i32
      %cond3A_1245 = arith.constant 0 : i32
      %cond3A_1246 = arith.cmpi ne, %convert_element_type3A_1244, %cond3A_1245 : i32
      scf.if %cond3A_1246 {
        "tpu.region"() ({
          %run_scoped3A = tpu.sem_alloc : memref<!tpu.dma_semaphore, #tpu.memory_space<semaphore_mem>>
          %dma_start3A = tpu.memref_slice %arg6[%mul3A_1118] : memref<8386560xf32, #tpu.memory_space<hbm>> -> memref<32768xf32, #tpu.memory_space<hbm>>
          %dma_start3A_1252 = tpu.memref_slice %arg6[%mul3A_1118] : memref<8386560xf32, #tpu.memory_space<hbm>> -> memref<32768xf32, #tpu.memory_space<hbm>>
          tpu.enqueue_dma source(%arg13 : memref<32768xf32, #tpu.memory_space<vmem>>) target(%dma_start3A_1252 : memref<32768xf32, #tpu.memory_space<hbm>>) target_semaphore(%run_scoped3A : memref<!tpu.dma_semaphore, #tpu.memory_space<semaphore_mem>>)
          %dma_wait3A = tpu.memref_slice %arg6[%mul3A_1118] : memref<8386560xf32, #tpu.memory_space<hbm>> -> memref<32768xf32, #tpu.memory_space<hbm>>
          %dma_wait3A_1253 = tpu.memref_slice %arg6[%mul3A_1118] : memref<8386560xf32, #tpu.memory_space<hbm>> -> memref<32768xf32, #tpu.memory_space<hbm>>
          tpu.wait_dma2 semaphore(%run_scoped3A : memref<!tpu.dma_semaphore, #tpu.memory_space<semaphore_mem>>) src(%arg13 : memref<32768xf32, #tpu.memory_space<vmem>>) dst(%dma_wait3A_1253 : memref<32768xf32, #tpu.memory_space<hbm>>)
          tpu.yield
        }) : () -> ()
      } else {
      }
      %eq3A = arith.constant 255 : i32
      %eq3A_1247 = arith.cmpi eq, %add3A_1116, %eq3A : i32
      %convert_element_type3A_1248 = arith.extui %eq3A_1247 : i1 to i32
      %cond3A_1249 = arith.constant 0 : i32
      %cond3A_1250 = arith.cmpi ne, %convert_element_type3A_1248, %cond3A_1249 : i32
      scf.if %cond3A_1250 {
        "tpu.region"() ({
          %run_scoped3A = tpu.sem_alloc : memref<!tpu.dma_semaphore, #tpu.memory_space<semaphore_mem>>
          %dma_start3A = arith.constant 0 : i32
          %dma_start3A_1252 = tpu.memref_slice %arg13[%dma_start3A] : memref<32768xf32, #tpu.memory_space<vmem>> -> memref<30720xf32, #tpu.memory_space<vmem>>
          %dma_start3A_1253 = tpu.memref_slice %arg6[%mul3A_1118] : memref<8386560xf32, #tpu.memory_space<hbm>> -> memref<30720xf32, #tpu.memory_space<hbm>>
          %dma_start3A_1254 = tpu.memref_slice %arg6[%mul3A_1118] : memref<8386560xf32, #tpu.memory_space<hbm>> -> memref<30720xf32, #tpu.memory_space<hbm>>
          %dma_start3A_1255 = arith.constant 0 : i32
          %dma_start3A_1256 = tpu.memref_slice %arg13[%dma_start3A_1255] : memref<32768xf32, #tpu.memory_space<vmem>> -> memref<30720xf32, #tpu.memory_space<vmem>>
          tpu.enqueue_dma source(%dma_start3A_1256 : memref<30720xf32, #tpu.memory_space<vmem>>) target(%dma_start3A_1254 : memref<30720xf32, #tpu.memory_space<hbm>>) target_semaphore(%run_scoped3A : memref<!tpu.dma_semaphore, #tpu.memory_space<semaphore_mem>>)
          %dma_wait3A = arith.constant 0 : i32
          %dma_wait3A_1257 = tpu.memref_slice %arg13[%dma_wait3A] : memref<32768xf32, #tpu.memory_space<vmem>> -> memref<30720xf32, #tpu.memory_space<vmem>>
          %dma_wait3A_1258 = tpu.memref_slice %arg6[%mul3A_1118] : memref<8386560xf32, #tpu.memory_space<hbm>> -> memref<30720xf32, #tpu.memory_space<hbm>>
          %dma_wait3A_1259 = tpu.memref_slice %arg6[%mul3A_1118] : memref<8386560xf32, #tpu.memory_space<hbm>> -> memref<30720xf32, #tpu.memory_space<hbm>>
          %dma_wait3A_1260 = arith.constant 0 : i32
          %dma_wait3A_1261 = tpu.memref_slice %arg13[%dma_wait3A_1260] : memref<32768xf32, #tpu.memory_space<vmem>> -> memref<30720xf32, #tpu.memory_space<vmem>>
          tpu.wait_dma2 semaphore(%run_scoped3A : memref<!tpu.dma_semaphore, #tpu.memory_space<semaphore_mem>>) src(%dma_wait3A_1261 : memref<30720xf32, #tpu.memory_space<vmem>>) dst(%dma_wait3A_1259 : memref<30720xf32, #tpu.memory_space<hbm>>)
          tpu.yield
        }) : () -> ()
      } else {
      }
      %scan3A_1251 = arith.constant 0 : i32
      scf.yield %scan3A_1251 : i32
    }
    %scan3A_1111 = arith.constant 8 : i32
    return
  }
}

</mosaic_0001>

<sc_bundles>
// kernel: _modal_scatter.3.cloned.1.call-start
scs
__scs_entry_jumppad:
0x0: {  	(pc) =	sbr.rel $0x88, $3  }
0x1: {  	(tag) =	ssettag $0x0;
	lr =	simm.s32 $0x1  }
0x2: {  	[smem:$0x3F9F] =	sst lr;
	_ =	strace $0xD0000000  }
0x3: {  	_ = 	snop  }
0x4: {  	_ = 	snop  }
0x5: {  	_ = 	snop  }
0x6: {  	_ = 	snop  }
0x7: {  	_ = 	snop  }
__scs_overlays_trampoline_lowered:
0x8: {  	[smem:$0x3FAE] =	sst s0  }
0x9: {  	[smem:$0x3FAF] =	sst s1  }
0xa: {  	[smem:$0x3FB0] =	sst s2  }
0xb: {  	[smem:$0x3FB1] =	sst s3  }
0xc: {  	[smem:$0x3FB2] =	sst s4  }
0xd: {  	[smem:$0x3FB3] =	sst s5  }
0xe: {  	[smem:$0x3FB4] =	sst s6  }
0xf: {  	[smem:$0x3FB5] =	sst s7  }
0x10: {  	[smem:$0x3FB6] =	sst s8  }
0x11: {  	[smem:$0x3FB7] =	sst s9;
	s0 =	simm.s32 @!p0 $0x0  }
0x12: {  	s1 =	sld [smem:$0x3F9D];
	s0 =	simm.s32 @p0 $0x1  }
0x13: {  	[smem:$0x3FB8] =	sst s0;
	s0 =	simm.s32 @!p1 $0x0  }
0x14: {  	s2 =	sld [smem:$0x3F9C];
	s0 =	simm.s32 @p1 $0x1  }
0x15: {  	[smem:$0x3FB9] =	sst s0;
	s0 =	simm.s32 @!p2 $0x0  }
0x16: {  	s3 =	sld [smem:$0x3FDB];
	s0 =	simm.s32 @p2 $0x1  }
0x17: {  	s4 =	simm.s32 $0x1BF5;
	[smem:$0x3FBB] =	sst s0  }
0x18: {  	s0 =	sld [smem:$0x3F9E];
	_ =	swait.ge [sflag:s4], $0x0  }
0x19: {  	s7 =	sld [smem:$0x3F9F]  }
0x1a: {  	s8 =	sadd.s32 $0xFFFFE003, lr  }
0x1b: {  	s9 =	sadd.s32 $0xFFFFFEF7, lr;
	s5 =	simm.s32 $0xFFFFFFFF;
	p2 =	slt.u32 s8, $0xFFFFF086  }
0x1c: {  	p1 =	slt.u32 s9, $0xF7A;
	s5 =	simm.s32 @!p2 $0x0  }
0x1d: {  	s5 =	simm.s32 @p1 $0x1;
	p0 =	seq.s32 s7, s2  }
0x1e: {  	s7 =	smul.u32 @!p0 $0xF7A, s2;
	p2 =	seq.s32 @!p0 s5, $0x0  }
0x1f: {  	s9 =	smul.u32 $0xF7A, s1;
	s8 =	simm.s32 @!p0 $0x1BF5;
	p2 =	por !p2, p0  }
0x20: {  	[sflag:s8] =	ssyncset.s32 @!p0 $0xFFFFF086;
	s6 =	sadd.s32 @!p0 s3, s7;
	s7 =	simm.s32 @!p0 $0x108  }
0x21: {  	s3 =	sadd.s32 s3, s9;
	s6 =	sadd.s32 @!p0 $0x88, s6;
	s7 =	simm.s32 @p2 $0x1082  }
0x22: {  	[simem:s7], [sflag:s8] =	dma.local @!p0 [hbm:s6], $0xF7A  }
0x23: {  	s9 =	sor.u32 $0xD0000000, s2;
	s6 =	simm.s32 $0x108;
	_ =	swait.ge @!p0 [sflag:s8], $0x0  }
0x24: {  	s3 =	sadd.s32 $0x88, s3;
	s6 =	simm.s32 @!p1 $0x1082;
	[sflag:s4] =	ssyncset.s32 $0xFFFFF086  }
0x25: {  	[simem:s6], [sflag:s4] =	dma.local [hbm:s3], $0xF7A  }
0x26: {  	[smem:$0x3F9F] =	sst s1;
	(tag) =	ssettag s2;
	_ =	strace s9  }
0x27: {  	s1 =	sld [smem:$0x3FAF]  }
0x28: {  	s2 =	sld [smem:$0x3FB0]  }
0x29: {  	s4 =	sld [smem:$0x3FB2]  }
0x2a: {  	p0 =	seq.s32 s5, $0x0;
	s5 =	sld [smem:$0x3FB3]  }
0x2b: {  	s6 =	sld [smem:$0x3FB4]  }
0x2c: {  	s7 =	sld [smem:$0x3FB5]  }
0x2d: {  	s3 =	simm.s32 $0x108;
	s8 =	sld [smem:$0x3FB6]  }
0x2e: {  	s3 =	simm.s32 @!p0 $0x1082;
	s9 =	sld [smem:$0x3FB7]  }
0x2f: {  	lr =	sadd.s32 s0, s3;
	s0 =	sld [smem:$0x3FAE]  }
0x30: {  	s3 =	sld [smem:$0x3FB1]  }
0x31: {  	[smem:$0x3FBA] =	sst s10  }
0x32: {  	s10 =	sld [smem:$0x3FB8];
	_ =	sdelay $0x3  }
0x33: {  	p0 =	seq.s32 s10, $0x1;
	s10 =	sld [smem:$0x3FBA];
	_ =	sdelay $0x3  }
0x34: {  	[smem:$0x3FBA] =	sst s10  }
0x35: {  	s10 =	sld [smem:$0x3FB9];
	_ =	sdelay $0x3  }
0x36: {  	p1 =	seq.s32 s10, $0x1;
	s10 =	sld [smem:$0x3FBA];
	_ =	sdelay $0x3  }
0x37: {  	[smem:$0x3FBA] =	sst s10  }
0x38: {  	s10 =	sld [smem:$0x3FBB]  }
0x39: {  	_ = 	snop;
	(pc) =	sbr.ind lr, $3  }
0x3a: {  	_ = 	snop  }
0x3b: {  	_ = 	snop  }
0x3c: {  	p2 =	seq.s32 s10, $0x1;
	s10 =	sld [smem:$0x3FBA]  }
0x3d: {  	_ =	shalt  }
0x3e: {  	_ =	shalt  }
0x3f: {  	_ =	shalt  }
0x40: {  	_ =	shalt  }
0x41: {  	_ =	shalt  }
0x42: {  	_ =	shalt  }
0x43: {  	_ =	shalt  }
0x44: {  	_ =	shalt  }
0x45: {  	_ =	shalt  }
0x46: {  	_ =	shalt  }
0x47: {  	_ =	shalt  }
0x48: {  	_ =	shalt  }
0x49: {  	_ =	shalt  }
0x4a: {  	_ =	shalt  }
0x4b: {  	_ =	shalt  }
0x4c: {  	_ =	shalt  }
0x4d: {  	_ =	shalt  }
0x4e: {  	_ =	shalt  }
0x4f: {  	_ =	shalt  }
0x50: {  	_ =	shalt  }
0x51: {  	_ =	shalt  }
0x52: {  	_ =	shalt  }
0x53: {  	_ =	shalt  }
0x54: {  	_ =	shalt  }
0x55: {  	_ =	shalt  }
0x56: {  	_ =	shalt  }
0x57: {  	_ =	shalt  }
0x58: {  	_ =	shalt  }
0x59: {  	_ =	shalt  }
0x5a: {  	_ =	shalt  }
0x5b: {  	_ =	shalt  }
0x5c: {  	_ =	shalt  }
0x5d: {  	_ =	shalt  }
0x5e: {  	_ =	shalt  }
0x5f: {  	_ =	shalt  }
0x60: {  	_ =	shalt  }
0x61: {  	_ =	shalt  }
0x62: {  	_ =	shalt  }
0x63: {  	_ =	shalt  }
0x64: {  	_ =	shalt  }
0x65: {  	_ =	shalt  }
0x66: {  	_ =	shalt  }
0x67: {  	_ =	shalt  }
0x68: {  	_ =	shalt  }
0x69: {  	_ =	shalt  }
0x6a: {  	_ =	shalt  }
0x6b: {  	_ =	shalt  }
0x6c: {  	_ =	shalt  }
0x6d: {  	_ =	shalt  }
0x6e: {  	_ =	shalt  }
0x6f: {  	_ =	shalt  }
0x70: {  	_ =	shalt  }
0x71: {  	_ =	shalt  }
0x72: {  	_ =	shalt  }
0x73: {  	_ =	shalt  }
0x74: {  	_ =	shalt  }
0x75: {  	_ =	shalt  }
0x76: {  	_ =	shalt  }
0x77: {  	_ =	shalt  }
0x78: {  	_ =	shalt  }
0x79: {  	_ =	shalt  }
0x7a: {  	_ =	shalt  }
0x7b: {  	_ =	shalt  }
0x7c: {  	_ =	shalt  }
0x7d: {  	_ =	shalt  }
0x7e: {  	_ =	shalt  }
0x7f: {  	_ =	shalt  }
0x80: {  	_ =	shalt  }
0x81: {  	_ =	shalt  }
0x82: {  	_ =	shalt  }
0x83: {  	_ =	shalt  }
0x84: {  	_ =	shalt  }
0x85: {  	_ =	shalt  }
0x86: {  	_ =	shalt  }
0x87: {  	_ =	shalt  }
.Lfunc_end0:
.L_simem_size_0:
called_computation_lowered:
.L_overlay_start_0:
0x88: {  	s2 =	sld [smem:$0x3FD9]  }
0x89: {  	s3 =	sld [smem:$0x3FFE];
	_ =	sdelay $0x1  }
0x8a: {  	s1 =	srdreg.scid  }
0x8b: {  	s0 =	sand.u32 $0x1, s1  }
0x8c: {  	s17 =	sshll.u32 s0, $0xA;
	s2 =	sadd.s32 s3, s2  }
0x8d: {  	s2 =	sadd.s32 s2, s17  }
0x8e: {  	[smem:$0x3FC6] =	sst s2  }
0x8f: {  	_ = 	snop  }
0x90: {  	s2 =	sld [smem:$0x3FC9]  }
0x91: {  	s18 =	sld [smem:$0x3FC8]  }
0x92: {  	s4 =	sld [smem:$0x3FD0];
	(tm) =	ssettm $0x1  }
0x93: {  	s5 =	sld [smem:$0x3FFB];
	_ =	sdelay $0x3  }
0x94: {  	_ =	strace s5  }
0x95: {  	s5 =	sld [smem:$0x3FFC];
	_ =	sdelay $0x3  }
0x96: {  	_ =	strace s5  }
0x97: {  	s5 =	sld [smem:$0x3FFD];
	_ =	sdelay $0x3  }
0x98: {  	_ =	strace s5  }
0x99: {  	_ =	strace $0x8FFFFFFF  }
0x9a: {  	s19 =	sld [smem:$0x3FDB];
	_ =	sdelay $0x1  }
0x9b: {  	s6 =	simm.s32 $_scs_section_size  }
0x9c: {  	s7 =	simm.s32 $_size__tile_overlayer_lowered;
	s8 =	simm.s32 $_tile_overlayer_lowered  }
0x9d: {  	s22 =	simm.s32 $0x1BFF;
	s21 =	sshll.u32 s8, $0x1;
	s5 =	sadd.s32 s6, s19  }
0x9e: {  	s9 =	simm.s32 $0x0;
	s20 =	sshll.u32 s7, $0x1;
	s7 =	sadd.s32 s21, s5  }
0x9f: {  	[timem:s9], [sflag:s22] =	dma.local [hbm:s7], s20  }
0xa0: {  	_ =	swait.ge [sflag:s22], s20  }
0xa1: {  	s6 =	ssub.s32 $0x0, s20;
	[sflag:s22] =	ssyncset.done $0x0  }
0xa2: {  	[sflag:s22] =	ssyncadd.s32 s6;
	_ =	sdelay $0x1  }
0xa3: {  	s23 =	simm.s32 $0x1B8B  }
0xa4: {  	_ =	swait.ge [sflag:s23], $0x1  }
0xa5: {  	[sflag:s23] =	ssyncset.done $0x0  }
0xa6: {  	s25 =	simm.s32 $0x1B8E;
	s24 =	sld [smem:$0x3FFE];
	[sflag:s23] =	ssyncadd.s32 $0xFFFFFFFF  }
0xa7: {  	s26 =	simm.s32 $execute0_lowered;
	[smem:$0x3FD2] =	sst s25  }
0xa8: {  	s7 =	sshll.u32 s26, $0x1;
	_ =	strace $0x80000046;
	[dreg:$0x1] =	wrdreg $0xFFFFFFFF  }
0xa9: {  	s28 =	simm.s32 $_size_execute0_lowered;
	s5 =	sadd.s32 s5, s7;
	[dreg:$0x0] =	wrdreg $0x0  }
0xaa: {  	s7 =	sshll.u32 s28, $0x1;
	[dreg:$0x2] =	wrdreg s5  }
0xab: {  	[dreg:$0x3] =	wrdreg s7  }
0xac: {  	[dreg:$0x4] =	wrdreg $0xC0  }
0xad: {  	_ =	task [dreg:s9], $0x5FFFF  }
0xae: {  	[dreg:$0x1] =	wrdreg $0xFFFFFFFF  }
0xaf: {  	[dreg:$0x0] =	wrdreg $0x60  }
0xb0: {  	[dreg:$0x2] =	wrdreg s18  }
0xb1: {  	[dreg:$0x3] =	wrdreg s2  }
0xb2: {  	[dreg:$0x4] =	wrdreg s4  }
0xb3: {  	[dreg:$0x5] =	wrdreg s24  }
0xb4: {  	[dreg:$0x6] =	wrdreg $0x9  }
0xb5: {  	_ =	task.clear_ibuf [dreg:s9], $0x7FFFF;
	_ =	strace $0x90000046  }
0xb6: {  	s29 =	simm.s32 $0x9;
	_ =	strace $0x80000048  }
0xb7: {  	_ =	swait.ge [sflag:s29], $0x1  }
0xb8: {  	[sflag:s29] =	ssyncadd.s32 $0xFFFFFFFF  }
0xb9: {  	_ =	strace $0x90000048  }
0xba: {  	_ =	sfence  }
0xbb: {  	s30 =	sld [smem:$0x0];
	_ =	sdelay $0x2  }
0xbc: {  	s31 =	sshll.u32 s1, $0xD;
	s1 =	sshrl.u32 s1, $0x2  }
0xbd: {  	s3 =	sand.u32 $0x4000, s31;
	s1 =	sadd.s32 s1, s30  }
0xbe: {  	s0 =	sor.u32 s3, s0;
	s1 =	sshll.u32 s1, $0x11  }
0xbf: {  	s0 =	sor.u32 s1, s0  }
0xc0: {  	s0 =	sadd.s32 $0x8F2B, s0  }
0xc1: {  	[sflag:s0] =	ssyncadd.remote.s32 $0x1  }
0xc2: {  	_ =	sfence.sel $0xFFFF  }
0xc3: {  	[dreg:$0x0] =	wrdreg $0xFFFFFFFF;
	(pc) =	sbr.abs _section_cstart, $3  }
0xc4: {  	[dreg:$0x1] =	wrdreg $0xFFFFFFFF  }
0xc5: {  	_ =	task.clear_ibuf [dreg:s9], $0x2FFFF;
	_ =	strace $0x9FFFFFFF  }
0xc6: {  	(tm) =	ssettm $0x7FFFFFFF  }
0xc7: {  	_ =	shalt  }
tec
execute0_lowered:
.L_overlay_start_1:
0x0: {  	(tag) =	ssettag $0x1  }
0x1: {  	s1 =	rddreg [dreg:$0x0]  }
0x2: {  	s2 =	rddreg [dreg:$0x1]  }
0x3: {  	s3 =	rddreg [dreg:$0x2]  }
0x4: {  	s9 =	rddreg [dreg:$0x3]  }
0x5: {  	s4 =	simm.s32 $0x0;
	s5 =	srdreg.scid;
	s13 =	simm.s32 $0x1  }
0x6: {  	s14 =	simm.s32 $0x2;
	s15 =	simm.s32 $0x100;
	s16 =	simm.s32 $0xB00  }
0x7: {  	s17 =	simm.s32 $0x3;
	s7 =	sand.u32 $0x1, s5;
	s5 =	stileid.u32  }
0x8: {  	s18 =	simm.s32 $0x4;
	s8 =	ssub.s32 $0x2, s7;
	s11 =	sshll.u32 s5, $0x4  }
.Ltmp0:
0x9: {  	s12 =	sshll.u32 s7, $0x3;
	s10 =	sshrl.u32 s8, $0x1;
	(pc) =	sbr.rel .LBB2_1-.Ltmp0, $4  }
0xa: {  	v0 =	vlaneseq.u32;
	s19 =	simm.s32 $0x380;
	s10 =	ssub.s32 s8, s10;
	s8 =	sor.u32 s12, s11  }
0xb: {  	vm0 =	vmmov $0xffff;
	s20 =	simm.s32 $0x0;
	[smem:$0x7FF] =	sst s4;
	s6 =	sadd.s32 $0x400, s9;
	v2 =	vmul.u32 $0x8000, v0;
	v1 =	vmov s8  }
0xc: {  	v3 =	vimm.s32 $0x0;
	v4 =	vimm.s32 $0xFFF00;
	_ =	strace $0x80000047;
	s7 =	sadd.s32 $0x600, s9;
	s9 =	sadd.s32 $0xFF600, s9;
	v1 =	vshll.u32 v1, $0xF  }
0xd: {  	v5 =	vimm.f32 $0.0e+00;
	s11 =	simm.s32 $0x80;
	s12 =	simm.s32 $0x5;
	s10 =	smax.u32 s10, $0x1;
	v1 =	vadd.s32 v2, v1;
	v2 =	vimm.s32 $0x1FFE00  }
.LBB2_10:
0xe: {  	s20 =	sadd.s32 $0x1, s20  }
0xf: {  	p0 =	sne.s32 s20, s10  }
.Ltmp1:
0x10: {  	_ = 	snop;
	(pc) =	sbr.rel @!p0 .LBB2_11-.Ltmp1, $1  }
0x11: {  	_ =	sdelay $0x3  }
.LBB2_1:
0x12: {  	_ =	sdelay $0x3  }
0x13: {  	[tilespmem:s11], [sflag:$0x5] =	stream.indirect_vreg.gather [hbm4b:s1+s4], $0x1, v2, vm0, $0xb8;
	[tilespmem:$0x8B00] =	vst v63  }
0x14: {  	_ =	swait.ge [sflag:s12], $0x10  }
0x15: {  	[sflag:s12] =	ssyncset.done $0x0  }
0x16: {  	[sflag:s12] =	ssyncadd.s32 $0xFFFFFFF0  }
0x17: {  	v6 =	vld [tilespmem:$0x80];
	_ =	sdelay $0x4  }
0x18: {  	vm1 =	vlt.s32 v6, v1  }
0x19: {  	v6 =	vsel vm1, $0x2FFD00, v4;
	_ =	sdelay $0x4  }
0x1a: {  	[tilespmem:s11], [sflag:$0x5] =	stream.indirect_vreg.gather [hbm4b:s1+s4], $0x1, v6, vm0, $0xb8;
	[tilespmem:$0x8B00] =	vst v63  }
0x1b: {  	_ =	swait.ge [sflag:s12], $0x10  }
0x1c: {  	[sflag:s12] =	ssyncset.done $0x0  }
0x1d: {  	[sflag:s12] =	ssyncadd.s32 $0xFFFFFFF0  }
0x1e: {  	v7 =	vld [tilespmem:$0x80];
	_ =	sdelay $0x4  }
0x1f: {  	v8 =	vsel vm1, $0x3FFC00, v2;
	vm2 =	vlt.s32 v7, v1  }
0x20: {  	v9 =	vor.u32 $0x1, v6;
	v7 =	vsel vm1, $0x1FFE01, v3;
	v6 =	vsel vm2, v8, v6  }
0x21: {  	v7 =	vsel vm2, v9, v7;
	v8 =	vadd.s32 $0xFFFFFFFF, v6  }
0x22: {  	v8 =	vadd.s32 v8, v7  }
0x23: {  	v8 =	vadd.s32 $0x1, v8  }
0x24: {  	v8 =	vshrl.u32 v8, $0x1;
	_ =	sdelay $0x4  }
0x25: {  	[tilespmem:s11], [sflag:$0x5] =	stream.indirect_vreg.gather [hbm4b:s1+s4], $0x1, v8, vm0, $0xb8;
	[tilespmem:$0x8B00] =	vst v63  }
0x26: {  	_ =	swait.ge [sflag:s12], $0x10  }
0x27: {  	[sflag:s12] =	ssyncset.done $0x0  }
0x28: {  	[sflag:s12] =	ssyncadd.s32 $0xFFFFFFF0  }
0x29: {  	v21 =	vld [tilespmem:$0x80];
	_ =	sdelay $0x4  }
0x2a: {  	vm1 =	vlt.u32 v7, v6;
	vm2 =	vge.s32 v21, v1;
	vm3 =	vlt.s32 v21, v1  }
0x2b: {  	v22 =	vor.u32 $0x1, v8;
	vm3 =	vmand vm1, vm3;
	vm1 =	vmand vm1, vm2  }
0x2c: {  	v7 =	vsel vm3, v22, v7;
	v6 =	vsel vm1, v8, v6  }
0x2d: {  	v8 =	vadd.s32 v6, v7  }
0x2e: {  	v8 =	vshrl.u32 v8, $0x1;
	_ =	sdelay $0x4  }
0x2f: {  	[tilespmem:s11], [sflag:$0x5] =	stream.indirect_vreg.gather [hbm4b:s1+s4], $0x1, v8, vm0, $0xb8;
	[tilespmem:$0x8B00] =	vst v63  }
0x30: {  	_ =	swait.ge [sflag:s12], $0x10  }
0x31: {  	[sflag:s12] =	ssyncset.done $0x0  }
0x32: {  	[sflag:s12] =	ssyncadd.s32 $0xFFFFFFF0  }
0x33: {  	v23 =	vld [tilespmem:$0x80];
	_ =	sdelay $0x4  }
0x34: {  	vm1 =	vlt.u32 v7, v6;
	vm2 =	vge.s32 v23, v1;
	vm3 =	vlt.s32 v23, v1  }
0x35: {  	v24 =	vadd.s32 $0x1, v8;
	vm3 =	vmand vm1, vm3;
	vm1 =	vmand vm1, vm2  }
0x36: {  	v7 =	vsel vm3, v24, v7;
	v6 =	vsel vm1, v8, v6  }
0x37: {  	v8 =	vadd.s32 v6, v7  }
0x38: {  	v8 =	vshrl.u32 v8, $0x1;
	_ =	sdelay $0x4  }
0x39: {  	[tilespmem:s11], [sflag:$0x5] =	stream.indirect_vreg.gather [hbm4b:s1+s4], $0x1, v8, vm0, $0xb8;
	[tilespmem:$0x8B00] =	vst v63  }
0x3a: {  	_ =	swait.ge [sflag:s12], $0x10  }
0x3b: {  	[sflag:s12] =	ssyncset.done $0x0  }
0x3c: {  	[sflag:s12] =	ssyncadd.s32 $0xFFFFFFF0  }
0x3d: {  	v25 =	vld [tilespmem:$0x80];
	_ =	sdelay $0x4  }
0x3e: {  	vm1 =	vlt.u32 v7, v6;
	vm2 =	vge.s32 v25, v1;
	vm3 =	vlt.s32 v25, v1  }
0x3f: {  	v26 =	vadd.s32 $0x1, v8;
	vm3 =	vmand vm1, vm3;
	vm1 =	vmand vm1, vm2  }
0x40: {  	v7 =	vsel vm3, v26, v7;
	v6 =	vsel vm1, v8, v6  }
0x41: {  	v8 =	vadd.s32 v6, v7  }
0x42: {  	v8 =	vshrl.u32 v8, $0x1;
	_ =	sdelay $0x4  }
0x43: {  	[tilespmem:s11], [sflag:$0x5] =	stream.indirect_vreg.gather [hbm4b:s1+s4], $0x1, v8, vm0, $0xb8;
	[tilespmem:$0x8B00] =	vst v63  }
0x44: {  	_ =	swait.ge [sflag:s12], $0x10  }
0x45: {  	[sflag:s12] =	ssyncset.done $0x0  }
0x46: {  	[sflag:s12] =	ssyncadd.s32 $0xFFFFFFF0  }
0x47: {  	v27 =	vld [tilespmem:$0x80];
	_ =	sdelay $0x4  }
0x48: {  	vm1 =	vlt.u32 v7, v6;
	vm2 =	vge.s32 v27, v1;
	vm3 =	vlt.s32 v27, v1  }
0x49: {  	v28 =	vadd.s32 $0x1, v8;
	vm3 =	vmand vm1, vm3;
	vm1 =	vmand vm1, vm2  }
0x4a: {  	v7 =	vsel vm3, v28, v7;
	v6 =	vsel vm1, v8, v6  }
0x4b: {  	v8 =	vadd.s32 v6, v7  }
0x4c: {  	v8 =	vshrl.u32 v8, $0x1;
	_ =	sdelay $0x4  }
0x4d: {  	[tilespmem:s11], [sflag:$0x5] =	stream.indirect_vreg.gather [hbm4b:s1+s4], $0x1, v8, vm0, $0xb8;
	[tilespmem:$0x8B00] =	vst v63  }
0x4e: {  	_ =	swait.ge [sflag:s12], $0x10  }
0x4f: {  	[sflag:s12] =	ssyncset.done $0x0  }
0x50: {  	[sflag:s12] =	ssyncadd.s32 $0xFFFFFFF0  }
0x51: {  	v29 =	vld [tilespmem:$0x80];
	_ =	sdelay $0x4  }
0x52: {  	vm1 =	vlt.u32 v7, v6;
	vm2 =	vge.s32 v29, v1;
	vm3 =	vlt.s32 v29, v1  }
0x53: {  	v30 =	vadd.s32 $0x1, v8;
	vm3 =	vmand vm1, vm3;
	vm1 =	vmand vm1, vm2  }
0x54: {  	v7 =	vsel vm3, v30, v7;
	v6 =	vsel vm1, v8, v6  }
0x55: {  	v8 =	vadd.s32 v6, v7  }
0x56: {  	v8 =	vshrl.u32 v8, $0x1;
	_ =	sdelay $0x4  }
0x57: {  	[tilespmem:s11], [sflag:$0x5] =	stream.indirect_vreg.gather [hbm4b:s1+s4], $0x1, v8, vm0, $0xb8;
	[tilespmem:$0x8B00] =	vst v63  }
0x58: {  	_ =	swait.ge [sflag:s12], $0x10  }
0x59: {  	[sflag:s12] =	ssyncset.done $0x0  }
0x5a: {  	[sflag:s12] =	ssyncadd.s32 $0xFFFFFFF0  }
0x5b: {  	v31 =	vld [tilespmem:$0x80];
	_ =	sdelay $0x4  }
0x5c: {  	vm1 =	vlt.u32 v7, v6;
	vm2 =	vge.s32 v31, v1;
	vm3 =	vlt.s32 v31, v1  }
0x5d: {  	v32 =	vadd.s32 $0x1, v8;
	vm3 =	vmand vm1, vm3;
	vm1 =	vmand vm1, vm2  }
0x5e: {  	v7 =	vsel vm3, v32, v7;
	v6 =	vsel vm1, v8, v6  }
0x5f: {  	v8 =	vadd.s32 v6, v7  }
0x60: {  	v8 =	vshrl.u32 v8, $0x1;
	_ =	sdelay $0x4  }
0x61: {  	[tilespmem:s11], [sflag:$0x5] =	stream.indirect_vreg.gather [hbm4b:s1+s4], $0x1, v8, vm0, $0xb8;
	[tilespmem:$0x8B00] =	vst v63  }
0x62: {  	_ =	swait.ge [sflag:s12], $0x10  }
0x63: {  	[sflag:s12] =	ssyncset.done $0x0  }
0x64: {  	[sflag:s12] =	ssyncadd.s32 $0xFFFFFFF0  }
0x65: {  	v33 =	vld [tilespmem:$0x80];
	_ =	sdelay $0x4  }
0x66: {  	vm1 =	vlt.u32 v7, v6;
	vm2 =	vge.s32 v33, v1;
	vm3 =	vlt.s32 v33, v1  }
0x67: {  	v34 =	vadd.s32 $0x1, v8;
	vm3 =	vmand vm1, vm3;
	vm1 =	vmand vm1, vm2  }
0x68: {  	v7 =	vsel vm3, v34, v7;
	v6 =	vsel vm1, v8, v6  }
0x69: {  	v8 =	vadd.s32 v6, v7  }
0x6a: {  	v8 =	vshrl.u32 v8, $0x1;
	_ =	sdelay $0x4  }
0x6b: {  	[tilespmem:s11], [sflag:$0x5] =	stream.indirect_vreg.gather [hbm4b:s1+s4], $0x1, v8, vm0, $0xb8;
	[tilespmem:$0x8B00] =	vst v63  }
0x6c: {  	_ =	swait.ge [sflag:s12], $0x10  }
0x6d: {  	[sflag:s12] =	ssyncset.done $0x0  }
0x6e: {  	[sflag:s12] =	ssyncadd.s32 $0xFFFFFFF0  }
0x6f: {  	v35 =	vld [tilespmem:$0x80];
	_ =	sdelay $0x4  }
0x70: {  	vm1 =	vlt.u32 v7, v6;
	vm2 =	vge.s32 v35, v1;
	vm3 =	vlt.s32 v35, v1  }
0x71: {  	v36 =	vadd.s32 $0x1, v8;
	vm3 =	vmand vm1, vm3;
	vm1 =	vmand vm1, vm2  }
0x72: {  	v7 =	vsel vm3, v36, v7;
	v6 =	vsel vm1, v8, v6  }
0x73: {  	v8 =	vadd.s32 v6, v7  }
0x74: {  	v8 =	vshrl.u32 v8, $0x1;
	_ =	sdelay $0x4  }
0x75: {  	[tilespmem:s11], [sflag:$0x5] =	stream.indirect_vreg.gather [hbm4b:s1+s4], $0x1, v8, vm0, $0xb8;
	[tilespmem:$0x8B00] =	vst v63  }
0x76: {  	_ =	swait.ge [sflag:s12], $0x10  }
0x77: {  	[sflag:s12] =	ssyncset.done $0x0  }
0x78: {  	[sflag:s12] =	ssyncadd.s32 $0xFFFFFFF0  }
0x79: {  	v37 =	vld [tilespmem:$0x80];
	_ =	sdelay $0x4  }
0x7a: {  	vm1 =	vlt.u32 v7, v6;
	vm2 =	vge.s32 v37, v1;
	vm3 =	vlt.s32 v37, v1  }
0x7b: {  	v38 =	vadd.s32 $0x1, v8;
	vm3 =	vmand vm1, vm3;
	vm1 =	vmand vm1, vm2  }
0x7c: {  	v7 =	vsel vm3, v38, v7;
	v6 =	vsel vm1, v8, v6  }
0x7d: {  	v8 =	vadd.s32 v6, v7  }
0x7e: {  	v8 =	vshrl.u32 v8, $0x1;
	_ =	sdelay $0x4  }
0x7f: {  	[tilespmem:s11], [sflag:$0x5] =	stream.indirect_vreg.gather [hbm4b:s1+s4], $0x1, v8, vm0, $0xb8;
	[tilespmem:$0x8B00] =	vst v63  }
0x80: {  	_ =	swait.ge [sflag:s12], $0x10  }
0x81: {  	[sflag:s12] =	ssyncset.done $0x0  }
0x82: {  	[sflag:s12] =	ssyncadd.s32 $0xFFFFFFF0  }
0x83: {  	v39 =	vld [tilespmem:$0x80];
	_ =	sdelay $0x4  }
0x84: {  	vm1 =	vlt.u32 v7, v6;
	vm2 =	vge.s32 v39, v1;
	vm3 =	vlt.s32 v39, v1  }
0x85: {  	v40 =	vadd.s32 $0x1, v8;
	vm3 =	vmand vm1, vm3;
	vm1 =	vmand vm1, vm2  }
0x86: {  	v7 =	vsel vm3, v40, v7;
	v6 =	vsel vm1, v8, v6  }
0x87: {  	v8 =	vadd.s32 v6, v7  }
0x88: {  	v8 =	vshrl.u32 v8, $0x1;
	_ =	sdelay $0x4  }
0x89: {  	[tilespmem:s11], [sflag:$0x5] =	stream.indirect_vreg.gather [hbm4b:s1+s4], $0x1, v8, vm0, $0xb8;
	[tilespmem:$0x8B00] =	vst v63  }
0x8a: {  	_ =	swait.ge [sflag:s12], $0x10  }
0x8b: {  	[sflag:s12] =	ssyncset.done $0x0  }
0x8c: {  	[sflag:s12] =	ssyncadd.s32 $0xFFFFFFF0  }
0x8d: {  	v41 =	vld [tilespmem:$0x80];
	_ =	sdelay $0x4  }
0x8e: {  	vm1 =	vlt.u32 v7, v6;
	vm2 =	vge.s32 v41, v1;
	vm3 =	vlt.s32 v41, v1  }
0x8f: {  	v42 =	vadd.s32 $0x1, v8;
	vm3 =	vmand vm1, vm3;
	vm1 =	vmand vm1, vm2  }
0x90: {  	v7 =	vsel vm3, v42, v7;
	v6 =	vsel vm1, v8, v6  }
0x91: {  	v8 =	vadd.s32 v6, v7  }
0x92: {  	v8 =	vshrl.u32 v8, $0x1;
	_ =	sdelay $0x4  }
0x93: {  	[tilespmem:s11], [sflag:$0x5] =	stream.indirect_vreg.gather [hbm4b:s1+s4], $0x1, v8, vm0, $0xb8;
	[tilespmem:$0x8B00] =	vst v63  }
0x94: {  	_ =	swait.ge [sflag:s12], $0x10  }
0x95: {  	[sflag:s12] =	ssyncset.done $0x0  }
0x96: {  	[sflag:s12] =	ssyncadd.s32 $0xFFFFFFF0  }
0x97: {  	v43 =	vld [tilespmem:$0x80];
	_ =	sdelay $0x4  }
0x98: {  	vm1 =	vlt.u32 v7, v6;
	vm2 =	vge.s32 v43, v1;
	vm3 =	vlt.s32 v43, v1  }
0x99: {  	v44 =	vadd.s32 $0x1, v8;
	vm3 =	vmand vm1, vm3;
	vm1 =	vmand vm1, vm2  }
0x9a: {  	v7 =	vsel vm3, v44, v7;
	v6 =	vsel vm1, v8, v6  }
0x9b: {  	v8 =	vadd.s32 v6, v7  }
0x9c: {  	v8 =	vshrl.u32 v8, $0x1;
	_ =	sdelay $0x4  }
0x9d: {  	[tilespmem:s11], [sflag:$0x5] =	stream.indirect_vreg.gather [hbm4b:s1+s4], $0x1, v8, vm0, $0xb8;
	[tilespmem:$0x8B00] =	vst v63  }
0x9e: {  	_ =	swait.ge [sflag:s12], $0x10  }
0x9f: {  	[sflag:s12] =	ssyncset.done $0x0  }
0xa0: {  	[sflag:s12] =	ssyncadd.s32 $0xFFFFFFF0  }
0xa1: {  	v45 =	vld [tilespmem:$0x80];
	_ =	sdelay $0x4  }
0xa2: {  	vm1 =	vlt.u32 v7, v6;
	vm2 =	vge.s32 v45, v1;
	vm3 =	vlt.s32 v45, v1  }
0xa3: {  	v46 =	vadd.s32 $0x1, v8;
	vm3 =	vmand vm1, vm3;
	vm1 =	vmand vm1, vm2  }
0xa4: {  	v7 =	vsel vm3, v46, v7;
	v6 =	vsel vm1, v8, v6  }
0xa5: {  	v8 =	vadd.s32 v6, v7  }
0xa6: {  	v8 =	vshrl.u32 v8, $0x1;
	_ =	sdelay $0x4  }
0xa7: {  	[tilespmem:s11], [sflag:$0x5] =	stream.indirect_vreg.gather [hbm4b:s1+s4], $0x1, v8, vm0, $0xb8;
	[tilespmem:$0x8B00] =	vst v63  }
0xa8: {  	_ =	swait.ge [sflag:s12], $0x10  }
0xa9: {  	[sflag:s12] =	ssyncset.done $0x0  }
0xaa: {  	[sflag:s12] =	ssyncadd.s32 $0xFFFFFFF0  }
0xab: {  	v47 =	vld [tilespmem:$0x80];
	_ =	sdelay $0x4  }
0xac: {  	vm1 =	vlt.u32 v7, v6;
	vm2 =	vge.s32 v47, v1;
	vm3 =	vlt.s32 v47, v1  }
0xad: {  	v48 =	vadd.s32 $0x1, v8;
	vm3 =	vmand vm1, vm3;
	vm1 =	vmand vm1, vm2  }
0xae: {  	v7 =	vsel vm3, v48, v7;
	v6 =	vsel vm1, v8, v6  }
0xaf: {  	v8 =	vadd.s32 v6, v7  }
0xb0: {  	v8 =	vshrl.u32 v8, $0x1;
	_ =	sdelay $0x4  }
0xb1: {  	[tilespmem:s11], [sflag:$0x5] =	stream.indirect_vreg.gather [hbm4b:s1+s4], $0x1, v8, vm0, $0xb8;
	[tilespmem:$0x8B00] =	vst v63  }
0xb2: {  	_ =	swait.ge [sflag:s12], $0x10  }
0xb3: {  	[sflag:s12] =	ssyncset.done $0x0  }
0xb4: {  	[sflag:s12] =	ssyncadd.s32 $0xFFFFFFF0  }
0xb5: {  	v49 =	vld [tilespmem:$0x80];
	_ =	sdelay $0x4  }
0xb6: {  	vm1 =	vlt.u32 v7, v6;
	vm2 =	vge.s32 v49, v1;
	vm3 =	vlt.s32 v49, v1  }
0xb7: {  	v50 =	vadd.s32 $0x1, v8;
	vm3 =	vmand vm1, vm3;
	vm1 =	vmand vm1, vm2  }
0xb8: {  	v7 =	vsel vm3, v50, v7;
	v6 =	vsel vm1, v8, v6  }
0xb9: {  	v8 =	vadd.s32 v6, v7  }
0xba: {  	v8 =	vshrl.u32 v8, $0x1;
	_ =	sdelay $0x4  }
0xbb: {  	[tilespmem:s11], [sflag:$0x5] =	stream.indirect_vreg.gather [hbm4b:s1+s4], $0x1, v8, vm0, $0xb8;
	[tilespmem:$0x8B00] =	vst v63  }
0xbc: {  	_ =	swait.ge [sflag:s12], $0x10  }
0xbd: {  	[sflag:s12] =	ssyncset.done $0x0  }
0xbe: {  	[sflag:s12] =	ssyncadd.s32 $0xFFFFFFF0  }
0xbf: {  	v51 =	vld [tilespmem:$0x80];
	_ =	sdelay $0x4  }
0xc0: {  	vm1 =	vlt.u32 v7, v6;
	vm2 =	vge.s32 v51, v1;
	vm3 =	vlt.s32 v51, v1  }
0xc1: {  	v52 =	vadd.s32 $0x1, v8;
	vm3 =	vmand vm1, vm3;
	vm1 =	vmand vm1, vm2  }
0xc2: {  	v7 =	vsel vm3, v52, v7;
	v6 =	vsel vm1, v8, v6  }
0xc3: {  	v8 =	vadd.s32 v6, v7  }
0xc4: {  	v8 =	vshrl.u32 v8, $0x1;
	_ =	sdelay $0x4  }
0xc5: {  	[tilespmem:s11], [sflag:$0x5] =	stream.indirect_vreg.gather [hbm4b:s1+s4], $0x1, v8, vm0, $0xb8;
	[tilespmem:$0x8B00] =	vst v63  }
0xc6: {  	_ =	swait.ge [sflag:s12], $0x10  }
0xc7: {  	[sflag:s12] =	ssyncset.done $0x0  }
0xc8: {  	[sflag:s12] =	ssyncadd.s32 $0xFFFFFFF0  }
0xc9: {  	v53 =	vld [tilespmem:$0x80];
	_ =	sdelay $0x4  }
0xca: {  	vm1 =	vlt.u32 v7, v6;
	vm2 =	vge.s32 v53, v1;
	vm3 =	vlt.s32 v53, v1  }
0xcb: {  	v54 =	vadd.s32 $0x1, v8;
	vm3 =	vmand vm1, vm3;
	vm1 =	vmand vm1, vm2  }
0xcc: {  	v7 =	vsel vm3, v54, v7;
	v6 =	vsel vm1, v8, v6  }
0xcd: {  	v8 =	vadd.s32 v6, v7  }
0xce: {  	v8 =	vshrl.u32 v8, $0x1;
	_ =	sdelay $0x4  }
0xcf: {  	[tilespmem:s11], [sflag:$0x5] =	stream.indirect_vreg.gather [hbm4b:s1+s4], $0x1, v8, vm0, $0xb8;
	[tilespmem:$0x8B00] =	vst v63  }
0xd0: {  	_ =	swait.ge [sflag:s12], $0x10  }
0xd1: {  	[sflag:s12] =	ssyncset.done $0x0  }
0xd2: {  	[sflag:s12] =	ssyncadd.s32 $0xFFFFFFF0  }
0xd3: {  	v55 =	vld [tilespmem:$0x80];
	_ =	sdelay $0x4  }
0xd4: {  	vm1 =	vlt.u32 v7, v6;
	vm2 =	vge.s32 v55, v1;
	vm3 =	vlt.s32 v55, v1  }
0xd5: {  	v56 =	vadd.s32 $0x1, v8;
	vm3 =	vmand vm1, vm3;
	vm1 =	vmand vm1, vm2  }
0xd6: {  	v7 =	vsel vm3, v56, v7;
	v6 =	vsel vm1, v8, v6  }
0xd7: {  	v8 =	vadd.s32 v6, v7  }
0xd8: {  	v8 =	vshrl.u32 v8, $0x1;
	_ =	sdelay $0x4  }
0xd9: {  	[tilespmem:s11], [sflag:$0x5] =	stream.indirect_vreg.gather [hbm4b:s1+s4], $0x1, v8, vm0, $0xb8;
	[tilespmem:$0x8B00] =	vst v63  }
0xda: {  	_ =	swait.ge [sflag:s12], $0x10  }
0xdb: {  	[sflag:s12] =	ssyncset.done $0x0  }
0xdc: {  	[sflag:s12] =	ssyncadd.s32 $0xFFFFFFF0  }
0xdd: {  	v57 =	vld [tilespmem:$0x80];
	_ =	sdelay $0x4  }
0xde: {  	vm1 =	vlt.u32 v7, v6;
	vm2 =	vge.s32 v57, v1;
	vm3 =	vlt.s32 v57, v1  }
0xdf: {  	v58 =	vadd.s32 $0x1, v8;
	vm3 =	vmand vm1, vm3;
	vm1 =	vmand vm1, vm2  }
0xe0: {  	v7 =	vsel vm3, v58, v7;
	v6 =	vsel vm1, v8, v6  }
0xe1: {  	v8 =	vadd.s32 v6, v7  }
0xe2: {  	v8 =	vshrl.u32 v8, $0x1  }
0xe3: {  	v59 =	vmin.u32 v8, $0x3FFBFF;
	_ =	sdelay $0x4  }
0xe4: {  	[tilespmem:s11], [sflag:$0x5] =	stream.indirect_vreg.gather [hbm4b:s1+s4], $0x1, v59, vm0, $0xb8;
	[tilespmem:$0x8B00] =	vst v63  }
0xe5: {  	_ =	swait.ge [sflag:s12], $0x10  }
0xe6: {  	[sflag:s12] =	ssyncset.done $0x0  }
0xe7: {  	[sflag:s12] =	ssyncadd.s32 $0xFFFFFFF0  }
0xe8: {  	v60 =	vld [tilespmem:$0x80];
	_ =	sdelay $0x4  }
0xe9: {  	vm1 =	vlt.u32 v7, v6;
	vm2 =	vge.s32 v60, v1;
	vm3 =	vlt.s32 v60, v1  }
0xea: {  	v61 =	vadd.s32 $0x1, v8;
	vm3 =	vmand vm1, vm3;
	vm1 =	vmand vm1, vm2  }
0xeb: {  	v7 =	vsel vm3, v61, v7;
	v6 =	vsel vm1, v8, v6  }
0xec: {  	v8 =	vadd.s32 v6, v7  }
0xed: {  	v8 =	vshrl.u32 v8, $0x1  }
0xee: {  	v62 =	vmin.u32 v8, $0x3FFBFF;
	_ =	sdelay $0x4  }
0xef: {  	[tilespmem:s11], [sflag:$0x5] =	stream.indirect_vreg.gather [hbm4b:s1+s4], $0x1, v62, vm0, $0xb8;
	[tilespmem:$0x8B00] =	vst v63  }
0xf0: {  	_ =	swait.ge [sflag:s12], $0x10  }
0xf1: {  	[sflag:s12] =	ssyncset.done $0x0  }
0xf2: {  	[sflag:s12] =	ssyncadd.s32 $0xFFFFFFF0  }
0xf3: {  	v63 =	vld [tilespmem:$0x80];
	_ =	sdelay $0x3  }
.Ltmp2:
0xf4: {  	_ = 	snop;
	(pc) =	sbr.rel .LBB2_2-.Ltmp2, $4  }
0xf5: {  	vm1 =	vlt.u32 v7, v6;
	vm2 =	vlt.s32 v63, v1  }
0xf6: {  	v6 =	vadd.s32 $0x1, v8;
	vm1 =	vmand vm1, vm2  }
0xf7: {  	v6 =	vsel vm1, v6, v7  }
0xf8: {  	s21 =	simm.s32 $0x0;
	[tilespmem:$0x0] =	vst v6  }
.LBB2_9:
0xf9: {  	p0 =	sgt.u32 s23, $0xFE  }
0xfa: {  	p1 =	sne.s32 @p0 s23, $0xFF  }
0xfb: {  	p1 =	por p1, !p0  }
0xfc: {  	s0 =	simm.s32 @!p1 $0x0;
	s22 =	simm.s32 @!p1 $0xB00  }
0xfd: {  	[hbm4b:s9+s0] =	stream.linear.scatter @!p1 [tilespmem:s22], [sflag:$0x5], $0x7800, $0x38;
	[tilespmem:$0x8B00] =	vst v63  }
0xfe: {  	s0 =	simm.s32 @!p1 $0x5  }
0xff: {  	_ =	swait.ge @!p1 [sflag:s0], $0x7800  }
0x100: {  	[sflag:s0] =	ssyncset.done @!p1 $0x0  }
0x101: {  	s22 =	simm.s32 @!p0 $0x0;
	[sflag:s0] =	ssyncadd.s32 @!p1 $0xFFFF8800;
	s0 =	sshll.u32 @!p0 s23, $0xC  }
0x102: {  	s23 =	simm.s32 @!p0 $0xB00;
	p1 =	sne.s32 s21, $0x8;
	s0 =	sadd.s32 @!p0 s7, s0  }
0x103: {  	[hbm4b:s0+s22] =	stream.linear.scatter @!p0 [tilespmem:s23], [sflag:$0x6], $0x8000, $0x38;
	[tilespmem:$0x8B00] =	vst v63  }
.Ltmp3:
0x104: {  	_ = 	snop;
	(pc) =	sbr.rel @!p1 .LBB2_10-.Ltmp3, $4  }
0x105: {  	s0 =	simm.s32 @!p0 $0x6  }
0x106: {  	_ =	swait.ge @!p0 [sflag:s0], $0x8000  }
0x107: {  	[sflag:s0] =	ssyncset.done @!p0 $0x0  }
0x108: {  	[sflag:s0] =	ssyncadd.s32 @!p0 $0xFFFF8000  }
.LBB2_2:
0x109: {  	s23 =	smov.u32 s21;
	v6 =	vmov s21;
	s21 =	sadd.s32 $0x1, s21  }
0x10a: {  	v8 =	vmov s21;
	_ =	sdelay $0x2  }
0x10b: {  	s22 =	simm.s32 $0x0  }
0x10c: {  	v7 =	vld.idx.msk [tilespmem:v6+s22+$0x0], $0xffff  }
0x10d: {  	s24 =	simm.s32 $0x0;
	v6 =	vld.idx.msk [tilespmem:v8+s22+$0x0], $0xffff;
	s22 =	simm.s32 $0x800  }
.LBB2_3:
0x10e: {  	p0 =	sne.s32 s22, $0x1F800;
	[tilespmem:s24+$0xCF0] =	vst v5  }
0x10f: {  	[tilespmem:s24+$0xB00] =	vst v5  }
0x110: {  	[tilespmem:s24+$0xB10] =	vst v5  }
0x111: {  	[tilespmem:s24+$0xB20] =	vst v5  }
0x112: {  	[tilespmem:s24+$0xB30] =	vst v5  }
0x113: {  	[tilespmem:s24+$0xB40] =	vst v5  }
0x114: {  	[tilespmem:s24+$0xB50] =	vst v5  }
0x115: {  	[tilespmem:s24+$0xB60] =	vst v5  }
0x116: {  	[tilespmem:s24+$0xB70] =	vst v5  }
0x117: {  	[tilespmem:s24+$0xB80] =	vst v5  }
0x118: {  	[tilespmem:s24+$0xB90] =	vst v5  }
0x119: {  	[tilespmem:s24+$0xBA0] =	vst v5  }
0x11a: {  	[tilespmem:s24+$0xBB0] =	vst v5  }
0x11b: {  	[tilespmem:s24+$0xBC0] =	vst v5  }
0x11c: {  	[tilespmem:s24+$0xBD0] =	vst v5  }
0x11d: {  	[tilespmem:s24+$0xBE0] =	vst v5  }
0x11e: {  	[tilespmem:s24+$0xBF0] =	vst v5  }
0x11f: {  	[tilespmem:s24+$0xC00] =	vst v5  }
0x120: {  	[tilespmem:s24+$0xC10] =	vst v5  }
0x121: {  	[tilespmem:s24+$0xC20] =	vst v5  }
0x122: {  	[tilespmem:s24+$0xC30] =	vst v5  }
0x123: {  	[tilespmem:s24+$0xC40] =	vst v5  }
0x124: {  	[tilespmem:s24+$0xC50] =	vst v5  }
0x125: {  	[tilespmem:s24+$0xC60] =	vst v5  }
0x126: {  	[tilespmem:s24+$0xC70] =	vst v5  }
0x127: {  	[tilespmem:s24+$0xC80] =	vst v5  }
0x128: {  	[tilespmem:s24+$0xC90] =	vst v5  }
.Ltmp4:
0x129: {  	[tilespmem:s24+$0xCA0] =	vst v5;
	(pc) =	sbr.rel @p0 .LBB2_3-.Ltmp4, $4  }
0x12a: {  	[tilespmem:s24+$0xCB0] =	vst v5  }
0x12b: {  	[tilespmem:s24+$0xCC0] =	vst v5  }
0x12c: {  	[tilespmem:s24+$0xCD0] =	vst v5  }
0x12d: {  	[tilespmem:s24+$0xCE0] =	vst v5;
	s24 =	sshra.s32 s22, $0x2;
	s22 =	sadd.s32 $0x800, s22  }
0x12e: {  	v7 =	vxor.u32 $0x80000000, v7  }
0x12f: {  	(xrf0) =	vmax.scan.msk.u32 $0xffff, v7;
	_ =	sdelay $0x5  }
0x130: {  	v6 =	vxor.u32 $0x80000000, v6;
	v7, _, _ =	vpop (xrf0)  }
0x131: {  	(xrf0) =	vmax.scan.msk.u32 $0xffff, v6;
	(v2sf) =	vpush v7, $0xF;
	_ =	sdelay $0x5  }
0x132: {  	[tilespmem:s24+$0xCF0] =	vst v5;
	v6, _, _ =	vpop (xrf0)  }
0x133: {  	[tilespmem:s24+$0xB00] =	vst v5;
	(v2sf) =	vpush v6, $0xF  }
0x134: {  	[tilespmem:s24+$0xB10] =	vst v5  }
0x135: {  	[tilespmem:s24+$0xB20] =	vst v5  }
0x136: {  	[tilespmem:s24+$0xB30] =	vst v5  }
0x137: {  	[tilespmem:s24+$0xB40] =	vst v5  }
0x138: {  	[tilespmem:s24+$0xB50] =	vst v5  }
0x139: {  	[tilespmem:s24+$0xB60] =	vst v5  }
0x13a: {  	[tilespmem:s24+$0xB70] =	vst v5  }
0x13b: {  	[tilespmem:s24+$0xB80] =	vst v5;
	s22 =	spop (v2sf)  }
0x13c: {  	[tilespmem:s24+$0xB90] =	vst v5;
	s25 =	sxor.u32 $0x80000000, s22  }
0x13d: {  	[tilespmem:s24+$0xBA0] =	vst v5;
	p1 =	sgt.s32 s22, $0xFFFFFFFF;
	s22 =	sand.u32 $0xF, s22;
	p0 =	slt.s32 s25, $0x1  }
0x13e: {  	[tilespmem:s24+$0xBB0] =	vst v5;
	s26 =	sshra.s32 s25, $0x1F;
	p2 =	sne.s32 s22, $0x0;
	p0 =	por p1, p0  }
0x13f: {  	[tilespmem:s24+$0xBC0] =	vst v5;
	s30 =	sshrl.u32 s26, $0x1C;
	p0 =	por !p2, !p0  }
0x140: {  	[tilespmem:s24+$0xBD0] =	vst v5;
	s22 =	sadd.s32 s30, s25;
	s25 =	simm.s32 $0x1;
	p0 =	por !p0, !p0  }
0x141: {  	[tilespmem:s24+$0xBE0] =	vst v5;
	s22 =	sshrl.u32 s22, $0x4;
	s25 =	simm.s32 @!p0 $0x0  }
0x142: {  	[tilespmem:s24+$0xBF0] =	vst v5;
	s31 =	spop (v2sf);
	s22 =	ssub.s32 s22, s25  }
0x143: {  	[tilespmem:s24+$0xC00] =	vst v5;
	s26 =	sxor.u32 $0x80000000, s31;
	s25 =	sshll.u32 s22, $0x4  }
0x144: {  	[tilespmem:s24+$0xC10] =	vst v5;
	s22 =	ssub.s32 s26, s25  }
0x145: {  	[tilespmem:s24+$0xC20] =	vst v5;
	s22 =	sadd.s32 $0x1FF, s22  }
0x146: {  	[tilespmem:s24+$0xC30] =	vst v5;
	s0 =	sand.u32 $0x1FF, s22  }
0x147: {  	[tilespmem:s24+$0xC40] =	vst v5;
	s28 =	sshra.s32 s22, $0x1F;
	p3 =	slt.s32 s22, $0x1;
	p4 =	sne.s32 s0, $0x0  }
0x148: {  	[tilespmem:s24+$0xC50] =	vst v5;
	s28 =	sshrl.u32 s28, $0x17;
	p0 =	por !p3, !p4  }
0x149: {  	[tilespmem:s24+$0xC60] =	vst v5;
	s26 =	simm.s32 $0x1;
	s22 =	sadd.s32 s28, s22;
	p0 =	por !p0, !p0  }
0x14a: {  	[tilespmem:s24+$0xC70] =	vst v5;
	s22 =	sshra.s32 s22, $0x9;
	s26 =	simm.s32 @!p0 $0x0  }
0x14b: {  	[tilespmem:s24+$0xC80] =	vst v5;
	s22 =	ssub.s32 s22, s26  }
0x14c: {  	[tilespmem:s24+$0xC90] =	vst v5;
	p0 =	slt.s32 s22, $0x1  }
0x14d: {  	[tilespmem:s24+$0xCA0] =	vst v5;
	p1 =	slt.s32 @!p0 s25, $0x3FF9F1  }
0x14e: {  	[tilespmem:s24+$0xCB0] =	vst v5;
	s28 =	smov.u32 s25;
	s26 =	sadd.s32 @!p0 $0xFFC00610, s25;
	p1 =	por !p1, p0  }
0x14f: {  	[tilespmem:s24+$0xCC0] =	vst v5;
	s29 =	smov.u32 s2;
	s28 =	smov.u32 @p1 s26;
	s26 =	smov.u32 s1  }
0x150: {  	[tilespmem:s24+$0xCD0] =	vst v5;
	s30 =	simm.s32 @!p0 $0x100;
	s26 =	smov.u32 @p1 s3;
	s28 =	sshrl.u32 @!p0 s28, $0x3  }
0x151: {  	[tilespmem:s24+$0xCE0] =	vst v5;
	s29 =	smov.u32 @p1 s6;
	s24 =	sadd.s32 @!p0 s26, s28;
	s26 =	simm.s32 @!p0 $0x0  }
0x152: {  	[tilespmem:s30], [sflag:$0x1] =	stream.linear.gather @!p0 [hbm4b:s24+s26], $0x210, $0x38;
	[tilespmem:$0x8B00] =	vst v63  }
0x153: {  	s24 =	sadd.s32 @!p0 s29, s28;
	s29 =	sadd.s32 $0x1, s22  }
0x154: {  	s28 =	simm.s32 @!p0 $0x600;
	s30 =	sand.u32 $0x1, s29  }
0x155: {  	[tilespmem:s28], [sflag:$0x2] =	stream.linear.gather @!p0 [hbm4b:s24+s26], $0x210, $0x38;
	[tilespmem:$0x8B00] =	vst v63  }
0x156: {  	p5 =	slt.s32 s22, $0x0;
	p6 =	seq.s32 s30, $0x1  }
0x157: {  	s31 =	sshrl.u32 s29, $0x1F;
	p0 =	por !p5, !p6  }
0x158: {  	s24 =	sadd.s32 s31, s29;
	s26 =	simm.s32 $0x1;
	p0 =	por !p0, !p0  }
0x159: {  	s24 =	sshra.s32 s24, $0x1;
	s26 =	simm.s32 @!p0 $0x0  }
0x15a: {  	s24 =	ssub.s32 s24, s26  }
0x15b: {  	p0 =	slt.s32 s24, $0x1  }
.Ltmp5:
0x15c: {  	_ = 	snop;
	(pc) =	sbr.rel @p0 .LBB2_9-.Ltmp5, $2  }
0x15d: {  	_ =	sdelay $0x2  }
0x15e: {  	s23 =	sor.u32 s8, s23  }
.Ltmp6:
0x15f: {  	(pc) =	sbr.rel .LBB2_6-.Ltmp6, $4  }
0x160: {  	_ = 	snop  }
0x161: {  	s26 =	sshll.u32 s23, $0xF  }
0x162: {  	s28 =	sadd.s32 $0x8000, s26  }
0x163: {  	s25 =	sadd.s32 $0xFFC00810, s25;
	v6 =	vmov s26;
	s26 =	simm.s32 $0x1;
	v7 =	vmov s28  }
.LBB2_8:
0x164: {  	s24 =	sadd.s32 $0xFFFFFFFF, s24  }
0x165: {  	p0 =	sne.s32 s24, $0x0  }
.Ltmp7:
0x166: {  	_ = 	snop;
	(pc) =	sbr.rel @!p0 .LBB2_9-.Ltmp7, $2  }
0x167: {  	_ =	sdelay $0x2  }
0x168: {  	s25 =	sadd.s32 $0x400, s25;
	s26 =	sadd.s32 $0x2, s26  }
.LBB2_6:
0x169: {  	p0 =	sge.s32 s26, s22  }
0x16a: {  	s28 =	sadd.s32 @!p0 $0x3FF9F0, s25  }
0x16b: {  	p1 =	slt.s32 @!p0 s28, $0x3FF9F1  }
0x16c: {  	p1 =	por !p1, p0  }
0x16d: {  	s29 =	smov.u32 s1;
	s30 =	smov.u32 s2;
	s28 =	smov.u32 @p1 s25  }
0x16e: {  	s31 =	simm.s32 @!p0 $0x0;
	s29 =	smov.u32 @p1 s3;
	s28 =	sshrl.u32 @!p0 s28, $0x3  }
0x16f: {  	s0 =	simm.s32 @!p0 $0x380;
	s30 =	smov.u32 @p1 s6;
	s29 =	sadd.s32 @!p0 s29, s28  }
0x170: {  	[tilespmem:s0], [sflag:$0x3] =	stream.linear.gather @!p0 [hbm4b:s29+s31], $0x210, $0x38;
	[tilespmem:$0x8B00] =	vst v63  }
0x171: {  	s0 =	sadd.s32 @!p0 s30, s28;
	s28 =	simm.s32 @!p0 $0x880  }
0x172: {  	[tilespmem:s28], [sflag:$0x4] =	stream.linear.gather @!p0 [hbm4b:s0+s31], $0x210, $0x38;
	[tilespmem:$0x8B00] =	vst v63  }
0x173: {  	_ =	swait.ge [sflag:s13], $0x210  }
0x174: {  	[sflag:s13] =	ssyncset.done $0x0  }
0x175: {  	v8 =	vadd.s32 $0x1, v0;
	[sflag:s13] =	ssyncadd.s32 $0xFFFFFDF0  }
0x176: {  	_ =	swait.ge [sflag:s14], $0x210  }
0x177: {  	[sflag:s14] =	ssyncset.done $0x0  }
0x178: {  	[sflag:s14] =	ssyncadd.s32 $0xFFFFFDF0  }
0x179: {  	v9 =	vld [tilespmem:$0x100]  }
0x17a: {  	v10 =	vld.idx.msk [tilespmem:v8+s15+$0x0], $0xffff;
	_ =	sdelay $0x3  }
0x17b: {  	vm1 =	vge.s32 v9, v6;
	vm2 =	vlt.s32 v9, v7  }
0x17c: {  	vm1 =	vmand vm1, vm2;
	vm2 =	vne.s32 v9, v10;
	v10 =	vsub.s32 v9, v6  }
0x17d: {  	v9 =	vand.u32 $0x7F, v9;
	vm1 =	vmand vm1, vm2;
	v10 =	vand.u32 $0xFFFFFF80, v10  }
0x17e: {  	v11 =	vld [tilespmem:$0x600];
	v10 =	vor.u32 v9, v10;
	_ =	sdelay $0x1  }
0x17f: {  	v9 =	vadd.s32 $0x11, v0;
	_ =	sdelay $0x2  }
0x180: {  	[tilespmem:v10+s16+$0x0] =	vst.idx.msk vm1, v11  }
0x181: {  	v10 =	vld [tilespmem:$0x110]  }
0x182: {  	v11 =	vld.idx.msk [tilespmem:v9+s15+$0x0], $0xffff;
	_ =	sdelay $0x3  }
0x183: {  	vm1 =	vge.s32 v10, v6;
	vm2 =	vlt.s32 v10, v7  }
0x184: {  	vm1 =	vmand vm1, vm2;
	vm2 =	vne.s32 v10, v11;
	v11 =	vsub.s32 v10, v6  }
0x185: {  	v10 =	vand.u32 $0x7F, v10;
	vm1 =	vmand vm1, vm2;
	v11 =	vand.u32 $0xFFFFFF80, v11  }
0x186: {  	v12 =	vld [tilespmem:$0x610];
	v11 =	vor.u32 v10, v11;
	_ =	sdelay $0x1  }
0x187: {  	v10 =	vadd.s32 $0x21, v0;
	_ =	sdelay $0x2  }
0x188: {  	[tilespmem:v11+s16+$0x0] =	vst.idx.msk vm1, v12  }
0x189: {  	v11 =	vld [tilespmem:$0x120]  }
0x18a: {  	v12 =	vld.idx.msk [tilespmem:v10+s15+$0x0], $0xffff;
	_ =	sdelay $0x3  }
0x18b: {  	vm1 =	vge.s32 v11, v6;
	vm2 =	vlt.s32 v11, v7  }
0x18c: {  	vm1 =	vmand vm1, vm2;
	vm2 =	vne.s32 v11, v12;
	v12 =	vsub.s32 v11, v6  }
0x18d: {  	v11 =	vand.u32 $0x7F, v11;
	vm1 =	vmand vm1, vm2;
	v12 =	vand.u32 $0xFFFFFF80, v12  }
0x18e: {  	v13 =	vld [tilespmem:$0x620];
	v12 =	vor.u32 v11, v12;
	_ =	sdelay $0x1  }
0x18f: {  	v11 =	vadd.s32 $0x31, v0;
	_ =	sdelay $0x2  }
0x190: {  	[tilespmem:v12+s16+$0x0] =	vst.idx.msk vm1, v13  }
0x191: {  	v12 =	vld [tilespmem:$0x130]  }
0x192: {  	v13 =	vld.idx.msk [tilespmem:v11+s15+$0x0], $0xffff;
	_ =	sdelay $0x3  }
0x193: {  	vm1 =	vge.s32 v12, v6;
	vm2 =	vlt.s32 v12, v7  }
0x194: {  	vm1 =	vmand vm1, vm2;
	vm2 =	vne.s32 v12, v13;
	v13 =	vsub.s32 v12, v6  }
0x195: {  	v12 =	vand.u32 $0x7F, v12;
	vm1 =	vmand vm1, vm2;
	v13 =	vand.u32 $0xFFFFFF80, v13  }
0x196: {  	v14 =	vld [tilespmem:$0x630];
	v13 =	vor.u32 v12, v13;
	_ =	sdelay $0x1  }
0x197: {  	v12 =	vadd.s32 $0x41, v0;
	_ =	sdelay $0x2  }
0x198: {  	[tilespmem:v13+s16+$0x0] =	vst.idx.msk vm1, v14  }
0x199: {  	v13 =	vld [tilespmem:$0x140]  }
0x19a: {  	v14 =	vld.idx.msk [tilespmem:v12+s15+$0x0], $0xffff;
	_ =	sdelay $0x3  }
0x19b: {  	vm1 =	vge.s32 v13, v6;
	vm2 =	vlt.s32 v13, v7  }
0x19c: {  	vm1 =	vmand vm1, vm2;
	vm2 =	vne.s32 v13, v14;
	v14 =	vsub.s32 v13, v6  }
0x19d: {  	v13 =	vand.u32 $0x7F, v13;
	vm1 =	vmand vm1, vm2;
	v14 =	vand.u32 $0xFFFFFF80, v14  }
0x19e: {  	v15 =	vld [tilespmem:$0x640];
	v14 =	vor.u32 v13, v14;
	_ =	sdelay $0x1  }
0x19f: {  	v13 =	vadd.s32 $0x51, v0;
	_ =	sdelay $0x2  }
0x1a0: {  	[tilespmem:v14+s16+$0x0] =	vst.idx.msk vm1, v15  }
0x1a1: {  	v14 =	vld [tilespmem:$0x150]  }
0x1a2: {  	v15 =	vld.idx.msk [tilespmem:v13+s15+$0x0], $0xffff;
	_ =	sdelay $0x3  }
0x1a3: {  	vm1 =	vge.s32 v14, v6;
	vm2 =	vlt.s32 v14, v7  }
0x1a4: {  	vm1 =	vmand vm1, vm2;
	vm2 =	vne.s32 v14, v15;
	v15 =	vsub.s32 v14, v6  }
0x1a5: {  	v14 =	vand.u32 $0x7F, v14;
	vm1 =	vmand vm1, vm2;
	v15 =	vand.u32 $0xFFFFFF80, v15  }
0x1a6: {  	v16 =	vld [tilespmem:$0x650];
	v15 =	vor.u32 v14, v15;
	_ =	sdelay $0x1  }
0x1a7: {  	v14 =	vadd.s32 $0x61, v0;
	_ =	sdelay $0x2  }
0x1a8: {  	[tilespmem:v15+s16+$0x0] =	vst.idx.msk vm1, v16  }
0x1a9: {  	v15 =	vld [tilespmem:$0x160]  }
0x1aa: {  	v16 =	vld.idx.msk [tilespmem:v14+s15+$0x0], $0xffff;
	_ =	sdelay $0x3  }
0x1ab: {  	vm1 =	vge.s32 v15, v6;
	vm2 =	vlt.s32 v15, v7  }
0x1ac: {  	vm1 =	vmand vm1, vm2;
	vm2 =	vne.s32 v15, v16;
	v16 =	vsub.s32 v15, v6  }
0x1ad: {  	v15 =	vand.u32 $0x7F, v15;
	vm1 =	vmand vm1, vm2;
	v16 =	vand.u32 $0xFFFFFF80, v16  }
0x1ae: {  	v17 =	vld [tilespmem:$0x660];
	v16 =	vor.u32 v15, v16;
	_ =	sdelay $0x1  }
0x1af: {  	v15 =	vadd.s32 $0x71, v0;
	_ =	sdelay $0x2  }
0x1b0: {  	[tilespmem:v16+s16+$0x0] =	vst.idx.msk vm1, v17  }
0x1b1: {  	v16 =	vld [tilespmem:$0x170]  }
0x1b2: {  	v17 =	vld.idx.msk [tilespmem:v15+s15+$0x0], $0xffff;
	_ =	sdelay $0x3  }
0x1b3: {  	vm1 =	vge.s32 v16, v6;
	vm2 =	vlt.s32 v16, v7  }
0x1b4: {  	vm1 =	vmand vm1, vm2;
	vm2 =	vne.s32 v16, v17;
	v17 =	vsub.s32 v16, v6  }
0x1b5: {  	v16 =	vand.u32 $0x7F, v16;
	vm1 =	vmand vm1, vm2;
	v17 =	vand.u32 $0xFFFFFF80, v17  }
0x1b6: {  	v18 =	vld [tilespmem:$0x670];
	v17 =	vor.u32 v16, v17;
	_ =	sdelay $0x1  }
0x1b7: {  	v16 =	vadd.s32 $0x81, v0;
	_ =	sdelay $0x2  }
0x1b8: {  	[tilespmem:v17+s16+$0x0] =	vst.idx.msk vm1, v18  }
0x1b9: {  	v17 =	vld [tilespmem:$0x180]  }
0x1ba: {  	v18 =	vld.idx.msk [tilespmem:v16+s15+$0x0], $0xffff;
	_ =	sdelay $0x3  }
0x1bb: {  	vm1 =	vge.s32 v17, v6;
	vm2 =	vlt.s32 v17, v7  }
0x1bc: {  	vm1 =	vmand vm1, vm2;
	vm2 =	vne.s32 v17, v18;
	v18 =	vsub.s32 v17, v6  }
0x1bd: {  	v17 =	vand.u32 $0x7F, v17;
	vm1 =	vmand vm1, vm2;
	v18 =	vand.u32 $0xFFFFFF80, v18  }
0x1be: {  	v19 =	vld [tilespmem:$0x680];
	v18 =	vor.u32 v17, v18;
	_ =	sdelay $0x1  }
0x1bf: {  	v17 =	vadd.s32 $0x91, v0;
	_ =	sdelay $0x2  }
0x1c0: {  	[tilespmem:v18+s16+$0x0] =	vst.idx.msk vm1, v19  }
0x1c1: {  	v18 =	vld [tilespmem:$0x190]  }
0x1c2: {  	v19 =	vld.idx.msk [tilespmem:v17+s15+$0x0], $0xffff;
	_ =	sdelay $0x3  }
0x1c3: {  	vm1 =	vge.s32 v18, v6;
	vm2 =	vlt.s32 v18, v7  }
0x1c4: {  	vm1 =	vmand vm1, vm2;
	vm2 =	vne.s32 v18, v19;
	v19 =	vsub.s32 v18, v6  }
0x1c5: {  	v18 =	vand.u32 $0x7F, v18;
	vm1 =	vmand vm1, vm2;
	v19 =	vand.u32 $0xFFFFFF80, v19  }
0x1c6: {  	v20 =	vld [tilespmem:$0x690];
	v19 =	vor.u32 v18, v19;
	_ =	sdelay $0x1  }
0x1c7: {  	v18 =	vadd.s32 $0xA1, v0;
	_ =	sdelay $0x2  }
0x1c8: {  	[tilespmem:v19+s16+$0x0] =	vst.idx.msk vm1, v20  }
0x1c9: {  	v19 =	vld [tilespmem:$0x1A0]  }
0x1ca: {  	v20 =	vld.idx.msk [tilespmem:v18+s15+$0x0], $0xffff;
	_ =	sdelay $0x3  }
0x1cb: {  	vm1 =	vge.s32 v19, v6;
	vm2 =	vlt.s32 v19, v7  }
0x1cc: {  	vm1 =	vmand vm1, vm2;
	vm2 =	vne.s32 v19, v20;
	v20 =	vsub.s32 v19, v6  }
0x1cd: {  	v19 =	vand.u32 $0x7F, v19;
	vm1 =	vmand vm1, vm2;
	v20 =	vand.u32 $0xFFFFFF80, v20  }
0x1ce: {  	v21 =	vld [tilespmem:$0x6A0];
	v20 =	vor.u32 v19, v20;
	_ =	sdelay $0x1  }
0x1cf: {  	v19 =	vadd.s32 $0xB1, v0;
	_ =	sdelay $0x2  }
0x1d0: {  	[tilespmem:v20+s16+$0x0] =	vst.idx.msk vm1, v21  }
0x1d1: {  	v20 =	vld [tilespmem:$0x1B0]  }
0x1d2: {  	v21 =	vld.idx.msk [tilespmem:v19+s15+$0x0], $0xffff;
	_ =	sdelay $0x3  }
0x1d3: {  	vm1 =	vge.s32 v20, v6;
	vm2 =	vlt.s32 v20, v7  }
0x1d4: {  	vm1 =	vmand vm1, vm2;
	vm2 =	vne.s32 v20, v21;
	v21 =	vsub.s32 v20, v6  }
0x1d5: {  	v20 =	vand.u32 $0x7F, v20;
	vm1 =	vmand vm1, vm2;
	v21 =	vand.u32 $0xFFFFFF80, v21  }
0x1d6: {  	v22 =	vld [tilespmem:$0x6B0];
	v21 =	vor.u32 v20, v21;
	_ =	sdelay $0x1  }
0x1d7: {  	v20 =	vadd.s32 $0xC1, v0;
	_ =	sdelay $0x2  }
0x1d8: {  	[tilespmem:v21+s16+$0x0] =	vst.idx.msk vm1, v22  }
0x1d9: {  	v21 =	vld [tilespmem:$0x1C0]  }
0x1da: {  	v22 =	vld.idx.msk [tilespmem:v20+s15+$0x0], $0xffff;
	_ =	sdelay $0x3  }
0x1db: {  	vm1 =	vge.s32 v21, v6;
	vm2 =	vlt.s32 v21, v7  }
0x1dc: {  	vm1 =	vmand vm1, vm2;
	vm2 =	vne.s32 v21, v22;
	v22 =	vsub.s32 v21, v6  }
0x1dd: {  	v21 =	vand.u32 $0x7F, v21;
	vm1 =	vmand vm1, vm2;
	v22 =	vand.u32 $0xFFFFFF80, v22  }
0x1de: {  	v23 =	vld [tilespmem:$0x6C0];
	v22 =	vor.u32 v21, v22;
	_ =	sdelay $0x1  }
0x1df: {  	v21 =	vadd.s32 $0xD1, v0;
	_ =	sdelay $0x2  }
0x1e0: {  	[tilespmem:v22+s16+$0x0] =	vst.idx.msk vm1, v23  }
0x1e1: {  	v22 =	vld [tilespmem:$0x1D0]  }
0x1e2: {  	v23 =	vld.idx.msk [tilespmem:v21+s15+$0x0], $0xffff;
	_ =	sdelay $0x3  }
0x1e3: {  	vm1 =	vge.s32 v22, v6;
	vm2 =	vlt.s32 v22, v7  }
0x1e4: {  	vm1 =	vmand vm1, vm2;
	vm2 =	vne.s32 v22, v23;
	v23 =	vsub.s32 v22, v6  }
0x1e5: {  	v22 =	vand.u32 $0x7F, v22;
	vm1 =	vmand vm1, vm2;
	v23 =	vand.u32 $0xFFFFFF80, v23  }
0x1e6: {  	v24 =	vld [tilespmem:$0x6D0];
	v23 =	vor.u32 v22, v23;
	_ =	sdelay $0x1  }
0x1e7: {  	v22 =	vadd.s32 $0xE1, v0;
	_ =	sdelay $0x2  }
0x1e8: {  	[tilespmem:v23+s16+$0x0] =	vst.idx.msk vm1, v24  }
0x1e9: {  	v23 =	vld [tilespmem:$0x1E0]  }
0x1ea: {  	v24 =	vld.idx.msk [tilespmem:v22+s15+$0x0], $0xffff;
	_ =	sdelay $0x3  }
0x1eb: {  	vm1 =	vge.s32 v23, v6;
	vm2 =	vlt.s32 v23, v7  }
0x1ec: {  	vm1 =	vmand vm1, vm2;
	vm2 =	vne.s32 v23, v24;
	v24 =	vsub.s32 v23, v6  }
0x1ed: {  	v23 =	vand.u32 $0x7F, v23;
	vm1 =	vmand vm1, vm2;
	v24 =	vand.u32 $0xFFFFFF80, v24  }
0x1ee: {  	v25 =	vld [tilespmem:$0x6E0];
	v24 =	vor.u32 v23, v24;
	_ =	sdelay $0x1  }
0x1ef: {  	v23 =	vadd.s32 $0xF1, v0;
	_ =	sdelay $0x2  }
0x1f0: {  	[tilespmem:v24+s16+$0x0] =	vst.idx.msk vm1, v25  }
0x1f1: {  	v24 =	vld [tilespmem:$0x1F0]  }
0x1f2: {  	v25 =	vld.idx.msk [tilespmem:v23+s15+$0x0], $0xffff;
	_ =	sdelay $0x3  }
0x1f3: {  	vm1 =	vge.s32 v24, v6;
	vm2 =	vlt.s32 v24, v7  }
0x1f4: {  	vm1 =	vmand vm1, vm2;
	vm2 =	vne.s32 v24, v25;
	v25 =	vsub.s32 v24, v6  }
0x1f5: {  	v24 =	vand.u32 $0x7F, v24;
	vm1 =	vmand vm1, vm2;
	v25 =	vand.u32 $0xFFFFFF80, v25  }
0x1f6: {  	v26 =	vld [tilespmem:$0x6F0];
	v25 =	vor.u32 v24, v25;
	_ =	sdelay $0x1  }
0x1f7: {  	v24 =	vadd.s32 $0x101, v0;
	_ =	sdelay $0x2  }
0x1f8: {  	[tilespmem:v25+s16+$0x0] =	vst.idx.msk vm1, v26  }
0x1f9: {  	v25 =	vld [tilespmem:$0x200]  }
0x1fa: {  	v26 =	vld.idx.msk [tilespmem:v24+s15+$0x0], $0xffff;
	_ =	sdelay $0x3  }
0x1fb: {  	vm1 =	vge.s32 v25, v6;
	vm2 =	vlt.s32 v25, v7  }
0x1fc: {  	vm1 =	vmand vm1, vm2;
	vm2 =	vne.s32 v25, v26;
	v26 =	vsub.s32 v25, v6  }
0x1fd: {  	v25 =	vand.u32 $0x7F, v25;
	vm1 =	vmand vm1, vm2;
	v26 =	vand.u32 $0xFFFFFF80, v26  }
0x1fe: {  	v27 =	vld [tilespmem:$0x700];
	v26 =	vor.u32 v25, v26;
	_ =	sdelay $0x1  }
0x1ff: {  	v25 =	vadd.s32 $0x111, v0;
	_ =	sdelay $0x2  }
0x200: {  	[tilespmem:v26+s16+$0x0] =	vst.idx.msk vm1, v27  }
0x201: {  	v26 =	vld [tilespmem:$0x210]  }
0x202: {  	v27 =	vld.idx.msk [tilespmem:v25+s15+$0x0], $0xffff;
	_ =	sdelay $0x3  }
0x203: {  	vm1 =	vge.s32 v26, v6;
	vm2 =	vlt.s32 v26, v7  }
0x204: {  	vm1 =	vmand vm1, vm2;
	vm2 =	vne.s32 v26, v27;
	v27 =	vsub.s32 v26, v6  }
0x205: {  	v26 =	vand.u32 $0x7F, v26;
	vm1 =	vmand vm1, vm2;
	v27 =	vand.u32 $0xFFFFFF80, v27  }
0x206: {  	v28 =	vld [tilespmem:$0x710];
	v27 =	vor.u32 v26, v27;
	_ =	sdelay $0x1  }
0x207: {  	v26 =	vadd.s32 $0x121, v0;
	_ =	sdelay $0x2  }
0x208: {  	[tilespmem:v27+s16+$0x0] =	vst.idx.msk vm1, v28  }
0x209: {  	v27 =	vld [tilespmem:$0x220]  }
0x20a: {  	v28 =	vld.idx.msk [tilespmem:v26+s15+$0x0], $0xffff;
	_ =	sdelay $0x3  }
0x20b: {  	vm1 =	vge.s32 v27, v6;
	vm2 =	vlt.s32 v27, v7  }
0x20c: {  	vm1 =	vmand vm1, vm2;
	vm2 =	vne.s32 v27, v28;
	v28 =	vsub.s32 v27, v6  }
0x20d: {  	v27 =	vand.u32 $0x7F, v27;
	vm1 =	vmand vm1, vm2;
	v28 =	vand.u32 $0xFFFFFF80, v28  }
0x20e: {  	v29 =	vld [tilespmem:$0x720];
	v28 =	vor.u32 v27, v28;
	_ =	sdelay $0x1  }
0x20f: {  	v27 =	vadd.s32 $0x131, v0;
	_ =	sdelay $0x2  }
0x210: {  	[tilespmem:v28+s16+$0x0] =	vst.idx.msk vm1, v29  }
0x211: {  	v28 =	vld [tilespmem:$0x230]  }
0x212: {  	v29 =	vld.idx.msk [tilespmem:v27+s15+$0x0], $0xffff;
	_ =	sdelay $0x3  }
0x213: {  	vm1 =	vge.s32 v28, v6;
	vm2 =	vlt.s32 v28, v7  }
0x214: {  	vm1 =	vmand vm1, vm2;
	vm2 =	vne.s32 v28, v29;
	v29 =	vsub.s32 v28, v6  }
0x215: {  	v28 =	vand.u32 $0x7F, v28;
	vm1 =	vmand vm1, vm2;
	v29 =	vand.u32 $0xFFFFFF80, v29  }
0x216: {  	v30 =	vld [tilespmem:$0x730];
	v29 =	vor.u32 v28, v29;
	_ =	sdelay $0x1  }
0x217: {  	v28 =	vadd.s32 $0x141, v0;
	_ =	sdelay $0x2  }
0x218: {  	[tilespmem:v29+s16+$0x0] =	vst.idx.msk vm1, v30  }
0x219: {  	v29 =	vld [tilespmem:$0x240]  }
0x21a: {  	v30 =	vld.idx.msk [tilespmem:v28+s15+$0x0], $0xffff;
	_ =	sdelay $0x3  }
0x21b: {  	vm1 =	vge.s32 v29, v6;
	vm2 =	vlt.s32 v29, v7  }
0x21c: {  	vm1 =	vmand vm1, vm2;
	vm2 =	vne.s32 v29, v30;
	v30 =	vsub.s32 v29, v6  }
0x21d: {  	v29 =	vand.u32 $0x7F, v29;
	vm1 =	vmand vm1, vm2;
	v30 =	vand.u32 $0xFFFFFF80, v30  }
0x21e: {  	v31 =	vld [tilespmem:$0x740];
	v30 =	vor.u32 v29, v30;
	_ =	sdelay $0x1  }
0x21f: {  	v29 =	vadd.s32 $0x151, v0;
	_ =	sdelay $0x2  }
0x220: {  	[tilespmem:v30+s16+$0x0] =	vst.idx.msk vm1, v31  }
0x221: {  	v30 =	vld [tilespmem:$0x250]  }
0x222: {  	v31 =	vld.idx.msk [tilespmem:v29+s15+$0x0], $0xffff;
	_ =	sdelay $0x3  }
0x223: {  	vm1 =	vge.s32 v30, v6;
	vm2 =	vlt.s32 v30, v7  }
0x224: {  	vm1 =	vmand vm1, vm2;
	vm2 =	vne.s32 v30, v31;
	v31 =	vsub.s32 v30, v6  }
0x225: {  	v30 =	vand.u32 $0x7F, v30;
	vm1 =	vmand vm1, vm2;
	v31 =	vand.u32 $0xFFFFFF80, v31  }
0x226: {  	v32 =	vld [tilespmem:$0x750];
	v31 =	vor.u32 v30, v31;
	_ =	sdelay $0x1  }
0x227: {  	v30 =	vadd.s32 $0x161, v0;
	_ =	sdelay $0x2  }
0x228: {  	[tilespmem:v31+s16+$0x0] =	vst.idx.msk vm1, v32  }
0x229: {  	v31 =	vld [tilespmem:$0x260]  }
0x22a: {  	v32 =	vld.idx.msk [tilespmem:v30+s15+$0x0], $0xffff;
	_ =	sdelay $0x3  }
0x22b: {  	vm1 =	vge.s32 v31, v6;
	vm2 =	vlt.s32 v31, v7  }
0x22c: {  	v54 =	vsub.s32 v31, v6;
	vm1 =	vmand vm1, vm2;
	vm2 =	vne.s32 v31, v32  }
0x22d: {  	v32 =	vand.u32 $0xFFFFFF80, v54;
	v31 =	vand.u32 $0x7F, v31;
	vm1 =	vmand vm1, vm2  }
0x22e: {  	v33 =	vld [tilespmem:$0x760];
	v32 =	vor.u32 v31, v32;
	_ =	sdelay $0x1  }
0x22f: {  	v31 =	vadd.s32 $0x171, v0;
	_ =	sdelay $0x2  }
0x230: {  	[tilespmem:v32+s16+$0x0] =	vst.idx.msk vm1, v33  }
0x231: {  	v32 =	vld [tilespmem:$0x270]  }
0x232: {  	v33 =	vld.idx.msk [tilespmem:v31+s15+$0x0], $0xffff;
	_ =	sdelay $0x3  }
0x233: {  	vm1 =	vge.s32 v32, v6;
	vm2 =	vlt.s32 v32, v7  }
0x234: {  	v55 =	vsub.s32 v32, v6;
	vm1 =	vmand vm1, vm2;
	vm2 =	vne.s32 v32, v33  }
0x235: {  	v33 =	vand.u32 $0xFFFFFF80, v55;
	v32 =	vand.u32 $0x7F, v32;
	vm1 =	vmand vm1, vm2  }
0x236: {  	v34 =	vld [tilespmem:$0x770];
	v33 =	vor.u32 v32, v33;
	_ =	sdelay $0x1  }
0x237: {  	v32 =	vadd.s32 $0x181, v0;
	_ =	sdelay $0x2  }
0x238: {  	[tilespmem:v33+s16+$0x0] =	vst.idx.msk vm1, v34  }
0x239: {  	v33 =	vld [tilespmem:$0x280]  }
0x23a: {  	v34 =	vld.idx.msk [tilespmem:v32+s15+$0x0], $0xffff;
	_ =	sdelay $0x3  }
0x23b: {  	vm1 =	vge.s32 v33, v6;
	vm2 =	vlt.s32 v33, v7  }
0x23c: {  	v56 =	vsub.s32 v33, v6;
	vm1 =	vmand vm1, vm2;
	vm2 =	vne.s32 v33, v34  }
0x23d: {  	v34 =	vand.u32 $0xFFFFFF80, v56;
	v33 =	vand.u32 $0x7F, v33;
	vm1 =	vmand vm1, vm2  }
0x23e: {  	v35 =	vld [tilespmem:$0x780];
	v34 =	vor.u32 v33, v34;
	_ =	sdelay $0x1  }
0x23f: {  	v33 =	vadd.s32 $0x191, v0;
	_ =	sdelay $0x2  }
0x240: {  	[tilespmem:v34+s16+$0x0] =	vst.idx.msk vm1, v35  }
0x241: {  	v34 =	vld [tilespmem:$0x290]  }
0x242: {  	v35 =	vld.idx.msk [tilespmem:v33+s15+$0x0], $0xffff;
	_ =	sdelay $0x3  }
0x243: {  	vm1 =	vge.s32 v34, v6;
	vm2 =	vlt.s32 v34, v7  }
0x244: {  	v57 =	vsub.s32 v34, v6;
	vm1 =	vmand vm1, vm2;
	vm2 =	vne.s32 v34, v35  }
0x245: {  	v35 =	vand.u32 $0xFFFFFF80, v57;
	v34 =	vand.u32 $0x7F, v34;
	vm1 =	vmand vm1, vm2  }
0x246: {  	v36 =	vld [tilespmem:$0x790];
	v35 =	vor.u32 v34, v35;
	_ =	sdelay $0x1  }
0x247: {  	v34 =	vadd.s32 $0x1A1, v0;
	_ =	sdelay $0x2  }
0x248: {  	[tilespmem:v35+s16+$0x0] =	vst.idx.msk vm1, v36  }
0x249: {  	v35 =	vld [tilespmem:$0x2A0]  }
0x24a: {  	v36 =	vld.idx.msk [tilespmem:v34+s15+$0x0], $0xffff;
	_ =	sdelay $0x3  }
0x24b: {  	vm1 =	vge.s32 v35, v6;
	vm2 =	vlt.s32 v35, v7  }
0x24c: {  	v58 =	vsub.s32 v35, v6;
	vm1 =	vmand vm1, vm2;
	vm2 =	vne.s32 v35, v36  }
0x24d: {  	v36 =	vand.u32 $0xFFFFFF80, v58;
	v35 =	vand.u32 $0x7F, v35;
	vm1 =	vmand vm1, vm2  }
0x24e: {  	v37 =	vld [tilespmem:$0x7A0];
	v36 =	vor.u32 v35, v36;
	_ =	sdelay $0x1  }
0x24f: {  	v35 =	vadd.s32 $0x1B1, v0;
	_ =	sdelay $0x2  }
0x250: {  	[tilespmem:v36+s16+$0x0] =	vst.idx.msk vm1, v37  }
0x251: {  	v36 =	vld [tilespmem:$0x2B0]  }
0x252: {  	v37 =	vld.idx.msk [tilespmem:v35+s15+$0x0], $0xffff;
	_ =	sdelay $0x3  }
0x253: {  	vm1 =	vge.s32 v36, v6;
	vm2 =	vlt.s32 v36, v7  }
0x254: {  	v59 =	vsub.s32 v36, v6;
	vm1 =	vmand vm1, vm2;
	vm2 =	vne.s32 v36, v37  }
0x255: {  	v37 =	vand.u32 $0xFFFFFF80, v59;
	v36 =	vand.u32 $0x7F, v36;
	vm1 =	vmand vm1, vm2  }
0x256: {  	v38 =	vld [tilespmem:$0x7B0];
	v37 =	vor.u32 v36, v37;
	_ =	sdelay $0x1  }
0x257: {  	v36 =	vadd.s32 $0x1C1, v0;
	_ =	sdelay $0x2  }
0x258: {  	[tilespmem:v37+s16+$0x0] =	vst.idx.msk vm1, v38  }
0x259: {  	v37 =	vld [tilespmem:$0x2C0]  }
0x25a: {  	v38 =	vld.idx.msk [tilespmem:v36+s15+$0x0], $0xffff;
	_ =	sdelay $0x3  }
0x25b: {  	vm1 =	vge.s32 v37, v6;
	vm2 =	vlt.s32 v37, v7  }
0x25c: {  	v60 =	vsub.s32 v37, v6;
	vm1 =	vmand vm1, vm2;
	vm2 =	vne.s32 v37, v38  }
0x25d: {  	v38 =	vand.u32 $0xFFFFFF80, v60;
	v37 =	vand.u32 $0x7F, v37;
	vm1 =	vmand vm1, vm2  }
0x25e: {  	v39 =	vld [tilespmem:$0x7C0];
	v38 =	vor.u32 v37, v38;
	_ =	sdelay $0x1  }
0x25f: {  	v37 =	vadd.s32 $0x1D1, v0;
	_ =	sdelay $0x2  }
0x260: {  	[tilespmem:v38+s16+$0x0] =	vst.idx.msk vm1, v39  }
0x261: {  	v38 =	vld [tilespmem:$0x2D0]  }
0x262: {  	v39 =	vld.idx.msk [tilespmem:v37+s15+$0x0], $0xffff;
	_ =	sdelay $0x3  }
0x263: {  	vm1 =	vge.s32 v38, v6;
	vm2 =	vlt.s32 v38, v7  }
0x264: {  	v61 =	vsub.s32 v38, v6;
	vm1 =	vmand vm1, vm2;
	vm2 =	vne.s32 v38, v39  }
0x265: {  	v39 =	vand.u32 $0xFFFFFF80, v61;
	v38 =	vand.u32 $0x7F, v38;
	vm1 =	vmand vm1, vm2  }
0x266: {  	v40 =	vld [tilespmem:$0x7D0];
	v39 =	vor.u32 v38, v39;
	_ =	sdelay $0x1  }
0x267: {  	v38 =	vadd.s32 $0x1E1, v0;
	_ =	sdelay $0x2  }
0x268: {  	[tilespmem:v39+s16+$0x0] =	vst.idx.msk vm1, v40  }
0x269: {  	v39 =	vld [tilespmem:$0x2E0]  }
0x26a: {  	v40 =	vld.idx.msk [tilespmem:v38+s15+$0x0], $0xffff;
	_ =	sdelay $0x3  }
0x26b: {  	vm1 =	vge.s32 v39, v6;
	vm2 =	vlt.s32 v39, v7  }
0x26c: {  	v62 =	vsub.s32 v39, v6;
	vm1 =	vmand vm1, vm2;
	vm2 =	vne.s32 v39, v40  }
0x26d: {  	v40 =	vand.u32 $0xFFFFFF80, v62;
	v39 =	vand.u32 $0x7F, v39;
	vm1 =	vmand vm1, vm2  }
0x26e: {  	v41 =	vld [tilespmem:$0x7E0];
	v40 =	vor.u32 v39, v40;
	_ =	sdelay $0x1  }
0x26f: {  	v39 =	vadd.s32 $0x1F1, v0;
	_ =	sdelay $0x2  }
0x270: {  	[tilespmem:v40+s16+$0x0] =	vst.idx.msk vm1, v41  }
0x271: {  	v40 =	vld [tilespmem:$0x2F0]  }
0x272: {  	v41 =	vld.idx.msk [tilespmem:v39+s15+$0x0], $0xffff;
	_ =	sdelay $0x3  }
0x273: {  	vm1 =	vge.s32 v40, v6;
	vm2 =	vlt.s32 v40, v7  }
0x274: {  	s31 =	sadd.s32 $0x1, s26;
	v63 =	vsub.s32 v40, v6;
	vm1 =	vmand vm1, vm2;
	vm2 =	vne.s32 v40, v41  }
0x275: {  	p1 =	sge.s32 s31, s22;
	v41 =	vand.u32 $0xFFFFFF80, v63;
	v40 =	vand.u32 $0x7F, v40;
	vm1 =	vmand vm1, vm2  }
0x276: {  	s0 =	sadd.s32 @!p1 $0x3FFBF0, s25;
	v42 =	vld [tilespmem:$0x7F0];
	v40 =	vor.u32 v40, v41  }
0x277: {  	p2 =	slt.s32 @!p1 s0, $0x3FF9F1  }
0x278: {  	s29 =	smov.u32 s2;
	s28 =	sadd.s32 @!p1 $0x200, s25;
	p2 =	por !p2, p1  }
0x279: {  	s30 =	simm.s32 @!p1 $0x0;
	s0 =	smov.u32 @p2 s28;
	s28 =	smov.u32 s1  }
.Ltmp8:
0x27a: {  	s28 =	smov.u32 @p2 s3;
	s0 =	sshrl.u32 @!p1 s0, $0x3;
	(pc) =	sbr.rel @p0 .LBB2_8-.Ltmp8, $4  }
0x27b: {  	s31 =	simm.s32 @!p1 $0x100;
	s29 =	smov.u32 @p2 s6;
	s28 =	sadd.s32 @!p1 s28, s0;
	[tilespmem:v40+s16+$0x0] =	vst.idx.msk vm1, v42  }
0x27c: {  	[tilespmem:s31], [sflag:$0x1] =	stream.linear.gather @!p1 [hbm4b:s28+s30], $0x210, $0x38;
	[tilespmem:$0x8B00] =	vst v63  }
0x27d: {  	s0 =	sadd.s32 @!p1 s29, s0;
	s28 =	simm.s32 @!p1 $0x600  }
0x27e: {  	[tilespmem:s28], [sflag:$0x2] =	stream.linear.gather @!p1 [hbm4b:s0+s30], $0x210, $0x38;
	[tilespmem:$0x8B00] =	vst v63  }
0x27f: {  	_ =	swait.ge [sflag:s17], $0x210  }
0x280: {  	[sflag:s17] =	ssyncset.done $0x0  }
0x281: {  	[sflag:s17] =	ssyncadd.s32 $0xFFFFFDF0  }
0x282: {  	_ =	swait.ge [sflag:s18], $0x210  }
0x283: {  	[sflag:s18] =	ssyncset.done $0x0  }
0x284: {  	[sflag:s18] =	ssyncadd.s32 $0xFFFFFDF0  }
0x285: {  	v40 =	vld [tilespmem:$0x380]  }
0x286: {  	v8 =	vld.idx.msk [tilespmem:v8+s19+$0x0], $0xffff;
	_ =	sdelay $0x3  }
0x287: {  	vm1 =	vge.s32 v40, v6;
	vm2 =	vlt.s32 v40, v7  }
0x288: {  	vm1 =	vmand vm1, vm2;
	vm2 =	vne.s32 v40, v8;
	v8 =	vsub.s32 v40, v6  }
0x289: {  	v40 =	vand.u32 $0x7F, v40;
	vm1 =	vmand vm1, vm2;
	v8 =	vand.u32 $0xFFFFFF80, v8  }
0x28a: {  	v41 =	vld [tilespmem:$0x880];
	v8 =	vor.u32 v40, v8;
	_ =	sdelay $0x4  }
0x28b: {  	[tilespmem:v8+s16+$0x0] =	vst.idx.msk vm1, v41  }
0x28c: {  	v8 =	vld [tilespmem:$0x390]  }
0x28d: {  	v9 =	vld.idx.msk [tilespmem:v9+s19+$0x0], $0xffff;
	_ =	sdelay $0x3  }
0x28e: {  	vm1 =	vge.s32 v8, v6;
	vm2 =	vlt.s32 v8, v7  }
0x28f: {  	v62 =	vsub.s32 v8, v6;
	vm1 =	vmand vm1, vm2;
	vm2 =	vne.s32 v8, v9  }
0x290: {  	v9 =	vand.u32 $0xFFFFFF80, v62;
	v8 =	vand.u32 $0x7F, v8;
	vm1 =	vmand vm1, vm2  }
0x291: {  	v63 =	vld [tilespmem:$0x890];
	v8 =	vor.u32 v8, v9;
	_ =	sdelay $0x4  }
0x292: {  	[tilespmem:v8+s16+$0x0] =	vst.idx.msk vm1, v63  }
0x293: {  	v8 =	vld [tilespmem:$0x3A0]  }
0x294: {  	v43 =	vld.idx.msk [tilespmem:v10+s19+$0x0], $0xffff;
	_ =	sdelay $0x3  }
0x295: {  	vm1 =	vge.s32 v8, v6;
	vm2 =	vlt.s32 v8, v7  }
0x296: {  	v44 =	vsub.s32 v8, v6;
	vm1 =	vmand vm1, vm2;
	vm2 =	vne.s32 v8, v43  }
0x297: {  	v9 =	vand.u32 $0xFFFFFF80, v44;
	v8 =	vand.u32 $0x7F, v8;
	vm1 =	vmand vm1, vm2  }
0x298: {  	v45 =	vld [tilespmem:$0x8A0];
	v8 =	vor.u32 v8, v9;
	_ =	sdelay $0x4  }
0x299: {  	[tilespmem:v8+s16+$0x0] =	vst.idx.msk vm1, v45  }
0x29a: {  	v8 =	vld [tilespmem:$0x3B0]  }
0x29b: {  	v46 =	vld.idx.msk [tilespmem:v11+s19+$0x0], $0xffff;
	_ =	sdelay $0x3  }
0x29c: {  	vm1 =	vge.s32 v8, v6;
	vm2 =	vlt.s32 v8, v7  }
0x29d: {  	v47 =	vsub.s32 v8, v6;
	vm1 =	vmand vm1, vm2;
	vm2 =	vne.s32 v8, v46  }
0x29e: {  	v9 =	vand.u32 $0xFFFFFF80, v47;
	v8 =	vand.u32 $0x7F, v8;
	vm1 =	vmand vm1, vm2  }
0x29f: {  	v10 =	vld [tilespmem:$0x8B0];
	v8 =	vor.u32 v8, v9;
	_ =	sdelay $0x4  }
0x2a0: {  	[tilespmem:v8+s16+$0x0] =	vst.idx.msk vm1, v10  }
0x2a1: {  	v8 =	vld [tilespmem:$0x3C0]  }
0x2a2: {  	v48 =	vld.idx.msk [tilespmem:v12+s19+$0x0], $0xffff;
	_ =	sdelay $0x3  }
0x2a3: {  	vm1 =	vge.s32 v8, v6;
	vm2 =	vlt.s32 v8, v7  }
0x2a4: {  	v49 =	vsub.s32 v8, v6;
	vm1 =	vmand vm1, vm2;
	vm2 =	vne.s32 v8, v48  }
0x2a5: {  	v9 =	vand.u32 $0xFFFFFF80, v49;
	v8 =	vand.u32 $0x7F, v8;
	vm1 =	vmand vm1, vm2  }
0x2a6: {  	v10 =	vld [tilespmem:$0x8C0];
	v8 =	vor.u32 v8, v9;
	_ =	sdelay $0x4  }
0x2a7: {  	[tilespmem:v8+s16+$0x0] =	vst.idx.msk vm1, v10  }
0x2a8: {  	v8 =	vld [tilespmem:$0x3D0]  }
0x2a9: {  	v50 =	vld.idx.msk [tilespmem:v13+s19+$0x0], $0xffff;
	_ =	sdelay $0x3  }
0x2aa: {  	vm1 =	vge.s32 v8, v6;
	vm2 =	vlt.s32 v8, v7  }
0x2ab: {  	v51 =	vsub.s32 v8, v6;
	vm1 =	vmand vm1, vm2;
	vm2 =	vne.s32 v8, v50  }
0x2ac: {  	v9 =	vand.u32 $0xFFFFFF80, v51;
	v8 =	vand.u32 $0x7F, v8;
	vm1 =	vmand vm1, vm2  }
0x2ad: {  	v10 =	vld [tilespmem:$0x8D0];
	v8 =	vor.u32 v8, v9;
	_ =	sdelay $0x4  }
0x2ae: {  	[tilespmem:v8+s16+$0x0] =	vst.idx.msk vm1, v10  }
0x2af: {  	v8 =	vld [tilespmem:$0x3E0]  }
0x2b0: {  	v52 =	vld.idx.msk [tilespmem:v14+s19+$0x0], $0xffff;
	_ =	sdelay $0x3  }
0x2b1: {  	vm1 =	vge.s32 v8, v6;
	vm2 =	vlt.s32 v8, v7  }
0x2b2: {  	v53 =	vsub.s32 v8, v6;
	vm1 =	vmand vm1, vm2;
	vm2 =	vne.s32 v8, v52  }
0x2b3: {  	v9 =	vand.u32 $0xFFFFFF80, v53;
	v8 =	vand.u32 $0x7F, v8;
	vm1 =	vmand vm1, vm2  }
0x2b4: {  	v10 =	vld [tilespmem:$0x8E0];
	v8 =	vor.u32 v8, v9;
	_ =	sdelay $0x4  }
0x2b5: {  	[tilespmem:v8+s16+$0x0] =	vst.idx.msk vm1, v10  }
0x2b6: {  	v8 =	vld [tilespmem:$0x3F0]  }
0x2b7: {  	v54 =	vld.idx.msk [tilespmem:v15+s19+$0x0], $0xffff;
	_ =	sdelay $0x3  }
0x2b8: {  	vm1 =	vge.s32 v8, v6;
	vm2 =	vlt.s32 v8, v7  }
0x2b9: {  	v55 =	vsub.s32 v8, v6;
	vm1 =	vmand vm1, vm2;
	vm2 =	vne.s32 v8, v54  }
0x2ba: {  	v9 =	vand.u32 $0xFFFFFF80, v55;
	v8 =	vand.u32 $0x7F, v8;
	vm1 =	vmand vm1, vm2  }
0x2bb: {  	v10 =	vld [tilespmem:$0x8F0];
	v8 =	vor.u32 v8, v9;
	_ =	sdelay $0x4  }
0x2bc: {  	[tilespmem:v8+s16+$0x0] =	vst.idx.msk vm1, v10  }
0x2bd: {  	v8 =	vld [tilespmem:$0x400]  }
0x2be: {  	v56 =	vld.idx.msk [tilespmem:v16+s19+$0x0], $0xffff;
	_ =	sdelay $0x3  }
0x2bf: {  	vm1 =	vge.s32 v8, v6;
	vm2 =	vlt.s32 v8, v7  }
0x2c0: {  	v57 =	vsub.s32 v8, v6;
	vm1 =	vmand vm1, vm2;
	vm2 =	vne.s32 v8, v56  }
0x2c1: {  	v9 =	vand.u32 $0xFFFFFF80, v57;
	v8 =	vand.u32 $0x7F, v8;
	vm1 =	vmand vm1, vm2  }
0x2c2: {  	v10 =	vld [tilespmem:$0x900];
	v8 =	vor.u32 v8, v9;
	_ =	sdelay $0x4  }
0x2c3: {  	[tilespmem:v8+s16+$0x0] =	vst.idx.msk vm1, v10  }
0x2c4: {  	v8 =	vld [tilespmem:$0x410]  }
0x2c5: {  	v58 =	vld.idx.msk [tilespmem:v17+s19+$0x0], $0xffff;
	_ =	sdelay $0x3  }
0x2c6: {  	vm1 =	vge.s32 v8, v6;
	vm2 =	vlt.s32 v8, v7  }
0x2c7: {  	v59 =	vsub.s32 v8, v6;
	vm1 =	vmand vm1, vm2;
	vm2 =	vne.s32 v8, v58  }
0x2c8: {  	v9 =	vand.u32 $0xFFFFFF80, v59;
	v8 =	vand.u32 $0x7F, v8;
	vm1 =	vmand vm1, vm2  }
0x2c9: {  	v10 =	vld [tilespmem:$0x910];
	v8 =	vor.u32 v8, v9;
	_ =	sdelay $0x4  }
0x2ca: {  	[tilespmem:v8+s16+$0x0] =	vst.idx.msk vm1, v10  }
0x2cb: {  	v8 =	vld [tilespmem:$0x420]  }
0x2cc: {  	v60 =	vld.idx.msk [tilespmem:v18+s19+$0x0], $0xffff;
	_ =	sdelay $0x3  }
0x2cd: {  	vm1 =	vge.s32 v8, v6;
	vm2 =	vlt.s32 v8, v7  }
0x2ce: {  	v61 =	vsub.s32 v8, v6;
	vm1 =	vmand vm1, vm2;
	vm2 =	vne.s32 v8, v60  }
0x2cf: {  	v9 =	vand.u32 $0xFFFFFF80, v61;
	v8 =	vand.u32 $0x7F, v8;
	vm1 =	vmand vm1, vm2  }
0x2d0: {  	v10 =	vld [tilespmem:$0x920];
	v8 =	vor.u32 v8, v9;
	_ =	sdelay $0x4  }
0x2d1: {  	[tilespmem:v8+s16+$0x0] =	vst.idx.msk vm1, v10  }
0x2d2: {  	v8 =	vld [tilespmem:$0x430]  }
0x2d3: {  	v62 =	vld.idx.msk [tilespmem:v19+s19+$0x0], $0xffff;
	_ =	sdelay $0x3  }
0x2d4: {  	vm1 =	vge.s32 v8, v6;
	vm2 =	vlt.s32 v8, v7  }
0x2d5: {  	v63 =	vsub.s32 v8, v6;
	vm1 =	vmand vm1, vm2;
	vm2 =	vne.s32 v8, v62  }
0x2d6: {  	v9 =	vand.u32 $0xFFFFFF80, v63;
	v8 =	vand.u32 $0x7F, v8;
	vm1 =	vmand vm1, vm2  }
0x2d7: {  	v10 =	vld [tilespmem:$0x930];
	v8 =	vor.u32 v8, v9;
	_ =	sdelay $0x4  }
0x2d8: {  	[tilespmem:v8+s16+$0x0] =	vst.idx.msk vm1, v10  }
0x2d9: {  	v8 =	vld [tilespmem:$0x440]  }
0x2da: {  	v12 =	vld.idx.msk [tilespmem:v20+s19+$0x0], $0xffff;
	_ =	sdelay $0x3  }
0x2db: {  	vm1 =	vge.s32 v8, v6;
	vm2 =	vlt.s32 v8, v7  }
0x2dc: {  	v13 =	vsub.s32 v8, v6;
	vm1 =	vmand vm1, vm2;
	vm2 =	vne.s32 v8, v12  }
0x2dd: {  	v9 =	vand.u32 $0xFFFFFF80, v13;
	v8 =	vand.u32 $0x7F, v8;
	vm1 =	vmand vm1, vm2  }
0x2de: {  	v10 =	vld [tilespmem:$0x940];
	v8 =	vor.u32 v8, v9;
	_ =	sdelay $0x4  }
0x2df: {  	[tilespmem:v8+s16+$0x0] =	vst.idx.msk vm1, v10  }
0x2e0: {  	v8 =	vld [tilespmem:$0x450]  }
0x2e1: {  	v14 =	vld.idx.msk [tilespmem:v21+s19+$0x0], $0xffff;
	_ =	sdelay $0x3  }
0x2e2: {  	vm1 =	vge.s32 v8, v6;
	vm2 =	vlt.s32 v8, v7  }
0x2e3: {  	v15 =	vsub.s32 v8, v6;
	vm1 =	vmand vm1, vm2;
	vm2 =	vne.s32 v8, v14  }
0x2e4: {  	v9 =	vand.u32 $0xFFFFFF80, v15;
	v8 =	vand.u32 $0x7F, v8;
	vm1 =	vmand vm1, vm2  }
0x2e5: {  	v10 =	vld [tilespmem:$0x950];
	v8 =	vor.u32 v8, v9;
	_ =	sdelay $0x4  }
0x2e6: {  	[tilespmem:v8+s16+$0x0] =	vst.idx.msk vm1, v10  }
0x2e7: {  	v8 =	vld [tilespmem:$0x460]  }
0x2e8: {  	v16 =	vld.idx.msk [tilespmem:v22+s19+$0x0], $0xffff;
	_ =	sdelay $0x3  }
0x2e9: {  	vm1 =	vge.s32 v8, v6;
	vm2 =	vlt.s32 v8, v7  }
0x2ea: {  	v17 =	vsub.s32 v8, v6;
	vm1 =	vmand vm1, vm2;
	vm2 =	vne.s32 v8, v16  }
0x2eb: {  	v9 =	vand.u32 $0xFFFFFF80, v17;
	v8 =	vand.u32 $0x7F, v8;
	vm1 =	vmand vm1, vm2  }
0x2ec: {  	v10 =	vld [tilespmem:$0x960];
	v8 =	vor.u32 v8, v9;
	_ =	sdelay $0x4  }
0x2ed: {  	[tilespmem:v8+s16+$0x0] =	vst.idx.msk vm1, v10  }
0x2ee: {  	v8 =	vld [tilespmem:$0x470]  }
0x2ef: {  	v18 =	vld.idx.msk [tilespmem:v23+s19+$0x0], $0xffff;
	_ =	sdelay $0x3  }
0x2f0: {  	vm1 =	vge.s32 v8, v6;
	vm2 =	vlt.s32 v8, v7  }
0x2f1: {  	v19 =	vsub.s32 v8, v6;
	vm1 =	vmand vm1, vm2;
	vm2 =	vne.s32 v8, v18  }
0x2f2: {  	v9 =	vand.u32 $0xFFFFFF80, v19;
	v8 =	vand.u32 $0x7F, v8;
	vm1 =	vmand vm1, vm2  }
0x2f3: {  	v10 =	vld [tilespmem:$0x970];
	v8 =	vor.u32 v8, v9;
	_ =	sdelay $0x4  }
0x2f4: {  	[tilespmem:v8+s16+$0x0] =	vst.idx.msk vm1, v10  }
0x2f5: {  	v8 =	vld [tilespmem:$0x480]  }
0x2f6: {  	v20 =	vld.idx.msk [tilespmem:v24+s19+$0x0], $0xffff;
	_ =	sdelay $0x3  }
0x2f7: {  	vm1 =	vge.s32 v8, v6;
	vm2 =	vlt.s32 v8, v7  }
0x2f8: {  	v21 =	vsub.s32 v8, v6;
	vm1 =	vmand vm1, vm2;
	vm2 =	vne.s32 v8, v20  }
0x2f9: {  	v9 =	vand.u32 $0xFFFFFF80, v21;
	v8 =	vand.u32 $0x7F, v8;
	vm1 =	vmand vm1, vm2  }
0x2fa: {  	v10 =	vld [tilespmem:$0x980];
	v8 =	vor.u32 v8, v9;
	_ =	sdelay $0x4  }
0x2fb: {  	[tilespmem:v8+s16+$0x0] =	vst.idx.msk vm1, v10  }
0x2fc: {  	v8 =	vld [tilespmem:$0x490]  }
0x2fd: {  	v22 =	vld.idx.msk [tilespmem:v25+s19+$0x0], $0xffff;
	_ =	sdelay $0x3  }
0x2fe: {  	vm1 =	vge.s32 v8, v6;
	vm2 =	vlt.s32 v8, v7  }
0x2ff: {  	v23 =	vsub.s32 v8, v6;
	vm1 =	vmand vm1, vm2;
	vm2 =	vne.s32 v8, v22  }
0x300: {  	v9 =	vand.u32 $0xFFFFFF80, v23;
	v8 =	vand.u32 $0x7F, v8;
	vm1 =	vmand vm1, vm2  }
0x301: {  	v10 =	vld [tilespmem:$0x990];
	v8 =	vor.u32 v8, v9;
	_ =	sdelay $0x4  }
0x302: {  	[tilespmem:v8+s16+$0x0] =	vst.idx.msk vm1, v10  }
0x303: {  	v8 =	vld [tilespmem:$0x4A0]  }
0x304: {  	v24 =	vld.idx.msk [tilespmem:v26+s19+$0x0], $0xffff;
	_ =	sdelay $0x3  }
0x305: {  	vm1 =	vge.s32 v8, v6;
	vm2 =	vlt.s32 v8, v7  }
0x306: {  	v25 =	vsub.s32 v8, v6;
	vm1 =	vmand vm1, vm2;
	vm2 =	vne.s32 v8, v24  }
0x307: {  	v9 =	vand.u32 $0xFFFFFF80, v25;
	v8 =	vand.u32 $0x7F, v8;
	vm1 =	vmand vm1, vm2  }
0x308: {  	v10 =	vld [tilespmem:$0x9A0];
	v8 =	vor.u32 v8, v9;
	_ =	sdelay $0x4  }
0x309: {  	[tilespmem:v8+s16+$0x0] =	vst.idx.msk vm1, v10  }
0x30a: {  	v8 =	vld [tilespmem:$0x4B0]  }
0x30b: {  	v26 =	vld.idx.msk [tilespmem:v27+s19+$0x0], $0xffff;
	_ =	sdelay $0x3  }
0x30c: {  	vm1 =	vge.s32 v8, v6;
	vm2 =	vlt.s32 v8, v7  }
0x30d: {  	v27 =	vsub.s32 v8, v6;
	vm1 =	vmand vm1, vm2;
	vm2 =	vne.s32 v8, v26  }
0x30e: {  	v9 =	vand.u32 $0xFFFFFF80, v27;
	v8 =	vand.u32 $0x7F, v8;
	vm1 =	vmand vm1, vm2  }
0x30f: {  	v10 =	vld [tilespmem:$0x9B0];
	v8 =	vor.u32 v8, v9;
	_ =	sdelay $0x4  }
0x310: {  	[tilespmem:v8+s16+$0x0] =	vst.idx.msk vm1, v10  }
0x311: {  	v8 =	vld [tilespmem:$0x4C0]  }
0x312: {  	v40 =	vld.idx.msk [tilespmem:v28+s19+$0x0], $0xffff;
	_ =	sdelay $0x3  }
0x313: {  	vm1 =	vge.s32 v8, v6;
	vm2 =	vlt.s32 v8, v7  }
0x314: {  	v41 =	vsub.s32 v8, v6;
	vm1 =	vmand vm1, vm2;
	vm2 =	vne.s32 v8, v40  }
0x315: {  	v9 =	vand.u32 $0xFFFFFF80, v41;
	v8 =	vand.u32 $0x7F, v8;
	vm1 =	vmand vm1, vm2  }
0x316: {  	v10 =	vld [tilespmem:$0x9C0];
	v8 =	vor.u32 v8, v9;
	_ =	sdelay $0x4  }
0x317: {  	[tilespmem:v8+s16+$0x0] =	vst.idx.msk vm1, v10  }
0x318: {  	v8 =	vld [tilespmem:$0x4D0]  }
0x319: {  	v42 =	vld.idx.msk [tilespmem:v29+s19+$0x0], $0xffff;
	_ =	sdelay $0x3  }
0x31a: {  	vm1 =	vge.s32 v8, v6;
	vm2 =	vlt.s32 v8, v7  }
0x31b: {  	v43 =	vsub.s32 v8, v6;
	vm1 =	vmand vm1, vm2;
	vm2 =	vne.s32 v8, v42  }
0x31c: {  	v9 =	vand.u32 $0xFFFFFF80, v43;
	v8 =	vand.u32 $0x7F, v8;
	vm1 =	vmand vm1, vm2  }
0x31d: {  	v10 =	vld [tilespmem:$0x9D0];
	v8 =	vor.u32 v8, v9;
	_ =	sdelay $0x4  }
0x31e: {  	[tilespmem:v8+s16+$0x0] =	vst.idx.msk vm1, v10  }
0x31f: {  	v8 =	vld [tilespmem:$0x4E0]  }
0x320: {  	v44 =	vld.idx.msk [tilespmem:v30+s19+$0x0], $0xffff;
	_ =	sdelay $0x3  }
0x321: {  	vm1 =	vge.s32 v8, v6;
	vm2 =	vlt.s32 v8, v7  }
0x322: {  	v45 =	vsub.s32 v8, v6;
	vm1 =	vmand vm1, vm2;
	vm2 =	vne.s32 v8, v44  }
0x323: {  	v9 =	vand.u32 $0xFFFFFF80, v45;
	v8 =	vand.u32 $0x7F, v8;
	vm1 =	vmand vm1, vm2  }
0x324: {  	v10 =	vld [tilespmem:$0x9E0];
	v8 =	vor.u32 v8, v9;
	_ =	sdelay $0x4  }
0x325: {  	[tilespmem:v8+s16+$0x0] =	vst.idx.msk vm1, v10  }
0x326: {  	v8 =	vld [tilespmem:$0x4F0]  }
0x327: {  	v46 =	vld.idx.msk [tilespmem:v31+s19+$0x0], $0xffff;
	_ =	sdelay $0x3  }
0x328: {  	vm1 =	vge.s32 v8, v6;
	vm2 =	vlt.s32 v8, v7  }
0x329: {  	v47 =	vsub.s32 v8, v6;
	vm1 =	vmand vm1, vm2;
	vm2 =	vne.s32 v8, v46  }
0x32a: {  	v9 =	vand.u32 $0xFFFFFF80, v47;
	v8 =	vand.u32 $0x7F, v8;
	vm1 =	vmand vm1, vm2  }
0x32b: {  	v10 =	vld [tilespmem:$0x9F0];
	v8 =	vor.u32 v8, v9;
	_ =	sdelay $0x4  }
0x32c: {  	[tilespmem:v8+s16+$0x0] =	vst.idx.msk vm1, v10  }
0x32d: {  	v8 =	vld [tilespmem:$0x500]  }
0x32e: {  	v48 =	vld.idx.msk [tilespmem:v32+s19+$0x0], $0xffff;
	_ =	sdelay $0x3  }
0x32f: {  	vm1 =	vge.s32 v8, v6;
	vm2 =	vlt.s32 v8, v7  }
0x330: {  	v49 =	vsub.s32 v8, v6;
	vm1 =	vmand vm1, vm2;
	vm2 =	vne.s32 v8, v48  }
0x331: {  	v9 =	vand.u32 $0xFFFFFF80, v49;
	v8 =	vand.u32 $0x7F, v8;
	vm1 =	vmand vm1, vm2  }
0x332: {  	v10 =	vld [tilespmem:$0xA00];
	v8 =	vor.u32 v8, v9;
	_ =	sdelay $0x4  }
0x333: {  	[tilespmem:v8+s16+$0x0] =	vst.idx.msk vm1, v10  }
0x334: {  	v8 =	vld [tilespmem:$0x510]  }
0x335: {  	v50 =	vld.idx.msk [tilespmem:v33+s19+$0x0], $0xffff;
	_ =	sdelay $0x3  }
0x336: {  	vm1 =	vge.s32 v8, v6;
	vm2 =	vlt.s32 v8, v7  }
0x337: {  	v51 =	vsub.s32 v8, v6;
	vm1 =	vmand vm1, vm2;
	vm2 =	vne.s32 v8, v50  }
0x338: {  	v9 =	vand.u32 $0xFFFFFF80, v51;
	v8 =	vand.u32 $0x7F, v8;
	vm1 =	vmand vm1, vm2  }
0x339: {  	v10 =	vld [tilespmem:$0xA10];
	v8 =	vor.u32 v8, v9;
	_ =	sdelay $0x4  }
0x33a: {  	[tilespmem:v8+s16+$0x0] =	vst.idx.msk vm1, v10  }
0x33b: {  	v8 =	vld [tilespmem:$0x520]  }
0x33c: {  	v52 =	vld.idx.msk [tilespmem:v34+s19+$0x0], $0xffff;
	_ =	sdelay $0x3  }
0x33d: {  	vm1 =	vge.s32 v8, v6;
	vm2 =	vlt.s32 v8, v7  }
0x33e: {  	v53 =	vsub.s32 v8, v6;
	vm1 =	vmand vm1, vm2;
	vm2 =	vne.s32 v8, v52  }
0x33f: {  	v9 =	vand.u32 $0xFFFFFF80, v53;
	v8 =	vand.u32 $0x7F, v8;
	vm1 =	vmand vm1, vm2  }
0x340: {  	v10 =	vld [tilespmem:$0xA20];
	v8 =	vor.u32 v8, v9;
	_ =	sdelay $0x4  }
0x341: {  	[tilespmem:v8+s16+$0x0] =	vst.idx.msk vm1, v10  }
0x342: {  	v8 =	vld [tilespmem:$0x530]  }
0x343: {  	v54 =	vld.idx.msk [tilespmem:v35+s19+$0x0], $0xffff;
	_ =	sdelay $0x3  }
0x344: {  	vm1 =	vge.s32 v8, v6;
	vm2 =	vlt.s32 v8, v7  }
0x345: {  	v55 =	vsub.s32 v8, v6;
	vm1 =	vmand vm1, vm2;
	vm2 =	vne.s32 v8, v54  }
0x346: {  	v9 =	vand.u32 $0xFFFFFF80, v55;
	v8 =	vand.u32 $0x7F, v8;
	vm1 =	vmand vm1, vm2  }
0x347: {  	v10 =	vld [tilespmem:$0xA30];
	v8 =	vor.u32 v8, v9;
	_ =	sdelay $0x4  }
0x348: {  	[tilespmem:v8+s16+$0x0] =	vst.idx.msk vm1, v10  }
0x349: {  	v8 =	vld [tilespmem:$0x540]  }
0x34a: {  	v56 =	vld.idx.msk [tilespmem:v36+s19+$0x0], $0xffff;
	_ =	sdelay $0x3  }
0x34b: {  	vm1 =	vge.s32 v8, v6;
	vm2 =	vlt.s32 v8, v7  }
0x34c: {  	v57 =	vsub.s32 v8, v6;
	vm1 =	vmand vm1, vm2;
	vm2 =	vne.s32 v8, v56  }
0x34d: {  	v9 =	vand.u32 $0xFFFFFF80, v57;
	v8 =	vand.u32 $0x7F, v8;
	vm1 =	vmand vm1, vm2  }
0x34e: {  	v10 =	vld [tilespmem:$0xA40];
	v8 =	vor.u32 v8, v9;
	_ =	sdelay $0x4  }
0x34f: {  	[tilespmem:v8+s16+$0x0] =	vst.idx.msk vm1, v10  }
0x350: {  	v8 =	vld [tilespmem:$0x550]  }
0x351: {  	v58 =	vld.idx.msk [tilespmem:v37+s19+$0x0], $0xffff;
	_ =	sdelay $0x3  }
0x352: {  	vm1 =	vge.s32 v8, v6;
	vm2 =	vlt.s32 v8, v7  }
0x353: {  	v59 =	vsub.s32 v8, v6;
	vm1 =	vmand vm1, vm2;
	vm2 =	vne.s32 v8, v58  }
0x354: {  	v9 =	vand.u32 $0xFFFFFF80, v59;
	v8 =	vand.u32 $0x7F, v8;
	vm1 =	vmand vm1, vm2  }
0x355: {  	v10 =	vld [tilespmem:$0xA50];
	v8 =	vor.u32 v8, v9;
	_ =	sdelay $0x4  }
0x356: {  	[tilespmem:v8+s16+$0x0] =	vst.idx.msk vm1, v10  }
0x357: {  	v8 =	vld [tilespmem:$0x560]  }
0x358: {  	v60 =	vld.idx.msk [tilespmem:v38+s19+$0x0], $0xffff;
	_ =	sdelay $0x3  }
0x359: {  	vm1 =	vge.s32 v8, v6;
	vm2 =	vlt.s32 v8, v7  }
0x35a: {  	v61 =	vsub.s32 v8, v6;
	vm1 =	vmand vm1, vm2;
	vm2 =	vne.s32 v8, v60  }
0x35b: {  	v9 =	vand.u32 $0xFFFFFF80, v61;
	v8 =	vand.u32 $0x7F, v8;
	vm1 =	vmand vm1, vm2  }
0x35c: {  	v10 =	vld [tilespmem:$0xA60];
	v8 =	vor.u32 v8, v9;
	_ =	sdelay $0x4  }
0x35d: {  	[tilespmem:v8+s16+$0x0] =	vst.idx.msk vm1, v10  }
0x35e: {  	v8 =	vld [tilespmem:$0x570]  }
0x35f: {  	v62 =	vld.idx.msk [tilespmem:v39+s19+$0x0], $0xffff;
	_ =	sdelay $0x3  }
0x360: {  	vm1 =	vge.s32 v8, v6;
	vm2 =	vlt.s32 v8, v7  }
0x361: {  	v63 =	vsub.s32 v8, v6;
	vm1 =	vmand vm1, vm2;
	vm2 =	vne.s32 v8, v62  }
0x362: {  	v9 =	vand.u32 $0xFFFFFF80, v63;
	v8 =	vand.u32 $0x7F, v8;
	vm1 =	vmand vm1, vm2  }
0x363: {  	v10 =	vld [tilespmem:$0xA70];
	v8 =	vor.u32 v8, v9  }
.Ltmp9:
0x364: {  	_ = 	snop;
	(pc) =	sbr.rel .LBB2_8-.Ltmp9, $2  }
0x365: {  	_ =	sdelay $0x2  }
0x366: {  	[tilespmem:v8+s16+$0x0] =	vst.idx.msk vm1, v10  }
.LBB2_11:
0x367: {  	_ =	sfence.sel $0x180000  }
0x368: {  	[bflag:$0x0] =	sbarrier.arrive $0xFFFF  }
0x369: {  	_ =	strace $0x90000047  }
0x36a: {  	[bflag:$0x2] =	sbarrier.arrive $0xFFFF  }
0x36b: {  	p0 =	sne.s32 s5, $0x0;
	s0 =	rddreg [dreg:$0x4]  }
0x36c: {  	s0 =	sadd.s32 @!p0 $0x100000, s0  }
0x36d: {  	[sflag:s0] =	ssyncadd.tile.s32 @!p0 $0x1;
	_ =	shalt  }
.Lfunc_end2:
_tile_overlayer_lowered:
.L_overlay_start_2:
0x36e: {  	(tag) =	ssettag $0x2  }
0x36f: {  	s0 =	rddreg [dreg:$0x0];
	s2 =	stileid.u32  }
0x370: {  	s1 =	rddreg [dreg:$0x1];
	p0 =	sne.s32 s2, $0x0  }
0x371: {  	s3 =	rddreg [dreg:$0x2];
	[bflag:$0x3] =	sbarrier.arrive $0xFFFF;
	s2 =	simm.s32 @!p0 $0x1C05  }
0x372: {  	[timem:s3], [sflag:s2] =	dma.local @!p0 [hbm:s0], s1  }
0x373: {  	s0 =	simm.s32 @!p0 $0x5  }
0x374: {  	_ =	swait.ge @!p0 [sflag:s0], s1  }
0x375: {  	s1 =	ssub.s32 @!p0 $0x0, s1;
	[sflag:s0] =	ssyncset.done @!p0 $0x0  }
0x376: {  	[sflag:s0] =	ssyncadd.s32 @!p0 s1  }
0x377: {  	[bflag:$0x3] =	sbarrier.arrive $0xFFFF  }
0x378: {  	_ =	shalt  }

</sc_bundles>
